<compile_context>
chip_gen: v7x
topology: tpu7x:2x2x1
jax: 0.10.2.dev20260603
libtpu: 0.0.44.dev20260713+nightly
codegen_flags: <defaults>
</compile_context>

<pallas_src>
import functools

import jax
import jax.numpy as jnp
from jax import lax
from jax.experimental import pallas as pl
from jax.experimental.pallas import tpu as pltpu
from jax.experimental.pallas import tpu_sc as plsc

_D = 60
_DP = 64
_W = 20
_EPS = 1e-12
_NC = 2
_NS = 16
_NW = _NC * _NS
_C = 128
_EV = 16
_LW = 128


def _prescale_body(x_ref, o_ref, *, scale):
    x = x_ref[...]
    n = jnp.sqrt(jnp.sum(x * x, axis=1, keepdims=True))
    y = (x * (scale / jnp.maximum(n, _EPS))).astype(o_ref.dtype)
    o_ref[...] = jnp.concatenate(
        [y, jnp.zeros((y.shape[0], _DP - _D), y.dtype)], axis=1)


def _prescale(table, scale, blk, dtype):
    n = table.shape[0]
    return pl.pallas_call(
        functools.partial(_prescale_body, scale=scale),
        grid=(n // blk,),
        in_specs=[pl.BlockSpec((blk, _D), lambda i: (i, 0))],
        out_specs=pl.BlockSpec((blk, _DP), lambda i: (i, 0)),
        out_shape=jax.ShapeDtypeStruct((n, _DP), dtype),
    )(table)


def _sc_words(B, idxs, words_t, zeros_c, word_s, ebias16, rbias16):
    nb = B // _NW
    nchunks = nb // _C
    f32 = jnp.float32
    mesh = plsc.VectorSubcoreMesh(core_axis_name="c", subcore_axis_name="s")
    bf16 = jnp.bfloat16
    out_type = (
        jax.ShapeDtypeStruct((B, _DP), bf16),
        jax.ShapeDtypeStruct((B, _DP), bf16),
        jax.ShapeDtypeStruct((B, _DP), bf16),
        jax.ShapeDtypeStruct((B, _EV), f32),
        jax.ShapeDtypeStruct((B, _EV), f32),
        jax.ShapeDtypeStruct((B, _EV), f32),
    )
    scratch = [
        pltpu.VMEM((3, _C), jnp.int32),
        pltpu.VMEM((3 * _W, _C), jnp.int32),
        pltpu.VMEM((_C, _DP), bf16),
        pltpu.VMEM((_C, _DP), bf16),
        pltpu.VMEM((_C, _DP), bf16),
        pltpu.VMEM((_C, _EV), f32),
        pltpu.VMEM((_C, _EV), f32),
        pltpu.VMEM((_C, _EV), f32),
        pltpu.SemaphoreType.DMA,
    ]

    @functools.partial(
        pl.kernel, out_type=out_type, mesh=mesh, scratch_types=scratch,
        compiler_params=pltpu.CompilerParams(use_tc_tiling_on_sc=False))
    def k(idxs_r, wt_r, z_r, wds_r, eb_r, rb_r,
          o_ah, o_ar, o_at, o_hb, o_tb, o_rb,
          sidx, widx, bah, bar, bat, bhb, btb, brb, sem):
        wid = lax.axis_index("s") * _NC + lax.axis_index("c")
        base0 = wid * nb

        def chunk(ci, carry):
            base = base0 + ci * _C
            pltpu.sync_copy(idxs_r.at[:, pl.ds(base, _C)], sidx)
            pltpu.sync_copy(wt_r.at[:, pl.ds(base, _C)], widx)
            pltpu.sync_copy(z_r, bah)
            pltpu.sync_copy(z_r, bar)
            pltpu.sync_copy(z_r, bat)
            cps = []
            for s, accbuf in enumerate((bah, bar, bat)):
                for w in range(_W):
                    cps.append(pltpu.async_copy(
                        wds_r.at[widx.at[s * _W + w]], accbuf, sem,
                        add=True))
            cps.append(pltpu.async_copy(eb_r.at[sidx.at[0]], bhb, sem))
            cps.append(pltpu.async_copy(eb_r.at[sidx.at[1]], btb, sem))
            cps.append(pltpu.async_copy(rb_r.at[sidx.at[2]], brb, sem))
            for cp in cps:
                cp.wait()
            pltpu.sync_copy(bah, o_ah.at[pl.ds(base, _C)])
            pltpu.sync_copy(bar, o_ar.at[pl.ds(base, _C)])
            pltpu.sync_copy(bat, o_at.at[pl.ds(base, _C)])
            pltpu.sync_copy(bhb, o_hb.at[pl.ds(base, _C)])
            pltpu.sync_copy(btb, o_tb.at[pl.ds(base, _C)])
            pltpu.sync_copy(brb, o_rb.at[pl.ds(base, _C)])
            return carry

        lax.fori_loop(0, nchunks, chunk, 0)

    return k(idxs, words_t, zeros_c, word_s, ebias16, rbias16)


def _entpad_body(x_ref, o_ref):
    x = x_ref[...]
    n = jnp.sqrt(jnp.sum(x * x, axis=1, keepdims=True))
    y = x / jnp.maximum(n, _EPS)
    o_ref[...] = jnp.concatenate(
        [y, jnp.zeros((y.shape[0], _LW - _D), y.dtype)], axis=1)


def _entpad(table, blk):
    n = table.shape[0]
    return pl.pallas_call(
        _entpad_body,
        grid=(n // blk,),
        in_specs=[pl.BlockSpec((blk, _D), lambda i: (i, 0))],
        out_specs=pl.BlockSpec((blk, _LW), lambda i: (i, 0)),
        out_shape=jax.ShapeDtypeStruct((n, _LW), jnp.float32),
    )(table)


_GS = 16


def _sc_entity(B, idxs, ent, rel_t, proj_t):
    nb = B // _NW
    nchunks = nb // _C
    f32 = jnp.float32
    mesh = plsc.VectorSubcoreMesh(core_axis_name="c", subcore_axis_name="s")
    out_type = (
        jax.ShapeDtypeStruct((B, _D), f32),
        jax.ShapeDtypeStruct((B, _D), f32),
        jax.ShapeDtypeStruct((B, _D), f32),
        jax.ShapeDtypeStruct((B, _D), f32),
    )
    scratch = [
        pltpu.VMEM((3, _C), jnp.int32),
        pltpu.VMEM((_C, _D), f32),
        pltpu.VMEM((_C, _D), f32),
        pltpu.VMEM((_C, _D), f32),
        pltpu.VMEM((_C, _D), f32),
        pltpu.SemaphoreType.DMA,
    ]

    @functools.partial(pl.kernel, out_type=out_type, mesh=mesh,
                       scratch_types=scratch)
    def k(idxs_r, ent_r, rl_r, pj_r, o_eh, o_et, o_rl, o_pj,
          sidx, beh, bet, brl, bpj, sem):
        wid = lax.axis_index("s") * _NC + lax.axis_index("c")
        base0 = wid * nb

        def chunk(ci, carry):
            base = base0 + ci * _C
            pltpu.sync_copy(idxs_r.at[:, pl.ds(base, _C)], sidx)

            def group(gi, carry2):
                g0 = gi * _GS
                hvec = sidx[0, pl.ds(g0, _GS)]
                tvec = sidx[1, pl.ds(g0, _GS)]
                rvec = sidx[2, pl.ds(g0, _GS)]
                for i in range(_GS):
                    pltpu.async_copy(
                        ent_r.at[pl.ds(hvec[i], 1)],
                        beh.at[pl.ds(g0 + i, 1)], sem)
                    pltpu.async_copy(
                        ent_r.at[pl.ds(tvec[i], 1)],
                        bet.at[pl.ds(g0 + i, 1)], sem)
                    pltpu.async_copy(
                        rl_r.at[pl.ds(rvec[i], 1)],
                        brl.at[pl.ds(g0 + i, 1)], sem)
                    pltpu.async_copy(
                        pj_r.at[pl.ds(rvec[i], 1)],
                        bpj.at[pl.ds(g0 + i, 1)], sem)
                for buf in (beh, bet, brl, bpj):
                    pltpu.make_async_copy(
                        ent_r.at[pl.ds(0, _GS)], buf.at[pl.ds(g0, _GS)],
                        sem).wait()
                return carry2

            lax.fori_loop(0, _C // _GS, group, 0)
            pltpu.sync_copy(beh, o_eh.at[pl.ds(base, _C)])
            pltpu.sync_copy(bet, o_et.at[pl.ds(base, _C)])
            pltpu.sync_copy(brl, o_rl.at[pl.ds(base, _C)])
            pltpu.sync_copy(bpj, o_pj.at[pl.ds(base, _C)])
            return carry

        lax.fori_loop(0, nchunks, chunk, 0)

    return k(idxs, ent, rel_t, proj_t)


def _score_body(eh, et, rl, pj, ah, ar, at_, hb, tb, rb, aux, o):
    a = aux[...]
    blk = a.shape[0]
    iota16 = lax.broadcasted_iota(jnp.int32, (blk, _EV), 1)

    def lane_pick(x, lane):
        return jnp.sum(jnp.where(iota16 == lane, x, 0.0), axis=1)

    def nrm(x):
        n = jnp.sqrt(jnp.sum(x * x, axis=1, keepdims=True))
        return x / jnp.maximum(n, _EPS)

    f32 = jnp.float32
    head_e = nrm(eh[...]) + ah[...][:, :_D].astype(f32)
    tail_e = nrm(et[...]) + at_[...][:, :_D].astype(f32)
    rel_e = nrm(rl[...]) + ar[...][:, :_D].astype(f32)
    p = nrm(pj[...])
    hp = head_e - jnp.sum(p * head_e, axis=1, keepdims=True) * p
    tp = tail_e - jnp.sum(p * tail_e, axis=1, keepdims=True) * p
    diff = hp + rel_e - tp
    sc = -jnp.sqrt(jnp.sum(diff * diff, axis=1))
    o[...] = (sc + lane_pick(hb[...], a[:, 0:1])
              + lane_pick(tb[...], a[:, 1:2])
              + lane_pick(rb[...], a[:, 2:3]))


def _score(B, eh, et, rl, pj, ah, ar, at_, hb, tb, rb, aux):
    blk = 2048
    specE = pl.BlockSpec((blk, _D), lambda i: (i, 0))
    specP = pl.BlockSpec((blk, _DP), lambda i: (i, 0))
    specV = pl.BlockSpec((blk, _EV), lambda i: (i, 0))
    specA = pl.BlockSpec((blk, 8), lambda i: (i, 0))
    return pl.pallas_call(
        _score_body,
        grid=(B // blk,),
        in_specs=[specE, specE, specE, specE, specP, specP, specP,
                  specV, specV, specV, specA],
        out_specs=pl.BlockSpec((blk,), lambda i: (i,)),
        out_shape=jax.ShapeDtypeStruct((B,), jnp.float32),
    )(eh, et, rl, pj, ah, ar, at_, hb, tb, rb, aux)


def kernel(head, relation, tail, head_w, rel_w, tail_w, entity_embedding,
           relation_embedding, word_embedding, e_bias, r_bias,
           relation_projection):
    B = head.shape[0]
    i32 = jnp.int32
    head = head.astype(i32)
    tail = tail.astype(i32)
    relation = relation.astype(i32)
    words_t = jnp.concatenate(
        [head_w.T.astype(i32), rel_w.T.astype(i32), tail_w.T.astype(i32)],
        axis=0)
    idxs_e = jnp.stack([head, tail, relation], axis=0)
    idxs_w = jnp.stack([head >> 4, tail >> 4, relation >> 4], axis=0)
    aux = jnp.stack([
        head & (_EV - 1), tail & (_EV - 1), relation & (_EV - 1),
        jnp.zeros_like(head), jnp.zeros_like(head), jnp.zeros_like(head),
        jnp.zeros_like(head), jnp.zeros_like(head),
    ], axis=1)

    word_s = _prescale(word_embedding, 1.0 / _W, 2000, jnp.bfloat16)
    zeros_c = jnp.zeros((_C, _DP), jnp.bfloat16)

    ebias16 = e_bias.reshape(-1, _EV)
    nr = r_bias.shape[0]
    rpad = (-nr) % _EV
    rbias16 = jnp.concatenate(
        [r_bias, jnp.zeros((rpad, 1), r_bias.dtype)], axis=0).reshape(-1, _EV)

    ah, ar, at_, hb, tb, rb = _sc_words(
        B, idxs_w, words_t, zeros_c, word_s, ebias16, rbias16)
    eh, et, rl, pj = _sc_entity(B, idxs_e, entity_embedding,
                                relation_embedding, relation_projection)
    return _score(B, eh, et, rl, pj, ah, ar, at_, hb, tb, rb, aux)

# --- scband reference (transcript-rebuilt; emitter-appended) ---
"""Pipeline reference for scband-trans-e-36352603193502 (READ-ONLY COPY).

The authoritative reference and input builder live on the scoring server;
editing this copy changes nothing except your own understanding.
"""

import jax, jax.numpy as jnp
import numpy as np

NENT = 1000000
NREL = 1000
NWORD = 100000
D = 60
B = 16384
W = 20
INIT = 0.001


def _normalize(x, axis, eps=1e-12):
    n = jnp.sqrt(jnp.sum(x * x, axis=axis, keepdims=True))
    return x / jnp.maximum(n, eps)


def setup_inputs(seed: int = 0) -> dict:
    key = jax.random.key(seed)
    ks = jax.random.split(key, 12)
    head = jax.random.randint(ks[0], (B,), 0, NENT)
    relation = jax.random.randint(ks[1], (B,), 0, NREL)
    tail = jax.random.randint(ks[2], (B,), 0, NENT)
    head_w = jax.random.randint(ks[3], (B, W), 0, NWORD)
    rel_w = jax.random.randint(ks[4], (B, W), 0, NWORD)
    tail_w = jax.random.randint(ks[5], (B, W), 0, NWORD)
    entity_embedding = INIT * jax.random.normal(ks[6], (NENT, D), dtype=jnp.float32)
    relation_embedding = INIT * jax.random.normal(ks[7], (NREL, D), dtype=jnp.float32)
    word_embedding = INIT * jax.random.normal(ks[8], (NWORD, D), dtype=jnp.float32)
    e_bias = INIT * jax.random.normal(ks[9], (NENT, 1), dtype=jnp.float32)
    r_bias = INIT * jax.random.normal(ks[10], (NREL, 1), dtype=jnp.float32)
    relation_projection = INIT * jax.random.normal(ks[11], (NREL, D), dtype=jnp.float32)
    return {
        "head": head, "relation": relation, "tail": tail,
        "head_w": head_w, "rel_w": rel_w, "tail_w": tail_w,
        "entity_embedding": entity_embedding,
        "relation_embedding": relation_embedding,
        "word_embedding": word_embedding,
        "e_bias": e_bias, "r_bias": r_bias,
        "relation_projection": relation_projection,
    }


def reference(head, relation, tail, head_w, rel_w, tail_w,
              entity_embedding, relation_embedding, word_embedding,
              e_bias, r_bias, relation_projection):
    # entity / relation embedding lookups + row-normalization (F.normalize, dim=1)
    head_e = _normalize(jnp.take(entity_embedding, head, axis=0), axis=1)
    rel_e = _normalize(jnp.take(relation_embedding, relation, axis=0), axis=1)
    tail_e = _normalize(jnp.take(entity_embedding, tail, axis=0), axis=1)

    h_bias = jnp.take(e_bias, head, axis=0)[:, 0]
    t_bias = jnp.take(e_bias, tail, axis=0)[:, 0]
    r_bias_v = jnp.take(r_bias, relation, axis=0)[:, 0]

    # per-example word lists: lookup, normalize each word vector, mean-pool
    hw = jnp.mean(_normalize(jnp.take(word_embedding, head_w, axis=0), axis=-1), axis=1)
    rw = jnp.mean(_normalize(jnp.take(word_embedding, rel_w, axis=0), axis=-1), axis=1)
    tw = jnp.mean(_normalize(jnp.take(word_embedding, tail_w, axis=0), axis=-1), axis=1)

    head_e = head_e + hw
    tail_e = tail_e + tw
    rel_e = rel_e + rw

    # relation hyperplane projection (as in the visible score() body)
    rel_e_proj = _normalize(jnp.take(relation_projection, relation, axis=0), axis=1)
    head_e_p = head_e - jnp.sum(rel_e_proj * head_e, axis=1, keepdims=True) * rel_e_proj
    tail_e_p = tail_e - jnp.sum(rel_e_proj * tail_e, axis=1, keepdims=True) * rel_e_proj

    diff = head_e_p + rel_e - tail_e_p
    score = -jnp.sqrt(jnp.sum(diff * diff, axis=1))
    score = score + h_bias + t_bias + r_bias_v
    return score

if __name__ == "__main__":
    import jax
    _d = setup_inputs()
    print(jax.jit(kernel)(*tuple(_d.values())))

</pallas_src>

<mosaic_0001>
#map = affine_map<(d0, d1) -> (0, 0)>
module attributes {stable_mosaic.version = 14 : i64} {
  func.func @k(%arg0: i32, %arg1: i32, %arg2: memref<3x16384xi32, #tpu.memory_space<hbm>>, %arg3: memref<60x16384xi32, #tpu.memory_space<hbm>>, %arg4: memref<128x64xbf16, #tpu.memory_space<hbm>>, %arg5: memref<100000x64xbf16, #tpu.memory_space<hbm>>, %arg6: memref<62500x16xf32, #tpu.memory_space<hbm>>, %arg7: memref<63x16xf32, #tpu.memory_space<hbm>>, %arg8: memref<16384x64xbf16, #tpu.memory_space<hbm>>, %arg9: memref<16384x64xbf16, #tpu.memory_space<hbm>>, %arg10: memref<16384x64xbf16, #tpu.memory_space<hbm>>, %arg11: memref<16384x16xf32, #tpu.memory_space<hbm>>, %arg12: memref<16384x16xf32, #tpu.memory_space<hbm>>, %arg13: memref<16384x16xf32, #tpu.memory_space<hbm>>, %arg14: memref<3x128xi32, #tpu.memory_space<vmem>>, %arg15: memref<60x128xi32, #tpu.memory_space<vmem>>, %arg16: memref<128x64xbf16, #tpu.memory_space<vmem>>, %arg17: memref<128x64xbf16, #tpu.memory_space<vmem>>, %arg18: memref<128x64xbf16, #tpu.memory_space<vmem>>, %arg19: memref<128x16xf32, #tpu.memory_space<vmem>>, %arg20: memref<128x16xf32, #tpu.memory_space<vmem>>, %arg21: memref<128x16xf32, #tpu.memory_space<vmem>>, %arg22: memref<!tpu.dma_semaphore, #tpu.memory_space<semaphore_mem>>) attributes {dimension_semantics = [#tpu.dimension_semantics<core_parallel>, #tpu.dimension_semantics<subcore_parallel>], iteration_bounds = array<i64: 2, 16>, scalar_prefetch = 0 : i64, scratch_operands = 9 : i64, tpu.core_type = #tpu.core_type<sc_vector_subcore>, window_params = [{transform_indices = #map}, {transform_indices = #map}, {transform_indices = #map}, {transform_indices = #map}, {transform_indices = #map}, {transform_indices = #map}, {transform_indices = #map}, {transform_indices = #map}, {transform_indices = #map}, {transform_indices = #map}, {transform_indices = #map}, {transform_indices = #map}]} {
    %mul3A = arith.constant 2 : i32
    %mul3A_0 = arith.muli %arg1, %mul3A : i32
    %add3A = arith.addi %mul3A_0, %arg0 : i32
    %mul3A_1 = arith.constant 512 : i32
    %mul3A_2 = arith.muli %add3A, %mul3A_1 : i32
    %scan3A = arith.constant 0 : i32
    %scan3A_3 = arith.constant 0 : i32
    %scan3A_4 = arith.constant 4 : i32
    %scan3A_5 = arith.addi %scan3A_3, %scan3A_4 : i32
    %scan3A_6 = arith.constant 1 : i32
    scf.for %scan3A_8 = %scan3A_3 to %scan3A_5 step %scan3A_6  : i32 {
      %mul3A_9 = arith.constant 128 : i32
      %mul3A_10 = arith.muli %scan3A_8, %mul3A_9 : i32
      %add3A_11 = arith.addi %mul3A_2, %mul3A_10 : i32
      "tpu.region"() ({
        %run_scoped3A = tpu.sem_alloc : memref<!tpu.dma_semaphore, #tpu.memory_space<semaphore_mem>>
        %dma_start3A_892 = arith.constant 0 : i32
        %dma_start3A_893 = tpu.memref_slice %arg2[%dma_start3A_892, %add3A_11] : memref<3x16384xi32, #tpu.memory_space<hbm>> -> memref<3x128xi32, #tpu.memory_space<hbm>>
        %dma_start3A_894 = arith.constant 0 : i32
        %dma_start3A_895 = tpu.memref_slice %arg2[%dma_start3A_894, %add3A_11] : memref<3x16384xi32, #tpu.memory_space<hbm>> -> memref<3x128xi32, #tpu.memory_space<hbm>>
        tpu.enqueue_dma source(%dma_start3A_895 : memref<3x128xi32, #tpu.memory_space<hbm>>) target(%arg14 : memref<3x128xi32, #tpu.memory_space<vmem>>) target_semaphore(%run_scoped3A : memref<!tpu.dma_semaphore, #tpu.memory_space<semaphore_mem>>)
        %dma_wait3A_896 = arith.constant 0 : i32
        %dma_wait3A_897 = tpu.memref_slice %arg2[%dma_wait3A_896, %add3A_11] : memref<3x16384xi32, #tpu.memory_space<hbm>> -> memref<3x128xi32, #tpu.memory_space<hbm>>
        %dma_wait3A_898 = arith.constant 0 : i32
        %dma_wait3A_899 = tpu.memref_slice %arg2[%dma_wait3A_898, %add3A_11] : memref<3x16384xi32, #tpu.memory_space<hbm>> -> memref<3x128xi32, #tpu.memory_space<hbm>>
        tpu.wait_dma2 semaphore(%run_scoped3A : memref<!tpu.dma_semaphore, #tpu.memory_space<semaphore_mem>>) src(%dma_wait3A_899 : memref<3x128xi32, #tpu.memory_space<hbm>>) dst(%arg14 : memref<3x128xi32, #tpu.memory_space<vmem>>)
        tpu.yield
      }) : () -> ()
      "tpu.region"() ({
        %run_scoped3A = tpu.sem_alloc : memref<!tpu.dma_semaphore, #tpu.memory_space<semaphore_mem>>
        %dma_start3A_892 = arith.constant 0 : i32
        %dma_start3A_893 = tpu.memref_slice %arg3[%dma_start3A_892, %add3A_11] : memref<60x16384xi32, #tpu.memory_space<hbm>> -> memref<60x128xi32, #tpu.memory_space<hbm>>
        %dma_start3A_894 = arith.constant 0 : i32
        %dma_start3A_895 = tpu.memref_slice %arg3[%dma_start3A_894, %add3A_11] : memref<60x16384xi32, #tpu.memory_space<hbm>> -> memref<60x128xi32, #tpu.memory_space<hbm>>
        tpu.enqueue_dma source(%dma_start3A_895 : memref<60x128xi32, #tpu.memory_space<hbm>>) target(%arg15 : memref<60x128xi32, #tpu.memory_space<vmem>>) target_semaphore(%run_scoped3A : memref<!tpu.dma_semaphore, #tpu.memory_space<semaphore_mem>>)
        %dma_wait3A_896 = arith.constant 0 : i32
        %dma_wait3A_897 = tpu.memref_slice %arg3[%dma_wait3A_896, %add3A_11] : memref<60x16384xi32, #tpu.memory_space<hbm>> -> memref<60x128xi32, #tpu.memory_space<hbm>>
        %dma_wait3A_898 = arith.constant 0 : i32
        %dma_wait3A_899 = tpu.memref_slice %arg3[%dma_wait3A_898, %add3A_11] : memref<60x16384xi32, #tpu.memory_space<hbm>> -> memref<60x128xi32, #tpu.memory_space<hbm>>
        tpu.wait_dma2 semaphore(%run_scoped3A : memref<!tpu.dma_semaphore, #tpu.memory_space<semaphore_mem>>) src(%dma_wait3A_899 : memref<60x128xi32, #tpu.memory_space<hbm>>) dst(%arg15 : memref<60x128xi32, #tpu.memory_space<vmem>>)
        tpu.yield
      }) : () -> ()
      "tpu.region"() ({
        %run_scoped3A = tpu.sem_alloc : memref<!tpu.dma_semaphore, #tpu.memory_space<semaphore_mem>>
        tpu.enqueue_dma source(%arg4 : memref<128x64xbf16, #tpu.memory_space<hbm>>) target(%arg16 : memref<128x64xbf16, #tpu.memory_space<vmem>>) target_semaphore(%run_scoped3A : memref<!tpu.dma_semaphore, #tpu.memory_space<semaphore_mem>>)
        tpu.wait_dma2 semaphore(%run_scoped3A : memref<!tpu.dma_semaphore, #tpu.memory_space<semaphore_mem>>) src(%arg4 : memref<128x64xbf16, #tpu.memory_space<hbm>>) dst(%arg16 : memref<128x64xbf16, #tpu.memory_space<vmem>>)
        tpu.yield
      }) : () -> ()
      "tpu.region"() ({
        %run_scoped3A = tpu.sem_alloc : memref<!tpu.dma_semaphore, #tpu.memory_space<semaphore_mem>>
        tpu.enqueue_dma source(%arg4 : memref<128x64xbf16, #tpu.memory_space<hbm>>) target(%arg17 : memref<128x64xbf16, #tpu.memory_space<vmem>>) target_semaphore(%run_scoped3A : memref<!tpu.dma_semaphore, #tpu.memory_space<semaphore_mem>>)
        tpu.wait_dma2 semaphore(%run_scoped3A : memref<!tpu.dma_semaphore, #tpu.memory_space<semaphore_mem>>) src(%arg4 : memref<128x64xbf16, #tpu.memory_space<hbm>>) dst(%arg17 : memref<128x64xbf16, #tpu.memory_space<vmem>>)
        tpu.yield
      }) : () -> ()
      "tpu.region"() ({
        %run_scoped3A = tpu.sem_alloc : memref<!tpu.dma_semaphore, #tpu.memory_space<semaphore_mem>>
        tpu.enqueue_dma source(%arg4 : memref<128x64xbf16, #tpu.memory_space<hbm>>) target(%arg18 : memref<128x64xbf16, #tpu.memory_space<vmem>>) target_semaphore(%run_scoped3A : memref<!tpu.dma_semaphore, #tpu.memory_space<semaphore_mem>>)
        tpu.wait_dma2 semaphore(%run_scoped3A : memref<!tpu.dma_semaphore, #tpu.memory_space<semaphore_mem>>) src(%arg4 : memref<128x64xbf16, #tpu.memory_space<hbm>>) dst(%arg18 : memref<128x64xbf16, #tpu.memory_space<vmem>>)
        tpu.yield
      }) : () -> ()
      %dma_start3A = arith.constant 0 : i32
      %dma_start3A_12 = arith.constant 0 : i32
      %dma_start3A_13 = tpu.memref_slice %arg15[%dma_start3A, %dma_start3A_12] : memref<60x128xi32, #tpu.memory_space<vmem>> -> memref<1x128xi32, #tpu.memory_space<vmem>>
      %dma_start3A_14 = tpu.memref_squeeze %dma_start3A_13 : memref<1x128xi32, #tpu.memory_space<vmem>> -> memref<128xi32, #tpu.memory_space<vmem>>
      %dma_start3A_15 = arith.constant 0 : i32
      %dma_start3A_16 = arith.constant 0 : i32
      %dma_start3A_17 = tpu.memref_slice %arg5[%dma_start3A_15, %dma_start3A_16] : memref<100000x64xbf16, #tpu.memory_space<hbm>> -> memref<100000x64xbf16, #tpu.memory_space<hbm>>
      tpu.enqueue_indirect_dma source(%dma_start3A_17 : memref<100000x64xbf16, #tpu.memory_space<hbm>>) target(%arg16 : memref<128x64xbf16, #tpu.memory_space<vmem>>) offsets(%dma_start3A_14 : memref<128xi32, #tpu.memory_space<vmem>>) semaphore(%arg22 : memref<!tpu.dma_semaphore, #tpu.memory_space<semaphore_mem>>) {add = true}
      %dma_start3A_18 = arith.constant 1 : i32
      %dma_start3A_19 = arith.constant 0 : i32
      %dma_start3A_20 = tpu.memref_slice %arg15[%dma_start3A_18, %dma_start3A_19] : memref<60x128xi32, #tpu.memory_space<vmem>> -> memref<1x128xi32, #tpu.memory_space<vmem>>
      %dma_start3A_21 = tpu.memref_squeeze %dma_start3A_20 : memref<1x128xi32, #tpu.memory_space<vmem>> -> memref<128xi32, #tpu.memory_space<vmem>>
      %dma_start3A_22 = arith.constant 0 : i32
      %dma_start3A_23 = arith.constant 0 : i32
      %dma_start3A_24 = tpu.memref_slice %arg5[%dma_start3A_22, %dma_start3A_23] : memref<100000x64xbf16, #tpu.memory_space<hbm>> -> memref<100000x64xbf16, #tpu.memory_space<hbm>>
      tpu.enqueue_indirect_dma source(%dma_start3A_24 : memref<100000x64xbf16, #tpu.memory_space<hbm>>) target(%arg16 : memref<128x64xbf16, #tpu.memory_space<vmem>>) offsets(%dma_start3A_21 : memref<128xi32, #tpu.memory_space<vmem>>) semaphore(%arg22 : memref<!tpu.dma_semaphore, #tpu.memory_space<semaphore_mem>>) {add = true}
      %dma_start3A_25 = arith.constant 2 : i32
      %dma_start3A_26 = arith.constant 0 : i32
      %dma_start3A_27 = tpu.memref_slice %arg15[%dma_start3A_25, %dma_start3A_26] : memref<60x128xi32, #tpu.memory_space<vmem>> -> memref<1x128xi32, #tpu.memory_space<vmem>>
      %dma_start3A_28 = tpu.memref_squeeze %dma_start3A_27 : memref<1x128xi32, #tpu.memory_space<vmem>> -> memref<128xi32, #tpu.memory_space<vmem>>
      %dma_start3A_29 = arith.constant 0 : i32
      %dma_start3A_30 = arith.constant 0 : i32
      %dma_start3A_31 = tpu.memref_slice %arg5[%dma_start3A_29, %dma_start3A_30] : memref<100000x64xbf16, #tpu.memory_space<hbm>> -> memref<100000x64xbf16, #tpu.memory_space<hbm>>
      tpu.enqueue_indirect_dma source(%dma_start3A_31 : memref<100000x64xbf16, #tpu.memory_space<hbm>>) target(%arg16 : memref<128x64xbf16, #tpu.memory_space<vmem>>) offsets(%dma_start3A_28 : memref<128xi32, #tpu.memory_space<vmem>>) semaphore(%arg22 : memref<!tpu.dma_semaphore, #tpu.memory_space<semaphore_mem>>) {add = true}
      %dma_start3A_32 = arith.constant 3 : i32
      %dma_start3A_33 = arith.constant 0 : i32
      %dma_start3A_34 = tpu.memref_slice %arg15[%dma_start3A_32, %dma_start3A_33] : memref<60x128xi32, #tpu.memory_space<vmem>> -> memref<1x128xi32, #tpu.memory_space<vmem>>
      %dma_start3A_35 = tpu.memref_squeeze %dma_start3A_34 : memref<1x128xi32, #tpu.memory_space<vmem>> -> memref<128xi32, #tpu.memory_space<vmem>>
      %dma_start3A_36 = arith.constant 0 : i32
      %dma_start3A_37 = arith.constant 0 : i32
      %dma_start3A_38 = tpu.memref_slice %arg5[%dma_start3A_36, %dma_start3A_37] : memref<100000x64xbf16, #tpu.memory_space<hbm>> -> memref<100000x64xbf16, #tpu.memory_space<hbm>>
      tpu.enqueue_indirect_dma source(%dma_start3A_38 : memref<100000x64xbf16, #tpu.memory_space<hbm>>) target(%arg16 : memref<128x64xbf16, #tpu.memory_space<vmem>>) offsets(%dma_start3A_35 : memref<128xi32, #tpu.memory_space<vmem>>) semaphore(%arg22 : memref<!tpu.dma_semaphore, #tpu.memory_space<semaphore_mem>>) {add = true}
      %dma_start3A_39 = arith.constant 4 : i32
      %dma_start3A_40 = arith.constant 0 : i32
      %dma_start3A_41 = tpu.memref_slice %arg15[%dma_start3A_39, %dma_start3A_40] : memref<60x128xi32, #tpu.memory_space<vmem>> -> memref<1x128xi32, #tpu.memory_space<vmem>>
      %dma_start3A_42 = tpu.memref_squeeze %dma_start3A_41 : memref<1x128xi32, #tpu.memory_space<vmem>> -> memref<128xi32, #tpu.memory_space<vmem>>
      %dma_start3A_43 = arith.constant 0 : i32
      %dma_start3A_44 = arith.constant 0 : i32
      %dma_start3A_45 = tpu.memref_slice %arg5[%dma_start3A_43, %dma_start3A_44] : memref<100000x64xbf16, #tpu.memory_space<hbm>> -> memref<100000x64xbf16, #tpu.memory_space<hbm>>
      tpu.enqueue_indirect_dma source(%dma_start3A_45 : memref<100000x64xbf16, #tpu.memory_space<hbm>>) target(%arg16 : memref<128x64xbf16, #tpu.memory_space<vmem>>) offsets(%dma_start3A_42 : memref<128xi32, #tpu.memory_space<vmem>>) semaphore(%arg22 : memref<!tpu.dma_semaphore, #tpu.memory_space<semaphore_mem>>) {add = true}
      %dma_start3A_46 = arith.constant 5 : i32
      %dma_start3A_47 = arith.constant 0 : i32
      %dma_start3A_48 = tpu.memref_slice %arg15[%dma_start3A_46, %dma_start3A_47] : memref<60x128xi32, #tpu.memory_space<vmem>> -> memref<1x128xi32, #tpu.memory_space<vmem>>
      %dma_start3A_49 = tpu.memref_squeeze %dma_start3A_48 : memref<1x128xi32, #tpu.memory_space<vmem>> -> memref<128xi32, #tpu.memory_space<vmem>>
      %dma_start3A_50 = arith.constant 0 : i32
      %dma_start3A_51 = arith.constant 0 : i32
      %dma_start3A_52 = tpu.memref_slice %arg5[%dma_start3A_50, %dma_start3A_51] : memref<100000x64xbf16, #tpu.memory_space<hbm>> -> memref<100000x64xbf16, #tpu.memory_space<hbm>>
      tpu.enqueue_indirect_dma source(%dma_start3A_52 : memref<100000x64xbf16, #tpu.memory_space<hbm>>) target(%arg16 : memref<128x64xbf16, #tpu.memory_space<vmem>>) offsets(%dma_start3A_49 : memref<128xi32, #tpu.memory_space<vmem>>) semaphore(%arg22 : memref<!tpu.dma_semaphore, #tpu.memory_space<semaphore_mem>>) {add = true}
      %dma_start3A_53 = arith.constant 6 : i32
      %dma_start3A_54 = arith.constant 0 : i32
      %dma_start3A_55 = tpu.memref_slice %arg15[%dma_start3A_53, %dma_start3A_54] : memref<60x128xi32, #tpu.memory_space<vmem>> -> memref<1x128xi32, #tpu.memory_space<vmem>>
      %dma_start3A_56 = tpu.memref_squeeze %dma_start3A_55 : memref<1x128xi32, #tpu.memory_space<vmem>> -> memref<128xi32, #tpu.memory_space<vmem>>
      %dma_start3A_57 = arith.constant 0 : i32
      %dma_start3A_58 = arith.constant 0 : i32
      %dma_start3A_59 = tpu.memref_slice %arg5[%dma_start3A_57, %dma_start3A_58] : memref<100000x64xbf16, #tpu.memory_space<hbm>> -> memref<100000x64xbf16, #tpu.memory_space<hbm>>
      tpu.enqueue_indirect_dma source(%dma_start3A_59 : memref<100000x64xbf16, #tpu.memory_space<hbm>>) target(%arg16 : memref<128x64xbf16, #tpu.memory_space<vmem>>) offsets(%dma_start3A_56 : memref<128xi32, #tpu.memory_space<vmem>>) semaphore(%arg22 : memref<!tpu.dma_semaphore, #tpu.memory_space<semaphore_mem>>) {add = true}
      %dma_start3A_60 = arith.constant 7 : i32
      %dma_start3A_61 = arith.constant 0 : i32
      %dma_start3A_62 = tpu.memref_slice %arg15[%dma_start3A_60, %dma_start3A_61] : memref<60x128xi32, #tpu.memory_space<vmem>> -> memref<1x128xi32, #tpu.memory_space<vmem>>
      %dma_start3A_63 = tpu.memref_squeeze %dma_start3A_62 : memref<1x128xi32, #tpu.memory_space<vmem>> -> memref<128xi32, #tpu.memory_space<vmem>>
      %dma_start3A_64 = arith.constant 0 : i32
      %dma_start3A_65 = arith.constant 0 : i32
      %dma_start3A_66 = tpu.memref_slice %arg5[%dma_start3A_64, %dma_start3A_65] : memref<100000x64xbf16, #tpu.memory_space<hbm>> -> memref<100000x64xbf16, #tpu.memory_space<hbm>>
      tpu.enqueue_indirect_dma source(%dma_start3A_66 : memref<100000x64xbf16, #tpu.memory_space<hbm>>) target(%arg16 : memref<128x64xbf16, #tpu.memory_space<vmem>>) offsets(%dma_start3A_63 : memref<128xi32, #tpu.memory_space<vmem>>) semaphore(%arg22 : memref<!tpu.dma_semaphore, #tpu.memory_space<semaphore_mem>>) {add = true}
      %dma_start3A_67 = arith.constant 8 : i32
      %dma_start3A_68 = arith.constant 0 : i32
      %dma_start3A_69 = tpu.memref_slice %arg15[%dma_start3A_67, %dma_start3A_68] : memref<60x128xi32, #tpu.memory_space<vmem>> -> memref<1x128xi32, #tpu.memory_space<vmem>>
      %dma_start3A_70 = tpu.memref_squeeze %dma_start3A_69 : memref<1x128xi32, #tpu.memory_space<vmem>> -> memref<128xi32, #tpu.memory_space<vmem>>
      %dma_start3A_71 = arith.constant 0 : i32
      %dma_start3A_72 = arith.constant 0 : i32
      %dma_start3A_73 = tpu.memref_slice %arg5[%dma_start3A_71, %dma_start3A_72] : memref<100000x64xbf16, #tpu.memory_space<hbm>> -> memref<100000x64xbf16, #tpu.memory_space<hbm>>
      tpu.enqueue_indirect_dma source(%dma_start3A_73 : memref<100000x64xbf16, #tpu.memory_space<hbm>>) target(%arg16 : memref<128x64xbf16, #tpu.memory_space<vmem>>) offsets(%dma_start3A_70 : memref<128xi32, #tpu.memory_space<vmem>>) semaphore(%arg22 : memref<!tpu.dma_semaphore, #tpu.memory_space<semaphore_mem>>) {add = true}
      %dma_start3A_74 = arith.constant 9 : i32
      %dma_start3A_75 = arith.constant 0 : i32
      %dma_start3A_76 = tpu.memref_slice %arg15[%dma_start3A_74, %dma_start3A_75] : memref<60x128xi32, #tpu.memory_space<vmem>> -> memref<1x128xi32, #tpu.memory_space<vmem>>
      %dma_start3A_77 = tpu.memref_squeeze %dma_start3A_76 : memref<1x128xi32, #tpu.memory_space<vmem>> -> memref<128xi32, #tpu.memory_space<vmem>>
      %dma_start3A_78 = arith.constant 0 : i32
      %dma_start3A_79 = arith.constant 0 : i32
      %dma_start3A_80 = tpu.memref_slice %arg5[%dma_start3A_78, %dma_start3A_79] : memref<100000x64xbf16, #tpu.memory_space<hbm>> -> memref<100000x64xbf16, #tpu.memory_space<hbm>>
      tpu.enqueue_indirect_dma source(%dma_start3A_80 : memref<100000x64xbf16, #tpu.memory_space<hbm>>) target(%arg16 : memref<128x64xbf16, #tpu.memory_space<vmem>>) offsets(%dma_start3A_77 : memref<128xi32, #tpu.memory_space<vmem>>) semaphore(%arg22 : memref<!tpu.dma_semaphore, #tpu.memory_space<semaphore_mem>>) {add = true}
      %dma_start3A_81 = arith.constant 10 : i32
      %dma_start3A_82 = arith.constant 0 : i32
      %dma_start3A_83 = tpu.memref_slice %arg15[%dma_start3A_81, %dma_start3A_82] : memref<60x128xi32, #tpu.memory_space<vmem>> -> memref<1x128xi32, #tpu.memory_space<vmem>>
      %dma_start3A_84 = tpu.memref_squeeze %dma_start3A_83 : memref<1x128xi32, #tpu.memory_space<vmem>> -> memref<128xi32, #tpu.memory_space<vmem>>
      %dma_start3A_85 = arith.constant 0 : i32
      %dma_start3A_86 = arith.constant 0 : i32
      %dma_start3A_87 = tpu.memref_slice %arg5[%dma_start3A_85, %dma_start3A_86] : memref<100000x64xbf16, #tpu.memory_space<hbm>> -> memref<100000x64xbf16, #tpu.memory_space<hbm>>
      tpu.enqueue_indirect_dma source(%dma_start3A_87 : memref<100000x64xbf16, #tpu.memory_space<hbm>>) target(%arg16 : memref<128x64xbf16, #tpu.memory_space<vmem>>) offsets(%dma_start3A_84 : memref<128xi32, #tpu.memory_space<vmem>>) semaphore(%arg22 : memref<!tpu.dma_semaphore, #tpu.memory_space<semaphore_mem>>) {add = true}
      %dma_start3A_88 = arith.constant 11 : i32
      %dma_start3A_89 = arith.constant 0 : i32
      %dma_start3A_90 = tpu.memref_slice %arg15[%dma_start3A_88, %dma_start3A_89] : memref<60x128xi32, #tpu.memory_space<vmem>> -> memref<1x128xi32, #tpu.memory_space<vmem>>
      %dma_start3A_91 = tpu.memref_squeeze %dma_start3A_90 : memref<1x128xi32, #tpu.memory_space<vmem>> -> memref<128xi32, #tpu.memory_space<vmem>>
      %dma_start3A_92 = arith.constant 0 : i32
      %dma_start3A_93 = arith.constant 0 : i32
      %dma_start3A_94 = tpu.memref_slice %arg5[%dma_start3A_92, %dma_start3A_93] : memref<100000x64xbf16, #tpu.memory_space<hbm>> -> memref<100000x64xbf16, #tpu.memory_space<hbm>>
      tpu.enqueue_indirect_dma source(%dma_start3A_94 : memref<100000x64xbf16, #tpu.memory_space<hbm>>) target(%arg16 : memref<128x64xbf16, #tpu.memory_space<vmem>>) offsets(%dma_start3A_91 : memref<128xi32, #tpu.memory_space<vmem>>) semaphore(%arg22 : memref<!tpu.dma_semaphore, #tpu.memory_space<semaphore_mem>>) {add = true}
      %dma_start3A_95 = arith.constant 12 : i32
      %dma_start3A_96 = arith.constant 0 : i32
      %dma_start3A_97 = tpu.memref_slice %arg15[%dma_start3A_95, %dma_start3A_96] : memref<60x128xi32, #tpu.memory_space<vmem>> -> memref<1x128xi32, #tpu.memory_space<vmem>>
      %dma_start3A_98 = tpu.memref_squeeze %dma_start3A_97 : memref<1x128xi32, #tpu.memory_space<vmem>> -> memref<128xi32, #tpu.memory_space<vmem>>
      %dma_start3A_99 = arith.constant 0 : i32
      %dma_start3A_100 = arith.constant 0 : i32
      %dma_start3A_101 = tpu.memref_slice %arg5[%dma_start3A_99, %dma_start3A_100] : memref<100000x64xbf16, #tpu.memory_space<hbm>> -> memref<100000x64xbf16, #tpu.memory_space<hbm>>
      tpu.enqueue_indirect_dma source(%dma_start3A_101 : memref<100000x64xbf16, #tpu.memory_space<hbm>>) target(%arg16 : memref<128x64xbf16, #tpu.memory_space<vmem>>) offsets(%dma_start3A_98 : memref<128xi32, #tpu.memory_space<vmem>>) semaphore(%arg22 : memref<!tpu.dma_semaphore, #tpu.memory_space<semaphore_mem>>) {add = true}
      %dma_start3A_102 = arith.constant 13 : i32
      %dma_start3A_103 = arith.constant 0 : i32
      %dma_start3A_104 = tpu.memref_slice %arg15[%dma_start3A_102, %dma_start3A_103] : memref<60x128xi32, #tpu.memory_space<vmem>> -> memref<1x128xi32, #tpu.memory_space<vmem>>
      %dma_start3A_105 = tpu.memref_squeeze %dma_start3A_104 : memref<1x128xi32, #tpu.memory_space<vmem>> -> memref<128xi32, #tpu.memory_space<vmem>>
      %dma_start3A_106 = arith.constant 0 : i32
      %dma_start3A_107 = arith.constant 0 : i32
      %dma_start3A_108 = tpu.memref_slice %arg5[%dma_start3A_106, %dma_start3A_107] : memref<100000x64xbf16, #tpu.memory_space<hbm>> -> memref<100000x64xbf16, #tpu.memory_space<hbm>>
      tpu.enqueue_indirect_dma source(%dma_start3A_108 : memref<100000x64xbf16, #tpu.memory_space<hbm>>) target(%arg16 : memref<128x64xbf16, #tpu.memory_space<vmem>>) offsets(%dma_start3A_105 : memref<128xi32, #tpu.memory_space<vmem>>) semaphore(%arg22 : memref<!tpu.dma_semaphore, #tpu.memory_space<semaphore_mem>>) {add = true}
      %dma_start3A_109 = arith.constant 14 : i32
      %dma_start3A_110 = arith.constant 0 : i32
      %dma_start3A_111 = tpu.memref_slice %arg15[%dma_start3A_109, %dma_start3A_110] : memref<60x128xi32, #tpu.memory_space<vmem>> -> memref<1x128xi32, #tpu.memory_space<vmem>>
      %dma_start3A_112 = tpu.memref_squeeze %dma_start3A_111 : memref<1x128xi32, #tpu.memory_space<vmem>> -> memref<128xi32, #tpu.memory_space<vmem>>
      %dma_start3A_113 = arith.constant 0 : i32
      %dma_start3A_114 = arith.constant 0 : i32
      %dma_start3A_115 = tpu.memref_slice %arg5[%dma_start3A_113, %dma_start3A_114] : memref<100000x64xbf16, #tpu.memory_space<hbm>> -> memref<100000x64xbf16, #tpu.memory_space<hbm>>
      tpu.enqueue_indirect_dma source(%dma_start3A_115 : memref<100000x64xbf16, #tpu.memory_space<hbm>>) target(%arg16 : memref<128x64xbf16, #tpu.memory_space<vmem>>) offsets(%dma_start3A_112 : memref<128xi32, #tpu.memory_space<vmem>>) semaphore(%arg22 : memref<!tpu.dma_semaphore, #tpu.memory_space<semaphore_mem>>) {add = true}
      %dma_start3A_116 = arith.constant 15 : i32
      %dma_start3A_117 = arith.constant 0 : i32
      %dma_start3A_118 = tpu.memref_slice %arg15[%dma_start3A_116, %dma_start3A_117] : memref<60x128xi32, #tpu.memory_space<vmem>> -> memref<1x128xi32, #tpu.memory_space<vmem>>
      %dma_start3A_119 = tpu.memref_squeeze %dma_start3A_118 : memref<1x128xi32, #tpu.memory_space<vmem>> -> memref<128xi32, #tpu.memory_space<vmem>>
      %dma_start3A_120 = arith.constant 0 : i32
      %dma_start3A_121 = arith.constant 0 : i32
      %dma_start3A_122 = tpu.memref_slice %arg5[%dma_start3A_120, %dma_start3A_121] : memref<100000x64xbf16, #tpu.memory_space<hbm>> -> memref<100000x64xbf16, #tpu.memory_space<hbm>>
      tpu.enqueue_indirect_dma source(%dma_start3A_122 : memref<100000x64xbf16, #tpu.memory_space<hbm>>) target(%arg16 : memref<128x64xbf16, #tpu.memory_space<vmem>>) offsets(%dma_start3A_119 : memref<128xi32, #tpu.memory_space<vmem>>) semaphore(%arg22 : memref<!tpu.dma_semaphore, #tpu.memory_space<semaphore_mem>>) {add = true}
      %dma_start3A_123 = arith.constant 16 : i32
      %dma_start3A_124 = arith.constant 0 : i32
      %dma_start3A_125 = tpu.memref_slice %arg15[%dma_start3A_123, %dma_start3A_124] : memref<60x128xi32, #tpu.memory_space<vmem>> -> memref<1x128xi32, #tpu.memory_space<vmem>>
      %dma_start3A_126 = tpu.memref_squeeze %dma_start3A_125 : memref<1x128xi32, #tpu.memory_space<vmem>> -> memref<128xi32, #tpu.memory_space<vmem>>
      %dma_start3A_127 = arith.constant 0 : i32
      %dma_start3A_128 = arith.constant 0 : i32
      %dma_start3A_129 = tpu.memref_slice %arg5[%dma_start3A_127, %dma_start3A_128] : memref<100000x64xbf16, #tpu.memory_space<hbm>> -> memref<100000x64xbf16, #tpu.memory_space<hbm>>
      tpu.enqueue_indirect_dma source(%dma_start3A_129 : memref<100000x64xbf16, #tpu.memory_space<hbm>>) target(%arg16 : memref<128x64xbf16, #tpu.memory_space<vmem>>) offsets(%dma_start3A_126 : memref<128xi32, #tpu.memory_space<vmem>>) semaphore(%arg22 : memref<!tpu.dma_semaphore, #tpu.memory_space<semaphore_mem>>) {add = true}
      %dma_start3A_130 = arith.constant 17 : i32
      %dma_start3A_131 = arith.constant 0 : i32
      %dma_start3A_132 = tpu.memref_slice %arg15[%dma_start3A_130, %dma_start3A_131] : memref<60x128xi32, #tpu.memory_space<vmem>> -> memref<1x128xi32, #tpu.memory_space<vmem>>
      %dma_start3A_133 = tpu.memref_squeeze %dma_start3A_132 : memref<1x128xi32, #tpu.memory_space<vmem>> -> memref<128xi32, #tpu.memory_space<vmem>>
      %dma_start3A_134 = arith.constant 0 : i32
      %dma_start3A_135 = arith.constant 0 : i32
      %dma_start3A_136 = tpu.memref_slice %arg5[%dma_start3A_134, %dma_start3A_135] : memref<100000x64xbf16, #tpu.memory_space<hbm>> -> memref<100000x64xbf16, #tpu.memory_space<hbm>>
      tpu.enqueue_indirect_dma source(%dma_start3A_136 : memref<100000x64xbf16, #tpu.memory_space<hbm>>) target(%arg16 : memref<128x64xbf16, #tpu.memory_space<vmem>>) offsets(%dma_start3A_133 : memref<128xi32, #tpu.memory_space<vmem>>) semaphore(%arg22 : memref<!tpu.dma_semaphore, #tpu.memory_space<semaphore_mem>>) {add = true}
      %dma_start3A_137 = arith.constant 18 : i32
      %dma_start3A_138 = arith.constant 0 : i32
      %dma_start3A_139 = tpu.memref_slice %arg15[%dma_start3A_137, %dma_start3A_138] : memref<60x128xi32, #tpu.memory_space<vmem>> -> memref<1x128xi32, #tpu.memory_space<vmem>>
      %dma_start3A_140 = tpu.memref_squeeze %dma_start3A_139 : memref<1x128xi32, #tpu.memory_space<vmem>> -> memref<128xi32, #tpu.memory_space<vmem>>
      %dma_start3A_141 = arith.constant 0 : i32
      %dma_start3A_142 = arith.constant 0 : i32
      %dma_start3A_143 = tpu.memref_slice %arg5[%dma_start3A_141, %dma_start3A_142] : memref<100000x64xbf16, #tpu.memory_space<hbm>> -> memref<100000x64xbf16, #tpu.memory_space<hbm>>
      tpu.enqueue_indirect_dma source(%dma_start3A_143 : memref<100000x64xbf16, #tpu.memory_space<hbm>>) target(%arg16 : memref<128x64xbf16, #tpu.memory_space<vmem>>) offsets(%dma_start3A_140 : memref<128xi32, #tpu.memory_space<vmem>>) semaphore(%arg22 : memref<!tpu.dma_semaphore, #tpu.memory_space<semaphore_mem>>) {add = true}
      %dma_start3A_144 = arith.constant 19 : i32
      %dma_start3A_145 = arith.constant 0 : i32
      %dma_start3A_146 = tpu.memref_slice %arg15[%dma_start3A_144, %dma_start3A_145] : memref<60x128xi32, #tpu.memory_space<vmem>> -> memref<1x128xi32, #tpu.memory_space<vmem>>
      %dma_start3A_147 = tpu.memref_squeeze %dma_start3A_146 : memref<1x128xi32, #tpu.memory_space<vmem>> -> memref<128xi32, #tpu.memory_space<vmem>>
      %dma_start3A_148 = arith.constant 0 : i32
      %dma_start3A_149 = arith.constant 0 : i32
      %dma_start3A_150 = tpu.memref_slice %arg5[%dma_start3A_148, %dma_start3A_149] : memref<100000x64xbf16, #tpu.memory_space<hbm>> -> memref<100000x64xbf16, #tpu.memory_space<hbm>>
      tpu.enqueue_indirect_dma source(%dma_start3A_150 : memref<100000x64xbf16, #tpu.memory_space<hbm>>) target(%arg16 : memref<128x64xbf16, #tpu.memory_space<vmem>>) offsets(%dma_start3A_147 : memref<128xi32, #tpu.memory_space<vmem>>) semaphore(%arg22 : memref<!tpu.dma_semaphore, #tpu.memory_space<semaphore_mem>>) {add = true}
      %dma_start3A_151 = arith.constant 20 : i32
      %dma_start3A_152 = arith.constant 0 : i32
      %dma_start3A_153 = tpu.memref_slice %arg15[%dma_start3A_151, %dma_start3A_152] : memref<60x128xi32, #tpu.memory_space<vmem>> -> memref<1x128xi32, #tpu.memory_space<vmem>>
      %dma_start3A_154 = tpu.memref_squeeze %dma_start3A_153 : memref<1x128xi32, #tpu.memory_space<vmem>> -> memref<128xi32, #tpu.memory_space<vmem>>
      %dma_start3A_155 = arith.constant 0 : i32
      %dma_start3A_156 = arith.constant 0 : i32
      %dma_start3A_157 = tpu.memref_slice %arg5[%dma_start3A_155, %dma_start3A_156] : memref<100000x64xbf16, #tpu.memory_space<hbm>> -> memref<100000x64xbf16, #tpu.memory_space<hbm>>
      tpu.enqueue_indirect_dma source(%dma_start3A_157 : memref<100000x64xbf16, #tpu.memory_space<hbm>>) target(%arg17 : memref<128x64xbf16, #tpu.memory_space<vmem>>) offsets(%dma_start3A_154 : memref<128xi32, #tpu.memory_space<vmem>>) semaphore(%arg22 : memref<!tpu.dma_semaphore, #tpu.memory_space<semaphore_mem>>) {add = true}
      %dma_start3A_158 = arith.constant 21 : i32
      %dma_start3A_159 = arith.constant 0 : i32
      %dma_start3A_160 = tpu.memref_slice %arg15[%dma_start3A_158, %dma_start3A_159] : memref<60x128xi32, #tpu.memory_space<vmem>> -> memref<1x128xi32, #tpu.memory_space<vmem>>
      %dma_start3A_161 = tpu.memref_squeeze %dma_start3A_160 : memref<1x128xi32, #tpu.memory_space<vmem>> -> memref<128xi32, #tpu.memory_space<vmem>>
      %dma_start3A_162 = arith.constant 0 : i32
      %dma_start3A_163 = arith.constant 0 : i32
      %dma_start3A_164 = tpu.memref_slice %arg5[%dma_start3A_162, %dma_start3A_163] : memref<100000x64xbf16, #tpu.memory_space<hbm>> -> memref<100000x64xbf16, #tpu.memory_space<hbm>>
      tpu.enqueue_indirect_dma source(%dma_start3A_164 : memref<100000x64xbf16, #tpu.memory_space<hbm>>) target(%arg17 : memref<128x64xbf16, #tpu.memory_space<vmem>>) offsets(%dma_start3A_161 : memref<128xi32, #tpu.memory_space<vmem>>) semaphore(%arg22 : memref<!tpu.dma_semaphore, #tpu.memory_space<semaphore_mem>>) {add = true}
      %dma_start3A_165 = arith.constant 22 : i32
      %dma_start3A_166 = arith.constant 0 : i32
      %dma_start3A_167 = tpu.memref_slice %arg15[%dma_start3A_165, %dma_start3A_166] : memref<60x128xi32, #tpu.memory_space<vmem>> -> memref<1x128xi32, #tpu.memory_space<vmem>>
      %dma_start3A_168 = tpu.memref_squeeze %dma_start3A_167 : memref<1x128xi32, #tpu.memory_space<vmem>> -> memref<128xi32, #tpu.memory_space<vmem>>
      %dma_start3A_169 = arith.constant 0 : i32
      %dma_start3A_170 = arith.constant 0 : i32
      %dma_start3A_171 = tpu.memref_slice %arg5[%dma_start3A_169, %dma_start3A_170] : memref<100000x64xbf16, #tpu.memory_space<hbm>> -> memref<100000x64xbf16, #tpu.memory_space<hbm>>
      tpu.enqueue_indirect_dma source(%dma_start3A_171 : memref<100000x64xbf16, #tpu.memory_space<hbm>>) target(%arg17 : memref<128x64xbf16, #tpu.memory_space<vmem>>) offsets(%dma_start3A_168 : memref<128xi32, #tpu.memory_space<vmem>>) semaphore(%arg22 : memref<!tpu.dma_semaphore, #tpu.memory_space<semaphore_mem>>) {add = true}
      %dma_start3A_172 = arith.constant 23 : i32
      %dma_start3A_173 = arith.constant 0 : i32
      %dma_start3A_174 = tpu.memref_slice %arg15[%dma_start3A_172, %dma_start3A_173] : memref<60x128xi32, #tpu.memory_space<vmem>> -> memref<1x128xi32, #tpu.memory_space<vmem>>
      %dma_start3A_175 = tpu.memref_squeeze %dma_start3A_174 : memref<1x128xi32, #tpu.memory_space<vmem>> -> memref<128xi32, #tpu.memory_space<vmem>>
      %dma_start3A_176 = arith.constant 0 : i32
      %dma_start3A_177 = arith.constant 0 : i32
      %dma_start3A_178 = tpu.memref_slice %arg5[%dma_start3A_176, %dma_start3A_177] : memref<100000x64xbf16, #tpu.memory_space<hbm>> -> memref<100000x64xbf16, #tpu.memory_space<hbm>>
      tpu.enqueue_indirect_dma source(%dma_start3A_178 : memref<100000x64xbf16, #tpu.memory_space<hbm>>) target(%arg17 : memref<128x64xbf16, #tpu.memory_space<vmem>>) offsets(%dma_start3A_175 : memref<128xi32, #tpu.memory_space<vmem>>) semaphore(%arg22 : memref<!tpu.dma_semaphore, #tpu.memory_space<semaphore_mem>>) {add = true}
      %dma_start3A_179 = arith.constant 24 : i32
      %dma_start3A_180 = arith.constant 0 : i32
      %dma_start3A_181 = tpu.memref_slice %arg15[%dma_start3A_179, %dma_start3A_180] : memref<60x128xi32, #tpu.memory_space<vmem>> -> memref<1x128xi32, #tpu.memory_space<vmem>>
      %dma_start3A_182 = tpu.memref_squeeze %dma_start3A_181 : memref<1x128xi32, #tpu.memory_space<vmem>> -> memref<128xi32, #tpu.memory_space<vmem>>
      %dma_start3A_183 = arith.constant 0 : i32
      %dma_start3A_184 = arith.constant 0 : i32
      %dma_start3A_185 = tpu.memref_slice %arg5[%dma_start3A_183, %dma_start3A_184] : memref<100000x64xbf16, #tpu.memory_space<hbm>> -> memref<100000x64xbf16, #tpu.memory_space<hbm>>
      tpu.enqueue_indirect_dma source(%dma_start3A_185 : memref<100000x64xbf16, #tpu.memory_space<hbm>>) target(%arg17 : memref<128x64xbf16, #tpu.memory_space<vmem>>) offsets(%dma_start3A_182 : memref<128xi32, #tpu.memory_space<vmem>>) semaphore(%arg22 : memref<!tpu.dma_semaphore, #tpu.memory_space<semaphore_mem>>) {add = true}
      %dma_start3A_186 = arith.constant 25 : i32
      %dma_start3A_187 = arith.constant 0 : i32
      %dma_start3A_188 = tpu.memref_slice %arg15[%dma_start3A_186, %dma_start3A_187] : memref<60x128xi32, #tpu.memory_space<vmem>> -> memref<1x128xi32, #tpu.memory_space<vmem>>
      %dma_start3A_189 = tpu.memref_squeeze %dma_start3A_188 : memref<1x128xi32, #tpu.memory_space<vmem>> -> memref<128xi32, #tpu.memory_space<vmem>>
      %dma_start3A_190 = arith.constant 0 : i32
      %dma_start3A_191 = arith.constant 0 : i32
      %dma_start3A_192 = tpu.memref_slice %arg5[%dma_start3A_190, %dma_start3A_191] : memref<100000x64xbf16, #tpu.memory_space<hbm>> -> memref<100000x64xbf16, #tpu.memory_space<hbm>>
      tpu.enqueue_indirect_dma source(%dma_start3A_192 : memref<100000x64xbf16, #tpu.memory_space<hbm>>) target(%arg17 : memref<128x64xbf16, #tpu.memory_space<vmem>>) offsets(%dma_start3A_189 : memref<128xi32, #tpu.memory_space<vmem>>) semaphore(%arg22 : memref<!tpu.dma_semaphore, #tpu.memory_space<semaphore_mem>>) {add = true}
      %dma_start3A_193 = arith.constant 26 : i32
      %dma_start3A_194 = arith.constant 0 : i32
      %dma_start3A_195 = tpu.memref_slice %arg15[%dma_start3A_193, %dma_start3A_194] : memref<60x128xi32, #tpu.memory_space<vmem>> -> memref<1x128xi32, #tpu.memory_space<vmem>>
      %dma_start3A_196 = tpu.memref_squeeze %dma_start3A_195 : memref<1x128xi32, #tpu.memory_space<vmem>> -> memref<128xi32, #tpu.memory_space<vmem>>
      %dma_start3A_197 = arith.constant 0 : i32
      %dma_start3A_198 = arith.constant 0 : i32
      %dma_start3A_199 = tpu.memref_slice %arg5[%dma_start3A_197, %dma_start3A_198] : memref<100000x64xbf16, #tpu.memory_space<hbm>> -> memref<100000x64xbf16, #tpu.memory_space<hbm>>
      tpu.enqueue_indirect_dma source(%dma_start3A_199 : memref<100000x64xbf16, #tpu.memory_space<hbm>>) target(%arg17 : memref<128x64xbf16, #tpu.memory_space<vmem>>) offsets(%dma_start3A_196 : memref<128xi32, #tpu.memory_space<vmem>>) semaphore(%arg22 : memref<!tpu.dma_semaphore, #tpu.memory_space<semaphore_mem>>) {add = true}
      %dma_start3A_200 = arith.constant 27 : i32
      %dma_start3A_201 = arith.constant 0 : i32
      %dma_start3A_202 = tpu.memref_slice %arg15[%dma_start3A_200, %dma_start3A_201] : memref<60x128xi32, #tpu.memory_space<vmem>> -> memref<1x128xi32, #tpu.memory_space<vmem>>
      %dma_start3A_203 = tpu.memref_squeeze %dma_start3A_202 : memref<1x128xi32, #tpu.memory_space<vmem>> -> memref<128xi32, #tpu.memory_space<vmem>>
      %dma_start3A_204 = arith.constant 0 : i32
      %dma_start3A_205 = arith.constant 0 : i32
      %dma_start3A_206 = tpu.memref_slice %arg5[%dma_start3A_204, %dma_start3A_205] : memref<100000x64xbf16, #tpu.memory_space<hbm>> -> memref<100000x64xbf16, #tpu.memory_space<hbm>>
      tpu.enqueue_indirect_dma source(%dma_start3A_206 : memref<100000x64xbf16, #tpu.memory_space<hbm>>) target(%arg17 : memref<128x64xbf16, #tpu.memory_space<vmem>>) offsets(%dma_start3A_203 : memref<128xi32, #tpu.memory_space<vmem>>) semaphore(%arg22 : memref<!tpu.dma_semaphore, #tpu.memory_space<semaphore_mem>>) {add = true}
      %dma_start3A_207 = arith.constant 28 : i32
      %dma_start3A_208 = arith.constant 0 : i32
      %dma_start3A_209 = tpu.memref_slice %arg15[%dma_start3A_207, %dma_start3A_208] : memref<60x128xi32, #tpu.memory_space<vmem>> -> memref<1x128xi32, #tpu.memory_space<vmem>>
      %dma_start3A_210 = tpu.memref_squeeze %dma_start3A_209 : memref<1x128xi32, #tpu.memory_space<vmem>> -> memref<128xi32, #tpu.memory_space<vmem>>
      %dma_start3A_211 = arith.constant 0 : i32
      %dma_start3A_212 = arith.constant 0 : i32
      %dma_start3A_213 = tpu.memref_slice %arg5[%dma_start3A_211, %dma_start3A_212] : memref<100000x64xbf16, #tpu.memory_space<hbm>> -> memref<100000x64xbf16, #tpu.memory_space<hbm>>
      tpu.enqueue_indirect_dma source(%dma_start3A_213 : memref<100000x64xbf16, #tpu.memory_space<hbm>>) target(%arg17 : memref<128x64xbf16, #tpu.memory_space<vmem>>) offsets(%dma_start3A_210 : memref<128xi32, #tpu.memory_space<vmem>>) semaphore(%arg22 : memref<!tpu.dma_semaphore, #tpu.memory_space<semaphore_mem>>) {add = true}
      %dma_start3A_214 = arith.constant 29 : i32
      %dma_start3A_215 = arith.constant 0 : i32
      %dma_start3A_216 = tpu.memref_slice %arg15[%dma_start3A_214, %dma_start3A_215] : memref<60x128xi32, #tpu.memory_space<vmem>> -> memref<1x128xi32, #tpu.memory_space<vmem>>
      %dma_start3A_217 = tpu.memref_squeeze %dma_start3A_216 : memref<1x128xi32, #tpu.memory_space<vmem>> -> memref<128xi32, #tpu.memory_space<vmem>>
      %dma_start3A_218 = arith.constant 0 : i32
      %dma_start3A_219 = arith.constant 0 : i32
      %dma_start3A_220 = tpu.memref_slice %arg5[%dma_start3A_218, %dma_start3A_219] : memref<100000x64xbf16, #tpu.memory_space<hbm>> -> memref<100000x64xbf16, #tpu.memory_space<hbm>>
      tpu.enqueue_indirect_dma source(%dma_start3A_220 : memref<100000x64xbf16, #tpu.memory_space<hbm>>) target(%arg17 : memref<128x64xbf16, #tpu.memory_space<vmem>>) offsets(%dma_start3A_217 : memref<128xi32, #tpu.memory_space<vmem>>) semaphore(%arg22 : memref<!tpu.dma_semaphore, #tpu.memory_space<semaphore_mem>>) {add = true}
      %dma_start3A_221 = arith.constant 30 : i32
      %dma_start3A_222 = arith.constant 0 : i32
      %dma_start3A_223 = tpu.memref_slice %arg15[%dma_start3A_221, %dma_start3A_222] : memref<60x128xi32, #tpu.memory_space<vmem>> -> memref<1x128xi32, #tpu.memory_space<vmem>>
      %dma_start3A_224 = tpu.memref_squeeze %dma_start3A_223 : memref<1x128xi32, #tpu.memory_space<vmem>> -> memref<128xi32, #tpu.memory_space<vmem>>
      %dma_start3A_225 = arith.constant 0 : i32
      %dma_start3A_226 = arith.constant 0 : i32
      %dma_start3A_227 = tpu.memref_slice %arg5[%dma_start3A_225, %dma_start3A_226] : memref<100000x64xbf16, #tpu.memory_space<hbm>> -> memref<100000x64xbf16, #tpu.memory_space<hbm>>
      tpu.enqueue_indirect_dma source(%dma_start3A_227 : memref<100000x64xbf16, #tpu.memory_space<hbm>>) target(%arg17 : memref<128x64xbf16, #tpu.memory_space<vmem>>) offsets(%dma_start3A_224 : memref<128xi32, #tpu.memory_space<vmem>>) semaphore(%arg22 : memref<!tpu.dma_semaphore, #tpu.memory_space<semaphore_mem>>) {add = true}
      %dma_start3A_228 = arith.constant 31 : i32
      %dma_start3A_229 = arith.constant 0 : i32
      %dma_start3A_230 = tpu.memref_slice %arg15[%dma_start3A_228, %dma_start3A_229] : memref<60x128xi32, #tpu.memory_space<vmem>> -> memref<1x128xi32, #tpu.memory_space<vmem>>
      %dma_start3A_231 = tpu.memref_squeeze %dma_start3A_230 : memref<1x128xi32, #tpu.memory_space<vmem>> -> memref<128xi32, #tpu.memory_space<vmem>>
      %dma_start3A_232 = arith.constant 0 : i32
      %dma_start3A_233 = arith.constant 0 : i32
      %dma_start3A_234 = tpu.memref_slice %arg5[%dma_start3A_232, %dma_start3A_233] : memref<100000x64xbf16, #tpu.memory_space<hbm>> -> memref<100000x64xbf16, #tpu.memory_space<hbm>>
      tpu.enqueue_indirect_dma source(%dma_start3A_234 : memref<100000x64xbf16, #tpu.memory_space<hbm>>) target(%arg17 : memref<128x64xbf16, #tpu.memory_space<vmem>>) offsets(%dma_start3A_231 : memref<128xi32, #tpu.memory_space<vmem>>) semaphore(%arg22 : memref<!tpu.dma_semaphore, #tpu.memory_space<semaphore_mem>>) {add = true}
      %dma_start3A_235 = arith.constant 32 : i32
      %dma_start3A_236 = arith.constant 0 : i32
      %dma_start3A_237 = tpu.memref_slice %arg15[%dma_start3A_235, %dma_start3A_236] : memref<60x128xi32, #tpu.memory_space<vmem>> -> memref<1x128xi32, #tpu.memory_space<vmem>>
      %dma_start3A_238 = tpu.memref_squeeze %dma_start3A_237 : memref<1x128xi32, #tpu.memory_space<vmem>> -> memref<128xi32, #tpu.memory_space<vmem>>
      %dma_start3A_239 = arith.constant 0 : i32
      %dma_start3A_240 = arith.constant 0 : i32
      %dma_start3A_241 = tpu.memref_slice %arg5[%dma_start3A_239, %dma_start3A_240] : memref<100000x64xbf16, #tpu.memory_space<hbm>> -> memref<100000x64xbf16, #tpu.memory_space<hbm>>
      tpu.enqueue_indirect_dma source(%dma_start3A_241 : memref<100000x64xbf16, #tpu.memory_space<hbm>>) target(%arg17 : memref<128x64xbf16, #tpu.memory_space<vmem>>) offsets(%dma_start3A_238 : memref<128xi32, #tpu.memory_space<vmem>>) semaphore(%arg22 : memref<!tpu.dma_semaphore, #tpu.memory_space<semaphore_mem>>) {add = true}
      %dma_start3A_242 = arith.constant 33 : i32
      %dma_start3A_243 = arith.constant 0 : i32
      %dma_start3A_244 = tpu.memref_slice %arg15[%dma_start3A_242, %dma_start3A_243] : memref<60x128xi32, #tpu.memory_space<vmem>> -> memref<1x128xi32, #tpu.memory_space<vmem>>
      %dma_start3A_245 = tpu.memref_squeeze %dma_start3A_244 : memref<1x128xi32, #tpu.memory_space<vmem>> -> memref<128xi32, #tpu.memory_space<vmem>>
      %dma_start3A_246 = arith.constant 0 : i32
      %dma_start3A_247 = arith.constant 0 : i32
      %dma_start3A_248 = tpu.memref_slice %arg5[%dma_start3A_246, %dma_start3A_247] : memref<100000x64xbf16, #tpu.memory_space<hbm>> -> memref<100000x64xbf16, #tpu.memory_space<hbm>>
      tpu.enqueue_indirect_dma source(%dma_start3A_248 : memref<100000x64xbf16, #tpu.memory_space<hbm>>) target(%arg17 : memref<128x64xbf16, #tpu.memory_space<vmem>>) offsets(%dma_start3A_245 : memref<128xi32, #tpu.memory_space<vmem>>) semaphore(%arg22 : memref<!tpu.dma_semaphore, #tpu.memory_space<semaphore_mem>>) {add = true}
      %dma_start3A_249 = arith.constant 34 : i32
      %dma_start3A_250 = arith.constant 0 : i32
      %dma_start3A_251 = tpu.memref_slice %arg15[%dma_start3A_249, %dma_start3A_250] : memref<60x128xi32, #tpu.memory_space<vmem>> -> memref<1x128xi32, #tpu.memory_space<vmem>>
      %dma_start3A_252 = tpu.memref_squeeze %dma_start3A_251 : memref<1x128xi32, #tpu.memory_space<vmem>> -> memref<128xi32, #tpu.memory_space<vmem>>
      %dma_start3A_253 = arith.constant 0 : i32
      %dma_start3A_254 = arith.constant 0 : i32
      %dma_start3A_255 = tpu.memref_slice %arg5[%dma_start3A_253, %dma_start3A_254] : memref<100000x64xbf16, #tpu.memory_space<hbm>> -> memref<100000x64xbf16, #tpu.memory_space<hbm>>
      tpu.enqueue_indirect_dma source(%dma_start3A_255 : memref<100000x64xbf16, #tpu.memory_space<hbm>>) target(%arg17 : memref<128x64xbf16, #tpu.memory_space<vmem>>) offsets(%dma_start3A_252 : memref<128xi32, #tpu.memory_space<vmem>>) semaphore(%arg22 : memref<!tpu.dma_semaphore, #tpu.memory_space<semaphore_mem>>) {add = true}
      %dma_start3A_256 = arith.constant 35 : i32
      %dma_start3A_257 = arith.constant 0 : i32
      %dma_start3A_258 = tpu.memref_slice %arg15[%dma_start3A_256, %dma_start3A_257] : memref<60x128xi32, #tpu.memory_space<vmem>> -> memref<1x128xi32, #tpu.memory_space<vmem>>
      %dma_start3A_259 = tpu.memref_squeeze %dma_start3A_258 : memref<1x128xi32, #tpu.memory_space<vmem>> -> memref<128xi32, #tpu.memory_space<vmem>>
      %dma_start3A_260 = arith.constant 0 : i32
      %dma_start3A_261 = arith.constant 0 : i32
      %dma_start3A_262 = tpu.memref_slice %arg5[%dma_start3A_260, %dma_start3A_261] : memref<100000x64xbf16, #tpu.memory_space<hbm>> -> memref<100000x64xbf16, #tpu.memory_space<hbm>>
      tpu.enqueue_indirect_dma source(%dma_start3A_262 : memref<100000x64xbf16, #tpu.memory_space<hbm>>) target(%arg17 : memref<128x64xbf16, #tpu.memory_space<vmem>>) offsets(%dma_start3A_259 : memref<128xi32, #tpu.memory_space<vmem>>) semaphore(%arg22 : memref<!tpu.dma_semaphore, #tpu.memory_space<semaphore_mem>>) {add = true}
      %dma_start3A_263 = arith.constant 36 : i32
      %dma_start3A_264 = arith.constant 0 : i32
      %dma_start3A_265 = tpu.memref_slice %arg15[%dma_start3A_263, %dma_start3A_264] : memref<60x128xi32, #tpu.memory_space<vmem>> -> memref<1x128xi32, #tpu.memory_space<vmem>>
      %dma_start3A_266 = tpu.memref_squeeze %dma_start3A_265 : memref<1x128xi32, #tpu.memory_space<vmem>> -> memref<128xi32, #tpu.memory_space<vmem>>
      %dma_start3A_267 = arith.constant 0 : i32
      %dma_start3A_268 = arith.constant 0 : i32
      %dma_start3A_269 = tpu.memref_slice %arg5[%dma_start3A_267, %dma_start3A_268] : memref<100000x64xbf16, #tpu.memory_space<hbm>> -> memref<100000x64xbf16, #tpu.memory_space<hbm>>
      tpu.enqueue_indirect_dma source(%dma_start3A_269 : memref<100000x64xbf16, #tpu.memory_space<hbm>>) target(%arg17 : memref<128x64xbf16, #tpu.memory_space<vmem>>) offsets(%dma_start3A_266 : memref<128xi32, #tpu.memory_space<vmem>>) semaphore(%arg22 : memref<!tpu.dma_semaphore, #tpu.memory_space<semaphore_mem>>) {add = true}
      %dma_start3A_270 = arith.constant 37 : i32
      %dma_start3A_271 = arith.constant 0 : i32
      %dma_start3A_272 = tpu.memref_slice %arg15[%dma_start3A_270, %dma_start3A_271] : memref<60x128xi32, #tpu.memory_space<vmem>> -> memref<1x128xi32, #tpu.memory_space<vmem>>
      %dma_start3A_273 = tpu.memref_squeeze %dma_start3A_272 : memref<1x128xi32, #tpu.memory_space<vmem>> -> memref<128xi32, #tpu.memory_space<vmem>>
      %dma_start3A_274 = arith.constant 0 : i32
      %dma_start3A_275 = arith.constant 0 : i32
      %dma_start3A_276 = tpu.memref_slice %arg5[%dma_start3A_274, %dma_start3A_275] : memref<100000x64xbf16, #tpu.memory_space<hbm>> -> memref<100000x64xbf16, #tpu.memory_space<hbm>>
      tpu.enqueue_indirect_dma source(%dma_start3A_276 : memref<100000x64xbf16, #tpu.memory_space<hbm>>) target(%arg17 : memref<128x64xbf16, #tpu.memory_space<vmem>>) offsets(%dma_start3A_273 : memref<128xi32, #tpu.memory_space<vmem>>) semaphore(%arg22 : memref<!tpu.dma_semaphore, #tpu.memory_space<semaphore_mem>>) {add = true}
      %dma_start3A_277 = arith.constant 38 : i32
      %dma_start3A_278 = arith.constant 0 : i32
      %dma_start3A_279 = tpu.memref_slice %arg15[%dma_start3A_277, %dma_start3A_278] : memref<60x128xi32, #tpu.memory_space<vmem>> -> memref<1x128xi32, #tpu.memory_space<vmem>>
      %dma_start3A_280 = tpu.memref_squeeze %dma_start3A_279 : memref<1x128xi32, #tpu.memory_space<vmem>> -> memref<128xi32, #tpu.memory_space<vmem>>
      %dma_start3A_281 = arith.constant 0 : i32
      %dma_start3A_282 = arith.constant 0 : i32
      %dma_start3A_283 = tpu.memref_slice %arg5[%dma_start3A_281, %dma_start3A_282] : memref<100000x64xbf16, #tpu.memory_space<hbm>> -> memref<100000x64xbf16, #tpu.memory_space<hbm>>
      tpu.enqueue_indirect_dma source(%dma_start3A_283 : memref<100000x64xbf16, #tpu.memory_space<hbm>>) target(%arg17 : memref<128x64xbf16, #tpu.memory_space<vmem>>) offsets(%dma_start3A_280 : memref<128xi32, #tpu.memory_space<vmem>>) semaphore(%arg22 : memref<!tpu.dma_semaphore, #tpu.memory_space<semaphore_mem>>) {add = true}
      %dma_start3A_284 = arith.constant 39 : i32
      %dma_start3A_285 = arith.constant 0 : i32
      %dma_start3A_286 = tpu.memref_slice %arg15[%dma_start3A_284, %dma_start3A_285] : memref<60x128xi32, #tpu.memory_space<vmem>> -> memref<1x128xi32, #tpu.memory_space<vmem>>
      %dma_start3A_287 = tpu.memref_squeeze %dma_start3A_286 : memref<1x128xi32, #tpu.memory_space<vmem>> -> memref<128xi32, #tpu.memory_space<vmem>>
      %dma_start3A_288 = arith.constant 0 : i32
      %dma_start3A_289 = arith.constant 0 : i32
      %dma_start3A_290 = tpu.memref_slice %arg5[%dma_start3A_288, %dma_start3A_289] : memref<100000x64xbf16, #tpu.memory_space<hbm>> -> memref<100000x64xbf16, #tpu.memory_space<hbm>>
      tpu.enqueue_indirect_dma source(%dma_start3A_290 : memref<100000x64xbf16, #tpu.memory_space<hbm>>) target(%arg17 : memref<128x64xbf16, #tpu.memory_space<vmem>>) offsets(%dma_start3A_287 : memref<128xi32, #tpu.memory_space<vmem>>) semaphore(%arg22 : memref<!tpu.dma_semaphore, #tpu.memory_space<semaphore_mem>>) {add = true}
      %dma_start3A_291 = arith.constant 40 : i32
      %dma_start3A_292 = arith.constant 0 : i32
      %dma_start3A_293 = tpu.memref_slice %arg15[%dma_start3A_291, %dma_start3A_292] : memref<60x128xi32, #tpu.memory_space<vmem>> -> memref<1x128xi32, #tpu.memory_space<vmem>>
      %dma_start3A_294 = tpu.memref_squeeze %dma_start3A_293 : memref<1x128xi32, #tpu.memory_space<vmem>> -> memref<128xi32, #tpu.memory_space<vmem>>
      %dma_start3A_295 = arith.constant 0 : i32
      %dma_start3A_296 = arith.constant 0 : i32
      %dma_start3A_297 = tpu.memref_slice %arg5[%dma_start3A_295, %dma_start3A_296] : memref<100000x64xbf16, #tpu.memory_space<hbm>> -> memref<100000x64xbf16, #tpu.memory_space<hbm>>
      tpu.enqueue_indirect_dma source(%dma_start3A_297 : memref<100000x64xbf16, #tpu.memory_space<hbm>>) target(%arg18 : memref<128x64xbf16, #tpu.memory_space<vmem>>) offsets(%dma_start3A_294 : memref<128xi32, #tpu.memory_space<vmem>>) semaphore(%arg22 : memref<!tpu.dma_semaphore, #tpu.memory_space<semaphore_mem>>) {add = true}
      %dma_start3A_298 = arith.constant 41 : i32
      %dma_start3A_299 = arith.constant 0 : i32
      %dma_start3A_300 = tpu.memref_slice %arg15[%dma_start3A_298, %dma_start3A_299] : memref<60x128xi32, #tpu.memory_space<vmem>> -> memref<1x128xi32, #tpu.memory_space<vmem>>
      %dma_start3A_301 = tpu.memref_squeeze %dma_start3A_300 : memref<1x128xi32, #tpu.memory_space<vmem>> -> memref<128xi32, #tpu.memory_space<vmem>>
      %dma_start3A_302 = arith.constant 0 : i32
      %dma_start3A_303 = arith.constant 0 : i32
      %dma_start3A_304 = tpu.memref_slice %arg5[%dma_start3A_302, %dma_start3A_303] : memref<100000x64xbf16, #tpu.memory_space<hbm>> -> memref<100000x64xbf16, #tpu.memory_space<hbm>>
      tpu.enqueue_indirect_dma source(%dma_start3A_304 : memref<100000x64xbf16, #tpu.memory_space<hbm>>) target(%arg18 : memref<128x64xbf16, #tpu.memory_space<vmem>>) offsets(%dma_start3A_301 : memref<128xi32, #tpu.memory_space<vmem>>) semaphore(%arg22 : memref<!tpu.dma_semaphore, #tpu.memory_space<semaphore_mem>>) {add = true}
      %dma_start3A_305 = arith.constant 42 : i32
      %dma_start3A_306 = arith.constant 0 : i32
      %dma_start3A_307 = tpu.memref_slice %arg15[%dma_start3A_305, %dma_start3A_306] : memref<60x128xi32, #tpu.memory_space<vmem>> -> memref<1x128xi32, #tpu.memory_space<vmem>>
      %dma_start3A_308 = tpu.memref_squeeze %dma_start3A_307 : memref<1x128xi32, #tpu.memory_space<vmem>> -> memref<128xi32, #tpu.memory_space<vmem>>
      %dma_start3A_309 = arith.constant 0 : i32
      %dma_start3A_310 = arith.constant 0 : i32
      %dma_start3A_311 = tpu.memref_slice %arg5[%dma_start3A_309, %dma_start3A_310] : memref<100000x64xbf16, #tpu.memory_space<hbm>> -> memref<100000x64xbf16, #tpu.memory_space<hbm>>
      tpu.enqueue_indirect_dma source(%dma_start3A_311 : memref<100000x64xbf16, #tpu.memory_space<hbm>>) target(%arg18 : memref<128x64xbf16, #tpu.memory_space<vmem>>) offsets(%dma_start3A_308 : memref<128xi32, #tpu.memory_space<vmem>>) semaphore(%arg22 : memref<!tpu.dma_semaphore, #tpu.memory_space<semaphore_mem>>) {add = true}
      %dma_start3A_312 = arith.constant 43 : i32
      %dma_start3A_313 = arith.constant 0 : i32
      %dma_start3A_314 = tpu.memref_slice %arg15[%dma_start3A_312, %dma_start3A_313] : memref<60x128xi32, #tpu.memory_space<vmem>> -> memref<1x128xi32, #tpu.memory_space<vmem>>
      %dma_start3A_315 = tpu.memref_squeeze %dma_start3A_314 : memref<1x128xi32, #tpu.memory_space<vmem>> -> memref<128xi32, #tpu.memory_space<vmem>>
      %dma_start3A_316 = arith.constant 0 : i32
      %dma_start3A_317 = arith.constant 0 : i32
      %dma_start3A_318 = tpu.memref_slice %arg5[%dma_start3A_316, %dma_start3A_317] : memref<100000x64xbf16, #tpu.memory_space<hbm>> -> memref<100000x64xbf16, #tpu.memory_space<hbm>>
      tpu.enqueue_indirect_dma source(%dma_start3A_318 : memref<100000x64xbf16, #tpu.memory_space<hbm>>) target(%arg18 : memref<128x64xbf16, #tpu.memory_space<vmem>>) offsets(%dma_start3A_315 : memref<128xi32, #tpu.memory_space<vmem>>) semaphore(%arg22 : memref<!tpu.dma_semaphore, #tpu.memory_space<semaphore_mem>>) {add = true}
      %dma_start3A_319 = arith.constant 44 : i32
      %dma_start3A_320 = arith.constant 0 : i32
      %dma_start3A_321 = tpu.memref_slice %arg15[%dma_start3A_319, %dma_start3A_320] : memref<60x128xi32, #tpu.memory_space<vmem>> -> memref<1x128xi32, #tpu.memory_space<vmem>>
      %dma_start3A_322 = tpu.memref_squeeze %dma_start3A_321 : memref<1x128xi32, #tpu.memory_space<vmem>> -> memref<128xi32, #tpu.memory_space<vmem>>
      %dma_start3A_323 = arith.constant 0 : i32
      %dma_start3A_324 = arith.constant 0 : i32
      %dma_start3A_325 = tpu.memref_slice %arg5[%dma_start3A_323, %dma_start3A_324] : memref<100000x64xbf16, #tpu.memory_space<hbm>> -> memref<100000x64xbf16, #tpu.memory_space<hbm>>
      tpu.enqueue_indirect_dma source(%dma_start3A_325 : memref<100000x64xbf16, #tpu.memory_space<hbm>>) target(%arg18 : memref<128x64xbf16, #tpu.memory_space<vmem>>) offsets(%dma_start3A_322 : memref<128xi32, #tpu.memory_space<vmem>>) semaphore(%arg22 : memref<!tpu.dma_semaphore, #tpu.memory_space<semaphore_mem>>) {add = true}
      %dma_start3A_326 = arith.constant 45 : i32
      %dma_start3A_327 = arith.constant 0 : i32
      %dma_start3A_328 = tpu.memref_slice %arg15[%dma_start3A_326, %dma_start3A_327] : memref<60x128xi32, #tpu.memory_space<vmem>> -> memref<1x128xi32, #tpu.memory_space<vmem>>
      %dma_start3A_329 = tpu.memref_squeeze %dma_start3A_328 : memref<1x128xi32, #tpu.memory_space<vmem>> -> memref<128xi32, #tpu.memory_space<vmem>>
      %dma_start3A_330 = arith.constant 0 : i32
      %dma_start3A_331 = arith.constant 0 : i32
      %dma_start3A_332 = tpu.memref_slice %arg5[%dma_start3A_330, %dma_start3A_331] : memref<100000x64xbf16, #tpu.memory_space<hbm>> -> memref<100000x64xbf16, #tpu.memory_space<hbm>>
      tpu.enqueue_indirect_dma source(%dma_start3A_332 : memref<100000x64xbf16, #tpu.memory_space<hbm>>) target(%arg18 : memref<128x64xbf16, #tpu.memory_space<vmem>>) offsets(%dma_start3A_329 : memref<128xi32, #tpu.memory_space<vmem>>) semaphore(%arg22 : memref<!tpu.dma_semaphore, #tpu.memory_space<semaphore_mem>>) {add = true}
      %dma_start3A_333 = arith.constant 46 : i32
      %dma_start3A_334 = arith.constant 0 : i32
      %dma_start3A_335 = tpu.memref_slice %arg15[%dma_start3A_333, %dma_start3A_334] : memref<60x128xi32, #tpu.memory_space<vmem>> -> memref<1x128xi32, #tpu.memory_space<vmem>>
      %dma_start3A_336 = tpu.memref_squeeze %dma_start3A_335 : memref<1x128xi32, #tpu.memory_space<vmem>> -> memref<128xi32, #tpu.memory_space<vmem>>
      %dma_start3A_337 = arith.constant 0 : i32
      %dma_start3A_338 = arith.constant 0 : i32
      %dma_start3A_339 = tpu.memref_slice %arg5[%dma_start3A_337, %dma_start3A_338] : memref<100000x64xbf16, #tpu.memory_space<hbm>> -> memref<100000x64xbf16, #tpu.memory_space<hbm>>
      tpu.enqueue_indirect_dma source(%dma_start3A_339 : memref<100000x64xbf16, #tpu.memory_space<hbm>>) target(%arg18 : memref<128x64xbf16, #tpu.memory_space<vmem>>) offsets(%dma_start3A_336 : memref<128xi32, #tpu.memory_space<vmem>>) semaphore(%arg22 : memref<!tpu.dma_semaphore, #tpu.memory_space<semaphore_mem>>) {add = true}
      %dma_start3A_340 = arith.constant 47 : i32
      %dma_start3A_341 = arith.constant 0 : i32
      %dma_start3A_342 = tpu.memref_slice %arg15[%dma_start3A_340, %dma_start3A_341] : memref<60x128xi32, #tpu.memory_space<vmem>> -> memref<1x128xi32, #tpu.memory_space<vmem>>
      %dma_start3A_343 = tpu.memref_squeeze %dma_start3A_342 : memref<1x128xi32, #tpu.memory_space<vmem>> -> memref<128xi32, #tpu.memory_space<vmem>>
      %dma_start3A_344 = arith.constant 0 : i32
      %dma_start3A_345 = arith.constant 0 : i32
      %dma_start3A_346 = tpu.memref_slice %arg5[%dma_start3A_344, %dma_start3A_345] : memref<100000x64xbf16, #tpu.memory_space<hbm>> -> memref<100000x64xbf16, #tpu.memory_space<hbm>>
      tpu.enqueue_indirect_dma source(%dma_start3A_346 : memref<100000x64xbf16, #tpu.memory_space<hbm>>) target(%arg18 : memref<128x64xbf16, #tpu.memory_space<vmem>>) offsets(%dma_start3A_343 : memref<128xi32, #tpu.memory_space<vmem>>) semaphore(%arg22 : memref<!tpu.dma_semaphore, #tpu.memory_space<semaphore_mem>>) {add = true}
      %dma_start3A_347 = arith.constant 48 : i32
      %dma_start3A_348 = arith.constant 0 : i32
      %dma_start3A_349 = tpu.memref_slice %arg15[%dma_start3A_347, %dma_start3A_348] : memref<60x128xi32, #tpu.memory_space<vmem>> -> memref<1x128xi32, #tpu.memory_space<vmem>>
      %dma_start3A_350 = tpu.memref_squeeze %dma_start3A_349 : memref<1x128xi32, #tpu.memory_space<vmem>> -> memref<128xi32, #tpu.memory_space<vmem>>
      %dma_start3A_351 = arith.constant 0 : i32
      %dma_start3A_352 = arith.constant 0 : i32
      %dma_start3A_353 = tpu.memref_slice %arg5[%dma_start3A_351, %dma_start3A_352] : memref<100000x64xbf16, #tpu.memory_space<hbm>> -> memref<100000x64xbf16, #tpu.memory_space<hbm>>
      tpu.enqueue_indirect_dma source(%dma_start3A_353 : memref<100000x64xbf16, #tpu.memory_space<hbm>>) target(%arg18 : memref<128x64xbf16, #tpu.memory_space<vmem>>) offsets(%dma_start3A_350 : memref<128xi32, #tpu.memory_space<vmem>>) semaphore(%arg22 : memref<!tpu.dma_semaphore, #tpu.memory_space<semaphore_mem>>) {add = true}
      %dma_start3A_354 = arith.constant 49 : i32
      %dma_start3A_355 = arith.constant 0 : i32
      %dma_start3A_356 = tpu.memref_slice %arg15[%dma_start3A_354, %dma_start3A_355] : memref<60x128xi32, #tpu.memory_space<vmem>> -> memref<1x128xi32, #tpu.memory_space<vmem>>
      %dma_start3A_357 = tpu.memref_squeeze %dma_start3A_356 : memref<1x128xi32, #tpu.memory_space<vmem>> -> memref<128xi32, #tpu.memory_space<vmem>>
      %dma_start3A_358 = arith.constant 0 : i32
      %dma_start3A_359 = arith.constant 0 : i32
      %dma_start3A_360 = tpu.memref_slice %arg5[%dma_start3A_358, %dma_start3A_359] : memref<100000x64xbf16, #tpu.memory_space<hbm>> -> memref<100000x64xbf16, #tpu.memory_space<hbm>>
      tpu.enqueue_indirect_dma source(%dma_start3A_360 : memref<100000x64xbf16, #tpu.memory_space<hbm>>) target(%arg18 : memref<128x64xbf16, #tpu.memory_space<vmem>>) offsets(%dma_start3A_357 : memref<128xi32, #tpu.memory_space<vmem>>) semaphore(%arg22 : memref<!tpu.dma_semaphore, #tpu.memory_space<semaphore_mem>>) {add = true}
      %dma_start3A_361 = arith.constant 50 : i32
      %dma_start3A_362 = arith.constant 0 : i32
      %dma_start3A_363 = tpu.memref_slice %arg15[%dma_start3A_361, %dma_start3A_362] : memref<60x128xi32, #tpu.memory_space<vmem>> -> memref<1x128xi32, #tpu.memory_space<vmem>>
      %dma_start3A_364 = tpu.memref_squeeze %dma_start3A_363 : memref<1x128xi32, #tpu.memory_space<vmem>> -> memref<128xi32, #tpu.memory_space<vmem>>
      %dma_start3A_365 = arith.constant 0 : i32
      %dma_start3A_366 = arith.constant 0 : i32
      %dma_start3A_367 = tpu.memref_slice %arg5[%dma_start3A_365, %dma_start3A_366] : memref<100000x64xbf16, #tpu.memory_space<hbm>> -> memref<100000x64xbf16, #tpu.memory_space<hbm>>
      tpu.enqueue_indirect_dma source(%dma_start3A_367 : memref<100000x64xbf16, #tpu.memory_space<hbm>>) target(%arg18 : memref<128x64xbf16, #tpu.memory_space<vmem>>) offsets(%dma_start3A_364 : memref<128xi32, #tpu.memory_space<vmem>>) semaphore(%arg22 : memref<!tpu.dma_semaphore, #tpu.memory_space<semaphore_mem>>) {add = true}
      %dma_start3A_368 = arith.constant 51 : i32
      %dma_start3A_369 = arith.constant 0 : i32
      %dma_start3A_370 = tpu.memref_slice %arg15[%dma_start3A_368, %dma_start3A_369] : memref<60x128xi32, #tpu.memory_space<vmem>> -> memref<1x128xi32, #tpu.memory_space<vmem>>
      %dma_start3A_371 = tpu.memref_squeeze %dma_start3A_370 : memref<1x128xi32, #tpu.memory_space<vmem>> -> memref<128xi32, #tpu.memory_space<vmem>>
      %dma_start3A_372 = arith.constant 0 : i32
      %dma_start3A_373 = arith.constant 0 : i32
      %dma_start3A_374 = tpu.memref_slice %arg5[%dma_start3A_372, %dma_start3A_373] : memref<100000x64xbf16, #tpu.memory_space<hbm>> -> memref<100000x64xbf16, #tpu.memory_space<hbm>>
      tpu.enqueue_indirect_dma source(%dma_start3A_374 : memref<100000x64xbf16, #tpu.memory_space<hbm>>) target(%arg18 : memref<128x64xbf16, #tpu.memory_space<vmem>>) offsets(%dma_start3A_371 : memref<128xi32, #tpu.memory_space<vmem>>) semaphore(%arg22 : memref<!tpu.dma_semaphore, #tpu.memory_space<semaphore_mem>>) {add = true}
      %dma_start3A_375 = arith.constant 52 : i32
      %dma_start3A_376 = arith.constant 0 : i32
      %dma_start3A_377 = tpu.memref_slice %arg15[%dma_start3A_375, %dma_start3A_376] : memref<60x128xi32, #tpu.memory_space<vmem>> -> memref<1x128xi32, #tpu.memory_space<vmem>>
      %dma_start3A_378 = tpu.memref_squeeze %dma_start3A_377 : memref<1x128xi32, #tpu.memory_space<vmem>> -> memref<128xi32, #tpu.memory_space<vmem>>
      %dma_start3A_379 = arith.constant 0 : i32
      %dma_start3A_380 = arith.constant 0 : i32
      %dma_start3A_381 = tpu.memref_slice %arg5[%dma_start3A_379, %dma_start3A_380] : memref<100000x64xbf16, #tpu.memory_space<hbm>> -> memref<100000x64xbf16, #tpu.memory_space<hbm>>
      tpu.enqueue_indirect_dma source(%dma_start3A_381 : memref<100000x64xbf16, #tpu.memory_space<hbm>>) target(%arg18 : memref<128x64xbf16, #tpu.memory_space<vmem>>) offsets(%dma_start3A_378 : memref<128xi32, #tpu.memory_space<vmem>>) semaphore(%arg22 : memref<!tpu.dma_semaphore, #tpu.memory_space<semaphore_mem>>) {add = true}
      %dma_start3A_382 = arith.constant 53 : i32
      %dma_start3A_383 = arith.constant 0 : i32
      %dma_start3A_384 = tpu.memref_slice %arg15[%dma_start3A_382, %dma_start3A_383] : memref<60x128xi32, #tpu.memory_space<vmem>> -> memref<1x128xi32, #tpu.memory_space<vmem>>
      %dma_start3A_385 = tpu.memref_squeeze %dma_start3A_384 : memref<1x128xi32, #tpu.memory_space<vmem>> -> memref<128xi32, #tpu.memory_space<vmem>>
      %dma_start3A_386 = arith.constant 0 : i32
      %dma_start3A_387 = arith.constant 0 : i32
      %dma_start3A_388 = tpu.memref_slice %arg5[%dma_start3A_386, %dma_start3A_387] : memref<100000x64xbf16, #tpu.memory_space<hbm>> -> memref<100000x64xbf16, #tpu.memory_space<hbm>>
      tpu.enqueue_indirect_dma source(%dma_start3A_388 : memref<100000x64xbf16, #tpu.memory_space<hbm>>) target(%arg18 : memref<128x64xbf16, #tpu.memory_space<vmem>>) offsets(%dma_start3A_385 : memref<128xi32, #tpu.memory_space<vmem>>) semaphore(%arg22 : memref<!tpu.dma_semaphore, #tpu.memory_space<semaphore_mem>>) {add = true}
      %dma_start3A_389 = arith.constant 54 : i32
      %dma_start3A_390 = arith.constant 0 : i32
      %dma_start3A_391 = tpu.memref_slice %arg15[%dma_start3A_389, %dma_start3A_390] : memref<60x128xi32, #tpu.memory_space<vmem>> -> memref<1x128xi32, #tpu.memory_space<vmem>>
      %dma_start3A_392 = tpu.memref_squeeze %dma_start3A_391 : memref<1x128xi32, #tpu.memory_space<vmem>> -> memref<128xi32, #tpu.memory_space<vmem>>
      %dma_start3A_393 = arith.constant 0 : i32
      %dma_start3A_394 = arith.constant 0 : i32
      %dma_start3A_395 = tpu.memref_slice %arg5[%dma_start3A_393, %dma_start3A_394] : memref<100000x64xbf16, #tpu.memory_space<hbm>> -> memref<100000x64xbf16, #tpu.memory_space<hbm>>
      tpu.enqueue_indirect_dma source(%dma_start3A_395 : memref<100000x64xbf16, #tpu.memory_space<hbm>>) target(%arg18 : memref<128x64xbf16, #tpu.memory_space<vmem>>) offsets(%dma_start3A_392 : memref<128xi32, #tpu.memory_space<vmem>>) semaphore(%arg22 : memref<!tpu.dma_semaphore, #tpu.memory_space<semaphore_mem>>) {add = true}
      %dma_start3A_396 = arith.constant 55 : i32
      %dma_start3A_397 = arith.constant 0 : i32
      %dma_start3A_398 = tpu.memref_slice %arg15[%dma_start3A_396, %dma_start3A_397] : memref<60x128xi32, #tpu.memory_space<vmem>> -> memref<1x128xi32, #tpu.memory_space<vmem>>
      %dma_start3A_399 = tpu.memref_squeeze %dma_start3A_398 : memref<1x128xi32, #tpu.memory_space<vmem>> -> memref<128xi32, #tpu.memory_space<vmem>>
      %dma_start3A_400 = arith.constant 0 : i32
      %dma_start3A_401 = arith.constant 0 : i32
      %dma_start3A_402 = tpu.memref_slice %arg5[%dma_start3A_400, %dma_start3A_401] : memref<100000x64xbf16, #tpu.memory_space<hbm>> -> memref<100000x64xbf16, #tpu.memory_space<hbm>>
      tpu.enqueue_indirect_dma source(%dma_start3A_402 : memref<100000x64xbf16, #tpu.memory_space<hbm>>) target(%arg18 : memref<128x64xbf16, #tpu.memory_space<vmem>>) offsets(%dma_start3A_399 : memref<128xi32, #tpu.memory_space<vmem>>) semaphore(%arg22 : memref<!tpu.dma_semaphore, #tpu.memory_space<semaphore_mem>>) {add = true}
      %dma_start3A_403 = arith.constant 56 : i32
      %dma_start3A_404 = arith.constant 0 : i32
      %dma_start3A_405 = tpu.memref_slice %arg15[%dma_start3A_403, %dma_start3A_404] : memref<60x128xi32, #tpu.memory_space<vmem>> -> memref<1x128xi32, #tpu.memory_space<vmem>>
      %dma_start3A_406 = tpu.memref_squeeze %dma_start3A_405 : memref<1x128xi32, #tpu.memory_space<vmem>> -> memref<128xi32, #tpu.memory_space<vmem>>
      %dma_start3A_407 = arith.constant 0 : i32
      %dma_start3A_408 = arith.constant 0 : i32
      %dma_start3A_409 = tpu.memref_slice %arg5[%dma_start3A_407, %dma_start3A_408] : memref<100000x64xbf16, #tpu.memory_space<hbm>> -> memref<100000x64xbf16, #tpu.memory_space<hbm>>
      tpu.enqueue_indirect_dma source(%dma_start3A_409 : memref<100000x64xbf16, #tpu.memory_space<hbm>>) target(%arg18 : memref<128x64xbf16, #tpu.memory_space<vmem>>) offsets(%dma_start3A_406 : memref<128xi32, #tpu.memory_space<vmem>>) semaphore(%arg22 : memref<!tpu.dma_semaphore, #tpu.memory_space<semaphore_mem>>) {add = true}
      %dma_start3A_410 = arith.constant 57 : i32
      %dma_start3A_411 = arith.constant 0 : i32
      %dma_start3A_412 = tpu.memref_slice %arg15[%dma_start3A_410, %dma_start3A_411] : memref<60x128xi32, #tpu.memory_space<vmem>> -> memref<1x128xi32, #tpu.memory_space<vmem>>
      %dma_start3A_413 = tpu.memref_squeeze %dma_start3A_412 : memref<1x128xi32, #tpu.memory_space<vmem>> -> memref<128xi32, #tpu.memory_space<vmem>>
      %dma_start3A_414 = arith.constant 0 : i32
      %dma_start3A_415 = arith.constant 0 : i32
      %dma_start3A_416 = tpu.memref_slice %arg5[%dma_start3A_414, %dma_start3A_415] : memref<100000x64xbf16, #tpu.memory_space<hbm>> -> memref<100000x64xbf16, #tpu.memory_space<hbm>>
      tpu.enqueue_indirect_dma source(%dma_start3A_416 : memref<100000x64xbf16, #tpu.memory_space<hbm>>) target(%arg18 : memref<128x64xbf16, #tpu.memory_space<vmem>>) offsets(%dma_start3A_413 : memref<128xi32, #tpu.memory_space<vmem>>) semaphore(%arg22 : memref<!tpu.dma_semaphore, #tpu.memory_space<semaphore_mem>>) {add = true}
      %dma_start3A_417 = arith.constant 58 : i32
      %dma_start3A_418 = arith.constant 0 : i32
      %dma_start3A_419 = tpu.memref_slice %arg15[%dma_start3A_417, %dma_start3A_418] : memref<60x128xi32, #tpu.memory_space<vmem>> -> memref<1x128xi32, #tpu.memory_space<vmem>>
      %dma_start3A_420 = tpu.memref_squeeze %dma_start3A_419 : memref<1x128xi32, #tpu.memory_space<vmem>> -> memref<128xi32, #tpu.memory_space<vmem>>
      %dma_start3A_421 = arith.constant 0 : i32
      %dma_start3A_422 = arith.constant 0 : i32
      %dma_start3A_423 = tpu.memref_slice %arg5[%dma_start3A_421, %dma_start3A_422] : memref<100000x64xbf16, #tpu.memory_space<hbm>> -> memref<100000x64xbf16, #tpu.memory_space<hbm>>
      tpu.enqueue_indirect_dma source(%dma_start3A_423 : memref<100000x64xbf16, #tpu.memory_space<hbm>>) target(%arg18 : memref<128x64xbf16, #tpu.memory_space<vmem>>) offsets(%dma_start3A_420 : memref<128xi32, #tpu.memory_space<vmem>>) semaphore(%arg22 : memref<!tpu.dma_semaphore, #tpu.memory_space<semaphore_mem>>) {add = true}
      %dma_start3A_424 = arith.constant 59 : i32
      %dma_start3A_425 = arith.constant 0 : i32
      %dma_start3A_426 = tpu.memref_slice %arg15[%dma_start3A_424, %dma_start3A_425] : memref<60x128xi32, #tpu.memory_space<vmem>> -> memref<1x128xi32, #tpu.memory_space<vmem>>
      %dma_start3A_427 = tpu.memref_squeeze %dma_start3A_426 : memref<1x128xi32, #tpu.memory_space<vmem>> -> memref<128xi32, #tpu.memory_space<vmem>>
      %dma_start3A_428 = arith.constant 0 : i32
      %dma_start3A_429 = arith.constant 0 : i32
      %dma_start3A_430 = tpu.memref_slice %arg5[%dma_start3A_428, %dma_start3A_429] : memref<100000x64xbf16, #tpu.memory_space<hbm>> -> memref<100000x64xbf16, #tpu.memory_space<hbm>>
      tpu.enqueue_indirect_dma source(%dma_start3A_430 : memref<100000x64xbf16, #tpu.memory_space<hbm>>) target(%arg18 : memref<128x64xbf16, #tpu.memory_space<vmem>>) offsets(%dma_start3A_427 : memref<128xi32, #tpu.memory_space<vmem>>) semaphore(%arg22 : memref<!tpu.dma_semaphore, #tpu.memory_space<semaphore_mem>>) {add = true}
      %dma_start3A_431 = arith.constant 0 : i32
      %dma_start3A_432 = arith.constant 0 : i32
      %dma_start3A_433 = tpu.memref_slice %arg14[%dma_start3A_431, %dma_start3A_432] : memref<3x128xi32, #tpu.memory_space<vmem>> -> memref<1x128xi32, #tpu.memory_space<vmem>>
      %dma_start3A_434 = tpu.memref_squeeze %dma_start3A_433 : memref<1x128xi32, #tpu.memory_space<vmem>> -> memref<128xi32, #tpu.memory_space<vmem>>
      %dma_start3A_435 = arith.constant 0 : i32
      %dma_start3A_436 = arith.constant 0 : i32
      %dma_start3A_437 = tpu.memref_slice %arg6[%dma_start3A_435, %dma_start3A_436] : memref<62500x16xf32, #tpu.memory_space<hbm>> -> memref<62500x16xf32, #tpu.memory_space<hbm>>
      tpu.enqueue_indirect_dma source(%dma_start3A_437 : memref<62500x16xf32, #tpu.memory_space<hbm>>) target(%arg19 : memref<128x16xf32, #tpu.memory_space<vmem>>) offsets(%dma_start3A_434 : memref<128xi32, #tpu.memory_space<vmem>>) semaphore(%arg22 : memref<!tpu.dma_semaphore, #tpu.memory_space<semaphore_mem>>)
      %dma_start3A_438 = arith.constant 1 : i32
      %dma_start3A_439 = arith.constant 0 : i32
      %dma_start3A_440 = tpu.memref_slice %arg14[%dma_start3A_438, %dma_start3A_439] : memref<3x128xi32, #tpu.memory_space<vmem>> -> memref<1x128xi32, #tpu.memory_space<vmem>>
      %dma_start3A_441 = tpu.memref_squeeze %dma_start3A_440 : memref<1x128xi32, #tpu.memory_space<vmem>> -> memref<128xi32, #tpu.memory_space<vmem>>
      %dma_start3A_442 = arith.constant 0 : i32
      %dma_start3A_443 = arith.constant 0 : i32
      %dma_start3A_444 = tpu.memref_slice %arg6[%dma_start3A_442, %dma_start3A_443] : memref<62500x16xf32, #tpu.memory_space<hbm>> -> memref<62500x16xf32, #tpu.memory_space<hbm>>
      tpu.enqueue_indirect_dma source(%dma_start3A_444 : memref<62500x16xf32, #tpu.memory_space<hbm>>) target(%arg20 : memref<128x16xf32, #tpu.memory_space<vmem>>) offsets(%dma_start3A_441 : memref<128xi32, #tpu.memory_space<vmem>>) semaphore(%arg22 : memref<!tpu.dma_semaphore, #tpu.memory_space<semaphore_mem>>)
      %dma_start3A_445 = arith.constant 2 : i32
      %dma_start3A_446 = arith.constant 0 : i32
      %dma_start3A_447 = tpu.memref_slice %arg14[%dma_start3A_445, %dma_start3A_446] : memref<3x128xi32, #tpu.memory_space<vmem>> -> memref<1x128xi32, #tpu.memory_space<vmem>>
      %dma_start3A_448 = tpu.memref_squeeze %dma_start3A_447 : memref<1x128xi32, #tpu.memory_space<vmem>> -> memref<128xi32, #tpu.memory_space<vmem>>
      %dma_start3A_449 = arith.constant 0 : i32
      %dma_start3A_450 = arith.constant 0 : i32
      %dma_start3A_451 = tpu.memref_slice %arg7[%dma_start3A_449, %dma_start3A_450] : memref<63x16xf32, #tpu.memory_space<hbm>> -> memref<63x16xf32, #tpu.memory_space<hbm>>
      tpu.enqueue_indirect_dma source(%dma_start3A_451 : memref<63x16xf32, #tpu.memory_space<hbm>>) target(%arg21 : memref<128x16xf32, #tpu.memory_space<vmem>>) offsets(%dma_start3A_448 : memref<128xi32, #tpu.memory_space<vmem>>) semaphore(%arg22 : memref<!tpu.dma_semaphore, #tpu.memory_space<semaphore_mem>>)
      %dma_wait3A = arith.constant 0 : i32
      %dma_wait3A_452 = arith.constant 0 : i32
      %dma_wait3A_453 = tpu.memref_slice %arg15[%dma_wait3A, %dma_wait3A_452] : memref<60x128xi32, #tpu.memory_space<vmem>> -> memref<1x128xi32, #tpu.memory_space<vmem>>
      %dma_wait3A_454 = tpu.memref_squeeze %dma_wait3A_453 : memref<1x128xi32, #tpu.memory_space<vmem>> -> memref<128xi32, #tpu.memory_space<vmem>>
      %dma_wait3A_455 = arith.constant 0 : i32
      %dma_wait3A_456 = arith.constant 0 : i32
      %dma_wait3A_457 = tpu.memref_slice %arg5[%dma_wait3A_455, %dma_wait3A_456] : memref<100000x64xbf16, #tpu.memory_space<hbm>> -> memref<100000x64xbf16, #tpu.memory_space<hbm>>
      tpu.wait_indirect_dma semaphore(%arg22 : memref<!tpu.dma_semaphore, #tpu.memory_space<semaphore_mem>>) src(%dma_wait3A_457 : memref<100000x64xbf16, #tpu.memory_space<hbm>>) dst(%arg16 : memref<128x64xbf16, #tpu.memory_space<vmem>>)
      %dma_wait3A_458 = arith.constant 1 : i32
      %dma_wait3A_459 = arith.constant 0 : i32
      %dma_wait3A_460 = tpu.memref_slice %arg15[%dma_wait3A_458, %dma_wait3A_459] : memref<60x128xi32, #tpu.memory_space<vmem>> -> memref<1x128xi32, #tpu.memory_space<vmem>>
      %dma_wait3A_461 = tpu.memref_squeeze %dma_wait3A_460 : memref<1x128xi32, #tpu.memory_space<vmem>> -> memref<128xi32, #tpu.memory_space<vmem>>
      %dma_wait3A_462 = arith.constant 0 : i32
      %dma_wait3A_463 = arith.constant 0 : i32
      %dma_wait3A_464 = tpu.memref_slice %arg5[%dma_wait3A_462, %dma_wait3A_463] : memref<100000x64xbf16, #tpu.memory_space<hbm>> -> memref<100000x64xbf16, #tpu.memory_space<hbm>>
      tpu.wait_indirect_dma semaphore(%arg22 : memref<!tpu.dma_semaphore, #tpu.memory_space<semaphore_mem>>) src(%dma_wait3A_464 : memref<100000x64xbf16, #tpu.memory_space<hbm>>) dst(%arg16 : memref<128x64xbf16, #tpu.memory_space<vmem>>)
      %dma_wait3A_465 = arith.constant 2 : i32
      %dma_wait3A_466 = arith.constant 0 : i32
      %dma_wait3A_467 = tpu.memref_slice %arg15[%dma_wait3A_465, %dma_wait3A_466] : memref<60x128xi32, #tpu.memory_space<vmem>> -> memref<1x128xi32, #tpu.memory_space<vmem>>
      %dma_wait3A_468 = tpu.memref_squeeze %dma_wait3A_467 : memref<1x128xi32, #tpu.memory_space<vmem>> -> memref<128xi32, #tpu.memory_space<vmem>>
      %dma_wait3A_469 = arith.constant 0 : i32
      %dma_wait3A_470 = arith.constant 0 : i32
      %dma_wait3A_471 = tpu.memref_slice %arg5[%dma_wait3A_469, %dma_wait3A_470] : memref<100000x64xbf16, #tpu.memory_space<hbm>> -> memref<100000x64xbf16, #tpu.memory_space<hbm>>
      tpu.wait_indirect_dma semaphore(%arg22 : memref<!tpu.dma_semaphore, #tpu.memory_space<semaphore_mem>>) src(%dma_wait3A_471 : memref<100000x64xbf16, #tpu.memory_space<hbm>>) dst(%arg16 : memref<128x64xbf16, #tpu.memory_space<vmem>>)
      %dma_wait3A_472 = arith.constant 3 : i32
      %dma_wait3A_473 = arith.constant 0 : i32
      %dma_wait3A_474 = tpu.memref_slice %arg15[%dma_wait3A_472, %dma_wait3A_473] : memref<60x128xi32, #tpu.memory_space<vmem>> -> memref<1x128xi32, #tpu.memory_space<vmem>>
      %dma_wait3A_475 = tpu.memref_squeeze %dma_wait3A_474 : memref<1x128xi32, #tpu.memory_space<vmem>> -> memref<128xi32, #tpu.memory_space<vmem>>
      %dma_wait3A_476 = arith.constant 0 : i32
      %dma_wait3A_477 = arith.constant 0 : i32
      %dma_wait3A_478 = tpu.memref_slice %arg5[%dma_wait3A_476, %dma_wait3A_477] : memref<100000x64xbf16, #tpu.memory_space<hbm>> -> memref<100000x64xbf16, #tpu.memory_space<hbm>>
      tpu.wait_indirect_dma semaphore(%arg22 : memref<!tpu.dma_semaphore, #tpu.memory_space<semaphore_mem>>) src(%dma_wait3A_478 : memref<100000x64xbf16, #tpu.memory_space<hbm>>) dst(%arg16 : memref<128x64xbf16, #tpu.memory_space<vmem>>)
      %dma_wait3A_479 = arith.constant 4 : i32
      %dma_wait3A_480 = arith.constant 0 : i32
      %dma_wait3A_481 = tpu.memref_slice %arg15[%dma_wait3A_479, %dma_wait3A_480] : memref<60x128xi32, #tpu.memory_space<vmem>> -> memref<1x128xi32, #tpu.memory_space<vmem>>
      %dma_wait3A_482 = tpu.memref_squeeze %dma_wait3A_481 : memref<1x128xi32, #tpu.memory_space<vmem>> -> memref<128xi32, #tpu.memory_space<vmem>>
      %dma_wait3A_483 = arith.constant 0 : i32
      %dma_wait3A_484 = arith.constant 0 : i32
      %dma_wait3A_485 = tpu.memref_slice %arg5[%dma_wait3A_483, %dma_wait3A_484] : memref<100000x64xbf16, #tpu.memory_space<hbm>> -> memref<100000x64xbf16, #tpu.memory_space<hbm>>
      tpu.wait_indirect_dma semaphore(%arg22 : memref<!tpu.dma_semaphore, #tpu.memory_space<semaphore_mem>>) src(%dma_wait3A_485 : memref<100000x64xbf16, #tpu.memory_space<hbm>>) dst(%arg16 : memref<128x64xbf16, #tpu.memory_space<vmem>>)
      %dma_wait3A_486 = arith.constant 5 : i32
      %dma_wait3A_487 = arith.constant 0 : i32
      %dma_wait3A_488 = tpu.memref_slice %arg15[%dma_wait3A_486, %dma_wait3A_487] : memref<60x128xi32, #tpu.memory_space<vmem>> -> memref<1x128xi32, #tpu.memory_space<vmem>>
      %dma_wait3A_489 = tpu.memref_squeeze %dma_wait3A_488 : memref<1x128xi32, #tpu.memory_space<vmem>> -> memref<128xi32, #tpu.memory_space<vmem>>
      %dma_wait3A_490 = arith.constant 0 : i32
      %dma_wait3A_491 = arith.constant 0 : i32
      %dma_wait3A_492 = tpu.memref_slice %arg5[%dma_wait3A_490, %dma_wait3A_491] : memref<100000x64xbf16, #tpu.memory_space<hbm>> -> memref<100000x64xbf16, #tpu.memory_space<hbm>>
      tpu.wait_indirect_dma semaphore(%arg22 : memref<!tpu.dma_semaphore, #tpu.memory_space<semaphore_mem>>) src(%dma_wait3A_492 : memref<100000x64xbf16, #tpu.memory_space<hbm>>) dst(%arg16 : memref<128x64xbf16, #tpu.memory_space<vmem>>)
      %dma_wait3A_493 = arith.constant 6 : i32
      %dma_wait3A_494 = arith.constant 0 : i32
      %dma_wait3A_495 = tpu.memref_slice %arg15[%dma_wait3A_493, %dma_wait3A_494] : memref<60x128xi32, #tpu.memory_space<vmem>> -> memref<1x128xi32, #tpu.memory_space<vmem>>
      %dma_wait3A_496 = tpu.memref_squeeze %dma_wait3A_495 : memref<1x128xi32, #tpu.memory_space<vmem>> -> memref<128xi32, #tpu.memory_space<vmem>>
      %dma_wait3A_497 = arith.constant 0 : i32
      %dma_wait3A_498 = arith.constant 0 : i32
      %dma_wait3A_499 = tpu.memref_slice %arg5[%dma_wait3A_497, %dma_wait3A_498] : memref<100000x64xbf16, #tpu.memory_space<hbm>> -> memref<100000x64xbf16, #tpu.memory_space<hbm>>
      tpu.wait_indirect_dma semaphore(%arg22 : memref<!tpu.dma_semaphore, #tpu.memory_space<semaphore_mem>>) src(%dma_wait3A_499 : memref<100000x64xbf16, #tpu.memory_space<hbm>>) dst(%arg16 : memref<128x64xbf16, #tpu.memory_space<vmem>>)
      %dma_wait3A_500 = arith.constant 7 : i32
      %dma_wait3A_501 = arith.constant 0 : i32
      %dma_wait3A_502 = tpu.memref_slice %arg15[%dma_wait3A_500, %dma_wait3A_501] : memref<60x128xi32, #tpu.memory_space<vmem>> -> memref<1x128xi32, #tpu.memory_space<vmem>>
      %dma_wait3A_503 = tpu.memref_squeeze %dma_wait3A_502 : memref<1x128xi32, #tpu.memory_space<vmem>> -> memref<128xi32, #tpu.memory_space<vmem>>
      %dma_wait3A_504 = arith.constant 0 : i32
      %dma_wait3A_505 = arith.constant 0 : i32
      %dma_wait3A_506 = tpu.memref_slice %arg5[%dma_wait3A_504, %dma_wait3A_505] : memref<100000x64xbf16, #tpu.memory_space<hbm>> -> memref<100000x64xbf16, #tpu.memory_space<hbm>>
      tpu.wait_indirect_dma semaphore(%arg22 : memref<!tpu.dma_semaphore, #tpu.memory_space<semaphore_mem>>) src(%dma_wait3A_506 : memref<100000x64xbf16, #tpu.memory_space<hbm>>) dst(%arg16 : memref<128x64xbf16, #tpu.memory_space<vmem>>)
      %dma_wait3A_507 = arith.constant 8 : i32
      %dma_wait3A_508 = arith.constant 0 : i32
      %dma_wait3A_509 = tpu.memref_slice %arg15[%dma_wait3A_507, %dma_wait3A_508] : memref<60x128xi32, #tpu.memory_space<vmem>> -> memref<1x128xi32, #tpu.memory_space<vmem>>
      %dma_wait3A_510 = tpu.memref_squeeze %dma_wait3A_509 : memref<1x128xi32, #tpu.memory_space<vmem>> -> memref<128xi32, #tpu.memory_space<vmem>>
      %dma_wait3A_511 = arith.constant 0 : i32
      %dma_wait3A_512 = arith.constant 0 : i32
      %dma_wait3A_513 = tpu.memref_slice %arg5[%dma_wait3A_511, %dma_wait3A_512] : memref<100000x64xbf16, #tpu.memory_space<hbm>> -> memref<100000x64xbf16, #tpu.memory_space<hbm>>
      tpu.wait_indirect_dma semaphore(%arg22 : memref<!tpu.dma_semaphore, #tpu.memory_space<semaphore_mem>>) src(%dma_wait3A_513 : memref<100000x64xbf16, #tpu.memory_space<hbm>>) dst(%arg16 : memref<128x64xbf16, #tpu.memory_space<vmem>>)
      %dma_wait3A_514 = arith.constant 9 : i32
      %dma_wait3A_515 = arith.constant 0 : i32
      %dma_wait3A_516 = tpu.memref_slice %arg15[%dma_wait3A_514, %dma_wait3A_515] : memref<60x128xi32, #tpu.memory_space<vmem>> -> memref<1x128xi32, #tpu.memory_space<vmem>>
      %dma_wait3A_517 = tpu.memref_squeeze %dma_wait3A_516 : memref<1x128xi32, #tpu.memory_space<vmem>> -> memref<128xi32, #tpu.memory_space<vmem>>
      %dma_wait3A_518 = arith.constant 0 : i32
      %dma_wait3A_519 = arith.constant 0 : i32
      %dma_wait3A_520 = tpu.memref_slice %arg5[%dma_wait3A_518, %dma_wait3A_519] : memref<100000x64xbf16, #tpu.memory_space<hbm>> -> memref<100000x64xbf16, #tpu.memory_space<hbm>>
      tpu.wait_indirect_dma semaphore(%arg22 : memref<!tpu.dma_semaphore, #tpu.memory_space<semaphore_mem>>) src(%dma_wait3A_520 : memref<100000x64xbf16, #tpu.memory_space<hbm>>) dst(%arg16 : memref<128x64xbf16, #tpu.memory_space<vmem>>)
      %dma_wait3A_521 = arith.constant 10 : i32
      %dma_wait3A_522 = arith.constant 0 : i32
      %dma_wait3A_523 = tpu.memref_slice %arg15[%dma_wait3A_521, %dma_wait3A_522] : memref<60x128xi32, #tpu.memory_space<vmem>> -> memref<1x128xi32, #tpu.memory_space<vmem>>
      %dma_wait3A_524 = tpu.memref_squeeze %dma_wait3A_523 : memref<1x128xi32, #tpu.memory_space<vmem>> -> memref<128xi32, #tpu.memory_space<vmem>>
      %dma_wait3A_525 = arith.constant 0 : i32
      %dma_wait3A_526 = arith.constant 0 : i32
      %dma_wait3A_527 = tpu.memref_slice %arg5[%dma_wait3A_525, %dma_wait3A_526] : memref<100000x64xbf16, #tpu.memory_space<hbm>> -> memref<100000x64xbf16, #tpu.memory_space<hbm>>
      tpu.wait_indirect_dma semaphore(%arg22 : memref<!tpu.dma_semaphore, #tpu.memory_space<semaphore_mem>>) src(%dma_wait3A_527 : memref<100000x64xbf16, #tpu.memory_space<hbm>>) dst(%arg16 : memref<128x64xbf16, #tpu.memory_space<vmem>>)
      %dma_wait3A_528 = arith.constant 11 : i32
      %dma_wait3A_529 = arith.constant 0 : i32
      %dma_wait3A_530 = tpu.memref_slice %arg15[%dma_wait3A_528, %dma_wait3A_529] : memref<60x128xi32, #tpu.memory_space<vmem>> -> memref<1x128xi32, #tpu.memory_space<vmem>>
      %dma_wait3A_531 = tpu.memref_squeeze %dma_wait3A_530 : memref<1x128xi32, #tpu.memory_space<vmem>> -> memref<128xi32, #tpu.memory_space<vmem>>
      %dma_wait3A_532 = arith.constant 0 : i32
      %dma_wait3A_533 = arith.constant 0 : i32
      %dma_wait3A_534 = tpu.memref_slice %arg5[%dma_wait3A_532, %dma_wait3A_533] : memref<100000x64xbf16, #tpu.memory_space<hbm>> -> memref<100000x64xbf16, #tpu.memory_space<hbm>>
      tpu.wait_indirect_dma semaphore(%arg22 : memref<!tpu.dma_semaphore, #tpu.memory_space<semaphore_mem>>) src(%dma_wait3A_534 : memref<100000x64xbf16, #tpu.memory_space<hbm>>) dst(%arg16 : memref<128x64xbf16, #tpu.memory_space<vmem>>)
      %dma_wait3A_535 = arith.constant 12 : i32
      %dma_wait3A_536 = arith.constant 0 : i32
      %dma_wait3A_537 = tpu.memref_slice %arg15[%dma_wait3A_535, %dma_wait3A_536] : memref<60x128xi32, #tpu.memory_space<vmem>> -> memref<1x128xi32, #tpu.memory_space<vmem>>
      %dma_wait3A_538 = tpu.memref_squeeze %dma_wait3A_537 : memref<1x128xi32, #tpu.memory_space<vmem>> -> memref<128xi32, #tpu.memory_space<vmem>>
      %dma_wait3A_539 = arith.constant 0 : i32
      %dma_wait3A_540 = arith.constant 0 : i32
      %dma_wait3A_541 = tpu.memref_slice %arg5[%dma_wait3A_539, %dma_wait3A_540] : memref<100000x64xbf16, #tpu.memory_space<hbm>> -> memref<100000x64xbf16, #tpu.memory_space<hbm>>
      tpu.wait_indirect_dma semaphore(%arg22 : memref<!tpu.dma_semaphore, #tpu.memory_space<semaphore_mem>>) src(%dma_wait3A_541 : memref<100000x64xbf16, #tpu.memory_space<hbm>>) dst(%arg16 : memref<128x64xbf16, #tpu.memory_space<vmem>>)
      %dma_wait3A_542 = arith.constant 13 : i32
      %dma_wait3A_543 = arith.constant 0 : i32
      %dma_wait3A_544 = tpu.memref_slice %arg15[%dma_wait3A_542, %dma_wait3A_543] : memref<60x128xi32, #tpu.memory_space<vmem>> -> memref<1x128xi32, #tpu.memory_space<vmem>>
      %dma_wait3A_545 = tpu.memref_squeeze %dma_wait3A_544 : memref<1x128xi32, #tpu.memory_space<vmem>> -> memref<128xi32, #tpu.memory_space<vmem>>
      %dma_wait3A_546 = arith.constant 0 : i32
      %dma_wait3A_547 = arith.constant 0 : i32
      %dma_wait3A_548 = tpu.memref_slice %arg5[%dma_wait3A_546, %dma_wait3A_547] : memref<100000x64xbf16, #tpu.memory_space<hbm>> -> memref<100000x64xbf16, #tpu.memory_space<hbm>>
      tpu.wait_indirect_dma semaphore(%arg22 : memref<!tpu.dma_semaphore, #tpu.memory_space<semaphore_mem>>) src(%dma_wait3A_548 : memref<100000x64xbf16, #tpu.memory_space<hbm>>) dst(%arg16 : memref<128x64xbf16, #tpu.memory_space<vmem>>)
      %dma_wait3A_549 = arith.constant 14 : i32
      %dma_wait3A_550 = arith.constant 0 : i32
      %dma_wait3A_551 = tpu.memref_slice %arg15[%dma_wait3A_549, %dma_wait3A_550] : memref<60x128xi32, #tpu.memory_space<vmem>> -> memref<1x128xi32, #tpu.memory_space<vmem>>
      %dma_wait3A_552 = tpu.memref_squeeze %dma_wait3A_551 : memref<1x128xi32, #tpu.memory_space<vmem>> -> memref<128xi32, #tpu.memory_space<vmem>>
      %dma_wait3A_553 = arith.constant 0 : i32
      %dma_wait3A_554 = arith.constant 0 : i32
      %dma_wait3A_555 = tpu.memref_slice %arg5[%dma_wait3A_553, %dma_wait3A_554] : memref<100000x64xbf16, #tpu.memory_space<hbm>> -> memref<100000x64xbf16, #tpu.memory_space<hbm>>
      tpu.wait_indirect_dma semaphore(%arg22 : memref<!tpu.dma_semaphore, #tpu.memory_space<semaphore_mem>>) src(%dma_wait3A_555 : memref<100000x64xbf16, #tpu.memory_space<hbm>>) dst(%arg16 : memref<128x64xbf16, #tpu.memory_space<vmem>>)
      %dma_wait3A_556 = arith.constant 15 : i32
      %dma_wait3A_557 = arith.constant 0 : i32
      %dma_wait3A_558 = tpu.memref_slice %arg15[%dma_wait3A_556, %dma_wait3A_557] : memref<60x128xi32, #tpu.memory_space<vmem>> -> memref<1x128xi32, #tpu.memory_space<vmem>>
      %dma_wait3A_559 = tpu.memref_squeeze %dma_wait3A_558 : memref<1x128xi32, #tpu.memory_space<vmem>> -> memref<128xi32, #tpu.memory_space<vmem>>
      %dma_wait3A_560 = arith.constant 0 : i32
      %dma_wait3A_561 = arith.constant 0 : i32
      %dma_wait3A_562 = tpu.memref_slice %arg5[%dma_wait3A_560, %dma_wait3A_561] : memref<100000x64xbf16, #tpu.memory_space<hbm>> -> memref<100000x64xbf16, #tpu.memory_space<hbm>>
      tpu.wait_indirect_dma semaphore(%arg22 : memref<!tpu.dma_semaphore, #tpu.memory_space<semaphore_mem>>) src(%dma_wait3A_562 : memref<100000x64xbf16, #tpu.memory_space<hbm>>) dst(%arg16 : memref<128x64xbf16, #tpu.memory_space<vmem>>)
      %dma_wait3A_563 = arith.constant 16 : i32
      %dma_wait3A_564 = arith.constant 0 : i32
      %dma_wait3A_565 = tpu.memref_slice %arg15[%dma_wait3A_563, %dma_wait3A_564] : memref<60x128xi32, #tpu.memory_space<vmem>> -> memref<1x128xi32, #tpu.memory_space<vmem>>
      %dma_wait3A_566 = tpu.memref_squeeze %dma_wait3A_565 : memref<1x128xi32, #tpu.memory_space<vmem>> -> memref<128xi32, #tpu.memory_space<vmem>>
      %dma_wait3A_567 = arith.constant 0 : i32
      %dma_wait3A_568 = arith.constant 0 : i32
      %dma_wait3A_569 = tpu.memref_slice %arg5[%dma_wait3A_567, %dma_wait3A_568] : memref<100000x64xbf16, #tpu.memory_space<hbm>> -> memref<100000x64xbf16, #tpu.memory_space<hbm>>
      tpu.wait_indirect_dma semaphore(%arg22 : memref<!tpu.dma_semaphore, #tpu.memory_space<semaphore_mem>>) src(%dma_wait3A_569 : memref<100000x64xbf16, #tpu.memory_space<hbm>>) dst(%arg16 : memref<128x64xbf16, #tpu.memory_space<vmem>>)
      %dma_wait3A_570 = arith.constant 17 : i32
      %dma_wait3A_571 = arith.constant 0 : i32
      %dma_wait3A_572 = tpu.memref_slice %arg15[%dma_wait3A_570, %dma_wait3A_571] : memref<60x128xi32, #tpu.memory_space<vmem>> -> memref<1x128xi32, #tpu.memory_space<vmem>>
      %dma_wait3A_573 = tpu.memref_squeeze %dma_wait3A_572 : memref<1x128xi32, #tpu.memory_space<vmem>> -> memref<128xi32, #tpu.memory_space<vmem>>
      %dma_wait3A_574 = arith.constant 0 : i32
      %dma_wait3A_575 = arith.constant 0 : i32
      %dma_wait3A_576 = tpu.memref_slice %arg5[%dma_wait3A_574, %dma_wait3A_575] : memref<100000x64xbf16, #tpu.memory_space<hbm>> -> memref<100000x64xbf16, #tpu.memory_space<hbm>>
      tpu.wait_indirect_dma semaphore(%arg22 : memref<!tpu.dma_semaphore, #tpu.memory_space<semaphore_mem>>) src(%dma_wait3A_576 : memref<100000x64xbf16, #tpu.memory_space<hbm>>) dst(%arg16 : memref<128x64xbf16, #tpu.memory_space<vmem>>)
      %dma_wait3A_577 = arith.constant 18 : i32
      %dma_wait3A_578 = arith.constant 0 : i32
      %dma_wait3A_579 = tpu.memref_slice %arg15[%dma_wait3A_577, %dma_wait3A_578] : memref<60x128xi32, #tpu.memory_space<vmem>> -> memref<1x128xi32, #tpu.memory_space<vmem>>
      %dma_wait3A_580 = tpu.memref_squeeze %dma_wait3A_579 : memref<1x128xi32, #tpu.memory_space<vmem>> -> memref<128xi32, #tpu.memory_space<vmem>>
      %dma_wait3A_581 = arith.constant 0 : i32
      %dma_wait3A_582 = arith.constant 0 : i32
      %dma_wait3A_583 = tpu.memref_slice %arg5[%dma_wait3A_581, %dma_wait3A_582] : memref<100000x64xbf16, #tpu.memory_space<hbm>> -> memref<100000x64xbf16, #tpu.memory_space<hbm>>
      tpu.wait_indirect_dma semaphore(%arg22 : memref<!tpu.dma_semaphore, #tpu.memory_space<semaphore_mem>>) src(%dma_wait3A_583 : memref<100000x64xbf16, #tpu.memory_space<hbm>>) dst(%arg16 : memref<128x64xbf16, #tpu.memory_space<vmem>>)
      %dma_wait3A_584 = arith.constant 19 : i32
      %dma_wait3A_585 = arith.constant 0 : i32
      %dma_wait3A_586 = tpu.memref_slice %arg15[%dma_wait3A_584, %dma_wait3A_585] : memref<60x128xi32, #tpu.memory_space<vmem>> -> memref<1x128xi32, #tpu.memory_space<vmem>>
      %dma_wait3A_587 = tpu.memref_squeeze %dma_wait3A_586 : memref<1x128xi32, #tpu.memory_space<vmem>> -> memref<128xi32, #tpu.memory_space<vmem>>
      %dma_wait3A_588 = arith.constant 0 : i32
      %dma_wait3A_589 = arith.constant 0 : i32
      %dma_wait3A_590 = tpu.memref_slice %arg5[%dma_wait3A_588, %dma_wait3A_589] : memref<100000x64xbf16, #tpu.memory_space<hbm>> -> memref<100000x64xbf16, #tpu.memory_space<hbm>>
      tpu.wait_indirect_dma semaphore(%arg22 : memref<!tpu.dma_semaphore, #tpu.memory_space<semaphore_mem>>) src(%dma_wait3A_590 : memref<100000x64xbf16, #tpu.memory_space<hbm>>) dst(%arg16 : memref<128x64xbf16, #tpu.memory_space<vmem>>)
      %dma_wait3A_591 = arith.constant 20 : i32
      %dma_wait3A_592 = arith.constant 0 : i32
      %dma_wait3A_593 = tpu.memref_slice %arg15[%dma_wait3A_591, %dma_wait3A_592] : memref<60x128xi32, #tpu.memory_space<vmem>> -> memref<1x128xi32, #tpu.memory_space<vmem>>
      %dma_wait3A_594 = tpu.memref_squeeze %dma_wait3A_593 : memref<1x128xi32, #tpu.memory_space<vmem>> -> memref<128xi32, #tpu.memory_space<vmem>>
      %dma_wait3A_595 = arith.constant 0 : i32
      %dma_wait3A_596 = arith.constant 0 : i32
      %dma_wait3A_597 = tpu.memref_slice %arg5[%dma_wait3A_595, %dma_wait3A_596] : memref<100000x64xbf16, #tpu.memory_space<hbm>> -> memref<100000x64xbf16, #tpu.memory_space<hbm>>
      tpu.wait_indirect_dma semaphore(%arg22 : memref<!tpu.dma_semaphore, #tpu.memory_space<semaphore_mem>>) src(%dma_wait3A_597 : memref<100000x64xbf16, #tpu.memory_space<hbm>>) dst(%arg17 : memref<128x64xbf16, #tpu.memory_space<vmem>>)
      %dma_wait3A_598 = arith.constant 21 : i32
      %dma_wait3A_599 = arith.constant 0 : i32
      %dma_wait3A_600 = tpu.memref_slice %arg15[%dma_wait3A_598, %dma_wait3A_599] : memref<60x128xi32, #tpu.memory_space<vmem>> -> memref<1x128xi32, #tpu.memory_space<vmem>>
      %dma_wait3A_601 = tpu.memref_squeeze %dma_wait3A_600 : memref<1x128xi32, #tpu.memory_space<vmem>> -> memref<128xi32, #tpu.memory_space<vmem>>
      %dma_wait3A_602 = arith.constant 0 : i32
      %dma_wait3A_603 = arith.constant 0 : i32
      %dma_wait3A_604 = tpu.memref_slice %arg5[%dma_wait3A_602, %dma_wait3A_603] : memref<100000x64xbf16, #tpu.memory_space<hbm>> -> memref<100000x64xbf16, #tpu.memory_space<hbm>>
      tpu.wait_indirect_dma semaphore(%arg22 : memref<!tpu.dma_semaphore, #tpu.memory_space<semaphore_mem>>) src(%dma_wait3A_604 : memref<100000x64xbf16, #tpu.memory_space<hbm>>) dst(%arg17 : memref<128x64xbf16, #tpu.memory_space<vmem>>)
      %dma_wait3A_605 = arith.constant 22 : i32
      %dma_wait3A_606 = arith.constant 0 : i32
      %dma_wait3A_607 = tpu.memref_slice %arg15[%dma_wait3A_605, %dma_wait3A_606] : memref<60x128xi32, #tpu.memory_space<vmem>> -> memref<1x128xi32, #tpu.memory_space<vmem>>
      %dma_wait3A_608 = tpu.memref_squeeze %dma_wait3A_607 : memref<1x128xi32, #tpu.memory_space<vmem>> -> memref<128xi32, #tpu.memory_space<vmem>>
      %dma_wait3A_609 = arith.constant 0 : i32
      %dma_wait3A_610 = arith.constant 0 : i32
      %dma_wait3A_611 = tpu.memref_slice %arg5[%dma_wait3A_609, %dma_wait3A_610] : memref<100000x64xbf16, #tpu.memory_space<hbm>> -> memref<100000x64xbf16, #tpu.memory_space<hbm>>
      tpu.wait_indirect_dma semaphore(%arg22 : memref<!tpu.dma_semaphore, #tpu.memory_space<semaphore_mem>>) src(%dma_wait3A_611 : memref<100000x64xbf16, #tpu.memory_space<hbm>>) dst(%arg17 : memref<128x64xbf16, #tpu.memory_space<vmem>>)
      %dma_wait3A_612 = arith.constant 23 : i32
      %dma_wait3A_613 = arith.constant 0 : i32
      %dma_wait3A_614 = tpu.memref_slice %arg15[%dma_wait3A_612, %dma_wait3A_613] : memref<60x128xi32, #tpu.memory_space<vmem>> -> memref<1x128xi32, #tpu.memory_space<vmem>>
      %dma_wait3A_615 = tpu.memref_squeeze %dma_wait3A_614 : memref<1x128xi32, #tpu.memory_space<vmem>> -> memref<128xi32, #tpu.memory_space<vmem>>
      %dma_wait3A_616 = arith.constant 0 : i32
      %dma_wait3A_617 = arith.constant 0 : i32
      %dma_wait3A_618 = tpu.memref_slice %arg5[%dma_wait3A_616, %dma_wait3A_617] : memref<100000x64xbf16, #tpu.memory_space<hbm>> -> memref<100000x64xbf16, #tpu.memory_space<hbm>>
      tpu.wait_indirect_dma semaphore(%arg22 : memref<!tpu.dma_semaphore, #tpu.memory_space<semaphore_mem>>) src(%dma_wait3A_618 : memref<100000x64xbf16, #tpu.memory_space<hbm>>) dst(%arg17 : memref<128x64xbf16, #tpu.memory_space<vmem>>)
      %dma_wait3A_619 = arith.constant 24 : i32
      %dma_wait3A_620 = arith.constant 0 : i32
      %dma_wait3A_621 = tpu.memref_slice %arg15[%dma_wait3A_619, %dma_wait3A_620] : memref<60x128xi32, #tpu.memory_space<vmem>> -> memref<1x128xi32, #tpu.memory_space<vmem>>
      %dma_wait3A_622 = tpu.memref_squeeze %dma_wait3A_621 : memref<1x128xi32, #tpu.memory_space<vmem>> -> memref<128xi32, #tpu.memory_space<vmem>>
      %dma_wait3A_623 = arith.constant 0 : i32
      %dma_wait3A_624 = arith.constant 0 : i32
      %dma_wait3A_625 = tpu.memref_slice %arg5[%dma_wait3A_623, %dma_wait3A_624] : memref<100000x64xbf16, #tpu.memory_space<hbm>> -> memref<100000x64xbf16, #tpu.memory_space<hbm>>
      tpu.wait_indirect_dma semaphore(%arg22 : memref<!tpu.dma_semaphore, #tpu.memory_space<semaphore_mem>>) src(%dma_wait3A_625 : memref<100000x64xbf16, #tpu.memory_space<hbm>>) dst(%arg17 : memref<128x64xbf16, #tpu.memory_space<vmem>>)
      %dma_wait3A_626 = arith.constant 25 : i32
      %dma_wait3A_627 = arith.constant 0 : i32
      %dma_wait3A_628 = tpu.memref_slice %arg15[%dma_wait3A_626, %dma_wait3A_627] : memref<60x128xi32, #tpu.memory_space<vmem>> -> memref<1x128xi32, #tpu.memory_space<vmem>>
      %dma_wait3A_629 = tpu.memref_squeeze %dma_wait3A_628 : memref<1x128xi32, #tpu.memory_space<vmem>> -> memref<128xi32, #tpu.memory_space<vmem>>
      %dma_wait3A_630 = arith.constant 0 : i32
      %dma_wait3A_631 = arith.constant 0 : i32
      %dma_wait3A_632 = tpu.memref_slice %arg5[%dma_wait3A_630, %dma_wait3A_631] : memref<100000x64xbf16, #tpu.memory_space<hbm>> -> memref<100000x64xbf16, #tpu.memory_space<hbm>>
      tpu.wait_indirect_dma semaphore(%arg22 : memref<!tpu.dma_semaphore, #tpu.memory_space<semaphore_mem>>) src(%dma_wait3A_632 : memref<100000x64xbf16, #tpu.memory_space<hbm>>) dst(%arg17 : memref<128x64xbf16, #tpu.memory_space<vmem>>)
      %dma_wait3A_633 = arith.constant 26 : i32
      %dma_wait3A_634 = arith.constant 0 : i32
      %dma_wait3A_635 = tpu.memref_slice %arg15[%dma_wait3A_633, %dma_wait3A_634] : memref<60x128xi32, #tpu.memory_space<vmem>> -> memref<1x128xi32, #tpu.memory_space<vmem>>
      %dma_wait3A_636 = tpu.memref_squeeze %dma_wait3A_635 : memref<1x128xi32, #tpu.memory_space<vmem>> -> memref<128xi32, #tpu.memory_space<vmem>>
      %dma_wait3A_637 = arith.constant 0 : i32
      %dma_wait3A_638 = arith.constant 0 : i32
      %dma_wait3A_639 = tpu.memref_slice %arg5[%dma_wait3A_637, %dma_wait3A_638] : memref<100000x64xbf16, #tpu.memory_space<hbm>> -> memref<100000x64xbf16, #tpu.memory_space<hbm>>
      tpu.wait_indirect_dma semaphore(%arg22 : memref<!tpu.dma_semaphore, #tpu.memory_space<semaphore_mem>>) src(%dma_wait3A_639 : memref<100000x64xbf16, #tpu.memory_space<hbm>>) dst(%arg17 : memref<128x64xbf16, #tpu.memory_space<vmem>>)
      %dma_wait3A_640 = arith.constant 27 : i32
      %dma_wait3A_641 = arith.constant 0 : i32
      %dma_wait3A_642 = tpu.memref_slice %arg15[%dma_wait3A_640, %dma_wait3A_641] : memref<60x128xi32, #tpu.memory_space<vmem>> -> memref<1x128xi32, #tpu.memory_space<vmem>>
      %dma_wait3A_643 = tpu.memref_squeeze %dma_wait3A_642 : memref<1x128xi32, #tpu.memory_space<vmem>> -> memref<128xi32, #tpu.memory_space<vmem>>
      %dma_wait3A_644 = arith.constant 0 : i32
      %dma_wait3A_645 = arith.constant 0 : i32
      %dma_wait3A_646 = tpu.memref_slice %arg5[%dma_wait3A_644, %dma_wait3A_645] : memref<100000x64xbf16, #tpu.memory_space<hbm>> -> memref<100000x64xbf16, #tpu.memory_space<hbm>>
      tpu.wait_indirect_dma semaphore(%arg22 : memref<!tpu.dma_semaphore, #tpu.memory_space<semaphore_mem>>) src(%dma_wait3A_646 : memref<100000x64xbf16, #tpu.memory_space<hbm>>) dst(%arg17 : memref<128x64xbf16, #tpu.memory_space<vmem>>)
      %dma_wait3A_647 = arith.constant 28 : i32
      %dma_wait3A_648 = arith.constant 0 : i32
      %dma_wait3A_649 = tpu.memref_slice %arg15[%dma_wait3A_647, %dma_wait3A_648] : memref<60x128xi32, #tpu.memory_space<vmem>> -> memref<1x128xi32, #tpu.memory_space<vmem>>
      %dma_wait3A_650 = tpu.memref_squeeze %dma_wait3A_649 : memref<1x128xi32, #tpu.memory_space<vmem>> -> memref<128xi32, #tpu.memory_space<vmem>>
      %dma_wait3A_651 = arith.constant 0 : i32
      %dma_wait3A_652 = arith.constant 0 : i32
      %dma_wait3A_653 = tpu.memref_slice %arg5[%dma_wait3A_651, %dma_wait3A_652] : memref<100000x64xbf16, #tpu.memory_space<hbm>> -> memref<100000x64xbf16, #tpu.memory_space<hbm>>
      tpu.wait_indirect_dma semaphore(%arg22 : memref<!tpu.dma_semaphore, #tpu.memory_space<semaphore_mem>>) src(%dma_wait3A_653 : memref<100000x64xbf16, #tpu.memory_space<hbm>>) dst(%arg17 : memref<128x64xbf16, #tpu.memory_space<vmem>>)
      %dma_wait3A_654 = arith.constant 29 : i32
      %dma_wait3A_655 = arith.constant 0 : i32
      %dma_wait3A_656 = tpu.memref_slice %arg15[%dma_wait3A_654, %dma_wait3A_655] : memref<60x128xi32, #tpu.memory_space<vmem>> -> memref<1x128xi32, #tpu.memory_space<vmem>>
      %dma_wait3A_657 = tpu.memref_squeeze %dma_wait3A_656 : memref<1x128xi32, #tpu.memory_space<vmem>> -> memref<128xi32, #tpu.memory_space<vmem>>
      %dma_wait3A_658 = arith.constant 0 : i32
      %dma_wait3A_659 = arith.constant 0 : i32
      %dma_wait3A_660 = tpu.memref_slice %arg5[%dma_wait3A_658, %dma_wait3A_659] : memref<100000x64xbf16, #tpu.memory_space<hbm>> -> memref<100000x64xbf16, #tpu.memory_space<hbm>>
      tpu.wait_indirect_dma semaphore(%arg22 : memref<!tpu.dma_semaphore, #tpu.memory_space<semaphore_mem>>) src(%dma_wait3A_660 : memref<100000x64xbf16, #tpu.memory_space<hbm>>) dst(%arg17 : memref<128x64xbf16, #tpu.memory_space<vmem>>)
      %dma_wait3A_661 = arith.constant 30 : i32
      %dma_wait3A_662 = arith.constant 0 : i32
      %dma_wait3A_663 = tpu.memref_slice %arg15[%dma_wait3A_661, %dma_wait3A_662] : memref<60x128xi32, #tpu.memory_space<vmem>> -> memref<1x128xi32, #tpu.memory_space<vmem>>
      %dma_wait3A_664 = tpu.memref_squeeze %dma_wait3A_663 : memref<1x128xi32, #tpu.memory_space<vmem>> -> memref<128xi32, #tpu.memory_space<vmem>>
      %dma_wait3A_665 = arith.constant 0 : i32
      %dma_wait3A_666 = arith.constant 0 : i32
      %dma_wait3A_667 = tpu.memref_slice %arg5[%dma_wait3A_665, %dma_wait3A_666] : memref<100000x64xbf16, #tpu.memory_space<hbm>> -> memref<100000x64xbf16, #tpu.memory_space<hbm>>
      tpu.wait_indirect_dma semaphore(%arg22 : memref<!tpu.dma_semaphore, #tpu.memory_space<semaphore_mem>>) src(%dma_wait3A_667 : memref<100000x64xbf16, #tpu.memory_space<hbm>>) dst(%arg17 : memref<128x64xbf16, #tpu.memory_space<vmem>>)
      %dma_wait3A_668 = arith.constant 31 : i32
      %dma_wait3A_669 = arith.constant 0 : i32
      %dma_wait3A_670 = tpu.memref_slice %arg15[%dma_wait3A_668, %dma_wait3A_669] : memref<60x128xi32, #tpu.memory_space<vmem>> -> memref<1x128xi32, #tpu.memory_space<vmem>>
      %dma_wait3A_671 = tpu.memref_squeeze %dma_wait3A_670 : memref<1x128xi32, #tpu.memory_space<vmem>> -> memref<128xi32, #tpu.memory_space<vmem>>
      %dma_wait3A_672 = arith.constant 0 : i32
      %dma_wait3A_673 = arith.constant 0 : i32
      %dma_wait3A_674 = tpu.memref_slice %arg5[%dma_wait3A_672, %dma_wait3A_673] : memref<100000x64xbf16, #tpu.memory_space<hbm>> -> memref<100000x64xbf16, #tpu.memory_space<hbm>>
      tpu.wait_indirect_dma semaphore(%arg22 : memref<!tpu.dma_semaphore, #tpu.memory_space<semaphore_mem>>) src(%dma_wait3A_674 : memref<100000x64xbf16, #tpu.memory_space<hbm>>) dst(%arg17 : memref<128x64xbf16, #tpu.memory_space<vmem>>)
      %dma_wait3A_675 = arith.constant 32 : i32
      %dma_wait3A_676 = arith.constant 0 : i32
      %dma_wait3A_677 = tpu.memref_slice %arg15[%dma_wait3A_675, %dma_wait3A_676] : memref<60x128xi32, #tpu.memory_space<vmem>> -> memref<1x128xi32, #tpu.memory_space<vmem>>
      %dma_wait3A_678 = tpu.memref_squeeze %dma_wait3A_677 : memref<1x128xi32, #tpu.memory_space<vmem>> -> memref<128xi32, #tpu.memory_space<vmem>>
      %dma_wait3A_679 = arith.constant 0 : i32
      %dma_wait3A_680 = arith.constant 0 : i32
      %dma_wait3A_681 = tpu.memref_slice %arg5[%dma_wait3A_679, %dma_wait3A_680] : memref<100000x64xbf16, #tpu.memory_space<hbm>> -> memref<100000x64xbf16, #tpu.memory_space<hbm>>
      tpu.wait_indirect_dma semaphore(%arg22 : memref<!tpu.dma_semaphore, #tpu.memory_space<semaphore_mem>>) src(%dma_wait3A_681 : memref<100000x64xbf16, #tpu.memory_space<hbm>>) dst(%arg17 : memref<128x64xbf16, #tpu.memory_space<vmem>>)
      %dma_wait3A_682 = arith.constant 33 : i32
      %dma_wait3A_683 = arith.constant 0 : i32
      %dma_wait3A_684 = tpu.memref_slice %arg15[%dma_wait3A_682, %dma_wait3A_683] : memref<60x128xi32, #tpu.memory_space<vmem>> -> memref<1x128xi32, #tpu.memory_space<vmem>>
      %dma_wait3A_685 = tpu.memref_squeeze %dma_wait3A_684 : memref<1x128xi32, #tpu.memory_space<vmem>> -> memref<128xi32, #tpu.memory_space<vmem>>
      %dma_wait3A_686 = arith.constant 0 : i32
      %dma_wait3A_687 = arith.constant 0 : i32
      %dma_wait3A_688 = tpu.memref_slice %arg5[%dma_wait3A_686, %dma_wait3A_687] : memref<100000x64xbf16, #tpu.memory_space<hbm>> -> memref<100000x64xbf16, #tpu.memory_space<hbm>>
      tpu.wait_indirect_dma semaphore(%arg22 : memref<!tpu.dma_semaphore, #tpu.memory_space<semaphore_mem>>) src(%dma_wait3A_688 : memref<100000x64xbf16, #tpu.memory_space<hbm>>) dst(%arg17 : memref<128x64xbf16, #tpu.memory_space<vmem>>)
      %dma_wait3A_689 = arith.constant 34 : i32
      %dma_wait3A_690 = arith.constant 0 : i32
      %dma_wait3A_691 = tpu.memref_slice %arg15[%dma_wait3A_689, %dma_wait3A_690] : memref<60x128xi32, #tpu.memory_space<vmem>> -> memref<1x128xi32, #tpu.memory_space<vmem>>
      %dma_wait3A_692 = tpu.memref_squeeze %dma_wait3A_691 : memref<1x128xi32, #tpu.memory_space<vmem>> -> memref<128xi32, #tpu.memory_space<vmem>>
      %dma_wait3A_693 = arith.constant 0 : i32
      %dma_wait3A_694 = arith.constant 0 : i32
      %dma_wait3A_695 = tpu.memref_slice %arg5[%dma_wait3A_693, %dma_wait3A_694] : memref<100000x64xbf16, #tpu.memory_space<hbm>> -> memref<100000x64xbf16, #tpu.memory_space<hbm>>
      tpu.wait_indirect_dma semaphore(%arg22 : memref<!tpu.dma_semaphore, #tpu.memory_space<semaphore_mem>>) src(%dma_wait3A_695 : memref<100000x64xbf16, #tpu.memory_space<hbm>>) dst(%arg17 : memref<128x64xbf16, #tpu.memory_space<vmem>>)
      %dma_wait3A_696 = arith.constant 35 : i32
      %dma_wait3A_697 = arith.constant 0 : i32
      %dma_wait3A_698 = tpu.memref_slice %arg15[%dma_wait3A_696, %dma_wait3A_697] : memref<60x128xi32, #tpu.memory_space<vmem>> -> memref<1x128xi32, #tpu.memory_space<vmem>>
      %dma_wait3A_699 = tpu.memref_squeeze %dma_wait3A_698 : memref<1x128xi32, #tpu.memory_space<vmem>> -> memref<128xi32, #tpu.memory_space<vmem>>
      %dma_wait3A_700 = arith.constant 0 : i32
      %dma_wait3A_701 = arith.constant 0 : i32
      %dma_wait3A_702 = tpu.memref_slice %arg5[%dma_wait3A_700, %dma_wait3A_701] : memref<100000x64xbf16, #tpu.memory_space<hbm>> -> memref<100000x64xbf16, #tpu.memory_space<hbm>>
      tpu.wait_indirect_dma semaphore(%arg22 : memref<!tpu.dma_semaphore, #tpu.memory_space<semaphore_mem>>) src(%dma_wait3A_702 : memref<100000x64xbf16, #tpu.memory_space<hbm>>) dst(%arg17 : memref<128x64xbf16, #tpu.memory_space<vmem>>)
      %dma_wait3A_703 = arith.constant 36 : i32
      %dma_wait3A_704 = arith.constant 0 : i32
      %dma_wait3A_705 = tpu.memref_slice %arg15[%dma_wait3A_703, %dma_wait3A_704] : memref<60x128xi32, #tpu.memory_space<vmem>> -> memref<1x128xi32, #tpu.memory_space<vmem>>
      %dma_wait3A_706 = tpu.memref_squeeze %dma_wait3A_705 : memref<1x128xi32, #tpu.memory_space<vmem>> -> memref<128xi32, #tpu.memory_space<vmem>>
      %dma_wait3A_707 = arith.constant 0 : i32
      %dma_wait3A_708 = arith.constant 0 : i32
      %dma_wait3A_709 = tpu.memref_slice %arg5[%dma_wait3A_707, %dma_wait3A_708] : memref<100000x64xbf16, #tpu.memory_space<hbm>> -> memref<100000x64xbf16, #tpu.memory_space<hbm>>
      tpu.wait_indirect_dma semaphore(%arg22 : memref<!tpu.dma_semaphore, #tpu.memory_space<semaphore_mem>>) src(%dma_wait3A_709 : memref<100000x64xbf16, #tpu.memory_space<hbm>>) dst(%arg17 : memref<128x64xbf16, #tpu.memory_space<vmem>>)
      %dma_wait3A_710 = arith.constant 37 : i32
      %dma_wait3A_711 = arith.constant 0 : i32
      %dma_wait3A_712 = tpu.memref_slice %arg15[%dma_wait3A_710, %dma_wait3A_711] : memref<60x128xi32, #tpu.memory_space<vmem>> -> memref<1x128xi32, #tpu.memory_space<vmem>>
      %dma_wait3A_713 = tpu.memref_squeeze %dma_wait3A_712 : memref<1x128xi32, #tpu.memory_space<vmem>> -> memref<128xi32, #tpu.memory_space<vmem>>
      %dma_wait3A_714 = arith.constant 0 : i32
      %dma_wait3A_715 = arith.constant 0 : i32
      %dma_wait3A_716 = tpu.memref_slice %arg5[%dma_wait3A_714, %dma_wait3A_715] : memref<100000x64xbf16, #tpu.memory_space<hbm>> -> memref<100000x64xbf16, #tpu.memory_space<hbm>>
      tpu.wait_indirect_dma semaphore(%arg22 : memref<!tpu.dma_semaphore, #tpu.memory_space<semaphore_mem>>) src(%dma_wait3A_716 : memref<100000x64xbf16, #tpu.memory_space<hbm>>) dst(%arg17 : memref<128x64xbf16, #tpu.memory_space<vmem>>)
      %dma_wait3A_717 = arith.constant 38 : i32
      %dma_wait3A_718 = arith.constant 0 : i32
      %dma_wait3A_719 = tpu.memref_slice %arg15[%dma_wait3A_717, %dma_wait3A_718] : memref<60x128xi32, #tpu.memory_space<vmem>> -> memref<1x128xi32, #tpu.memory_space<vmem>>
      %dma_wait3A_720 = tpu.memref_squeeze %dma_wait3A_719 : memref<1x128xi32, #tpu.memory_space<vmem>> -> memref<128xi32, #tpu.memory_space<vmem>>
      %dma_wait3A_721 = arith.constant 0 : i32
      %dma_wait3A_722 = arith.constant 0 : i32
      %dma_wait3A_723 = tpu.memref_slice %arg5[%dma_wait3A_721, %dma_wait3A_722] : memref<100000x64xbf16, #tpu.memory_space<hbm>> -> memref<100000x64xbf16, #tpu.memory_space<hbm>>
      tpu.wait_indirect_dma semaphore(%arg22 : memref<!tpu.dma_semaphore, #tpu.memory_space<semaphore_mem>>) src(%dma_wait3A_723 : memref<100000x64xbf16, #tpu.memory_space<hbm>>) dst(%arg17 : memref<128x64xbf16, #tpu.memory_space<vmem>>)
      %dma_wait3A_724 = arith.constant 39 : i32
      %dma_wait3A_725 = arith.constant 0 : i32
      %dma_wait3A_726 = tpu.memref_slice %arg15[%dma_wait3A_724, %dma_wait3A_725] : memref<60x128xi32, #tpu.memory_space<vmem>> -> memref<1x128xi32, #tpu.memory_space<vmem>>
      %dma_wait3A_727 = tpu.memref_squeeze %dma_wait3A_726 : memref<1x128xi32, #tpu.memory_space<vmem>> -> memref<128xi32, #tpu.memory_space<vmem>>
      %dma_wait3A_728 = arith.constant 0 : i32
      %dma_wait3A_729 = arith.constant 0 : i32
      %dma_wait3A_730 = tpu.memref_slice %arg5[%dma_wait3A_728, %dma_wait3A_729] : memref<100000x64xbf16, #tpu.memory_space<hbm>> -> memref<100000x64xbf16, #tpu.memory_space<hbm>>
      tpu.wait_indirect_dma semaphore(%arg22 : memref<!tpu.dma_semaphore, #tpu.memory_space<semaphore_mem>>) src(%dma_wait3A_730 : memref<100000x64xbf16, #tpu.memory_space<hbm>>) dst(%arg17 : memref<128x64xbf16, #tpu.memory_space<vmem>>)
      %dma_wait3A_731 = arith.constant 40 : i32
      %dma_wait3A_732 = arith.constant 0 : i32
      %dma_wait3A_733 = tpu.memref_slice %arg15[%dma_wait3A_731, %dma_wait3A_732] : memref<60x128xi32, #tpu.memory_space<vmem>> -> memref<1x128xi32, #tpu.memory_space<vmem>>
      %dma_wait3A_734 = tpu.memref_squeeze %dma_wait3A_733 : memref<1x128xi32, #tpu.memory_space<vmem>> -> memref<128xi32, #tpu.memory_space<vmem>>
      %dma_wait3A_735 = arith.constant 0 : i32
      %dma_wait3A_736 = arith.constant 0 : i32
      %dma_wait3A_737 = tpu.memref_slice %arg5[%dma_wait3A_735, %dma_wait3A_736] : memref<100000x64xbf16, #tpu.memory_space<hbm>> -> memref<100000x64xbf16, #tpu.memory_space<hbm>>
      tpu.wait_indirect_dma semaphore(%arg22 : memref<!tpu.dma_semaphore, #tpu.memory_space<semaphore_mem>>) src(%dma_wait3A_737 : memref<100000x64xbf16, #tpu.memory_space<hbm>>) dst(%arg18 : memref<128x64xbf16, #tpu.memory_space<vmem>>)
      %dma_wait3A_738 = arith.constant 41 : i32
      %dma_wait3A_739 = arith.constant 0 : i32
      %dma_wait3A_740 = tpu.memref_slice %arg15[%dma_wait3A_738, %dma_wait3A_739] : memref<60x128xi32, #tpu.memory_space<vmem>> -> memref<1x128xi32, #tpu.memory_space<vmem>>
      %dma_wait3A_741 = tpu.memref_squeeze %dma_wait3A_740 : memref<1x128xi32, #tpu.memory_space<vmem>> -> memref<128xi32, #tpu.memory_space<vmem>>
      %dma_wait3A_742 = arith.constant 0 : i32
      %dma_wait3A_743 = arith.constant 0 : i32
      %dma_wait3A_744 = tpu.memref_slice %arg5[%dma_wait3A_742, %dma_wait3A_743] : memref<100000x64xbf16, #tpu.memory_space<hbm>> -> memref<100000x64xbf16, #tpu.memory_space<hbm>>
      tpu.wait_indirect_dma semaphore(%arg22 : memref<!tpu.dma_semaphore, #tpu.memory_space<semaphore_mem>>) src(%dma_wait3A_744 : memref<100000x64xbf16, #tpu.memory_space<hbm>>) dst(%arg18 : memref<128x64xbf16, #tpu.memory_space<vmem>>)
      %dma_wait3A_745 = arith.constant 42 : i32
      %dma_wait3A_746 = arith.constant 0 : i32
      %dma_wait3A_747 = tpu.memref_slice %arg15[%dma_wait3A_745, %dma_wait3A_746] : memref<60x128xi32, #tpu.memory_space<vmem>> -> memref<1x128xi32, #tpu.memory_space<vmem>>
      %dma_wait3A_748 = tpu.memref_squeeze %dma_wait3A_747 : memref<1x128xi32, #tpu.memory_space<vmem>> -> memref<128xi32, #tpu.memory_space<vmem>>
      %dma_wait3A_749 = arith.constant 0 : i32
      %dma_wait3A_750 = arith.constant 0 : i32
      %dma_wait3A_751 = tpu.memref_slice %arg5[%dma_wait3A_749, %dma_wait3A_750] : memref<100000x64xbf16, #tpu.memory_space<hbm>> -> memref<100000x64xbf16, #tpu.memory_space<hbm>>
      tpu.wait_indirect_dma semaphore(%arg22 : memref<!tpu.dma_semaphore, #tpu.memory_space<semaphore_mem>>) src(%dma_wait3A_751 : memref<100000x64xbf16, #tpu.memory_space<hbm>>) dst(%arg18 : memref<128x64xbf16, #tpu.memory_space<vmem>>)
      %dma_wait3A_752 = arith.constant 43 : i32
      %dma_wait3A_753 = arith.constant 0 : i32
      %dma_wait3A_754 = tpu.memref_slice %arg15[%dma_wait3A_752, %dma_wait3A_753] : memref<60x128xi32, #tpu.memory_space<vmem>> -> memref<1x128xi32, #tpu.memory_space<vmem>>
      %dma_wait3A_755 = tpu.memref_squeeze %dma_wait3A_754 : memref<1x128xi32, #tpu.memory_space<vmem>> -> memref<128xi32, #tpu.memory_space<vmem>>
      %dma_wait3A_756 = arith.constant 0 : i32
      %dma_wait3A_757 = arith.constant 0 : i32
      %dma_wait3A_758 = tpu.memref_slice %arg5[%dma_wait3A_756, %dma_wait3A_757] : memref<100000x64xbf16, #tpu.memory_space<hbm>> -> memref<100000x64xbf16, #tpu.memory_space<hbm>>
      tpu.wait_indirect_dma semaphore(%arg22 : memref<!tpu.dma_semaphore, #tpu.memory_space<semaphore_mem>>) src(%dma_wait3A_758 : memref<100000x64xbf16, #tpu.memory_space<hbm>>) dst(%arg18 : memref<128x64xbf16, #tpu.memory_space<vmem>>)
      %dma_wait3A_759 = arith.constant 44 : i32
      %dma_wait3A_760 = arith.constant 0 : i32
      %dma_wait3A_761 = tpu.memref_slice %arg15[%dma_wait3A_759, %dma_wait3A_760] : memref<60x128xi32, #tpu.memory_space<vmem>> -> memref<1x128xi32, #tpu.memory_space<vmem>>
      %dma_wait3A_762 = tpu.memref_squeeze %dma_wait3A_761 : memref<1x128xi32, #tpu.memory_space<vmem>> -> memref<128xi32, #tpu.memory_space<vmem>>
      %dma_wait3A_763 = arith.constant 0 : i32
      %dma_wait3A_764 = arith.constant 0 : i32
      %dma_wait3A_765 = tpu.memref_slice %arg5[%dma_wait3A_763, %dma_wait3A_764] : memref<100000x64xbf16, #tpu.memory_space<hbm>> -> memref<100000x64xbf16, #tpu.memory_space<hbm>>
      tpu.wait_indirect_dma semaphore(%arg22 : memref<!tpu.dma_semaphore, #tpu.memory_space<semaphore_mem>>) src(%dma_wait3A_765 : memref<100000x64xbf16, #tpu.memory_space<hbm>>) dst(%arg18 : memref<128x64xbf16, #tpu.memory_space<vmem>>)
      %dma_wait3A_766 = arith.constant 45 : i32
      %dma_wait3A_767 = arith.constant 0 : i32
      %dma_wait3A_768 = tpu.memref_slice %arg15[%dma_wait3A_766, %dma_wait3A_767] : memref<60x128xi32, #tpu.memory_space<vmem>> -> memref<1x128xi32, #tpu.memory_space<vmem>>
      %dma_wait3A_769 = tpu.memref_squeeze %dma_wait3A_768 : memref<1x128xi32, #tpu.memory_space<vmem>> -> memref<128xi32, #tpu.memory_space<vmem>>
      %dma_wait3A_770 = arith.constant 0 : i32
      %dma_wait3A_771 = arith.constant 0 : i32
      %dma_wait3A_772 = tpu.memref_slice %arg5[%dma_wait3A_770, %dma_wait3A_771] : memref<100000x64xbf16, #tpu.memory_space<hbm>> -> memref<100000x64xbf16, #tpu.memory_space<hbm>>
      tpu.wait_indirect_dma semaphore(%arg22 : memref<!tpu.dma_semaphore, #tpu.memory_space<semaphore_mem>>) src(%dma_wait3A_772 : memref<100000x64xbf16, #tpu.memory_space<hbm>>) dst(%arg18 : memref<128x64xbf16, #tpu.memory_space<vmem>>)
      %dma_wait3A_773 = arith.constant 46 : i32
      %dma_wait3A_774 = arith.constant 0 : i32
      %dma_wait3A_775 = tpu.memref_slice %arg15[%dma_wait3A_773, %dma_wait3A_774] : memref<60x128xi32, #tpu.memory_space<vmem>> -> memref<1x128xi32, #tpu.memory_space<vmem>>
      %dma_wait3A_776 = tpu.memref_squeeze %dma_wait3A_775 : memref<1x128xi32, #tpu.memory_space<vmem>> -> memref<128xi32, #tpu.memory_space<vmem>>
      %dma_wait3A_777 = arith.constant 0 : i32
      %dma_wait3A_778 = arith.constant 0 : i32
      %dma_wait3A_779 = tpu.memref_slice %arg5[%dma_wait3A_777, %dma_wait3A_778] : memref<100000x64xbf16, #tpu.memory_space<hbm>> -> memref<100000x64xbf16, #tpu.memory_space<hbm>>
      tpu.wait_indirect_dma semaphore(%arg22 : memref<!tpu.dma_semaphore, #tpu.memory_space<semaphore_mem>>) src(%dma_wait3A_779 : memref<100000x64xbf16, #tpu.memory_space<hbm>>) dst(%arg18 : memref<128x64xbf16, #tpu.memory_space<vmem>>)
      %dma_wait3A_780 = arith.constant 47 : i32
      %dma_wait3A_781 = arith.constant 0 : i32
      %dma_wait3A_782 = tpu.memref_slice %arg15[%dma_wait3A_780, %dma_wait3A_781] : memref<60x128xi32, #tpu.memory_space<vmem>> -> memref<1x128xi32, #tpu.memory_space<vmem>>
      %dma_wait3A_783 = tpu.memref_squeeze %dma_wait3A_782 : memref<1x128xi32, #tpu.memory_space<vmem>> -> memref<128xi32, #tpu.memory_space<vmem>>
      %dma_wait3A_784 = arith.constant 0 : i32
      %dma_wait3A_785 = arith.constant 0 : i32
      %dma_wait3A_786 = tpu.memref_slice %arg5[%dma_wait3A_784, %dma_wait3A_785] : memref<100000x64xbf16, #tpu.memory_space<hbm>> -> memref<100000x64xbf16, #tpu.memory_space<hbm>>
      tpu.wait_indirect_dma semaphore(%arg22 : memref<!tpu.dma_semaphore, #tpu.memory_space<semaphore_mem>>) src(%dma_wait3A_786 : memref<100000x64xbf16, #tpu.memory_space<hbm>>) dst(%arg18 : memref<128x64xbf16, #tpu.memory_space<vmem>>)
      %dma_wait3A_787 = arith.constant 48 : i32
      %dma_wait3A_788 = arith.constant 0 : i32
      %dma_wait3A_789 = tpu.memref_slice %arg15[%dma_wait3A_787, %dma_wait3A_788] : memref<60x128xi32, #tpu.memory_space<vmem>> -> memref<1x128xi32, #tpu.memory_space<vmem>>
      %dma_wait3A_790 = tpu.memref_squeeze %dma_wait3A_789 : memref<1x128xi32, #tpu.memory_space<vmem>> -> memref<128xi32, #tpu.memory_space<vmem>>
      %dma_wait3A_791 = arith.constant 0 : i32
      %dma_wait3A_792 = arith.constant 0 : i32
      %dma_wait3A_793 = tpu.memref_slice %arg5[%dma_wait3A_791, %dma_wait3A_792] : memref<100000x64xbf16, #tpu.memory_space<hbm>> -> memref<100000x64xbf16, #tpu.memory_space<hbm>>
      tpu.wait_indirect_dma semaphore(%arg22 : memref<!tpu.dma_semaphore, #tpu.memory_space<semaphore_mem>>) src(%dma_wait3A_793 : memref<100000x64xbf16, #tpu.memory_space<hbm>>) dst(%arg18 : memref<128x64xbf16, #tpu.memory_space<vmem>>)
      %dma_wait3A_794 = arith.constant 49 : i32
      %dma_wait3A_795 = arith.constant 0 : i32
      %dma_wait3A_796 = tpu.memref_slice %arg15[%dma_wait3A_794, %dma_wait3A_795] : memref<60x128xi32, #tpu.memory_space<vmem>> -> memref<1x128xi32, #tpu.memory_space<vmem>>
      %dma_wait3A_797 = tpu.memref_squeeze %dma_wait3A_796 : memref<1x128xi32, #tpu.memory_space<vmem>> -> memref<128xi32, #tpu.memory_space<vmem>>
      %dma_wait3A_798 = arith.constant 0 : i32
      %dma_wait3A_799 = arith.constant 0 : i32
      %dma_wait3A_800 = tpu.memref_slice %arg5[%dma_wait3A_798, %dma_wait3A_799] : memref<100000x64xbf16, #tpu.memory_space<hbm>> -> memref<100000x64xbf16, #tpu.memory_space<hbm>>
      tpu.wait_indirect_dma semaphore(%arg22 : memref<!tpu.dma_semaphore, #tpu.memory_space<semaphore_mem>>) src(%dma_wait3A_800 : memref<100000x64xbf16, #tpu.memory_space<hbm>>) dst(%arg18 : memref<128x64xbf16, #tpu.memory_space<vmem>>)
      %dma_wait3A_801 = arith.constant 50 : i32
      %dma_wait3A_802 = arith.constant 0 : i32
      %dma_wait3A_803 = tpu.memref_slice %arg15[%dma_wait3A_801, %dma_wait3A_802] : memref<60x128xi32, #tpu.memory_space<vmem>> -> memref<1x128xi32, #tpu.memory_space<vmem>>
      %dma_wait3A_804 = tpu.memref_squeeze %dma_wait3A_803 : memref<1x128xi32, #tpu.memory_space<vmem>> -> memref<128xi32, #tpu.memory_space<vmem>>
      %dma_wait3A_805 = arith.constant 0 : i32
      %dma_wait3A_806 = arith.constant 0 : i32
      %dma_wait3A_807 = tpu.memref_slice %arg5[%dma_wait3A_805, %dma_wait3A_806] : memref<100000x64xbf16, #tpu.memory_space<hbm>> -> memref<100000x64xbf16, #tpu.memory_space<hbm>>
      tpu.wait_indirect_dma semaphore(%arg22 : memref<!tpu.dma_semaphore, #tpu.memory_space<semaphore_mem>>) src(%dma_wait3A_807 : memref<100000x64xbf16, #tpu.memory_space<hbm>>) dst(%arg18 : memref<128x64xbf16, #tpu.memory_space<vmem>>)
      %dma_wait3A_808 = arith.constant 51 : i32
      %dma_wait3A_809 = arith.constant 0 : i32
      %dma_wait3A_810 = tpu.memref_slice %arg15[%dma_wait3A_808, %dma_wait3A_809] : memref<60x128xi32, #tpu.memory_space<vmem>> -> memref<1x128xi32, #tpu.memory_space<vmem>>
      %dma_wait3A_811 = tpu.memref_squeeze %dma_wait3A_810 : memref<1x128xi32, #tpu.memory_space<vmem>> -> memref<128xi32, #tpu.memory_space<vmem>>
      %dma_wait3A_812 = arith.constant 0 : i32
      %dma_wait3A_813 = arith.constant 0 : i32
      %dma_wait3A_814 = tpu.memref_slice %arg5[%dma_wait3A_812, %dma_wait3A_813] : memref<100000x64xbf16, #tpu.memory_space<hbm>> -> memref<100000x64xbf16, #tpu.memory_space<hbm>>
      tpu.wait_indirect_dma semaphore(%arg22 : memref<!tpu.dma_semaphore, #tpu.memory_space<semaphore_mem>>) src(%dma_wait3A_814 : memref<100000x64xbf16, #tpu.memory_space<hbm>>) dst(%arg18 : memref<128x64xbf16, #tpu.memory_space<vmem>>)
      %dma_wait3A_815 = arith.constant 52 : i32
      %dma_wait3A_816 = arith.constant 0 : i32
      %dma_wait3A_817 = tpu.memref_slice %arg15[%dma_wait3A_815, %dma_wait3A_816] : memref<60x128xi32, #tpu.memory_space<vmem>> -> memref<1x128xi32, #tpu.memory_space<vmem>>
      %dma_wait3A_818 = tpu.memref_squeeze %dma_wait3A_817 : memref<1x128xi32, #tpu.memory_space<vmem>> -> memref<128xi32, #tpu.memory_space<vmem>>
      %dma_wait3A_819 = arith.constant 0 : i32
      %dma_wait3A_820 = arith.constant 0 : i32
      %dma_wait3A_821 = tpu.memref_slice %arg5[%dma_wait3A_819, %dma_wait3A_820] : memref<100000x64xbf16, #tpu.memory_space<hbm>> -> memref<100000x64xbf16, #tpu.memory_space<hbm>>
      tpu.wait_indirect_dma semaphore(%arg22 : memref<!tpu.dma_semaphore, #tpu.memory_space<semaphore_mem>>) src(%dma_wait3A_821 : memref<100000x64xbf16, #tpu.memory_space<hbm>>) dst(%arg18 : memref<128x64xbf16, #tpu.memory_space<vmem>>)
      %dma_wait3A_822 = arith.constant 53 : i32
      %dma_wait3A_823 = arith.constant 0 : i32
      %dma_wait3A_824 = tpu.memref_slice %arg15[%dma_wait3A_822, %dma_wait3A_823] : memref<60x128xi32, #tpu.memory_space<vmem>> -> memref<1x128xi32, #tpu.memory_space<vmem>>
      %dma_wait3A_825 = tpu.memref_squeeze %dma_wait3A_824 : memref<1x128xi32, #tpu.memory_space<vmem>> -> memref<128xi32, #tpu.memory_space<vmem>>
      %dma_wait3A_826 = arith.constant 0 : i32
      %dma_wait3A_827 = arith.constant 0 : i32
      %dma_wait3A_828 = tpu.memref_slice %arg5[%dma_wait3A_826, %dma_wait3A_827] : memref<100000x64xbf16, #tpu.memory_space<hbm>> -> memref<100000x64xbf16, #tpu.memory_space<hbm>>
      tpu.wait_indirect_dma semaphore(%arg22 : memref<!tpu.dma_semaphore, #tpu.memory_space<semaphore_mem>>) src(%dma_wait3A_828 : memref<100000x64xbf16, #tpu.memory_space<hbm>>) dst(%arg18 : memref<128x64xbf16, #tpu.memory_space<vmem>>)
      %dma_wait3A_829 = arith.constant 54 : i32
      %dma_wait3A_830 = arith.constant 0 : i32
      %dma_wait3A_831 = tpu.memref_slice %arg15[%dma_wait3A_829, %dma_wait3A_830] : memref<60x128xi32, #tpu.memory_space<vmem>> -> memref<1x128xi32, #tpu.memory_space<vmem>>
      %dma_wait3A_832 = tpu.memref_squeeze %dma_wait3A_831 : memref<1x128xi32, #tpu.memory_space<vmem>> -> memref<128xi32, #tpu.memory_space<vmem>>
      %dma_wait3A_833 = arith.constant 0 : i32
      %dma_wait3A_834 = arith.constant 0 : i32
      %dma_wait3A_835 = tpu.memref_slice %arg5[%dma_wait3A_833, %dma_wait3A_834] : memref<100000x64xbf16, #tpu.memory_space<hbm>> -> memref<100000x64xbf16, #tpu.memory_space<hbm>>
      tpu.wait_indirect_dma semaphore(%arg22 : memref<!tpu.dma_semaphore, #tpu.memory_space<semaphore_mem>>) src(%dma_wait3A_835 : memref<100000x64xbf16, #tpu.memory_space<hbm>>) dst(%arg18 : memref<128x64xbf16, #tpu.memory_space<vmem>>)
      %dma_wait3A_836 = arith.constant 55 : i32
      %dma_wait3A_837 = arith.constant 0 : i32
      %dma_wait3A_838 = tpu.memref_slice %arg15[%dma_wait3A_836, %dma_wait3A_837] : memref<60x128xi32, #tpu.memory_space<vmem>> -> memref<1x128xi32, #tpu.memory_space<vmem>>
      %dma_wait3A_839 = tpu.memref_squeeze %dma_wait3A_838 : memref<1x128xi32, #tpu.memory_space<vmem>> -> memref<128xi32, #tpu.memory_space<vmem>>
      %dma_wait3A_840 = arith.constant 0 : i32
      %dma_wait3A_841 = arith.constant 0 : i32
      %dma_wait3A_842 = tpu.memref_slice %arg5[%dma_wait3A_840, %dma_wait3A_841] : memref<100000x64xbf16, #tpu.memory_space<hbm>> -> memref<100000x64xbf16, #tpu.memory_space<hbm>>
      tpu.wait_indirect_dma semaphore(%arg22 : memref<!tpu.dma_semaphore, #tpu.memory_space<semaphore_mem>>) src(%dma_wait3A_842 : memref<100000x64xbf16, #tpu.memory_space<hbm>>) dst(%arg18 : memref<128x64xbf16, #tpu.memory_space<vmem>>)
      %dma_wait3A_843 = arith.constant 56 : i32
      %dma_wait3A_844 = arith.constant 0 : i32
      %dma_wait3A_845 = tpu.memref_slice %arg15[%dma_wait3A_843, %dma_wait3A_844] : memref<60x128xi32, #tpu.memory_space<vmem>> -> memref<1x128xi32, #tpu.memory_space<vmem>>
      %dma_wait3A_846 = tpu.memref_squeeze %dma_wait3A_845 : memref<1x128xi32, #tpu.memory_space<vmem>> -> memref<128xi32, #tpu.memory_space<vmem>>
      %dma_wait3A_847 = arith.constant 0 : i32
      %dma_wait3A_848 = arith.constant 0 : i32
      %dma_wait3A_849 = tpu.memref_slice %arg5[%dma_wait3A_847, %dma_wait3A_848] : memref<100000x64xbf16, #tpu.memory_space<hbm>> -> memref<100000x64xbf16, #tpu.memory_space<hbm>>
      tpu.wait_indirect_dma semaphore(%arg22 : memref<!tpu.dma_semaphore, #tpu.memory_space<semaphore_mem>>) src(%dma_wait3A_849 : memref<100000x64xbf16, #tpu.memory_space<hbm>>) dst(%arg18 : memref<128x64xbf16, #tpu.memory_space<vmem>>)
      %dma_wait3A_850 = arith.constant 57 : i32
      %dma_wait3A_851 = arith.constant 0 : i32
      %dma_wait3A_852 = tpu.memref_slice %arg15[%dma_wait3A_850, %dma_wait3A_851] : memref<60x128xi32, #tpu.memory_space<vmem>> -> memref<1x128xi32, #tpu.memory_space<vmem>>
      %dma_wait3A_853 = tpu.memref_squeeze %dma_wait3A_852 : memref<1x128xi32, #tpu.memory_space<vmem>> -> memref<128xi32, #tpu.memory_space<vmem>>
      %dma_wait3A_854 = arith.constant 0 : i32
      %dma_wait3A_855 = arith.constant 0 : i32
      %dma_wait3A_856 = tpu.memref_slice %arg5[%dma_wait3A_854, %dma_wait3A_855] : memref<100000x64xbf16, #tpu.memory_space<hbm>> -> memref<100000x64xbf16, #tpu.memory_space<hbm>>
      tpu.wait_indirect_dma semaphore(%arg22 : memref<!tpu.dma_semaphore, #tpu.memory_space<semaphore_mem>>) src(%dma_wait3A_856 : memref<100000x64xbf16, #tpu.memory_space<hbm>>) dst(%arg18 : memref<128x64xbf16, #tpu.memory_space<vmem>>)
      %dma_wait3A_857 = arith.constant 58 : i32
      %dma_wait3A_858 = arith.constant 0 : i32
      %dma_wait3A_859 = tpu.memref_slice %arg15[%dma_wait3A_857, %dma_wait3A_858] : memref<60x128xi32, #tpu.memory_space<vmem>> -> memref<1x128xi32, #tpu.memory_space<vmem>>
      %dma_wait3A_860 = tpu.memref_squeeze %dma_wait3A_859 : memref<1x128xi32, #tpu.memory_space<vmem>> -> memref<128xi32, #tpu.memory_space<vmem>>
      %dma_wait3A_861 = arith.constant 0 : i32
      %dma_wait3A_862 = arith.constant 0 : i32
      %dma_wait3A_863 = tpu.memref_slice %arg5[%dma_wait3A_861, %dma_wait3A_862] : memref<100000x64xbf16, #tpu.memory_space<hbm>> -> memref<100000x64xbf16, #tpu.memory_space<hbm>>
      tpu.wait_indirect_dma semaphore(%arg22 : memref<!tpu.dma_semaphore, #tpu.memory_space<semaphore_mem>>) src(%dma_wait3A_863 : memref<100000x64xbf16, #tpu.memory_space<hbm>>) dst(%arg18 : memref<128x64xbf16, #tpu.memory_space<vmem>>)
      %dma_wait3A_864 = arith.constant 59 : i32
      %dma_wait3A_865 = arith.constant 0 : i32
      %dma_wait3A_866 = tpu.memref_slice %arg15[%dma_wait3A_864, %dma_wait3A_865] : memref<60x128xi32, #tpu.memory_space<vmem>> -> memref<1x128xi32, #tpu.memory_space<vmem>>
      %dma_wait3A_867 = tpu.memref_squeeze %dma_wait3A_866 : memref<1x128xi32, #tpu.memory_space<vmem>> -> memref<128xi32, #tpu.memory_space<vmem>>
      %dma_wait3A_868 = arith.constant 0 : i32
      %dma_wait3A_869 = arith.constant 0 : i32
      %dma_wait3A_870 = tpu.memref_slice %arg5[%dma_wait3A_868, %dma_wait3A_869] : memref<100000x64xbf16, #tpu.memory_space<hbm>> -> memref<100000x64xbf16, #tpu.memory_space<hbm>>
      tpu.wait_indirect_dma semaphore(%arg22 : memref<!tpu.dma_semaphore, #tpu.memory_space<semaphore_mem>>) src(%dma_wait3A_870 : memref<100000x64xbf16, #tpu.memory_space<hbm>>) dst(%arg18 : memref<128x64xbf16, #tpu.memory_space<vmem>>)
      %dma_wait3A_871 = arith.constant 0 : i32
      %dma_wait3A_872 = arith.constant 0 : i32
      %dma_wait3A_873 = tpu.memref_slice %arg14[%dma_wait3A_871, %dma_wait3A_872] : memref<3x128xi32, #tpu.memory_space<vmem>> -> memref<1x128xi32, #tpu.memory_space<vmem>>
      %dma_wait3A_874 = tpu.memref_squeeze %dma_wait3A_873 : memref<1x128xi32, #tpu.memory_space<vmem>> -> memref<128xi32, #tpu.memory_space<vmem>>
      %dma_wait3A_875 = arith.constant 0 : i32
      %dma_wait3A_876 = arith.constant 0 : i32
      %dma_wait3A_877 = tpu.memref_slice %arg6[%dma_wait3A_875, %dma_wait3A_876] : memref<62500x16xf32, #tpu.memory_space<hbm>> -> memref<62500x16xf32, #tpu.memory_space<hbm>>
      tpu.wait_indirect_dma semaphore(%arg22 : memref<!tpu.dma_semaphore, #tpu.memory_space<semaphore_mem>>) src(%dma_wait3A_877 : memref<62500x16xf32, #tpu.memory_space<hbm>>) dst(%arg19 : memref<128x16xf32, #tpu.memory_space<vmem>>)
      %dma_wait3A_878 = arith.constant 1 : i32
      %dma_wait3A_879 = arith.constant 0 : i32
      %dma_wait3A_880 = tpu.memref_slice %arg14[%dma_wait3A_878, %dma_wait3A_879] : memref<3x128xi32, #tpu.memory_space<vmem>> -> memref<1x128xi32, #tpu.memory_space<vmem>>
      %dma_wait3A_881 = tpu.memref_squeeze %dma_wait3A_880 : memref<1x128xi32, #tpu.memory_space<vmem>> -> memref<128xi32, #tpu.memory_space<vmem>>
      %dma_wait3A_882 = arith.constant 0 : i32
      %dma_wait3A_883 = arith.constant 0 : i32
      %dma_wait3A_884 = tpu.memref_slice %arg6[%dma_wait3A_882, %dma_wait3A_883] : memref<62500x16xf32, #tpu.memory_space<hbm>> -> memref<62500x16xf32, #tpu.memory_space<hbm>>
      tpu.wait_indirect_dma semaphore(%arg22 : memref<!tpu.dma_semaphore, #tpu.memory_space<semaphore_mem>>) src(%dma_wait3A_884 : memref<62500x16xf32, #tpu.memory_space<hbm>>) dst(%arg20 : memref<128x16xf32, #tpu.memory_space<vmem>>)
      %dma_wait3A_885 = arith.constant 2 : i32
      %dma_wait3A_886 = arith.constant 0 : i32
      %dma_wait3A_887 = tpu.memref_slice %arg14[%dma_wait3A_885, %dma_wait3A_886] : memref<3x128xi32, #tpu.memory_space<vmem>> -> memref<1x128xi32, #tpu.memory_space<vmem>>
      %dma_wait3A_888 = tpu.memref_squeeze %dma_wait3A_887 : memref<1x128xi32, #tpu.memory_space<vmem>> -> memref<128xi32, #tpu.memory_space<vmem>>
      %dma_wait3A_889 = arith.constant 0 : i32
      %dma_wait3A_890 = arith.constant 0 : i32
      %dma_wait3A_891 = tpu.memref_slice %arg7[%dma_wait3A_889, %dma_wait3A_890] : memref<63x16xf32, #tpu.memory_space<hbm>> -> memref<63x16xf32, #tpu.memory_space<hbm>>
      tpu.wait_indirect_dma semaphore(%arg22 : memref<!tpu.dma_semaphore, #tpu.memory_space<semaphore_mem>>) src(%dma_wait3A_891 : memref<63x16xf32, #tpu.memory_space<hbm>>) dst(%arg21 : memref<128x16xf32, #tpu.memory_space<vmem>>)
      "tpu.region"() ({
        %run_scoped3A = tpu.sem_alloc : memref<!tpu.dma_semaphore, #tpu.memory_space<semaphore_mem>>
        %dma_start3A_892 = arith.constant 0 : i32
        %dma_start3A_893 = tpu.memref_slice %arg8[%add3A_11, %dma_start3A_892] : memref<16384x64xbf16, #tpu.memory_space<hbm>> -> memref<128x64xbf16, #tpu.memory_space<hbm>>
        %dma_start3A_894 = arith.constant 0 : i32
        %dma_start3A_895 = tpu.memref_slice %arg8[%add3A_11, %dma_start3A_894] : memref<16384x64xbf16, #tpu.memory_space<hbm>> -> memref<128x64xbf16, #tpu.memory_space<hbm>>
        tpu.enqueue_dma source(%arg16 : memref<128x64xbf16, #tpu.memory_space<vmem>>) target(%dma_start3A_895 : memref<128x64xbf16, #tpu.memory_space<hbm>>) target_semaphore(%run_scoped3A : memref<!tpu.dma_semaphore, #tpu.memory_space<semaphore_mem>>)
        %dma_wait3A_896 = arith.constant 0 : i32
        %dma_wait3A_897 = tpu.memref_slice %arg8[%add3A_11, %dma_wait3A_896] : memref<16384x64xbf16, #tpu.memory_space<hbm>> -> memref<128x64xbf16, #tpu.memory_space<hbm>>
        %dma_wait3A_898 = arith.constant 0 : i32
        %dma_wait3A_899 = tpu.memref_slice %arg8[%add3A_11, %dma_wait3A_898] : memref<16384x64xbf16, #tpu.memory_space<hbm>> -> memref<128x64xbf16, #tpu.memory_space<hbm>>
        tpu.wait_dma2 semaphore(%run_scoped3A : memref<!tpu.dma_semaphore, #tpu.memory_space<semaphore_mem>>) src(%arg16 : memref<128x64xbf16, #tpu.memory_space<vmem>>) dst(%dma_wait3A_899 : memref<128x64xbf16, #tpu.memory_space<hbm>>)
        tpu.yield
      }) : () -> ()
      "tpu.region"() ({
        %run_scoped3A = tpu.sem_alloc : memref<!tpu.dma_semaphore, #tpu.memory_space<semaphore_mem>>
        %dma_start3A_892 = arith.constant 0 : i32
        %dma_start3A_893 = tpu.memref_slice %arg9[%add3A_11, %dma_start3A_892] : memref<16384x64xbf16, #tpu.memory_space<hbm>> -> memref<128x64xbf16, #tpu.memory_space<hbm>>
        %dma_start3A_894 = arith.constant 0 : i32
        %dma_start3A_895 = tpu.memref_slice %arg9[%add3A_11, %dma_start3A_894] : memref<16384x64xbf16, #tpu.memory_space<hbm>> -> memref<128x64xbf16, #tpu.memory_space<hbm>>
        tpu.enqueue_dma source(%arg17 : memref<128x64xbf16, #tpu.memory_space<vmem>>) target(%dma_start3A_895 : memref<128x64xbf16, #tpu.memory_space<hbm>>) target_semaphore(%run_scoped3A : memref<!tpu.dma_semaphore, #tpu.memory_space<semaphore_mem>>)
        %dma_wait3A_896 = arith.constant 0 : i32
        %dma_wait3A_897 = tpu.memref_slice %arg9[%add3A_11, %dma_wait3A_896] : memref<16384x64xbf16, #tpu.memory_space<hbm>> -> memref<128x64xbf16, #tpu.memory_space<hbm>>
        %dma_wait3A_898 = arith.constant 0 : i32
        %dma_wait3A_899 = tpu.memref_slice %arg9[%add3A_11, %dma_wait3A_898] : memref<16384x64xbf16, #tpu.memory_space<hbm>> -> memref<128x64xbf16, #tpu.memory_space<hbm>>
        tpu.wait_dma2 semaphore(%run_scoped3A : memref<!tpu.dma_semaphore, #tpu.memory_space<semaphore_mem>>) src(%arg17 : memref<128x64xbf16, #tpu.memory_space<vmem>>) dst(%dma_wait3A_899 : memref<128x64xbf16, #tpu.memory_space<hbm>>)
        tpu.yield
      }) : () -> ()
      "tpu.region"() ({
        %run_scoped3A = tpu.sem_alloc : memref<!tpu.dma_semaphore, #tpu.memory_space<semaphore_mem>>
        %dma_start3A_892 = arith.constant 0 : i32
        %dma_start3A_893 = tpu.memref_slice %arg10[%add3A_11, %dma_start3A_892] : memref<16384x64xbf16, #tpu.memory_space<hbm>> -> memref<128x64xbf16, #tpu.memory_space<hbm>>
        %dma_start3A_894 = arith.constant 0 : i32
        %dma_start3A_895 = tpu.memref_slice %arg10[%add3A_11, %dma_start3A_894] : memref<16384x64xbf16, #tpu.memory_space<hbm>> -> memref<128x64xbf16, #tpu.memory_space<hbm>>
        tpu.enqueue_dma source(%arg18 : memref<128x64xbf16, #tpu.memory_space<vmem>>) target(%dma_start3A_895 : memref<128x64xbf16, #tpu.memory_space<hbm>>) target_semaphore(%run_scoped3A : memref<!tpu.dma_semaphore, #tpu.memory_space<semaphore_mem>>)
        %dma_wait3A_896 = arith.constant 0 : i32
        %dma_wait3A_897 = tpu.memref_slice %arg10[%add3A_11, %dma_wait3A_896] : memref<16384x64xbf16, #tpu.memory_space<hbm>> -> memref<128x64xbf16, #tpu.memory_space<hbm>>
        %dma_wait3A_898 = arith.constant 0 : i32
        %dma_wait3A_899 = tpu.memref_slice %arg10[%add3A_11, %dma_wait3A_898] : memref<16384x64xbf16, #tpu.memory_space<hbm>> -> memref<128x64xbf16, #tpu.memory_space<hbm>>
        tpu.wait_dma2 semaphore(%run_scoped3A : memref<!tpu.dma_semaphore, #tpu.memory_space<semaphore_mem>>) src(%arg18 : memref<128x64xbf16, #tpu.memory_space<vmem>>) dst(%dma_wait3A_899 : memref<128x64xbf16, #tpu.memory_space<hbm>>)
        tpu.yield
      }) : () -> ()
      "tpu.region"() ({
        %run_scoped3A = tpu.sem_alloc : memref<!tpu.dma_semaphore, #tpu.memory_space<semaphore_mem>>
        %dma_start3A_892 = arith.constant 0 : i32
        %dma_start3A_893 = tpu.memref_slice %arg11[%add3A_11, %dma_start3A_892] : memref<16384x16xf32, #tpu.memory_space<hbm>> -> memref<128x16xf32, #tpu.memory_space<hbm>>
        %dma_start3A_894 = arith.constant 0 : i32
        %dma_start3A_895 = tpu.memref_slice %arg11[%add3A_11, %dma_start3A_894] : memref<16384x16xf32, #tpu.memory_space<hbm>> -> memref<128x16xf32, #tpu.memory_space<hbm>>
        tpu.enqueue_dma source(%arg19 : memref<128x16xf32, #tpu.memory_space<vmem>>) target(%dma_start3A_895 : memref<128x16xf32, #tpu.memory_space<hbm>>) target_semaphore(%run_scoped3A : memref<!tpu.dma_semaphore, #tpu.memory_space<semaphore_mem>>)
        %dma_wait3A_896 = arith.constant 0 : i32
        %dma_wait3A_897 = tpu.memref_slice %arg11[%add3A_11, %dma_wait3A_896] : memref<16384x16xf32, #tpu.memory_space<hbm>> -> memref<128x16xf32, #tpu.memory_space<hbm>>
        %dma_wait3A_898 = arith.constant 0 : i32
        %dma_wait3A_899 = tpu.memref_slice %arg11[%add3A_11, %dma_wait3A_898] : memref<16384x16xf32, #tpu.memory_space<hbm>> -> memref<128x16xf32, #tpu.memory_space<hbm>>
        tpu.wait_dma2 semaphore(%run_scoped3A : memref<!tpu.dma_semaphore, #tpu.memory_space<semaphore_mem>>) src(%arg19 : memref<128x16xf32, #tpu.memory_space<vmem>>) dst(%dma_wait3A_899 : memref<128x16xf32, #tpu.memory_space<hbm>>)
        tpu.yield
      }) : () -> ()
      "tpu.region"() ({
        %run_scoped3A = tpu.sem_alloc : memref<!tpu.dma_semaphore, #tpu.memory_space<semaphore_mem>>
        %dma_start3A_892 = arith.constant 0 : i32
        %dma_start3A_893 = tpu.memref_slice %arg12[%add3A_11, %dma_start3A_892] : memref<16384x16xf32, #tpu.memory_space<hbm>> -> memref<128x16xf32, #tpu.memory_space<hbm>>
        %dma_start3A_894 = arith.constant 0 : i32
        %dma_start3A_895 = tpu.memref_slice %arg12[%add3A_11, %dma_start3A_894] : memref<16384x16xf32, #tpu.memory_space<hbm>> -> memref<128x16xf32, #tpu.memory_space<hbm>>
        tpu.enqueue_dma source(%arg20 : memref<128x16xf32, #tpu.memory_space<vmem>>) target(%dma_start3A_895 : memref<128x16xf32, #tpu.memory_space<hbm>>) target_semaphore(%run_scoped3A : memref<!tpu.dma_semaphore, #tpu.memory_space<semaphore_mem>>)
        %dma_wait3A_896 = arith.constant 0 : i32
        %dma_wait3A_897 = tpu.memref_slice %arg12[%add3A_11, %dma_wait3A_896] : memref<16384x16xf32, #tpu.memory_space<hbm>> -> memref<128x16xf32, #tpu.memory_space<hbm>>
        %dma_wait3A_898 = arith.constant 0 : i32
        %dma_wait3A_899 = tpu.memref_slice %arg12[%add3A_11, %dma_wait3A_898] : memref<16384x16xf32, #tpu.memory_space<hbm>> -> memref<128x16xf32, #tpu.memory_space<hbm>>
        tpu.wait_dma2 semaphore(%run_scoped3A : memref<!tpu.dma_semaphore, #tpu.memory_space<semaphore_mem>>) src(%arg20 : memref<128x16xf32, #tpu.memory_space<vmem>>) dst(%dma_wait3A_899 : memref<128x16xf32, #tpu.memory_space<hbm>>)
        tpu.yield
      }) : () -> ()
      "tpu.region"() ({
        %run_scoped3A = tpu.sem_alloc : memref<!tpu.dma_semaphore, #tpu.memory_space<semaphore_mem>>
        %dma_start3A_892 = arith.constant 0 : i32
        %dma_start3A_893 = tpu.memref_slice %arg13[%add3A_11, %dma_start3A_892] : memref<16384x16xf32, #tpu.memory_space<hbm>> -> memref<128x16xf32, #tpu.memory_space<hbm>>
        %dma_start3A_894 = arith.constant 0 : i32
        %dma_start3A_895 = tpu.memref_slice %arg13[%add3A_11, %dma_start3A_894] : memref<16384x16xf32, #tpu.memory_space<hbm>> -> memref<128x16xf32, #tpu.memory_space<hbm>>
        tpu.enqueue_dma source(%arg21 : memref<128x16xf32, #tpu.memory_space<vmem>>) target(%dma_start3A_895 : memref<128x16xf32, #tpu.memory_space<hbm>>) target_semaphore(%run_scoped3A : memref<!tpu.dma_semaphore, #tpu.memory_space<semaphore_mem>>)
        %dma_wait3A_896 = arith.constant 0 : i32
        %dma_wait3A_897 = tpu.memref_slice %arg13[%add3A_11, %dma_wait3A_896] : memref<16384x16xf32, #tpu.memory_space<hbm>> -> memref<128x16xf32, #tpu.memory_space<hbm>>
        %dma_wait3A_898 = arith.constant 0 : i32
        %dma_wait3A_899 = tpu.memref_slice %arg13[%add3A_11, %dma_wait3A_898] : memref<16384x16xf32, #tpu.memory_space<hbm>> -> memref<128x16xf32, #tpu.memory_space<hbm>>
        tpu.wait_dma2 semaphore(%run_scoped3A : memref<!tpu.dma_semaphore, #tpu.memory_space<semaphore_mem>>) src(%arg21 : memref<128x16xf32, #tpu.memory_space<vmem>>) dst(%dma_wait3A_899 : memref<128x16xf32, #tpu.memory_space<hbm>>)
        tpu.yield
      }) : () -> ()
    }
    %scan3A_7 = arith.constant 4 : i32
    return
  }
}

#map = affine_map<(d0, d1) -> (0, 0)>
module attributes {stable_mosaic.version = 14 : i64} {
  func.func @k(%arg0: i32, %arg1: i32, %arg2: memref<3x16384xi32, #tpu.memory_space<hbm>>, %arg3: memref<1000000x60xf32, #tpu.memory_space<hbm>>, %arg4: memref<1000x60xf32, #tpu.memory_space<hbm>>, %arg5: memref<1000x60xf32, #tpu.memory_space<hbm>>, %arg6: memref<16384x60xf32, #tpu.memory_space<hbm>>, %arg7: memref<16384x60xf32, #tpu.memory_space<hbm>>, %arg8: memref<16384x60xf32, #tpu.memory_space<hbm>>, %arg9: memref<16384x60xf32, #tpu.memory_space<hbm>>, %arg10: memref<3x128xi32, #tpu.memory_space<vmem>>, %arg11: memref<128x60xf32, #tpu.memory_space<vmem>>, %arg12: memref<128x60xf32, #tpu.memory_space<vmem>>, %arg13: memref<128x60xf32, #tpu.memory_space<vmem>>, %arg14: memref<128x60xf32, #tpu.memory_space<vmem>>, %arg15: memref<!tpu.dma_semaphore, #tpu.memory_space<semaphore_mem>>) attributes {dimension_semantics = [#tpu.dimension_semantics<core_parallel>, #tpu.dimension_semantics<subcore_parallel>], iteration_bounds = array<i64: 2, 16>, scalar_prefetch = 0 : i64, scratch_operands = 6 : i64, tpu.core_type = #tpu.core_type<sc_vector_subcore>, window_params = [{transform_indices = #map}, {transform_indices = #map}, {transform_indices = #map}, {transform_indices = #map}, {transform_indices = #map}, {transform_indices = #map}, {transform_indices = #map}, {transform_indices = #map}]} {
    %mul3A = arith.constant 2 : i32
    %mul3A_0 = arith.muli %arg1, %mul3A : i32
    %add3A = arith.addi %mul3A_0, %arg0 : i32
    %mul3A_1 = arith.constant 512 : i32
    %mul3A_2 = arith.muli %add3A, %mul3A_1 : i32
    %scan3A = arith.constant 0 : i32
    %scan3A_3 = arith.constant 0 : i32
    %scan3A_4 = arith.constant 4 : i32
    %scan3A_5 = arith.addi %scan3A_3, %scan3A_4 : i32
    %scan3A_6 = arith.constant 1 : i32
    scf.for %scan3A_8 = %scan3A_3 to %scan3A_5 step %scan3A_6  : i32 {
      %mul3A_9 = arith.constant 128 : i32
      %mul3A_10 = arith.muli %scan3A_8, %mul3A_9 : i32
      %add3A_11 = arith.addi %mul3A_2, %mul3A_10 : i32
      "tpu.region"() ({
        %run_scoped3A = tpu.sem_alloc : memref<!tpu.dma_semaphore, #tpu.memory_space<semaphore_mem>>
        %dma_start3A = arith.constant 0 : i32
        %dma_start3A_18 = tpu.memref_slice %arg2[%dma_start3A, %add3A_11] : memref<3x16384xi32, #tpu.memory_space<hbm>> -> memref<3x128xi32, #tpu.memory_space<hbm>>
        %dma_start3A_19 = arith.constant 0 : i32
        %dma_start3A_20 = tpu.memref_slice %arg2[%dma_start3A_19, %add3A_11] : memref<3x16384xi32, #tpu.memory_space<hbm>> -> memref<3x128xi32, #tpu.memory_space<hbm>>
        tpu.enqueue_dma source(%dma_start3A_20 : memref<3x128xi32, #tpu.memory_space<hbm>>) target(%arg10 : memref<3x128xi32, #tpu.memory_space<vmem>>) target_semaphore(%run_scoped3A : memref<!tpu.dma_semaphore, #tpu.memory_space<semaphore_mem>>)
        %dma_wait3A = arith.constant 0 : i32
        %dma_wait3A_21 = tpu.memref_slice %arg2[%dma_wait3A, %add3A_11] : memref<3x16384xi32, #tpu.memory_space<hbm>> -> memref<3x128xi32, #tpu.memory_space<hbm>>
        %dma_wait3A_22 = arith.constant 0 : i32
        %dma_wait3A_23 = tpu.memref_slice %arg2[%dma_wait3A_22, %add3A_11] : memref<3x16384xi32, #tpu.memory_space<hbm>> -> memref<3x128xi32, #tpu.memory_space<hbm>>
        tpu.wait_dma2 semaphore(%run_scoped3A : memref<!tpu.dma_semaphore, #tpu.memory_space<semaphore_mem>>) src(%dma_wait3A_23 : memref<3x128xi32, #tpu.memory_space<hbm>>) dst(%arg10 : memref<3x128xi32, #tpu.memory_space<vmem>>)
        tpu.yield
      }) : () -> ()
      %scan3A_12 = arith.constant 0 : i32
      %scan3A_13 = arith.constant 0 : i32
      %scan3A_14 = arith.constant 8 : i32
      %scan3A_15 = arith.addi %scan3A_13, %scan3A_14 : i32
      %scan3A_16 = arith.constant 1 : i32
      scf.for %scan3A_18 = %scan3A_13 to %scan3A_15 step %scan3A_16  : i32 {
        %mul3A_19 = arith.constant 16 : i32
        %mul3A_20 = arith.muli %scan3A_18, %mul3A_19 : i32
        %get3A = arith.constant 0 : i32
        %get3A_21 = arith.index_cast %get3A : i32 to index
        %get3A_22 = arith.index_cast %mul3A_20 : i32 to index
        %get3A_23 = tpu.vector_load %arg10[%get3A_21, %get3A_22] {strides = array<i32>} : memref<3x128xi32, #tpu.memory_space<vmem>>, vector<1x16xi32>,
        %get3A_24 = vector.shape_cast %get3A_23 : vector<1x16xi32> to vector<16xi32>
        %get3A_25 = arith.constant 1 : i32
        %get3A_26 = arith.index_cast %get3A_25 : i32 to index
        %get3A_27 = arith.index_cast %mul3A_20 : i32 to index
        %get3A_28 = tpu.vector_load %arg10[%get3A_26, %get3A_27] {strides = array<i32>} : memref<3x128xi32, #tpu.memory_space<vmem>>, vector<1x16xi32>,
        %get3A_29 = vector.shape_cast %get3A_28 : vector<1x16xi32> to vector<16xi32>
        %get3A_30 = arith.constant 2 : i32
        %get3A_31 = arith.index_cast %get3A_30 : i32 to index
        %get3A_32 = arith.index_cast %mul3A_20 : i32 to index
        %get3A_33 = tpu.vector_load %arg10[%get3A_31, %get3A_32] {strides = array<i32>} : memref<3x128xi32, #tpu.memory_space<vmem>>, vector<1x16xi32>,
        %get3A_34 = vector.shape_cast %get3A_33 : vector<1x16xi32> to vector<16xi32>
        %slice3A = vector.extract_strided_slice %get3A_24 {offsets = [0], sizes = [1], strides = [1]} : vector<16xi32> to vector<1xi32>
        %squeeze3A = vector.extract %slice3A[0] : i32 from vector<1xi32>
        %add3A_35 = arith.constant 0 : i32
        %add3A_36 = arith.addi %mul3A_20, %add3A_35 : i32
        %dma_start3A = arith.constant 0 : i32
        %dma_start3A_37 = tpu.memref_slice %arg11[%add3A_36, %dma_start3A] : memref<128x60xf32, #tpu.memory_space<vmem>> -> memref<1x60xf32, #tpu.memory_space<vmem>>
        %dma_start3A_38 = arith.constant 0 : i32
        %dma_start3A_39 = tpu.memref_slice %arg3[%squeeze3A, %dma_start3A_38] : memref<1000000x60xf32, #tpu.memory_space<hbm>> -> memref<1x60xf32, #tpu.memory_space<hbm>>
        %dma_start3A_40 = arith.constant 0 : i32
        %dma_start3A_41 = tpu.memref_slice %arg11[%add3A_36, %dma_start3A_40] : memref<128x60xf32, #tpu.memory_space<vmem>> -> memref<1x60xf32, #tpu.memory_space<vmem>>
        %dma_start3A_42 = arith.constant 0 : i32
        %dma_start3A_43 = tpu.memref_slice %arg3[%squeeze3A, %dma_start3A_42] : memref<1000000x60xf32, #tpu.memory_space<hbm>> -> memref<1x60xf32, #tpu.memory_space<hbm>>
        tpu.enqueue_dma source(%dma_start3A_43 : memref<1x60xf32, #tpu.memory_space<hbm>>) target(%dma_start3A_41 : memref<1x60xf32, #tpu.memory_space<vmem>>) target_semaphore(%arg15 : memref<!tpu.dma_semaphore, #tpu.memory_space<semaphore_mem>>)
        %slice3A_44 = vector.extract_strided_slice %get3A_29 {offsets = [0], sizes = [1], strides = [1]} : vector<16xi32> to vector<1xi32>
        %squeeze3A_45 = vector.extract %slice3A_44[0] : i32 from vector<1xi32>
        %add3A_46 = arith.constant 0 : i32
        %add3A_47 = arith.addi %mul3A_20, %add3A_46 : i32
        %dma_start3A_48 = arith.constant 0 : i32
        %dma_start3A_49 = tpu.memref_slice %arg12[%add3A_47, %dma_start3A_48] : memref<128x60xf32, #tpu.memory_space<vmem>> -> memref<1x60xf32, #tpu.memory_space<vmem>>
        %dma_start3A_50 = arith.constant 0 : i32
        %dma_start3A_51 = tpu.memref_slice %arg3[%squeeze3A_45, %dma_start3A_50] : memref<1000000x60xf32, #tpu.memory_space<hbm>> -> memref<1x60xf32, #tpu.memory_space<hbm>>
        %dma_start3A_52 = arith.constant 0 : i32
        %dma_start3A_53 = tpu.memref_slice %arg12[%add3A_47, %dma_start3A_52] : memref<128x60xf32, #tpu.memory_space<vmem>> -> memref<1x60xf32, #tpu.memory_space<vmem>>
        %dma_start3A_54 = arith.constant 0 : i32
        %dma_start3A_55 = tpu.memref_slice %arg3[%squeeze3A_45, %dma_start3A_54] : memref<1000000x60xf32, #tpu.memory_space<hbm>> -> memref<1x60xf32, #tpu.memory_space<hbm>>
        tpu.enqueue_dma source(%dma_start3A_55 : memref<1x60xf32, #tpu.memory_space<hbm>>) target(%dma_start3A_53 : memref<1x60xf32, #tpu.memory_space<vmem>>) target_semaphore(%arg15 : memref<!tpu.dma_semaphore, #tpu.memory_space<semaphore_mem>>)
        %slice3A_56 = vector.extract_strided_slice %get3A_34 {offsets = [0], sizes = [1], strides = [1]} : vector<16xi32> to vector<1xi32>
        %squeeze3A_57 = vector.extract %slice3A_56[0] : i32 from vector<1xi32>
        %add3A_58 = arith.constant 0 : i32
        %add3A_59 = arith.addi %mul3A_20, %add3A_58 : i32
        %dma_start3A_60 = arith.constant 0 : i32
        %dma_start3A_61 = tpu.memref_slice %arg13[%add3A_59, %dma_start3A_60] : memref<128x60xf32, #tpu.memory_space<vmem>> -> memref<1x60xf32, #tpu.memory_space<vmem>>
        %dma_start3A_62 = arith.constant 0 : i32
        %dma_start3A_63 = tpu.memref_slice %arg4[%squeeze3A_57, %dma_start3A_62] : memref<1000x60xf32, #tpu.memory_space<hbm>> -> memref<1x60xf32, #tpu.memory_space<hbm>>
        %dma_start3A_64 = arith.constant 0 : i32
        %dma_start3A_65 = tpu.memref_slice %arg13[%add3A_59, %dma_start3A_64] : memref<128x60xf32, #tpu.memory_space<vmem>> -> memref<1x60xf32, #tpu.memory_space<vmem>>
        %dma_start3A_66 = arith.constant 0 : i32
        %dma_start3A_67 = tpu.memref_slice %arg4[%squeeze3A_57, %dma_start3A_66] : memref<1000x60xf32, #tpu.memory_space<hbm>> -> memref<1x60xf32, #tpu.memory_space<hbm>>
        tpu.enqueue_dma source(%dma_start3A_67 : memref<1x60xf32, #tpu.memory_space<hbm>>) target(%dma_start3A_65 : memref<1x60xf32, #tpu.memory_space<vmem>>) target_semaphore(%arg15 : memref<!tpu.dma_semaphore, #tpu.memory_space<semaphore_mem>>)
        %slice3A_68 = vector.extract_strided_slice %get3A_34 {offsets = [0], sizes = [1], strides = [1]} : vector<16xi32> to vector<1xi32>
        %squeeze3A_69 = vector.extract %slice3A_68[0] : i32 from vector<1xi32>
        %add3A_70 = arith.constant 0 : i32
        %add3A_71 = arith.addi %mul3A_20, %add3A_70 : i32
        %dma_start3A_72 = arith.constant 0 : i32
        %dma_start3A_73 = tpu.memref_slice %arg14[%add3A_71, %dma_start3A_72] : memref<128x60xf32, #tpu.memory_space<vmem>> -> memref<1x60xf32, #tpu.memory_space<vmem>>
        %dma_start3A_74 = arith.constant 0 : i32
        %dma_start3A_75 = tpu.memref_slice %arg5[%squeeze3A_69, %dma_start3A_74] : memref<1000x60xf32, #tpu.memory_space<hbm>> -> memref<1x60xf32, #tpu.memory_space<hbm>>
        %dma_start3A_76 = arith.constant 0 : i32
        %dma_start3A_77 = tpu.memref_slice %arg14[%add3A_71, %dma_start3A_76] : memref<128x60xf32, #tpu.memory_space<vmem>> -> memref<1x60xf32, #tpu.memory_space<vmem>>
        %dma_start3A_78 = arith.constant 0 : i32
        %dma_start3A_79 = tpu.memref_slice %arg5[%squeeze3A_69, %dma_start3A_78] : memref<1000x60xf32, #tpu.memory_space<hbm>> -> memref<1x60xf32, #tpu.memory_space<hbm>>
        tpu.enqueue_dma source(%dma_start3A_79 : memref<1x60xf32, #tpu.memory_space<hbm>>) target(%dma_start3A_77 : memref<1x60xf32, #tpu.memory_space<vmem>>) target_semaphore(%arg15 : memref<!tpu.dma_semaphore, #tpu.memory_space<semaphore_mem>>)
        %slice3A_80 = vector.extract_strided_slice %get3A_24 {offsets = [1], sizes = [1], strides = [1]} : vector<16xi32> to vector<1xi32>
        %squeeze3A_81 = vector.extract %slice3A_80[0] : i32 from vector<1xi32>
        %add3A_82 = arith.constant 1 : i32
        %add3A_83 = arith.addi %mul3A_20, %add3A_82 : i32
        %dma_start3A_84 = arith.constant 0 : i32
        %dma_start3A_85 = tpu.memref_slice %arg11[%add3A_83, %dma_start3A_84] : memref<128x60xf32, #tpu.memory_space<vmem>> -> memref<1x60xf32, #tpu.memory_space<vmem>>
        %dma_start3A_86 = arith.constant 0 : i32
        %dma_start3A_87 = tpu.memref_slice %arg3[%squeeze3A_81, %dma_start3A_86] : memref<1000000x60xf32, #tpu.memory_space<hbm>> -> memref<1x60xf32, #tpu.memory_space<hbm>>
        %dma_start3A_88 = arith.constant 0 : i32
        %dma_start3A_89 = tpu.memref_slice %arg11[%add3A_83, %dma_start3A_88] : memref<128x60xf32, #tpu.memory_space<vmem>> -> memref<1x60xf32, #tpu.memory_space<vmem>>
        %dma_start3A_90 = arith.constant 0 : i32
        %dma_start3A_91 = tpu.memref_slice %arg3[%squeeze3A_81, %dma_start3A_90] : memref<1000000x60xf32, #tpu.memory_space<hbm>> -> memref<1x60xf32, #tpu.memory_space<hbm>>
        tpu.enqueue_dma source(%dma_start3A_91 : memref<1x60xf32, #tpu.memory_space<hbm>>) target(%dma_start3A_89 : memref<1x60xf32, #tpu.memory_space<vmem>>) target_semaphore(%arg15 : memref<!tpu.dma_semaphore, #tpu.memory_space<semaphore_mem>>)
        %slice3A_92 = vector.extract_strided_slice %get3A_29 {offsets = [1], sizes = [1], strides = [1]} : vector<16xi32> to vector<1xi32>
        %squeeze3A_93 = vector.extract %slice3A_92[0] : i32 from vector<1xi32>
        %add3A_94 = arith.constant 1 : i32
        %add3A_95 = arith.addi %mul3A_20, %add3A_94 : i32
        %dma_start3A_96 = arith.constant 0 : i32
        %dma_start3A_97 = tpu.memref_slice %arg12[%add3A_95, %dma_start3A_96] : memref<128x60xf32, #tpu.memory_space<vmem>> -> memref<1x60xf32, #tpu.memory_space<vmem>>
        %dma_start3A_98 = arith.constant 0 : i32
        %dma_start3A_99 = tpu.memref_slice %arg3[%squeeze3A_93, %dma_start3A_98] : memref<1000000x60xf32, #tpu.memory_space<hbm>> -> memref<1x60xf32, #tpu.memory_space<hbm>>
        %dma_start3A_100 = arith.constant 0 : i32
        %dma_start3A_101 = tpu.memref_slice %arg12[%add3A_95, %dma_start3A_100] : memref<128x60xf32, #tpu.memory_space<vmem>> -> memref<1x60xf32, #tpu.memory_space<vmem>>
        %dma_start3A_102 = arith.constant 0 : i32
        %dma_start3A_103 = tpu.memref_slice %arg3[%squeeze3A_93, %dma_start3A_102] : memref<1000000x60xf32, #tpu.memory_space<hbm>> -> memref<1x60xf32, #tpu.memory_space<hbm>>
        tpu.enqueue_dma source(%dma_start3A_103 : memref<1x60xf32, #tpu.memory_space<hbm>>) target(%dma_start3A_101 : memref<1x60xf32, #tpu.memory_space<vmem>>) target_semaphore(%arg15 : memref<!tpu.dma_semaphore, #tpu.memory_space<semaphore_mem>>)
        %slice3A_104 = vector.extract_strided_slice %get3A_34 {offsets = [1], sizes = [1], strides = [1]} : vector<16xi32> to vector<1xi32>
        %squeeze3A_105 = vector.extract %slice3A_104[0] : i32 from vector<1xi32>
        %add3A_106 = arith.constant 1 : i32
        %add3A_107 = arith.addi %mul3A_20, %add3A_106 : i32
        %dma_start3A_108 = arith.constant 0 : i32
        %dma_start3A_109 = tpu.memref_slice %arg13[%add3A_107, %dma_start3A_108] : memref<128x60xf32, #tpu.memory_space<vmem>> -> memref<1x60xf32, #tpu.memory_space<vmem>>
        %dma_start3A_110 = arith.constant 0 : i32
        %dma_start3A_111 = tpu.memref_slice %arg4[%squeeze3A_105, %dma_start3A_110] : memref<1000x60xf32, #tpu.memory_space<hbm>> -> memref<1x60xf32, #tpu.memory_space<hbm>>
        %dma_start3A_112 = arith.constant 0 : i32
        %dma_start3A_113 = tpu.memref_slice %arg13[%add3A_107, %dma_start3A_112] : memref<128x60xf32, #tpu.memory_space<vmem>> -> memref<1x60xf32, #tpu.memory_space<vmem>>
        %dma_start3A_114 = arith.constant 0 : i32
        %dma_start3A_115 = tpu.memref_slice %arg4[%squeeze3A_105, %dma_start3A_114] : memref<1000x60xf32, #tpu.memory_space<hbm>> -> memref<1x60xf32, #tpu.memory_space<hbm>>
        tpu.enqueue_dma source(%dma_start3A_115 : memref<1x60xf32, #tpu.memory_space<hbm>>) target(%dma_start3A_113 : memref<1x60xf32, #tpu.memory_space<vmem>>) target_semaphore(%arg15 : memref<!tpu.dma_semaphore, #tpu.memory_space<semaphore_mem>>)
        %slice3A_116 = vector.extract_strided_slice %get3A_34 {offsets = [1], sizes = [1], strides = [1]} : vector<16xi32> to vector<1xi32>
        %squeeze3A_117 = vector.extract %slice3A_116[0] : i32 from vector<1xi32>
        %add3A_118 = arith.constant 1 : i32
        %add3A_119 = arith.addi %mul3A_20, %add3A_118 : i32
        %dma_start3A_120 = arith.constant 0 : i32
        %dma_start3A_121 = tpu.memref_slice %arg14[%add3A_119, %dma_start3A_120] : memref<128x60xf32, #tpu.memory_space<vmem>> -> memref<1x60xf32, #tpu.memory_space<vmem>>
        %dma_start3A_122 = arith.constant 0 : i32
        %dma_start3A_123 = tpu.memref_slice %arg5[%squeeze3A_117, %dma_start3A_122] : memref<1000x60xf32, #tpu.memory_space<hbm>> -> memref<1x60xf32, #tpu.memory_space<hbm>>
        %dma_start3A_124 = arith.constant 0 : i32
        %dma_start3A_125 = tpu.memref_slice %arg14[%add3A_119, %dma_start3A_124] : memref<128x60xf32, #tpu.memory_space<vmem>> -> memref<1x60xf32, #tpu.memory_space<vmem>>
        %dma_start3A_126 = arith.constant 0 : i32
        %dma_start3A_127 = tpu.memref_slice %arg5[%squeeze3A_117, %dma_start3A_126] : memref<1000x60xf32, #tpu.memory_space<hbm>> -> memref<1x60xf32, #tpu.memory_space<hbm>>
        tpu.enqueue_dma source(%dma_start3A_127 : memref<1x60xf32, #tpu.memory_space<hbm>>) target(%dma_start3A_125 : memref<1x60xf32, #tpu.memory_space<vmem>>) target_semaphore(%arg15 : memref<!tpu.dma_semaphore, #tpu.memory_space<semaphore_mem>>)
        %slice3A_128 = vector.extract_strided_slice %get3A_24 {offsets = [2], sizes = [1], strides = [1]} : vector<16xi32> to vector<1xi32>
        %squeeze3A_129 = vector.extract %slice3A_128[0] : i32 from vector<1xi32>
        %add3A_130 = arith.constant 2 : i32
        %add3A_131 = arith.addi %mul3A_20, %add3A_130 : i32
        %dma_start3A_132 = arith.constant 0 : i32
        %dma_start3A_133 = tpu.memref_slice %arg11[%add3A_131, %dma_start3A_132] : memref<128x60xf32, #tpu.memory_space<vmem>> -> memref<1x60xf32, #tpu.memory_space<vmem>>
        %dma_start3A_134 = arith.constant 0 : i32
        %dma_start3A_135 = tpu.memref_slice %arg3[%squeeze3A_129, %dma_start3A_134] : memref<1000000x60xf32, #tpu.memory_space<hbm>> -> memref<1x60xf32, #tpu.memory_space<hbm>>
        %dma_start3A_136 = arith.constant 0 : i32
        %dma_start3A_137 = tpu.memref_slice %arg11[%add3A_131, %dma_start3A_136] : memref<128x60xf32, #tpu.memory_space<vmem>> -> memref<1x60xf32, #tpu.memory_space<vmem>>
        %dma_start3A_138 = arith.constant 0 : i32
        %dma_start3A_139 = tpu.memref_slice %arg3[%squeeze3A_129, %dma_start3A_138] : memref<1000000x60xf32, #tpu.memory_space<hbm>> -> memref<1x60xf32, #tpu.memory_space<hbm>>
        tpu.enqueue_dma source(%dma_start3A_139 : memref<1x60xf32, #tpu.memory_space<hbm>>) target(%dma_start3A_137 : memref<1x60xf32, #tpu.memory_space<vmem>>) target_semaphore(%arg15 : memref<!tpu.dma_semaphore, #tpu.memory_space<semaphore_mem>>)
        %slice3A_140 = vector.extract_strided_slice %get3A_29 {offsets = [2], sizes = [1], strides = [1]} : vector<16xi32> to vector<1xi32>
        %squeeze3A_141 = vector.extract %slice3A_140[0] : i32 from vector<1xi32>
        %add3A_142 = arith.constant 2 : i32
        %add3A_143 = arith.addi %mul3A_20, %add3A_142 : i32
        %dma_start3A_144 = arith.constant 0 : i32
        %dma_start3A_145 = tpu.memref_slice %arg12[%add3A_143, %dma_start3A_144] : memref<128x60xf32, #tpu.memory_space<vmem>> -> memref<1x60xf32, #tpu.memory_space<vmem>>
        %dma_start3A_146 = arith.constant 0 : i32
        %dma_start3A_147 = tpu.memref_slice %arg3[%squeeze3A_141, %dma_start3A_146] : memref<1000000x60xf32, #tpu.memory_space<hbm>> -> memref<1x60xf32, #tpu.memory_space<hbm>>
        %dma_start3A_148 = arith.constant 0 : i32
        %dma_start3A_149 = tpu.memref_slice %arg12[%add3A_143, %dma_start3A_148] : memref<128x60xf32, #tpu.memory_space<vmem>> -> memref<1x60xf32, #tpu.memory_space<vmem>>
        %dma_start3A_150 = arith.constant 0 : i32
        %dma_start3A_151 = tpu.memref_slice %arg3[%squeeze3A_141, %dma_start3A_150] : memref<1000000x60xf32, #tpu.memory_space<hbm>> -> memref<1x60xf32, #tpu.memory_space<hbm>>
        tpu.enqueue_dma source(%dma_start3A_151 : memref<1x60xf32, #tpu.memory_space<hbm>>) target(%dma_start3A_149 : memref<1x60xf32, #tpu.memory_space<vmem>>) target_semaphore(%arg15 : memref<!tpu.dma_semaphore, #tpu.memory_space<semaphore_mem>>)
        %slice3A_152 = vector.extract_strided_slice %get3A_34 {offsets = [2], sizes = [1], strides = [1]} : vector<16xi32> to vector<1xi32>
        %squeeze3A_153 = vector.extract %slice3A_152[0] : i32 from vector<1xi32>
        %add3A_154 = arith.constant 2 : i32
        %add3A_155 = arith.addi %mul3A_20, %add3A_154 : i32
        %dma_start3A_156 = arith.constant 0 : i32
        %dma_start3A_157 = tpu.memref_slice %arg13[%add3A_155, %dma_start3A_156] : memref<128x60xf32, #tpu.memory_space<vmem>> -> memref<1x60xf32, #tpu.memory_space<vmem>>
        %dma_start3A_158 = arith.constant 0 : i32
        %dma_start3A_159 = tpu.memref_slice %arg4[%squeeze3A_153, %dma_start3A_158] : memref<1000x60xf32, #tpu.memory_space<hbm>> -> memref<1x60xf32, #tpu.memory_space<hbm>>
        %dma_start3A_160 = arith.constant 0 : i32
        %dma_start3A_161 = tpu.memref_slice %arg13[%add3A_155, %dma_start3A_160] : memref<128x60xf32, #tpu.memory_space<vmem>> -> memref<1x60xf32, #tpu.memory_space<vmem>>
        %dma_start3A_162 = arith.constant 0 : i32
        %dma_start3A_163 = tpu.memref_slice %arg4[%squeeze3A_153, %dma_start3A_162] : memref<1000x60xf32, #tpu.memory_space<hbm>> -> memref<1x60xf32, #tpu.memory_space<hbm>>
        tpu.enqueue_dma source(%dma_start3A_163 : memref<1x60xf32, #tpu.memory_space<hbm>>) target(%dma_start3A_161 : memref<1x60xf32, #tpu.memory_space<vmem>>) target_semaphore(%arg15 : memref<!tpu.dma_semaphore, #tpu.memory_space<semaphore_mem>>)
        %slice3A_164 = vector.extract_strided_slice %get3A_34 {offsets = [2], sizes = [1], strides = [1]} : vector<16xi32> to vector<1xi32>
        %squeeze3A_165 = vector.extract %slice3A_164[0] : i32 from vector<1xi32>
        %add3A_166 = arith.constant 2 : i32
        %add3A_167 = arith.addi %mul3A_20, %add3A_166 : i32
        %dma_start3A_168 = arith.constant 0 : i32
        %dma_start3A_169 = tpu.memref_slice %arg14[%add3A_167, %dma_start3A_168] : memref<128x60xf32, #tpu.memory_space<vmem>> -> memref<1x60xf32, #tpu.memory_space<vmem>>
        %dma_start3A_170 = arith.constant 0 : i32
        %dma_start3A_171 = tpu.memref_slice %arg5[%squeeze3A_165, %dma_start3A_170] : memref<1000x60xf32, #tpu.memory_space<hbm>> -> memref<1x60xf32, #tpu.memory_space<hbm>>
        %dma_start3A_172 = arith.constant 0 : i32
        %dma_start3A_173 = tpu.memref_slice %arg14[%add3A_167, %dma_start3A_172] : memref<128x60xf32, #tpu.memory_space<vmem>> -> memref<1x60xf32, #tpu.memory_space<vmem>>
        %dma_start3A_174 = arith.constant 0 : i32
        %dma_start3A_175 = tpu.memref_slice %arg5[%squeeze3A_165, %dma_start3A_174] : memref<1000x60xf32, #tpu.memory_space<hbm>> -> memref<1x60xf32, #tpu.memory_space<hbm>>
        tpu.enqueue_dma source(%dma_start3A_175 : memref<1x60xf32, #tpu.memory_space<hbm>>) target(%dma_start3A_173 : memref<1x60xf32, #tpu.memory_space<vmem>>) target_semaphore(%arg15 : memref<!tpu.dma_semaphore, #tpu.memory_space<semaphore_mem>>)
        %slice3A_176 = vector.extract_strided_slice %get3A_24 {offsets = [3], sizes = [1], strides = [1]} : vector<16xi32> to vector<1xi32>
        %squeeze3A_177 = vector.extract %slice3A_176[0] : i32 from vector<1xi32>
        %add3A_178 = arith.constant 3 : i32
        %add3A_179 = arith.addi %mul3A_20, %add3A_178 : i32
        %dma_start3A_180 = arith.constant 0 : i32
        %dma_start3A_181 = tpu.memref_slice %arg11[%add3A_179, %dma_start3A_180] : memref<128x60xf32, #tpu.memory_space<vmem>> -> memref<1x60xf32, #tpu.memory_space<vmem>>
        %dma_start3A_182 = arith.constant 0 : i32
        %dma_start3A_183 = tpu.memref_slice %arg3[%squeeze3A_177, %dma_start3A_182] : memref<1000000x60xf32, #tpu.memory_space<hbm>> -> memref<1x60xf32, #tpu.memory_space<hbm>>
        %dma_start3A_184 = arith.constant 0 : i32
        %dma_start3A_185 = tpu.memref_slice %arg11[%add3A_179, %dma_start3A_184] : memref<128x60xf32, #tpu.memory_space<vmem>> -> memref<1x60xf32, #tpu.memory_space<vmem>>
        %dma_start3A_186 = arith.constant 0 : i32
        %dma_start3A_187 = tpu.memref_slice %arg3[%squeeze3A_177, %dma_start3A_186] : memref<1000000x60xf32, #tpu.memory_space<hbm>> -> memref<1x60xf32, #tpu.memory_space<hbm>>
        tpu.enqueue_dma source(%dma_start3A_187 : memref<1x60xf32, #tpu.memory_space<hbm>>) target(%dma_start3A_185 : memref<1x60xf32, #tpu.memory_space<vmem>>) target_semaphore(%arg15 : memref<!tpu.dma_semaphore, #tpu.memory_space<semaphore_mem>>)
        %slice3A_188 = vector.extract_strided_slice %get3A_29 {offsets = [3], sizes = [1], strides = [1]} : vector<16xi32> to vector<1xi32>
        %squeeze3A_189 = vector.extract %slice3A_188[0] : i32 from vector<1xi32>
        %add3A_190 = arith.constant 3 : i32
        %add3A_191 = arith.addi %mul3A_20, %add3A_190 : i32
        %dma_start3A_192 = arith.constant 0 : i32
        %dma_start3A_193 = tpu.memref_slice %arg12[%add3A_191, %dma_start3A_192] : memref<128x60xf32, #tpu.memory_space<vmem>> -> memref<1x60xf32, #tpu.memory_space<vmem>>
        %dma_start3A_194 = arith.constant 0 : i32
        %dma_start3A_195 = tpu.memref_slice %arg3[%squeeze3A_189, %dma_start3A_194] : memref<1000000x60xf32, #tpu.memory_space<hbm>> -> memref<1x60xf32, #tpu.memory_space<hbm>>
        %dma_start3A_196 = arith.constant 0 : i32
        %dma_start3A_197 = tpu.memref_slice %arg12[%add3A_191, %dma_start3A_196] : memref<128x60xf32, #tpu.memory_space<vmem>> -> memref<1x60xf32, #tpu.memory_space<vmem>>
        %dma_start3A_198 = arith.constant 0 : i32
        %dma_start3A_199 = tpu.memref_slice %arg3[%squeeze3A_189, %dma_start3A_198] : memref<1000000x60xf32, #tpu.memory_space<hbm>> -> memref<1x60xf32, #tpu.memory_space<hbm>>
        tpu.enqueue_dma source(%dma_start3A_199 : memref<1x60xf32, #tpu.memory_space<hbm>>) target(%dma_start3A_197 : memref<1x60xf32, #tpu.memory_space<vmem>>) target_semaphore(%arg15 : memref<!tpu.dma_semaphore, #tpu.memory_space<semaphore_mem>>)
        %slice3A_200 = vector.extract_strided_slice %get3A_34 {offsets = [3], sizes = [1], strides = [1]} : vector<16xi32> to vector<1xi32>
        %squeeze3A_201 = vector.extract %slice3A_200[0] : i32 from vector<1xi32>
        %add3A_202 = arith.constant 3 : i32
        %add3A_203 = arith.addi %mul3A_20, %add3A_202 : i32
        %dma_start3A_204 = arith.constant 0 : i32
        %dma_start3A_205 = tpu.memref_slice %arg13[%add3A_203, %dma_start3A_204] : memref<128x60xf32, #tpu.memory_space<vmem>> -> memref<1x60xf32, #tpu.memory_space<vmem>>
        %dma_start3A_206 = arith.constant 0 : i32
        %dma_start3A_207 = tpu.memref_slice %arg4[%squeeze3A_201, %dma_start3A_206] : memref<1000x60xf32, #tpu.memory_space<hbm>> -> memref<1x60xf32, #tpu.memory_space<hbm>>
        %dma_start3A_208 = arith.constant 0 : i32
        %dma_start3A_209 = tpu.memref_slice %arg13[%add3A_203, %dma_start3A_208] : memref<128x60xf32, #tpu.memory_space<vmem>> -> memref<1x60xf32, #tpu.memory_space<vmem>>
        %dma_start3A_210 = arith.constant 0 : i32
        %dma_start3A_211 = tpu.memref_slice %arg4[%squeeze3A_201, %dma_start3A_210] : memref<1000x60xf32, #tpu.memory_space<hbm>> -> memref<1x60xf32, #tpu.memory_space<hbm>>
        tpu.enqueue_dma source(%dma_start3A_211 : memref<1x60xf32, #tpu.memory_space<hbm>>) target(%dma_start3A_209 : memref<1x60xf32, #tpu.memory_space<vmem>>) target_semaphore(%arg15 : memref<!tpu.dma_semaphore, #tpu.memory_space<semaphore_mem>>)
        %slice3A_212 = vector.extract_strided_slice %get3A_34 {offsets = [3], sizes = [1], strides = [1]} : vector<16xi32> to vector<1xi32>
        %squeeze3A_213 = vector.extract %slice3A_212[0] : i32 from vector<1xi32>
        %add3A_214 = arith.constant 3 : i32
        %add3A_215 = arith.addi %mul3A_20, %add3A_214 : i32
        %dma_start3A_216 = arith.constant 0 : i32
        %dma_start3A_217 = tpu.memref_slice %arg14[%add3A_215, %dma_start3A_216] : memref<128x60xf32, #tpu.memory_space<vmem>> -> memref<1x60xf32, #tpu.memory_space<vmem>>
        %dma_start3A_218 = arith.constant 0 : i32
        %dma_start3A_219 = tpu.memref_slice %arg5[%squeeze3A_213, %dma_start3A_218] : memref<1000x60xf32, #tpu.memory_space<hbm>> -> memref<1x60xf32, #tpu.memory_space<hbm>>
        %dma_start3A_220 = arith.constant 0 : i32
        %dma_start3A_221 = tpu.memref_slice %arg14[%add3A_215, %dma_start3A_220] : memref<128x60xf32, #tpu.memory_space<vmem>> -> memref<1x60xf32, #tpu.memory_space<vmem>>
        %dma_start3A_222 = arith.constant 0 : i32
        %dma_start3A_223 = tpu.memref_slice %arg5[%squeeze3A_213, %dma_start3A_222] : memref<1000x60xf32, #tpu.memory_space<hbm>> -> memref<1x60xf32, #tpu.memory_space<hbm>>
        tpu.enqueue_dma source(%dma_start3A_223 : memref<1x60xf32, #tpu.memory_space<hbm>>) target(%dma_start3A_221 : memref<1x60xf32, #tpu.memory_space<vmem>>) target_semaphore(%arg15 : memref<!tpu.dma_semaphore, #tpu.memory_space<semaphore_mem>>)
        %slice3A_224 = vector.extract_strided_slice %get3A_24 {offsets = [4], sizes = [1], strides = [1]} : vector<16xi32> to vector<1xi32>
        %squeeze3A_225 = vector.extract %slice3A_224[0] : i32 from vector<1xi32>
        %add3A_226 = arith.constant 4 : i32
        %add3A_227 = arith.addi %mul3A_20, %add3A_226 : i32
        %dma_start3A_228 = arith.constant 0 : i32
        %dma_start3A_229 = tpu.memref_slice %arg11[%add3A_227, %dma_start3A_228] : memref<128x60xf32, #tpu.memory_space<vmem>> -> memref<1x60xf32, #tpu.memory_space<vmem>>
        %dma_start3A_230 = arith.constant 0 : i32
        %dma_start3A_231 = tpu.memref_slice %arg3[%squeeze3A_225, %dma_start3A_230] : memref<1000000x60xf32, #tpu.memory_space<hbm>> -> memref<1x60xf32, #tpu.memory_space<hbm>>
        %dma_start3A_232 = arith.constant 0 : i32
        %dma_start3A_233 = tpu.memref_slice %arg11[%add3A_227, %dma_start3A_232] : memref<128x60xf32, #tpu.memory_space<vmem>> -> memref<1x60xf32, #tpu.memory_space<vmem>>
        %dma_start3A_234 = arith.constant 0 : i32
        %dma_start3A_235 = tpu.memref_slice %arg3[%squeeze3A_225, %dma_start3A_234] : memref<1000000x60xf32, #tpu.memory_space<hbm>> -> memref<1x60xf32, #tpu.memory_space<hbm>>
        tpu.enqueue_dma source(%dma_start3A_235 : memref<1x60xf32, #tpu.memory_space<hbm>>) target(%dma_start3A_233 : memref<1x60xf32, #tpu.memory_space<vmem>>) target_semaphore(%arg15 : memref<!tpu.dma_semaphore, #tpu.memory_space<semaphore_mem>>)
        %slice3A_236 = vector.extract_strided_slice %get3A_29 {offsets = [4], sizes = [1], strides = [1]} : vector<16xi32> to vector<1xi32>
        %squeeze3A_237 = vector.extract %slice3A_236[0] : i32 from vector<1xi32>
        %add3A_238 = arith.constant 4 : i32
        %add3A_239 = arith.addi %mul3A_20, %add3A_238 : i32
        %dma_start3A_240 = arith.constant 0 : i32
        %dma_start3A_241 = tpu.memref_slice %arg12[%add3A_239, %dma_start3A_240] : memref<128x60xf32, #tpu.memory_space<vmem>> -> memref<1x60xf32, #tpu.memory_space<vmem>>
        %dma_start3A_242 = arith.constant 0 : i32
        %dma_start3A_243 = tpu.memref_slice %arg3[%squeeze3A_237, %dma_start3A_242] : memref<1000000x60xf32, #tpu.memory_space<hbm>> -> memref<1x60xf32, #tpu.memory_space<hbm>>
        %dma_start3A_244 = arith.constant 0 : i32
        %dma_start3A_245 = tpu.memref_slice %arg12[%add3A_239, %dma_start3A_244] : memref<128x60xf32, #tpu.memory_space<vmem>> -> memref<1x60xf32, #tpu.memory_space<vmem>>
        %dma_start3A_246 = arith.constant 0 : i32
        %dma_start3A_247 = tpu.memref_slice %arg3[%squeeze3A_237, %dma_start3A_246] : memref<1000000x60xf32, #tpu.memory_space<hbm>> -> memref<1x60xf32, #tpu.memory_space<hbm>>
        tpu.enqueue_dma source(%dma_start3A_247 : memref<1x60xf32, #tpu.memory_space<hbm>>) target(%dma_start3A_245 : memref<1x60xf32, #tpu.memory_space<vmem>>) target_semaphore(%arg15 : memref<!tpu.dma_semaphore, #tpu.memory_space<semaphore_mem>>)
        %slice3A_248 = vector.extract_strided_slice %get3A_34 {offsets = [4], sizes = [1], strides = [1]} : vector<16xi32> to vector<1xi32>
        %squeeze3A_249 = vector.extract %slice3A_248[0] : i32 from vector<1xi32>
        %add3A_250 = arith.constant 4 : i32
        %add3A_251 = arith.addi %mul3A_20, %add3A_250 : i32
        %dma_start3A_252 = arith.constant 0 : i32
        %dma_start3A_253 = tpu.memref_slice %arg13[%add3A_251, %dma_start3A_252] : memref<128x60xf32, #tpu.memory_space<vmem>> -> memref<1x60xf32, #tpu.memory_space<vmem>>
        %dma_start3A_254 = arith.constant 0 : i32
        %dma_start3A_255 = tpu.memref_slice %arg4[%squeeze3A_249, %dma_start3A_254] : memref<1000x60xf32, #tpu.memory_space<hbm>> -> memref<1x60xf32, #tpu.memory_space<hbm>>
        %dma_start3A_256 = arith.constant 0 : i32
        %dma_start3A_257 = tpu.memref_slice %arg13[%add3A_251, %dma_start3A_256] : memref<128x60xf32, #tpu.memory_space<vmem>> -> memref<1x60xf32, #tpu.memory_space<vmem>>
        %dma_start3A_258 = arith.constant 0 : i32
        %dma_start3A_259 = tpu.memref_slice %arg4[%squeeze3A_249, %dma_start3A_258] : memref<1000x60xf32, #tpu.memory_space<hbm>> -> memref<1x60xf32, #tpu.memory_space<hbm>>
        tpu.enqueue_dma source(%dma_start3A_259 : memref<1x60xf32, #tpu.memory_space<hbm>>) target(%dma_start3A_257 : memref<1x60xf32, #tpu.memory_space<vmem>>) target_semaphore(%arg15 : memref<!tpu.dma_semaphore, #tpu.memory_space<semaphore_mem>>)
        %slice3A_260 = vector.extract_strided_slice %get3A_34 {offsets = [4], sizes = [1], strides = [1]} : vector<16xi32> to vector<1xi32>
        %squeeze3A_261 = vector.extract %slice3A_260[0] : i32 from vector<1xi32>
        %add3A_262 = arith.constant 4 : i32
        %add3A_263 = arith.addi %mul3A_20, %add3A_262 : i32
        %dma_start3A_264 = arith.constant 0 : i32
        %dma_start3A_265 = tpu.memref_slice %arg14[%add3A_263, %dma_start3A_264] : memref<128x60xf32, #tpu.memory_space<vmem>> -> memref<1x60xf32, #tpu.memory_space<vmem>>
        %dma_start3A_266 = arith.constant 0 : i32
        %dma_start3A_267 = tpu.memref_slice %arg5[%squeeze3A_261, %dma_start3A_266] : memref<1000x60xf32, #tpu.memory_space<hbm>> -> memref<1x60xf32, #tpu.memory_space<hbm>>
        %dma_start3A_268 = arith.constant 0 : i32
        %dma_start3A_269 = tpu.memref_slice %arg14[%add3A_263, %dma_start3A_268] : memref<128x60xf32, #tpu.memory_space<vmem>> -> memref<1x60xf32, #tpu.memory_space<vmem>>
        %dma_start3A_270 = arith.constant 0 : i32
        %dma_start3A_271 = tpu.memref_slice %arg5[%squeeze3A_261, %dma_start3A_270] : memref<1000x60xf32, #tpu.memory_space<hbm>> -> memref<1x60xf32, #tpu.memory_space<hbm>>
        tpu.enqueue_dma source(%dma_start3A_271 : memref<1x60xf32, #tpu.memory_space<hbm>>) target(%dma_start3A_269 : memref<1x60xf32, #tpu.memory_space<vmem>>) target_semaphore(%arg15 : memref<!tpu.dma_semaphore, #tpu.memory_space<semaphore_mem>>)
        %slice3A_272 = vector.extract_strided_slice %get3A_24 {offsets = [5], sizes = [1], strides = [1]} : vector<16xi32> to vector<1xi32>
        %squeeze3A_273 = vector.extract %slice3A_272[0] : i32 from vector<1xi32>
        %add3A_274 = arith.constant 5 : i32
        %add3A_275 = arith.addi %mul3A_20, %add3A_274 : i32
        %dma_start3A_276 = arith.constant 0 : i32
        %dma_start3A_277 = tpu.memref_slice %arg11[%add3A_275, %dma_start3A_276] : memref<128x60xf32, #tpu.memory_space<vmem>> -> memref<1x60xf32, #tpu.memory_space<vmem>>
        %dma_start3A_278 = arith.constant 0 : i32
        %dma_start3A_279 = tpu.memref_slice %arg3[%squeeze3A_273, %dma_start3A_278] : memref<1000000x60xf32, #tpu.memory_space<hbm>> -> memref<1x60xf32, #tpu.memory_space<hbm>>
        %dma_start3A_280 = arith.constant 0 : i32
        %dma_start3A_281 = tpu.memref_slice %arg11[%add3A_275, %dma_start3A_280] : memref<128x60xf32, #tpu.memory_space<vmem>> -> memref<1x60xf32, #tpu.memory_space<vmem>>
        %dma_start3A_282 = arith.constant 0 : i32
        %dma_start3A_283 = tpu.memref_slice %arg3[%squeeze3A_273, %dma_start3A_282] : memref<1000000x60xf32, #tpu.memory_space<hbm>> -> memref<1x60xf32, #tpu.memory_space<hbm>>
        tpu.enqueue_dma source(%dma_start3A_283 : memref<1x60xf32, #tpu.memory_space<hbm>>) target(%dma_start3A_281 : memref<1x60xf32, #tpu.memory_space<vmem>>) target_semaphore(%arg15 : memref<!tpu.dma_semaphore, #tpu.memory_space<semaphore_mem>>)
        %slice3A_284 = vector.extract_strided_slice %get3A_29 {offsets = [5], sizes = [1], strides = [1]} : vector<16xi32> to vector<1xi32>
        %squeeze3A_285 = vector.extract %slice3A_284[0] : i32 from vector<1xi32>
        %add3A_286 = arith.constant 5 : i32
        %add3A_287 = arith.addi %mul3A_20, %add3A_286 : i32
        %dma_start3A_288 = arith.constant 0 : i32
        %dma_start3A_289 = tpu.memref_slice %arg12[%add3A_287, %dma_start3A_288] : memref<128x60xf32, #tpu.memory_space<vmem>> -> memref<1x60xf32, #tpu.memory_space<vmem>>
        %dma_start3A_290 = arith.constant 0 : i32
        %dma_start3A_291 = tpu.memref_slice %arg3[%squeeze3A_285, %dma_start3A_290] : memref<1000000x60xf32, #tpu.memory_space<hbm>> -> memref<1x60xf32, #tpu.memory_space<hbm>>
        %dma_start3A_292 = arith.constant 0 : i32
        %dma_start3A_293 = tpu.memref_slice %arg12[%add3A_287, %dma_start3A_292] : memref<128x60xf32, #tpu.memory_space<vmem>> -> memref<1x60xf32, #tpu.memory_space<vmem>>
        %dma_start3A_294 = arith.constant 0 : i32
        %dma_start3A_295 = tpu.memref_slice %arg3[%squeeze3A_285, %dma_start3A_294] : memref<1000000x60xf32, #tpu.memory_space<hbm>> -> memref<1x60xf32, #tpu.memory_space<hbm>>
        tpu.enqueue_dma source(%dma_start3A_295 : memref<1x60xf32, #tpu.memory_space<hbm>>) target(%dma_start3A_293 : memref<1x60xf32, #tpu.memory_space<vmem>>) target_semaphore(%arg15 : memref<!tpu.dma_semaphore, #tpu.memory_space<semaphore_mem>>)
        %slice3A_296 = vector.extract_strided_slice %get3A_34 {offsets = [5], sizes = [1], strides = [1]} : vector<16xi32> to vector<1xi32>
        %squeeze3A_297 = vector.extract %slice3A_296[0] : i32 from vector<1xi32>
        %add3A_298 = arith.constant 5 : i32
        %add3A_299 = arith.addi %mul3A_20, %add3A_298 : i32
        %dma_start3A_300 = arith.constant 0 : i32
        %dma_start3A_301 = tpu.memref_slice %arg13[%add3A_299, %dma_start3A_300] : memref<128x60xf32, #tpu.memory_space<vmem>> -> memref<1x60xf32, #tpu.memory_space<vmem>>
        %dma_start3A_302 = arith.constant 0 : i32
        %dma_start3A_303 = tpu.memref_slice %arg4[%squeeze3A_297, %dma_start3A_302] : memref<1000x60xf32, #tpu.memory_space<hbm>> -> memref<1x60xf32, #tpu.memory_space<hbm>>
        %dma_start3A_304 = arith.constant 0 : i32
        %dma_start3A_305 = tpu.memref_slice %arg13[%add3A_299, %dma_start3A_304] : memref<128x60xf32, #tpu.memory_space<vmem>> -> memref<1x60xf32, #tpu.memory_space<vmem>>
        %dma_start3A_306 = arith.constant 0 : i32
        %dma_start3A_307 = tpu.memref_slice %arg4[%squeeze3A_297, %dma_start3A_306] : memref<1000x60xf32, #tpu.memory_space<hbm>> -> memref<1x60xf32, #tpu.memory_space<hbm>>
        tpu.enqueue_dma source(%dma_start3A_307 : memref<1x60xf32, #tpu.memory_space<hbm>>) target(%dma_start3A_305 : memref<1x60xf32, #tpu.memory_space<vmem>>) target_semaphore(%arg15 : memref<!tpu.dma_semaphore, #tpu.memory_space<semaphore_mem>>)
        %slice3A_308 = vector.extract_strided_slice %get3A_34 {offsets = [5], sizes = [1], strides = [1]} : vector<16xi32> to vector<1xi32>
        %squeeze3A_309 = vector.extract %slice3A_308[0] : i32 from vector<1xi32>
        %add3A_310 = arith.constant 5 : i32
        %add3A_311 = arith.addi %mul3A_20, %add3A_310 : i32
        %dma_start3A_312 = arith.constant 0 : i32
        %dma_start3A_313 = tpu.memref_slice %arg14[%add3A_311, %dma_start3A_312] : memref<128x60xf32, #tpu.memory_space<vmem>> -> memref<1x60xf32, #tpu.memory_space<vmem>>
        %dma_start3A_314 = arith.constant 0 : i32
        %dma_start3A_315 = tpu.memref_slice %arg5[%squeeze3A_309, %dma_start3A_314] : memref<1000x60xf32, #tpu.memory_space<hbm>> -> memref<1x60xf32, #tpu.memory_space<hbm>>
        %dma_start3A_316 = arith.constant 0 : i32
        %dma_start3A_317 = tpu.memref_slice %arg14[%add3A_311, %dma_start3A_316] : memref<128x60xf32, #tpu.memory_space<vmem>> -> memref<1x60xf32, #tpu.memory_space<vmem>>
        %dma_start3A_318 = arith.constant 0 : i32
        %dma_start3A_319 = tpu.memref_slice %arg5[%squeeze3A_309, %dma_start3A_318] : memref<1000x60xf32, #tpu.memory_space<hbm>> -> memref<1x60xf32, #tpu.memory_space<hbm>>
        tpu.enqueue_dma source(%dma_start3A_319 : memref<1x60xf32, #tpu.memory_space<hbm>>) target(%dma_start3A_317 : memref<1x60xf32, #tpu.memory_space<vmem>>) target_semaphore(%arg15 : memref<!tpu.dma_semaphore, #tpu.memory_space<semaphore_mem>>)
        %slice3A_320 = vector.extract_strided_slice %get3A_24 {offsets = [6], sizes = [1], strides = [1]} : vector<16xi32> to vector<1xi32>
        %squeeze3A_321 = vector.extract %slice3A_320[0] : i32 from vector<1xi32>
        %add3A_322 = arith.constant 6 : i32
        %add3A_323 = arith.addi %mul3A_20, %add3A_322 : i32
        %dma_start3A_324 = arith.constant 0 : i32
        %dma_start3A_325 = tpu.memref_slice %arg11[%add3A_323, %dma_start3A_324] : memref<128x60xf32, #tpu.memory_space<vmem>> -> memref<1x60xf32, #tpu.memory_space<vmem>>
        %dma_start3A_326 = arith.constant 0 : i32
        %dma_start3A_327 = tpu.memref_slice %arg3[%squeeze3A_321, %dma_start3A_326] : memref<1000000x60xf32, #tpu.memory_space<hbm>> -> memref<1x60xf32, #tpu.memory_space<hbm>>
        %dma_start3A_328 = arith.constant 0 : i32
        %dma_start3A_329 = tpu.memref_slice %arg11[%add3A_323, %dma_start3A_328] : memref<128x60xf32, #tpu.memory_space<vmem>> -> memref<1x60xf32, #tpu.memory_space<vmem>>
        %dma_start3A_330 = arith.constant 0 : i32
        %dma_start3A_331 = tpu.memref_slice %arg3[%squeeze3A_321, %dma_start3A_330] : memref<1000000x60xf32, #tpu.memory_space<hbm>> -> memref<1x60xf32, #tpu.memory_space<hbm>>
        tpu.enqueue_dma source(%dma_start3A_331 : memref<1x60xf32, #tpu.memory_space<hbm>>) target(%dma_start3A_329 : memref<1x60xf32, #tpu.memory_space<vmem>>) target_semaphore(%arg15 : memref<!tpu.dma_semaphore, #tpu.memory_space<semaphore_mem>>)
        %slice3A_332 = vector.extract_strided_slice %get3A_29 {offsets = [6], sizes = [1], strides = [1]} : vector<16xi32> to vector<1xi32>
        %squeeze3A_333 = vector.extract %slice3A_332[0] : i32 from vector<1xi32>
        %add3A_334 = arith.constant 6 : i32
        %add3A_335 = arith.addi %mul3A_20, %add3A_334 : i32
        %dma_start3A_336 = arith.constant 0 : i32
        %dma_start3A_337 = tpu.memref_slice %arg12[%add3A_335, %dma_start3A_336] : memref<128x60xf32, #tpu.memory_space<vmem>> -> memref<1x60xf32, #tpu.memory_space<vmem>>
        %dma_start3A_338 = arith.constant 0 : i32
        %dma_start3A_339 = tpu.memref_slice %arg3[%squeeze3A_333, %dma_start3A_338] : memref<1000000x60xf32, #tpu.memory_space<hbm>> -> memref<1x60xf32, #tpu.memory_space<hbm>>
        %dma_start3A_340 = arith.constant 0 : i32
        %dma_start3A_341 = tpu.memref_slice %arg12[%add3A_335, %dma_start3A_340] : memref<128x60xf32, #tpu.memory_space<vmem>> -> memref<1x60xf32, #tpu.memory_space<vmem>>
        %dma_start3A_342 = arith.constant 0 : i32
        %dma_start3A_343 = tpu.memref_slice %arg3[%squeeze3A_333, %dma_start3A_342] : memref<1000000x60xf32, #tpu.memory_space<hbm>> -> memref<1x60xf32, #tpu.memory_space<hbm>>
        tpu.enqueue_dma source(%dma_start3A_343 : memref<1x60xf32, #tpu.memory_space<hbm>>) target(%dma_start3A_341 : memref<1x60xf32, #tpu.memory_space<vmem>>) target_semaphore(%arg15 : memref<!tpu.dma_semaphore, #tpu.memory_space<semaphore_mem>>)
        %slice3A_344 = vector.extract_strided_slice %get3A_34 {offsets = [6], sizes = [1], strides = [1]} : vector<16xi32> to vector<1xi32>
        %squeeze3A_345 = vector.extract %slice3A_344[0] : i32 from vector<1xi32>
        %add3A_346 = arith.constant 6 : i32
        %add3A_347 = arith.addi %mul3A_20, %add3A_346 : i32
        %dma_start3A_348 = arith.constant 0 : i32
        %dma_start3A_349 = tpu.memref_slice %arg13[%add3A_347, %dma_start3A_348] : memref<128x60xf32, #tpu.memory_space<vmem>> -> memref<1x60xf32, #tpu.memory_space<vmem>>
        %dma_start3A_350 = arith.constant 0 : i32
        %dma_start3A_351 = tpu.memref_slice %arg4[%squeeze3A_345, %dma_start3A_350] : memref<1000x60xf32, #tpu.memory_space<hbm>> -> memref<1x60xf32, #tpu.memory_space<hbm>>
        %dma_start3A_352 = arith.constant 0 : i32
        %dma_start3A_353 = tpu.memref_slice %arg13[%add3A_347, %dma_start3A_352] : memref<128x60xf32, #tpu.memory_space<vmem>> -> memref<1x60xf32, #tpu.memory_space<vmem>>
        %dma_start3A_354 = arith.constant 0 : i32
        %dma_start3A_355 = tpu.memref_slice %arg4[%squeeze3A_345, %dma_start3A_354] : memref<1000x60xf32, #tpu.memory_space<hbm>> -> memref<1x60xf32, #tpu.memory_space<hbm>>
        tpu.enqueue_dma source(%dma_start3A_355 : memref<1x60xf32, #tpu.memory_space<hbm>>) target(%dma_start3A_353 : memref<1x60xf32, #tpu.memory_space<vmem>>) target_semaphore(%arg15 : memref<!tpu.dma_semaphore, #tpu.memory_space<semaphore_mem>>)
        %slice3A_356 = vector.extract_strided_slice %get3A_34 {offsets = [6], sizes = [1], strides = [1]} : vector<16xi32> to vector<1xi32>
        %squeeze3A_357 = vector.extract %slice3A_356[0] : i32 from vector<1xi32>
        %add3A_358 = arith.constant 6 : i32
        %add3A_359 = arith.addi %mul3A_20, %add3A_358 : i32
        %dma_start3A_360 = arith.constant 0 : i32
        %dma_start3A_361 = tpu.memref_slice %arg14[%add3A_359, %dma_start3A_360] : memref<128x60xf32, #tpu.memory_space<vmem>> -> memref<1x60xf32, #tpu.memory_space<vmem>>
        %dma_start3A_362 = arith.constant 0 : i32
        %dma_start3A_363 = tpu.memref_slice %arg5[%squeeze3A_357, %dma_start3A_362] : memref<1000x60xf32, #tpu.memory_space<hbm>> -> memref<1x60xf32, #tpu.memory_space<hbm>>
        %dma_start3A_364 = arith.constant 0 : i32
        %dma_start3A_365 = tpu.memref_slice %arg14[%add3A_359, %dma_start3A_364] : memref<128x60xf32, #tpu.memory_space<vmem>> -> memref<1x60xf32, #tpu.memory_space<vmem>>
        %dma_start3A_366 = arith.constant 0 : i32
        %dma_start3A_367 = tpu.memref_slice %arg5[%squeeze3A_357, %dma_start3A_366] : memref<1000x60xf32, #tpu.memory_space<hbm>> -> memref<1x60xf32, #tpu.memory_space<hbm>>
        tpu.enqueue_dma source(%dma_start3A_367 : memref<1x60xf32, #tpu.memory_space<hbm>>) target(%dma_start3A_365 : memref<1x60xf32, #tpu.memory_space<vmem>>) target_semaphore(%arg15 : memref<!tpu.dma_semaphore, #tpu.memory_space<semaphore_mem>>)
        %slice3A_368 = vector.extract_strided_slice %get3A_24 {offsets = [7], sizes = [1], strides = [1]} : vector<16xi32> to vector<1xi32>
        %squeeze3A_369 = vector.extract %slice3A_368[0] : i32 from vector<1xi32>
        %add3A_370 = arith.constant 7 : i32
        %add3A_371 = arith.addi %mul3A_20, %add3A_370 : i32
        %dma_start3A_372 = arith.constant 0 : i32
        %dma_start3A_373 = tpu.memref_slice %arg11[%add3A_371, %dma_start3A_372] : memref<128x60xf32, #tpu.memory_space<vmem>> -> memref<1x60xf32, #tpu.memory_space<vmem>>
        %dma_start3A_374 = arith.constant 0 : i32
        %dma_start3A_375 = tpu.memref_slice %arg3[%squeeze3A_369, %dma_start3A_374] : memref<1000000x60xf32, #tpu.memory_space<hbm>> -> memref<1x60xf32, #tpu.memory_space<hbm>>
        %dma_start3A_376 = arith.constant 0 : i32
        %dma_start3A_377 = tpu.memref_slice %arg11[%add3A_371, %dma_start3A_376] : memref<128x60xf32, #tpu.memory_space<vmem>> -> memref<1x60xf32, #tpu.memory_space<vmem>>
        %dma_start3A_378 = arith.constant 0 : i32
        %dma_start3A_379 = tpu.memref_slice %arg3[%squeeze3A_369, %dma_start3A_378] : memref<1000000x60xf32, #tpu.memory_space<hbm>> -> memref<1x60xf32, #tpu.memory_space<hbm>>
        tpu.enqueue_dma source(%dma_start3A_379 : memref<1x60xf32, #tpu.memory_space<hbm>>) target(%dma_start3A_377 : memref<1x60xf32, #tpu.memory_space<vmem>>) target_semaphore(%arg15 : memref<!tpu.dma_semaphore, #tpu.memory_space<semaphore_mem>>)
        %slice3A_380 = vector.extract_strided_slice %get3A_29 {offsets = [7], sizes = [1], strides = [1]} : vector<16xi32> to vector<1xi32>
        %squeeze3A_381 = vector.extract %slice3A_380[0] : i32 from vector<1xi32>
        %add3A_382 = arith.constant 7 : i32
        %add3A_383 = arith.addi %mul3A_20, %add3A_382 : i32
        %dma_start3A_384 = arith.constant 0 : i32
        %dma_start3A_385 = tpu.memref_slice %arg12[%add3A_383, %dma_start3A_384] : memref<128x60xf32, #tpu.memory_space<vmem>> -> memref<1x60xf32, #tpu.memory_space<vmem>>
        %dma_start3A_386 = arith.constant 0 : i32
        %dma_start3A_387 = tpu.memref_slice %arg3[%squeeze3A_381, %dma_start3A_386] : memref<1000000x60xf32, #tpu.memory_space<hbm>> -> memref<1x60xf32, #tpu.memory_space<hbm>>
        %dma_start3A_388 = arith.constant 0 : i32
        %dma_start3A_389 = tpu.memref_slice %arg12[%add3A_383, %dma_start3A_388] : memref<128x60xf32, #tpu.memory_space<vmem>> -> memref<1x60xf32, #tpu.memory_space<vmem>>
        %dma_start3A_390 = arith.constant 0 : i32
        %dma_start3A_391 = tpu.memref_slice %arg3[%squeeze3A_381, %dma_start3A_390] : memref<1000000x60xf32, #tpu.memory_space<hbm>> -> memref<1x60xf32, #tpu.memory_space<hbm>>
        tpu.enqueue_dma source(%dma_start3A_391 : memref<1x60xf32, #tpu.memory_space<hbm>>) target(%dma_start3A_389 : memref<1x60xf32, #tpu.memory_space<vmem>>) target_semaphore(%arg15 : memref<!tpu.dma_semaphore, #tpu.memory_space<semaphore_mem>>)
        %slice3A_392 = vector.extract_strided_slice %get3A_34 {offsets = [7], sizes = [1], strides = [1]} : vector<16xi32> to vector<1xi32>
        %squeeze3A_393 = vector.extract %slice3A_392[0] : i32 from vector<1xi32>
        %add3A_394 = arith.constant 7 : i32
        %add3A_395 = arith.addi %mul3A_20, %add3A_394 : i32
        %dma_start3A_396 = arith.constant 0 : i32
        %dma_start3A_397 = tpu.memref_slice %arg13[%add3A_395, %dma_start3A_396] : memref<128x60xf32, #tpu.memory_space<vmem>> -> memref<1x60xf32, #tpu.memory_space<vmem>>
        %dma_start3A_398 = arith.constant 0 : i32
        %dma_start3A_399 = tpu.memref_slice %arg4[%squeeze3A_393, %dma_start3A_398] : memref<1000x60xf32, #tpu.memory_space<hbm>> -> memref<1x60xf32, #tpu.memory_space<hbm>>
        %dma_start3A_400 = arith.constant 0 : i32
        %dma_start3A_401 = tpu.memref_slice %arg13[%add3A_395, %dma_start3A_400] : memref<128x60xf32, #tpu.memory_space<vmem>> -> memref<1x60xf32, #tpu.memory_space<vmem>>
        %dma_start3A_402 = arith.constant 0 : i32
        %dma_start3A_403 = tpu.memref_slice %arg4[%squeeze3A_393, %dma_start3A_402] : memref<1000x60xf32, #tpu.memory_space<hbm>> -> memref<1x60xf32, #tpu.memory_space<hbm>>
        tpu.enqueue_dma source(%dma_start3A_403 : memref<1x60xf32, #tpu.memory_space<hbm>>) target(%dma_start3A_401 : memref<1x60xf32, #tpu.memory_space<vmem>>) target_semaphore(%arg15 : memref<!tpu.dma_semaphore, #tpu.memory_space<semaphore_mem>>)
        %slice3A_404 = vector.extract_strided_slice %get3A_34 {offsets = [7], sizes = [1], strides = [1]} : vector<16xi32> to vector<1xi32>
        %squeeze3A_405 = vector.extract %slice3A_404[0] : i32 from vector<1xi32>
        %add3A_406 = arith.constant 7 : i32
        %add3A_407 = arith.addi %mul3A_20, %add3A_406 : i32
        %dma_start3A_408 = arith.constant 0 : i32
        %dma_start3A_409 = tpu.memref_slice %arg14[%add3A_407, %dma_start3A_408] : memref<128x60xf32, #tpu.memory_space<vmem>> -> memref<1x60xf32, #tpu.memory_space<vmem>>
        %dma_start3A_410 = arith.constant 0 : i32
        %dma_start3A_411 = tpu.memref_slice %arg5[%squeeze3A_405, %dma_start3A_410] : memref<1000x60xf32, #tpu.memory_space<hbm>> -> memref<1x60xf32, #tpu.memory_space<hbm>>
        %dma_start3A_412 = arith.constant 0 : i32
        %dma_start3A_413 = tpu.memref_slice %arg14[%add3A_407, %dma_start3A_412] : memref<128x60xf32, #tpu.memory_space<vmem>> -> memref<1x60xf32, #tpu.memory_space<vmem>>
        %dma_start3A_414 = arith.constant 0 : i32
        %dma_start3A_415 = tpu.memref_slice %arg5[%squeeze3A_405, %dma_start3A_414] : memref<1000x60xf32, #tpu.memory_space<hbm>> -> memref<1x60xf32, #tpu.memory_space<hbm>>
        tpu.enqueue_dma source(%dma_start3A_415 : memref<1x60xf32, #tpu.memory_space<hbm>>) target(%dma_start3A_413 : memref<1x60xf32, #tpu.memory_space<vmem>>) target_semaphore(%arg15 : memref<!tpu.dma_semaphore, #tpu.memory_space<semaphore_mem>>)
        %slice3A_416 = vector.extract_strided_slice %get3A_24 {offsets = [8], sizes = [1], strides = [1]} : vector<16xi32> to vector<1xi32>
        %squeeze3A_417 = vector.extract %slice3A_416[0] : i32 from vector<1xi32>
        %add3A_418 = arith.constant 8 : i32
        %add3A_419 = arith.addi %mul3A_20, %add3A_418 : i32
        %dma_start3A_420 = arith.constant 0 : i32
        %dma_start3A_421 = tpu.memref_slice %arg11[%add3A_419, %dma_start3A_420] : memref<128x60xf32, #tpu.memory_space<vmem>> -> memref<1x60xf32, #tpu.memory_space<vmem>>
        %dma_start3A_422 = arith.constant 0 : i32
        %dma_start3A_423 = tpu.memref_slice %arg3[%squeeze3A_417, %dma_start3A_422] : memref<1000000x60xf32, #tpu.memory_space<hbm>> -> memref<1x60xf32, #tpu.memory_space<hbm>>
        %dma_start3A_424 = arith.constant 0 : i32
        %dma_start3A_425 = tpu.memref_slice %arg11[%add3A_419, %dma_start3A_424] : memref<128x60xf32, #tpu.memory_space<vmem>> -> memref<1x60xf32, #tpu.memory_space<vmem>>
        %dma_start3A_426 = arith.constant 0 : i32
        %dma_start3A_427 = tpu.memref_slice %arg3[%squeeze3A_417, %dma_start3A_426] : memref<1000000x60xf32, #tpu.memory_space<hbm>> -> memref<1x60xf32, #tpu.memory_space<hbm>>
        tpu.enqueue_dma source(%dma_start3A_427 : memref<1x60xf32, #tpu.memory_space<hbm>>) target(%dma_start3A_425 : memref<1x60xf32, #tpu.memory_space<vmem>>) target_semaphore(%arg15 : memref<!tpu.dma_semaphore, #tpu.memory_space<semaphore_mem>>)
        %slice3A_428 = vector.extract_strided_slice %get3A_29 {offsets = [8], sizes = [1], strides = [1]} : vector<16xi32> to vector<1xi32>
        %squeeze3A_429 = vector.extract %slice3A_428[0] : i32 from vector<1xi32>
        %add3A_430 = arith.constant 8 : i32
        %add3A_431 = arith.addi %mul3A_20, %add3A_430 : i32
        %dma_start3A_432 = arith.constant 0 : i32
        %dma_start3A_433 = tpu.memref_slice %arg12[%add3A_431, %dma_start3A_432] : memref<128x60xf32, #tpu.memory_space<vmem>> -> memref<1x60xf32, #tpu.memory_space<vmem>>
        %dma_start3A_434 = arith.constant 0 : i32
        %dma_start3A_435 = tpu.memref_slice %arg3[%squeeze3A_429, %dma_start3A_434] : memref<1000000x60xf32, #tpu.memory_space<hbm>> -> memref<1x60xf32, #tpu.memory_space<hbm>>
        %dma_start3A_436 = arith.constant 0 : i32
        %dma_start3A_437 = tpu.memref_slice %arg12[%add3A_431, %dma_start3A_436] : memref<128x60xf32, #tpu.memory_space<vmem>> -> memref<1x60xf32, #tpu.memory_space<vmem>>
        %dma_start3A_438 = arith.constant 0 : i32
        %dma_start3A_439 = tpu.memref_slice %arg3[%squeeze3A_429, %dma_start3A_438] : memref<1000000x60xf32, #tpu.memory_space<hbm>> -> memref<1x60xf32, #tpu.memory_space<hbm>>
        tpu.enqueue_dma source(%dma_start3A_439 : memref<1x60xf32, #tpu.memory_space<hbm>>) target(%dma_start3A_437 : memref<1x60xf32, #tpu.memory_space<vmem>>) target_semaphore(%arg15 : memref<!tpu.dma_semaphore, #tpu.memory_space<semaphore_mem>>)
        %slice3A_440 = vector.extract_strided_slice %get3A_34 {offsets = [8], sizes = [1], strides = [1]} : vector<16xi32> to vector<1xi32>
        %squeeze3A_441 = vector.extract %slice3A_440[0] : i32 from vector<1xi32>
        %add3A_442 = arith.constant 8 : i32
        %add3A_443 = arith.addi %mul3A_20, %add3A_442 : i32
        %dma_start3A_444 = arith.constant 0 : i32
        %dma_start3A_445 = tpu.memref_slice %arg13[%add3A_443, %dma_start3A_444] : memref<128x60xf32, #tpu.memory_space<vmem>> -> memref<1x60xf32, #tpu.memory_space<vmem>>
        %dma_start3A_446 = arith.constant 0 : i32
        %dma_start3A_447 = tpu.memref_slice %arg4[%squeeze3A_441, %dma_start3A_446] : memref<1000x60xf32, #tpu.memory_space<hbm>> -> memref<1x60xf32, #tpu.memory_space<hbm>>
        %dma_start3A_448 = arith.constant 0 : i32
        %dma_start3A_449 = tpu.memref_slice %arg13[%add3A_443, %dma_start3A_448] : memref<128x60xf32, #tpu.memory_space<vmem>> -> memref<1x60xf32, #tpu.memory_space<vmem>>
        %dma_start3A_450 = arith.constant 0 : i32
        %dma_start3A_451 = tpu.memref_slice %arg4[%squeeze3A_441, %dma_start3A_450] : memref<1000x60xf32, #tpu.memory_space<hbm>> -> memref<1x60xf32, #tpu.memory_space<hbm>>
        tpu.enqueue_dma source(%dma_start3A_451 : memref<1x60xf32, #tpu.memory_space<hbm>>) target(%dma_start3A_449 : memref<1x60xf32, #tpu.memory_space<vmem>>) target_semaphore(%arg15 : memref<!tpu.dma_semaphore, #tpu.memory_space<semaphore_mem>>)
        %slice3A_452 = vector.extract_strided_slice %get3A_34 {offsets = [8], sizes = [1], strides = [1]} : vector<16xi32> to vector<1xi32>
        %squeeze3A_453 = vector.extract %slice3A_452[0] : i32 from vector<1xi32>
        %add3A_454 = arith.constant 8 : i32
        %add3A_455 = arith.addi %mul3A_20, %add3A_454 : i32
        %dma_start3A_456 = arith.constant 0 : i32
        %dma_start3A_457 = tpu.memref_slice %arg14[%add3A_455, %dma_start3A_456] : memref<128x60xf32, #tpu.memory_space<vmem>> -> memref<1x60xf32, #tpu.memory_space<vmem>>
        %dma_start3A_458 = arith.constant 0 : i32
        %dma_start3A_459 = tpu.memref_slice %arg5[%squeeze3A_453, %dma_start3A_458] : memref<1000x60xf32, #tpu.memory_space<hbm>> -> memref<1x60xf32, #tpu.memory_space<hbm>>
        %dma_start3A_460 = arith.constant 0 : i32
        %dma_start3A_461 = tpu.memref_slice %arg14[%add3A_455, %dma_start3A_460] : memref<128x60xf32, #tpu.memory_space<vmem>> -> memref<1x60xf32, #tpu.memory_space<vmem>>
        %dma_start3A_462 = arith.constant 0 : i32
        %dma_start3A_463 = tpu.memref_slice %arg5[%squeeze3A_453, %dma_start3A_462] : memref<1000x60xf32, #tpu.memory_space<hbm>> -> memref<1x60xf32, #tpu.memory_space<hbm>>
        tpu.enqueue_dma source(%dma_start3A_463 : memref<1x60xf32, #tpu.memory_space<hbm>>) target(%dma_start3A_461 : memref<1x60xf32, #tpu.memory_space<vmem>>) target_semaphore(%arg15 : memref<!tpu.dma_semaphore, #tpu.memory_space<semaphore_mem>>)
        %slice3A_464 = vector.extract_strided_slice %get3A_24 {offsets = [9], sizes = [1], strides = [1]} : vector<16xi32> to vector<1xi32>
        %squeeze3A_465 = vector.extract %slice3A_464[0] : i32 from vector<1xi32>
        %add3A_466 = arith.constant 9 : i32
        %add3A_467 = arith.addi %mul3A_20, %add3A_466 : i32
        %dma_start3A_468 = arith.constant 0 : i32
        %dma_start3A_469 = tpu.memref_slice %arg11[%add3A_467, %dma_start3A_468] : memref<128x60xf32, #tpu.memory_space<vmem>> -> memref<1x60xf32, #tpu.memory_space<vmem>>
        %dma_start3A_470 = arith.constant 0 : i32
        %dma_start3A_471 = tpu.memref_slice %arg3[%squeeze3A_465, %dma_start3A_470] : memref<1000000x60xf32, #tpu.memory_space<hbm>> -> memref<1x60xf32, #tpu.memory_space<hbm>>
        %dma_start3A_472 = arith.constant 0 : i32
        %dma_start3A_473 = tpu.memref_slice %arg11[%add3A_467, %dma_start3A_472] : memref<128x60xf32, #tpu.memory_space<vmem>> -> memref<1x60xf32, #tpu.memory_space<vmem>>
        %dma_start3A_474 = arith.constant 0 : i32
        %dma_start3A_475 = tpu.memref_slice %arg3[%squeeze3A_465, %dma_start3A_474] : memref<1000000x60xf32, #tpu.memory_space<hbm>> -> memref<1x60xf32, #tpu.memory_space<hbm>>
        tpu.enqueue_dma source(%dma_start3A_475 : memref<1x60xf32, #tpu.memory_space<hbm>>) target(%dma_start3A_473 : memref<1x60xf32, #tpu.memory_space<vmem>>) target_semaphore(%arg15 : memref<!tpu.dma_semaphore, #tpu.memory_space<semaphore_mem>>)
        %slice3A_476 = vector.extract_strided_slice %get3A_29 {offsets = [9], sizes = [1], strides = [1]} : vector<16xi32> to vector<1xi32>
        %squeeze3A_477 = vector.extract %slice3A_476[0] : i32 from vector<1xi32>
        %add3A_478 = arith.constant 9 : i32
        %add3A_479 = arith.addi %mul3A_20, %add3A_478 : i32
        %dma_start3A_480 = arith.constant 0 : i32
        %dma_start3A_481 = tpu.memref_slice %arg12[%add3A_479, %dma_start3A_480] : memref<128x60xf32, #tpu.memory_space<vmem>> -> memref<1x60xf32, #tpu.memory_space<vmem>>
        %dma_start3A_482 = arith.constant 0 : i32
        %dma_start3A_483 = tpu.memref_slice %arg3[%squeeze3A_477, %dma_start3A_482] : memref<1000000x60xf32, #tpu.memory_space<hbm>> -> memref<1x60xf32, #tpu.memory_space<hbm>>
        %dma_start3A_484 = arith.constant 0 : i32
        %dma_start3A_485 = tpu.memref_slice %arg12[%add3A_479, %dma_start3A_484] : memref<128x60xf32, #tpu.memory_space<vmem>> -> memref<1x60xf32, #tpu.memory_space<vmem>>
        %dma_start3A_486 = arith.constant 0 : i32
        %dma_start3A_487 = tpu.memref_slice %arg3[%squeeze3A_477, %dma_start3A_486] : memref<1000000x60xf32, #tpu.memory_space<hbm>> -> memref<1x60xf32, #tpu.memory_space<hbm>>
        tpu.enqueue_dma source(%dma_start3A_487 : memref<1x60xf32, #tpu.memory_space<hbm>>) target(%dma_start3A_485 : memref<1x60xf32, #tpu.memory_space<vmem>>) target_semaphore(%arg15 : memref<!tpu.dma_semaphore, #tpu.memory_space<semaphore_mem>>)
        %slice3A_488 = vector.extract_strided_slice %get3A_34 {offsets = [9], sizes = [1], strides = [1]} : vector<16xi32> to vector<1xi32>
        %squeeze3A_489 = vector.extract %slice3A_488[0] : i32 from vector<1xi32>
        %add3A_490 = arith.constant 9 : i32
        %add3A_491 = arith.addi %mul3A_20, %add3A_490 : i32
        %dma_start3A_492 = arith.constant 0 : i32
        %dma_start3A_493 = tpu.memref_slice %arg13[%add3A_491, %dma_start3A_492] : memref<128x60xf32, #tpu.memory_space<vmem>> -> memref<1x60xf32, #tpu.memory_space<vmem>>
        %dma_start3A_494 = arith.constant 0 : i32
        %dma_start3A_495 = tpu.memref_slice %arg4[%squeeze3A_489, %dma_start3A_494] : memref<1000x60xf32, #tpu.memory_space<hbm>> -> memref<1x60xf32, #tpu.memory_space<hbm>>
        %dma_start3A_496 = arith.constant 0 : i32
        %dma_start3A_497 = tpu.memref_slice %arg13[%add3A_491, %dma_start3A_496] : memref<128x60xf32, #tpu.memory_space<vmem>> -> memref<1x60xf32, #tpu.memory_space<vmem>>
        %dma_start3A_498 = arith.constant 0 : i32
        %dma_start3A_499 = tpu.memref_slice %arg4[%squeeze3A_489, %dma_start3A_498] : memref<1000x60xf32, #tpu.memory_space<hbm>> -> memref<1x60xf32, #tpu.memory_space<hbm>>
        tpu.enqueue_dma source(%dma_start3A_499 : memref<1x60xf32, #tpu.memory_space<hbm>>) target(%dma_start3A_497 : memref<1x60xf32, #tpu.memory_space<vmem>>) target_semaphore(%arg15 : memref<!tpu.dma_semaphore, #tpu.memory_space<semaphore_mem>>)
        %slice3A_500 = vector.extract_strided_slice %get3A_34 {offsets = [9], sizes = [1], strides = [1]} : vector<16xi32> to vector<1xi32>
        %squeeze3A_501 = vector.extract %slice3A_500[0] : i32 from vector<1xi32>
        %add3A_502 = arith.constant 9 : i32
        %add3A_503 = arith.addi %mul3A_20, %add3A_502 : i32
        %dma_start3A_504 = arith.constant 0 : i32
        %dma_start3A_505 = tpu.memref_slice %arg14[%add3A_503, %dma_start3A_504] : memref<128x60xf32, #tpu.memory_space<vmem>> -> memref<1x60xf32, #tpu.memory_space<vmem>>
        %dma_start3A_506 = arith.constant 0 : i32
        %dma_start3A_507 = tpu.memref_slice %arg5[%squeeze3A_501, %dma_start3A_506] : memref<1000x60xf32, #tpu.memory_space<hbm>> -> memref<1x60xf32, #tpu.memory_space<hbm>>
        %dma_start3A_508 = arith.constant 0 : i32
        %dma_start3A_509 = tpu.memref_slice %arg14[%add3A_503, %dma_start3A_508] : memref<128x60xf32, #tpu.memory_space<vmem>> -> memref<1x60xf32, #tpu.memory_space<vmem>>
        %dma_start3A_510 = arith.constant 0 : i32
        %dma_start3A_511 = tpu.memref_slice %arg5[%squeeze3A_501, %dma_start3A_510] : memref<1000x60xf32, #tpu.memory_space<hbm>> -> memref<1x60xf32, #tpu.memory_space<hbm>>
        tpu.enqueue_dma source(%dma_start3A_511 : memref<1x60xf32, #tpu.memory_space<hbm>>) target(%dma_start3A_509 : memref<1x60xf32, #tpu.memory_space<vmem>>) target_semaphore(%arg15 : memref<!tpu.dma_semaphore, #tpu.memory_space<semaphore_mem>>)
        %slice3A_512 = vector.extract_strided_slice %get3A_24 {offsets = [10], sizes = [1], strides = [1]} : vector<16xi32> to vector<1xi32>
        %squeeze3A_513 = vector.extract %slice3A_512[0] : i32 from vector<1xi32>
        %add3A_514 = arith.constant 10 : i32
        %add3A_515 = arith.addi %mul3A_20, %add3A_514 : i32
        %dma_start3A_516 = arith.constant 0 : i32
        %dma_start3A_517 = tpu.memref_slice %arg11[%add3A_515, %dma_start3A_516] : memref<128x60xf32, #tpu.memory_space<vmem>> -> memref<1x60xf32, #tpu.memory_space<vmem>>
        %dma_start3A_518 = arith.constant 0 : i32
        %dma_start3A_519 = tpu.memref_slice %arg3[%squeeze3A_513, %dma_start3A_518] : memref<1000000x60xf32, #tpu.memory_space<hbm>> -> memref<1x60xf32, #tpu.memory_space<hbm>>
        %dma_start3A_520 = arith.constant 0 : i32
        %dma_start3A_521 = tpu.memref_slice %arg11[%add3A_515, %dma_start3A_520] : memref<128x60xf32, #tpu.memory_space<vmem>> -> memref<1x60xf32, #tpu.memory_space<vmem>>
        %dma_start3A_522 = arith.constant 0 : i32
        %dma_start3A_523 = tpu.memref_slice %arg3[%squeeze3A_513, %dma_start3A_522] : memref<1000000x60xf32, #tpu.memory_space<hbm>> -> memref<1x60xf32, #tpu.memory_space<hbm>>
        tpu.enqueue_dma source(%dma_start3A_523 : memref<1x60xf32, #tpu.memory_space<hbm>>) target(%dma_start3A_521 : memref<1x60xf32, #tpu.memory_space<vmem>>) target_semaphore(%arg15 : memref<!tpu.dma_semaphore, #tpu.memory_space<semaphore_mem>>)
        %slice3A_524 = vector.extract_strided_slice %get3A_29 {offsets = [10], sizes = [1], strides = [1]} : vector<16xi32> to vector<1xi32>
        %squeeze3A_525 = vector.extract %slice3A_524[0] : i32 from vector<1xi32>
        %add3A_526 = arith.constant 10 : i32
        %add3A_527 = arith.addi %mul3A_20, %add3A_526 : i32
        %dma_start3A_528 = arith.constant 0 : i32
        %dma_start3A_529 = tpu.memref_slice %arg12[%add3A_527, %dma_start3A_528] : memref<128x60xf32, #tpu.memory_space<vmem>> -> memref<1x60xf32, #tpu.memory_space<vmem>>
        %dma_start3A_530 = arith.constant 0 : i32
        %dma_start3A_531 = tpu.memref_slice %arg3[%squeeze3A_525, %dma_start3A_530] : memref<1000000x60xf32, #tpu.memory_space<hbm>> -> memref<1x60xf32, #tpu.memory_space<hbm>>
        %dma_start3A_532 = arith.constant 0 : i32
        %dma_start3A_533 = tpu.memref_slice %arg12[%add3A_527, %dma_start3A_532] : memref<128x60xf32, #tpu.memory_space<vmem>> -> memref<1x60xf32, #tpu.memory_space<vmem>>
        %dma_start3A_534 = arith.constant 0 : i32
        %dma_start3A_535 = tpu.memref_slice %arg3[%squeeze3A_525, %dma_start3A_534] : memref<1000000x60xf32, #tpu.memory_space<hbm>> -> memref<1x60xf32, #tpu.memory_space<hbm>>
        tpu.enqueue_dma source(%dma_start3A_535 : memref<1x60xf32, #tpu.memory_space<hbm>>) target(%dma_start3A_533 : memref<1x60xf32, #tpu.memory_space<vmem>>) target_semaphore(%arg15 : memref<!tpu.dma_semaphore, #tpu.memory_space<semaphore_mem>>)
        %slice3A_536 = vector.extract_strided_slice %get3A_34 {offsets = [10], sizes = [1], strides = [1]} : vector<16xi32> to vector<1xi32>
        %squeeze3A_537 = vector.extract %slice3A_536[0] : i32 from vector<1xi32>
        %add3A_538 = arith.constant 10 : i32
        %add3A_539 = arith.addi %mul3A_20, %add3A_538 : i32
        %dma_start3A_540 = arith.constant 0 : i32
        %dma_start3A_541 = tpu.memref_slice %arg13[%add3A_539, %dma_start3A_540] : memref<128x60xf32, #tpu.memory_space<vmem>> -> memref<1x60xf32, #tpu.memory_space<vmem>>
        %dma_start3A_542 = arith.constant 0 : i32
        %dma_start3A_543 = tpu.memref_slice %arg4[%squeeze3A_537, %dma_start3A_542] : memref<1000x60xf32, #tpu.memory_space<hbm>> -> memref<1x60xf32, #tpu.memory_space<hbm>>
        %dma_start3A_544 = arith.constant 0 : i32
        %dma_start3A_545 = tpu.memref_slice %arg13[%add3A_539, %dma_start3A_544] : memref<128x60xf32, #tpu.memory_space<vmem>> -> memref<1x60xf32, #tpu.memory_space<vmem>>
        %dma_start3A_546 = arith.constant 0 : i32
        %dma_start3A_547 = tpu.memref_slice %arg4[%squeeze3A_537, %dma_start3A_546] : memref<1000x60xf32, #tpu.memory_space<hbm>> -> memref<1x60xf32, #tpu.memory_space<hbm>>
        tpu.enqueue_dma source(%dma_start3A_547 : memref<1x60xf32, #tpu.memory_space<hbm>>) target(%dma_start3A_545 : memref<1x60xf32, #tpu.memory_space<vmem>>) target_semaphore(%arg15 : memref<!tpu.dma_semaphore, #tpu.memory_space<semaphore_mem>>)
        %slice3A_548 = vector.extract_strided_slice %get3A_34 {offsets = [10], sizes = [1], strides = [1]} : vector<16xi32> to vector<1xi32>
        %squeeze3A_549 = vector.extract %slice3A_548[0] : i32 from vector<1xi32>
        %add3A_550 = arith.constant 10 : i32
        %add3A_551 = arith.addi %mul3A_20, %add3A_550 : i32
        %dma_start3A_552 = arith.constant 0 : i32
        %dma_start3A_553 = tpu.memref_slice %arg14[%add3A_551, %dma_start3A_552] : memref<128x60xf32, #tpu.memory_space<vmem>> -> memref<1x60xf32, #tpu.memory_space<vmem>>
        %dma_start3A_554 = arith.constant 0 : i32
        %dma_start3A_555 = tpu.memref_slice %arg5[%squeeze3A_549, %dma_start3A_554] : memref<1000x60xf32, #tpu.memory_space<hbm>> -> memref<1x60xf32, #tpu.memory_space<hbm>>
        %dma_start3A_556 = arith.constant 0 : i32
        %dma_start3A_557 = tpu.memref_slice %arg14[%add3A_551, %dma_start3A_556] : memref<128x60xf32, #tpu.memory_space<vmem>> -> memref<1x60xf32, #tpu.memory_space<vmem>>
        %dma_start3A_558 = arith.constant 0 : i32
        %dma_start3A_559 = tpu.memref_slice %arg5[%squeeze3A_549, %dma_start3A_558] : memref<1000x60xf32, #tpu.memory_space<hbm>> -> memref<1x60xf32, #tpu.memory_space<hbm>>
        tpu.enqueue_dma source(%dma_start3A_559 : memref<1x60xf32, #tpu.memory_space<hbm>>) target(%dma_start3A_557 : memref<1x60xf32, #tpu.memory_space<vmem>>) target_semaphore(%arg15 : memref<!tpu.dma_semaphore, #tpu.memory_space<semaphore_mem>>)
        %slice3A_560 = vector.extract_strided_slice %get3A_24 {offsets = [11], sizes = [1], strides = [1]} : vector<16xi32> to vector<1xi32>
        %squeeze3A_561 = vector.extract %slice3A_560[0] : i32 from vector<1xi32>
        %add3A_562 = arith.constant 11 : i32
        %add3A_563 = arith.addi %mul3A_20, %add3A_562 : i32
        %dma_start3A_564 = arith.constant 0 : i32
        %dma_start3A_565 = tpu.memref_slice %arg11[%add3A_563, %dma_start3A_564] : memref<128x60xf32, #tpu.memory_space<vmem>> -> memref<1x60xf32, #tpu.memory_space<vmem>>
        %dma_start3A_566 = arith.constant 0 : i32
        %dma_start3A_567 = tpu.memref_slice %arg3[%squeeze3A_561, %dma_start3A_566] : memref<1000000x60xf32, #tpu.memory_space<hbm>> -> memref<1x60xf32, #tpu.memory_space<hbm>>
        %dma_start3A_568 = arith.constant 0 : i32
        %dma_start3A_569 = tpu.memref_slice %arg11[%add3A_563, %dma_start3A_568] : memref<128x60xf32, #tpu.memory_space<vmem>> -> memref<1x60xf32, #tpu.memory_space<vmem>>
        %dma_start3A_570 = arith.constant 0 : i32
        %dma_start3A_571 = tpu.memref_slice %arg3[%squeeze3A_561, %dma_start3A_570] : memref<1000000x60xf32, #tpu.memory_space<hbm>> -> memref<1x60xf32, #tpu.memory_space<hbm>>
        tpu.enqueue_dma source(%dma_start3A_571 : memref<1x60xf32, #tpu.memory_space<hbm>>) target(%dma_start3A_569 : memref<1x60xf32, #tpu.memory_space<vmem>>) target_semaphore(%arg15 : memref<!tpu.dma_semaphore, #tpu.memory_space<semaphore_mem>>)
        %slice3A_572 = vector.extract_strided_slice %get3A_29 {offsets = [11], sizes = [1], strides = [1]} : vector<16xi32> to vector<1xi32>
        %squeeze3A_573 = vector.extract %slice3A_572[0] : i32 from vector<1xi32>
        %add3A_574 = arith.constant 11 : i32
        %add3A_575 = arith.addi %mul3A_20, %add3A_574 : i32
        %dma_start3A_576 = arith.constant 0 : i32
        %dma_start3A_577 = tpu.memref_slice %arg12[%add3A_575, %dma_start3A_576] : memref<128x60xf32, #tpu.memory_space<vmem>> -> memref<1x60xf32, #tpu.memory_space<vmem>>
        %dma_start3A_578 = arith.constant 0 : i32
        %dma_start3A_579 = tpu.memref_slice %arg3[%squeeze3A_573, %dma_start3A_578] : memref<1000000x60xf32, #tpu.memory_space<hbm>> -> memref<1x60xf32, #tpu.memory_space<hbm>>
        %dma_start3A_580 = arith.constant 0 : i32
        %dma_start3A_581 = tpu.memref_slice %arg12[%add3A_575, %dma_start3A_580] : memref<128x60xf32, #tpu.memory_space<vmem>> -> memref<1x60xf32, #tpu.memory_space<vmem>>
        %dma_start3A_582 = arith.constant 0 : i32
        %dma_start3A_583 = tpu.memref_slice %arg3[%squeeze3A_573, %dma_start3A_582] : memref<1000000x60xf32, #tpu.memory_space<hbm>> -> memref<1x60xf32, #tpu.memory_space<hbm>>
        tpu.enqueue_dma source(%dma_start3A_583 : memref<1x60xf32, #tpu.memory_space<hbm>>) target(%dma_start3A_581 : memref<1x60xf32, #tpu.memory_space<vmem>>) target_semaphore(%arg15 : memref<!tpu.dma_semaphore, #tpu.memory_space<semaphore_mem>>)
        %slice3A_584 = vector.extract_strided_slice %get3A_34 {offsets = [11], sizes = [1], strides = [1]} : vector<16xi32> to vector<1xi32>
        %squeeze3A_585 = vector.extract %slice3A_584[0] : i32 from vector<1xi32>
        %add3A_586 = arith.constant 11 : i32
        %add3A_587 = arith.addi %mul3A_20, %add3A_586 : i32
        %dma_start3A_588 = arith.constant 0 : i32
        %dma_start3A_589 = tpu.memref_slice %arg13[%add3A_587, %dma_start3A_588] : memref<128x60xf32, #tpu.memory_space<vmem>> -> memref<1x60xf32, #tpu.memory_space<vmem>>
        %dma_start3A_590 = arith.constant 0 : i32
        %dma_start3A_591 = tpu.memref_slice %arg4[%squeeze3A_585, %dma_start3A_590] : memref<1000x60xf32, #tpu.memory_space<hbm>> -> memref<1x60xf32, #tpu.memory_space<hbm>>
        %dma_start3A_592 = arith.constant 0 : i32
        %dma_start3A_593 = tpu.memref_slice %arg13[%add3A_587, %dma_start3A_592] : memref<128x60xf32, #tpu.memory_space<vmem>> -> memref<1x60xf32, #tpu.memory_space<vmem>>
        %dma_start3A_594 = arith.constant 0 : i32
        %dma_start3A_595 = tpu.memref_slice %arg4[%squeeze3A_585, %dma_start3A_594] : memref<1000x60xf32, #tpu.memory_space<hbm>> -> memref<1x60xf32, #tpu.memory_space<hbm>>
        tpu.enqueue_dma source(%dma_start3A_595 : memref<1x60xf32, #tpu.memory_space<hbm>>) target(%dma_start3A_593 : memref<1x60xf32, #tpu.memory_space<vmem>>) target_semaphore(%arg15 : memref<!tpu.dma_semaphore, #tpu.memory_space<semaphore_mem>>)
        %slice3A_596 = vector.extract_strided_slice %get3A_34 {offsets = [11], sizes = [1], strides = [1]} : vector<16xi32> to vector<1xi32>
        %squeeze3A_597 = vector.extract %slice3A_596[0] : i32 from vector<1xi32>
        %add3A_598 = arith.constant 11 : i32
        %add3A_599 = arith.addi %mul3A_20, %add3A_598 : i32
        %dma_start3A_600 = arith.constant 0 : i32
        %dma_start3A_601 = tpu.memref_slice %arg14[%add3A_599, %dma_start3A_600] : memref<128x60xf32, #tpu.memory_space<vmem>> -> memref<1x60xf32, #tpu.memory_space<vmem>>
        %dma_start3A_602 = arith.constant 0 : i32
        %dma_start3A_603 = tpu.memref_slice %arg5[%squeeze3A_597, %dma_start3A_602] : memref<1000x60xf32, #tpu.memory_space<hbm>> -> memref<1x60xf32, #tpu.memory_space<hbm>>
        %dma_start3A_604 = arith.constant 0 : i32
        %dma_start3A_605 = tpu.memref_slice %arg14[%add3A_599, %dma_start3A_604] : memref<128x60xf32, #tpu.memory_space<vmem>> -> memref<1x60xf32, #tpu.memory_space<vmem>>
        %dma_start3A_606 = arith.constant 0 : i32
        %dma_start3A_607 = tpu.memref_slice %arg5[%squeeze3A_597, %dma_start3A_606] : memref<1000x60xf32, #tpu.memory_space<hbm>> -> memref<1x60xf32, #tpu.memory_space<hbm>>
        tpu.enqueue_dma source(%dma_start3A_607 : memref<1x60xf32, #tpu.memory_space<hbm>>) target(%dma_start3A_605 : memref<1x60xf32, #tpu.memory_space<vmem>>) target_semaphore(%arg15 : memref<!tpu.dma_semaphore, #tpu.memory_space<semaphore_mem>>)
        %slice3A_608 = vector.extract_strided_slice %get3A_24 {offsets = [12], sizes = [1], strides = [1]} : vector<16xi32> to vector<1xi32>
        %squeeze3A_609 = vector.extract %slice3A_608[0] : i32 from vector<1xi32>
        %add3A_610 = arith.constant 12 : i32
        %add3A_611 = arith.addi %mul3A_20, %add3A_610 : i32
        %dma_start3A_612 = arith.constant 0 : i32
        %dma_start3A_613 = tpu.memref_slice %arg11[%add3A_611, %dma_start3A_612] : memref<128x60xf32, #tpu.memory_space<vmem>> -> memref<1x60xf32, #tpu.memory_space<vmem>>
        %dma_start3A_614 = arith.constant 0 : i32
        %dma_start3A_615 = tpu.memref_slice %arg3[%squeeze3A_609, %dma_start3A_614] : memref<1000000x60xf32, #tpu.memory_space<hbm>> -> memref<1x60xf32, #tpu.memory_space<hbm>>
        %dma_start3A_616 = arith.constant 0 : i32
        %dma_start3A_617 = tpu.memref_slice %arg11[%add3A_611, %dma_start3A_616] : memref<128x60xf32, #tpu.memory_space<vmem>> -> memref<1x60xf32, #tpu.memory_space<vmem>>
        %dma_start3A_618 = arith.constant 0 : i32
        %dma_start3A_619 = tpu.memref_slice %arg3[%squeeze3A_609, %dma_start3A_618] : memref<1000000x60xf32, #tpu.memory_space<hbm>> -> memref<1x60xf32, #tpu.memory_space<hbm>>
        tpu.enqueue_dma source(%dma_start3A_619 : memref<1x60xf32, #tpu.memory_space<hbm>>) target(%dma_start3A_617 : memref<1x60xf32, #tpu.memory_space<vmem>>) target_semaphore(%arg15 : memref<!tpu.dma_semaphore, #tpu.memory_space<semaphore_mem>>)
        %slice3A_620 = vector.extract_strided_slice %get3A_29 {offsets = [12], sizes = [1], strides = [1]} : vector<16xi32> to vector<1xi32>
        %squeeze3A_621 = vector.extract %slice3A_620[0] : i32 from vector<1xi32>
        %add3A_622 = arith.constant 12 : i32
        %add3A_623 = arith.addi %mul3A_20, %add3A_622 : i32
        %dma_start3A_624 = arith.constant 0 : i32
        %dma_start3A_625 = tpu.memref_slice %arg12[%add3A_623, %dma_start3A_624] : memref<128x60xf32, #tpu.memory_space<vmem>> -> memref<1x60xf32, #tpu.memory_space<vmem>>
        %dma_start3A_626 = arith.constant 0 : i32
        %dma_start3A_627 = tpu.memref_slice %arg3[%squeeze3A_621, %dma_start3A_626] : memref<1000000x60xf32, #tpu.memory_space<hbm>> -> memref<1x60xf32, #tpu.memory_space<hbm>>
        %dma_start3A_628 = arith.constant 0 : i32
        %dma_start3A_629 = tpu.memref_slice %arg12[%add3A_623, %dma_start3A_628] : memref<128x60xf32, #tpu.memory_space<vmem>> -> memref<1x60xf32, #tpu.memory_space<vmem>>
        %dma_start3A_630 = arith.constant 0 : i32
        %dma_start3A_631 = tpu.memref_slice %arg3[%squeeze3A_621, %dma_start3A_630] : memref<1000000x60xf32, #tpu.memory_space<hbm>> -> memref<1x60xf32, #tpu.memory_space<hbm>>
        tpu.enqueue_dma source(%dma_start3A_631 : memref<1x60xf32, #tpu.memory_space<hbm>>) target(%dma_start3A_629 : memref<1x60xf32, #tpu.memory_space<vmem>>) target_semaphore(%arg15 : memref<!tpu.dma_semaphore, #tpu.memory_space<semaphore_mem>>)
        %slice3A_632 = vector.extract_strided_slice %get3A_34 {offsets = [12], sizes = [1], strides = [1]} : vector<16xi32> to vector<1xi32>
        %squeeze3A_633 = vector.extract %slice3A_632[0] : i32 from vector<1xi32>
        %add3A_634 = arith.constant 12 : i32
        %add3A_635 = arith.addi %mul3A_20, %add3A_634 : i32
        %dma_start3A_636 = arith.constant 0 : i32
        %dma_start3A_637 = tpu.memref_slice %arg13[%add3A_635, %dma_start3A_636] : memref<128x60xf32, #tpu.memory_space<vmem>> -> memref<1x60xf32, #tpu.memory_space<vmem>>
        %dma_start3A_638 = arith.constant 0 : i32
        %dma_start3A_639 = tpu.memref_slice %arg4[%squeeze3A_633, %dma_start3A_638] : memref<1000x60xf32, #tpu.memory_space<hbm>> -> memref<1x60xf32, #tpu.memory_space<hbm>>
        %dma_start3A_640 = arith.constant 0 : i32
        %dma_start3A_641 = tpu.memref_slice %arg13[%add3A_635, %dma_start3A_640] : memref<128x60xf32, #tpu.memory_space<vmem>> -> memref<1x60xf32, #tpu.memory_space<vmem>>
        %dma_start3A_642 = arith.constant 0 : i32
        %dma_start3A_643 = tpu.memref_slice %arg4[%squeeze3A_633, %dma_start3A_642] : memref<1000x60xf32, #tpu.memory_space<hbm>> -> memref<1x60xf32, #tpu.memory_space<hbm>>
        tpu.enqueue_dma source(%dma_start3A_643 : memref<1x60xf32, #tpu.memory_space<hbm>>) target(%dma_start3A_641 : memref<1x60xf32, #tpu.memory_space<vmem>>) target_semaphore(%arg15 : memref<!tpu.dma_semaphore, #tpu.memory_space<semaphore_mem>>)
        %slice3A_644 = vector.extract_strided_slice %get3A_34 {offsets = [12], sizes = [1], strides = [1]} : vector<16xi32> to vector<1xi32>
        %squeeze3A_645 = vector.extract %slice3A_644[0] : i32 from vector<1xi32>
        %add3A_646 = arith.constant 12 : i32
        %add3A_647 = arith.addi %mul3A_20, %add3A_646 : i32
        %dma_start3A_648 = arith.constant 0 : i32
        %dma_start3A_649 = tpu.memref_slice %arg14[%add3A_647, %dma_start3A_648] : memref<128x60xf32, #tpu.memory_space<vmem>> -> memref<1x60xf32, #tpu.memory_space<vmem>>
        %dma_start3A_650 = arith.constant 0 : i32
        %dma_start3A_651 = tpu.memref_slice %arg5[%squeeze3A_645, %dma_start3A_650] : memref<1000x60xf32, #tpu.memory_space<hbm>> -> memref<1x60xf32, #tpu.memory_space<hbm>>
        %dma_start3A_652 = arith.constant 0 : i32
        %dma_start3A_653 = tpu.memref_slice %arg14[%add3A_647, %dma_start3A_652] : memref<128x60xf32, #tpu.memory_space<vmem>> -> memref<1x60xf32, #tpu.memory_space<vmem>>
        %dma_start3A_654 = arith.constant 0 : i32
        %dma_start3A_655 = tpu.memref_slice %arg5[%squeeze3A_645, %dma_start3A_654] : memref<1000x60xf32, #tpu.memory_space<hbm>> -> memref<1x60xf32, #tpu.memory_space<hbm>>
        tpu.enqueue_dma source(%dma_start3A_655 : memref<1x60xf32, #tpu.memory_space<hbm>>) target(%dma_start3A_653 : memref<1x60xf32, #tpu.memory_space<vmem>>) target_semaphore(%arg15 : memref<!tpu.dma_semaphore, #tpu.memory_space<semaphore_mem>>)
        %slice3A_656 = vector.extract_strided_slice %get3A_24 {offsets = [13], sizes = [1], strides = [1]} : vector<16xi32> to vector<1xi32>
        %squeeze3A_657 = vector.extract %slice3A_656[0] : i32 from vector<1xi32>
        %add3A_658 = arith.constant 13 : i32
        %add3A_659 = arith.addi %mul3A_20, %add3A_658 : i32
        %dma_start3A_660 = arith.constant 0 : i32
        %dma_start3A_661 = tpu.memref_slice %arg11[%add3A_659, %dma_start3A_660] : memref<128x60xf32, #tpu.memory_space<vmem>> -> memref<1x60xf32, #tpu.memory_space<vmem>>
        %dma_start3A_662 = arith.constant 0 : i32
        %dma_start3A_663 = tpu.memref_slice %arg3[%squeeze3A_657, %dma_start3A_662] : memref<1000000x60xf32, #tpu.memory_space<hbm>> -> memref<1x60xf32, #tpu.memory_space<hbm>>
        %dma_start3A_664 = arith.constant 0 : i32
        %dma_start3A_665 = tpu.memref_slice %arg11[%add3A_659, %dma_start3A_664] : memref<128x60xf32, #tpu.memory_space<vmem>> -> memref<1x60xf32, #tpu.memory_space<vmem>>
        %dma_start3A_666 = arith.constant 0 : i32
        %dma_start3A_667 = tpu.memref_slice %arg3[%squeeze3A_657, %dma_start3A_666] : memref<1000000x60xf32, #tpu.memory_space<hbm>> -> memref<1x60xf32, #tpu.memory_space<hbm>>
        tpu.enqueue_dma source(%dma_start3A_667 : memref<1x60xf32, #tpu.memory_space<hbm>>) target(%dma_start3A_665 : memref<1x60xf32, #tpu.memory_space<vmem>>) target_semaphore(%arg15 : memref<!tpu.dma_semaphore, #tpu.memory_space<semaphore_mem>>)
        %slice3A_668 = vector.extract_strided_slice %get3A_29 {offsets = [13], sizes = [1], strides = [1]} : vector<16xi32> to vector<1xi32>
        %squeeze3A_669 = vector.extract %slice3A_668[0] : i32 from vector<1xi32>
        %add3A_670 = arith.constant 13 : i32
        %add3A_671 = arith.addi %mul3A_20, %add3A_670 : i32
        %dma_start3A_672 = arith.constant 0 : i32
        %dma_start3A_673 = tpu.memref_slice %arg12[%add3A_671, %dma_start3A_672] : memref<128x60xf32, #tpu.memory_space<vmem>> -> memref<1x60xf32, #tpu.memory_space<vmem>>
        %dma_start3A_674 = arith.constant 0 : i32
        %dma_start3A_675 = tpu.memref_slice %arg3[%squeeze3A_669, %dma_start3A_674] : memref<1000000x60xf32, #tpu.memory_space<hbm>> -> memref<1x60xf32, #tpu.memory_space<hbm>>
        %dma_start3A_676 = arith.constant 0 : i32
        %dma_start3A_677 = tpu.memref_slice %arg12[%add3A_671, %dma_start3A_676] : memref<128x60xf32, #tpu.memory_space<vmem>> -> memref<1x60xf32, #tpu.memory_space<vmem>>
        %dma_start3A_678 = arith.constant 0 : i32
        %dma_start3A_679 = tpu.memref_slice %arg3[%squeeze3A_669, %dma_start3A_678] : memref<1000000x60xf32, #tpu.memory_space<hbm>> -> memref<1x60xf32, #tpu.memory_space<hbm>>
        tpu.enqueue_dma source(%dma_start3A_679 : memref<1x60xf32, #tpu.memory_space<hbm>>) target(%dma_start3A_677 : memref<1x60xf32, #tpu.memory_space<vmem>>) target_semaphore(%arg15 : memref<!tpu.dma_semaphore, #tpu.memory_space<semaphore_mem>>)
        %slice3A_680 = vector.extract_strided_slice %get3A_34 {offsets = [13], sizes = [1], strides = [1]} : vector<16xi32> to vector<1xi32>
        %squeeze3A_681 = vector.extract %slice3A_680[0] : i32 from vector<1xi32>
        %add3A_682 = arith.constant 13 : i32
        %add3A_683 = arith.addi %mul3A_20, %add3A_682 : i32
        %dma_start3A_684 = arith.constant 0 : i32
        %dma_start3A_685 = tpu.memref_slice %arg13[%add3A_683, %dma_start3A_684] : memref<128x60xf32, #tpu.memory_space<vmem>> -> memref<1x60xf32, #tpu.memory_space<vmem>>
        %dma_start3A_686 = arith.constant 0 : i32
        %dma_start3A_687 = tpu.memref_slice %arg4[%squeeze3A_681, %dma_start3A_686] : memref<1000x60xf32, #tpu.memory_space<hbm>> -> memref<1x60xf32, #tpu.memory_space<hbm>>
        %dma_start3A_688 = arith.constant 0 : i32
        %dma_start3A_689 = tpu.memref_slice %arg13[%add3A_683, %dma_start3A_688] : memref<128x60xf32, #tpu.memory_space<vmem>> -> memref<1x60xf32, #tpu.memory_space<vmem>>
        %dma_start3A_690 = arith.constant 0 : i32
        %dma_start3A_691 = tpu.memref_slice %arg4[%squeeze3A_681, %dma_start3A_690] : memref<1000x60xf32, #tpu.memory_space<hbm>> -> memref<1x60xf32, #tpu.memory_space<hbm>>
        tpu.enqueue_dma source(%dma_start3A_691 : memref<1x60xf32, #tpu.memory_space<hbm>>) target(%dma_start3A_689 : memref<1x60xf32, #tpu.memory_space<vmem>>) target_semaphore(%arg15 : memref<!tpu.dma_semaphore, #tpu.memory_space<semaphore_mem>>)
        %slice3A_692 = vector.extract_strided_slice %get3A_34 {offsets = [13], sizes = [1], strides = [1]} : vector<16xi32> to vector<1xi32>
        %squeeze3A_693 = vector.extract %slice3A_692[0] : i32 from vector<1xi32>
        %add3A_694 = arith.constant 13 : i32
        %add3A_695 = arith.addi %mul3A_20, %add3A_694 : i32
        %dma_start3A_696 = arith.constant 0 : i32
        %dma_start3A_697 = tpu.memref_slice %arg14[%add3A_695, %dma_start3A_696] : memref<128x60xf32, #tpu.memory_space<vmem>> -> memref<1x60xf32, #tpu.memory_space<vmem>>
        %dma_start3A_698 = arith.constant 0 : i32
        %dma_start3A_699 = tpu.memref_slice %arg5[%squeeze3A_693, %dma_start3A_698] : memref<1000x60xf32, #tpu.memory_space<hbm>> -> memref<1x60xf32, #tpu.memory_space<hbm>>
        %dma_start3A_700 = arith.constant 0 : i32
        %dma_start3A_701 = tpu.memref_slice %arg14[%add3A_695, %dma_start3A_700] : memref<128x60xf32, #tpu.memory_space<vmem>> -> memref<1x60xf32, #tpu.memory_space<vmem>>
        %dma_start3A_702 = arith.constant 0 : i32
        %dma_start3A_703 = tpu.memref_slice %arg5[%squeeze3A_693, %dma_start3A_702] : memref<1000x60xf32, #tpu.memory_space<hbm>> -> memref<1x60xf32, #tpu.memory_space<hbm>>
        tpu.enqueue_dma source(%dma_start3A_703 : memref<1x60xf32, #tpu.memory_space<hbm>>) target(%dma_start3A_701 : memref<1x60xf32, #tpu.memory_space<vmem>>) target_semaphore(%arg15 : memref<!tpu.dma_semaphore, #tpu.memory_space<semaphore_mem>>)
        %slice3A_704 = vector.extract_strided_slice %get3A_24 {offsets = [14], sizes = [1], strides = [1]} : vector<16xi32> to vector<1xi32>
        %squeeze3A_705 = vector.extract %slice3A_704[0] : i32 from vector<1xi32>
        %add3A_706 = arith.constant 14 : i32
        %add3A_707 = arith.addi %mul3A_20, %add3A_706 : i32
        %dma_start3A_708 = arith.constant 0 : i32
        %dma_start3A_709 = tpu.memref_slice %arg11[%add3A_707, %dma_start3A_708] : memref<128x60xf32, #tpu.memory_space<vmem>> -> memref<1x60xf32, #tpu.memory_space<vmem>>
        %dma_start3A_710 = arith.constant 0 : i32
        %dma_start3A_711 = tpu.memref_slice %arg3[%squeeze3A_705, %dma_start3A_710] : memref<1000000x60xf32, #tpu.memory_space<hbm>> -> memref<1x60xf32, #tpu.memory_space<hbm>>
        %dma_start3A_712 = arith.constant 0 : i32
        %dma_start3A_713 = tpu.memref_slice %arg11[%add3A_707, %dma_start3A_712] : memref<128x60xf32, #tpu.memory_space<vmem>> -> memref<1x60xf32, #tpu.memory_space<vmem>>
        %dma_start3A_714 = arith.constant 0 : i32
        %dma_start3A_715 = tpu.memref_slice %arg3[%squeeze3A_705, %dma_start3A_714] : memref<1000000x60xf32, #tpu.memory_space<hbm>> -> memref<1x60xf32, #tpu.memory_space<hbm>>
        tpu.enqueue_dma source(%dma_start3A_715 : memref<1x60xf32, #tpu.memory_space<hbm>>) target(%dma_start3A_713 : memref<1x60xf32, #tpu.memory_space<vmem>>) target_semaphore(%arg15 : memref<!tpu.dma_semaphore, #tpu.memory_space<semaphore_mem>>)
        %slice3A_716 = vector.extract_strided_slice %get3A_29 {offsets = [14], sizes = [1], strides = [1]} : vector<16xi32> to vector<1xi32>
        %squeeze3A_717 = vector.extract %slice3A_716[0] : i32 from vector<1xi32>
        %add3A_718 = arith.constant 14 : i32
        %add3A_719 = arith.addi %mul3A_20, %add3A_718 : i32
        %dma_start3A_720 = arith.constant 0 : i32
        %dma_start3A_721 = tpu.memref_slice %arg12[%add3A_719, %dma_start3A_720] : memref<128x60xf32, #tpu.memory_space<vmem>> -> memref<1x60xf32, #tpu.memory_space<vmem>>
        %dma_start3A_722 = arith.constant 0 : i32
        %dma_start3A_723 = tpu.memref_slice %arg3[%squeeze3A_717, %dma_start3A_722] : memref<1000000x60xf32, #tpu.memory_space<hbm>> -> memref<1x60xf32, #tpu.memory_space<hbm>>
        %dma_start3A_724 = arith.constant 0 : i32
        %dma_start3A_725 = tpu.memref_slice %arg12[%add3A_719, %dma_start3A_724] : memref<128x60xf32, #tpu.memory_space<vmem>> -> memref<1x60xf32, #tpu.memory_space<vmem>>
        %dma_start3A_726 = arith.constant 0 : i32
        %dma_start3A_727 = tpu.memref_slice %arg3[%squeeze3A_717, %dma_start3A_726] : memref<1000000x60xf32, #tpu.memory_space<hbm>> -> memref<1x60xf32, #tpu.memory_space<hbm>>
        tpu.enqueue_dma source(%dma_start3A_727 : memref<1x60xf32, #tpu.memory_space<hbm>>) target(%dma_start3A_725 : memref<1x60xf32, #tpu.memory_space<vmem>>) target_semaphore(%arg15 : memref<!tpu.dma_semaphore, #tpu.memory_space<semaphore_mem>>)
        %slice3A_728 = vector.extract_strided_slice %get3A_34 {offsets = [14], sizes = [1], strides = [1]} : vector<16xi32> to vector<1xi32>
        %squeeze3A_729 = vector.extract %slice3A_728[0] : i32 from vector<1xi32>
        %add3A_730 = arith.constant 14 : i32
        %add3A_731 = arith.addi %mul3A_20, %add3A_730 : i32
        %dma_start3A_732 = arith.constant 0 : i32
        %dma_start3A_733 = tpu.memref_slice %arg13[%add3A_731, %dma_start3A_732] : memref<128x60xf32, #tpu.memory_space<vmem>> -> memref<1x60xf32, #tpu.memory_space<vmem>>
        %dma_start3A_734 = arith.constant 0 : i32
        %dma_start3A_735 = tpu.memref_slice %arg4[%squeeze3A_729, %dma_start3A_734] : memref<1000x60xf32, #tpu.memory_space<hbm>> -> memref<1x60xf32, #tpu.memory_space<hbm>>
        %dma_start3A_736 = arith.constant 0 : i32
        %dma_start3A_737 = tpu.memref_slice %arg13[%add3A_731, %dma_start3A_736] : memref<128x60xf32, #tpu.memory_space<vmem>> -> memref<1x60xf32, #tpu.memory_space<vmem>>
        %dma_start3A_738 = arith.constant 0 : i32
        %dma_start3A_739 = tpu.memref_slice %arg4[%squeeze3A_729, %dma_start3A_738] : memref<1000x60xf32, #tpu.memory_space<hbm>> -> memref<1x60xf32, #tpu.memory_space<hbm>>
        tpu.enqueue_dma source(%dma_start3A_739 : memref<1x60xf32, #tpu.memory_space<hbm>>) target(%dma_start3A_737 : memref<1x60xf32, #tpu.memory_space<vmem>>) target_semaphore(%arg15 : memref<!tpu.dma_semaphore, #tpu.memory_space<semaphore_mem>>)
        %slice3A_740 = vector.extract_strided_slice %get3A_34 {offsets = [14], sizes = [1], strides = [1]} : vector<16xi32> to vector<1xi32>
        %squeeze3A_741 = vector.extract %slice3A_740[0] : i32 from vector<1xi32>
        %add3A_742 = arith.constant 14 : i32
        %add3A_743 = arith.addi %mul3A_20, %add3A_742 : i32
        %dma_start3A_744 = arith.constant 0 : i32
        %dma_start3A_745 = tpu.memref_slice %arg14[%add3A_743, %dma_start3A_744] : memref<128x60xf32, #tpu.memory_space<vmem>> -> memref<1x60xf32, #tpu.memory_space<vmem>>
        %dma_start3A_746 = arith.constant 0 : i32
        %dma_start3A_747 = tpu.memref_slice %arg5[%squeeze3A_741, %dma_start3A_746] : memref<1000x60xf32, #tpu.memory_space<hbm>> -> memref<1x60xf32, #tpu.memory_space<hbm>>
        %dma_start3A_748 = arith.constant 0 : i32
        %dma_start3A_749 = tpu.memref_slice %arg14[%add3A_743, %dma_start3A_748] : memref<128x60xf32, #tpu.memory_space<vmem>> -> memref<1x60xf32, #tpu.memory_space<vmem>>
        %dma_start3A_750 = arith.constant 0 : i32
        %dma_start3A_751 = tpu.memref_slice %arg5[%squeeze3A_741, %dma_start3A_750] : memref<1000x60xf32, #tpu.memory_space<hbm>> -> memref<1x60xf32, #tpu.memory_space<hbm>>
        tpu.enqueue_dma source(%dma_start3A_751 : memref<1x60xf32, #tpu.memory_space<hbm>>) target(%dma_start3A_749 : memref<1x60xf32, #tpu.memory_space<vmem>>) target_semaphore(%arg15 : memref<!tpu.dma_semaphore, #tpu.memory_space<semaphore_mem>>)
        %slice3A_752 = vector.extract_strided_slice %get3A_24 {offsets = [15], sizes = [1], strides = [1]} : vector<16xi32> to vector<1xi32>
        %squeeze3A_753 = vector.extract %slice3A_752[0] : i32 from vector<1xi32>
        %add3A_754 = arith.constant 15 : i32
        %add3A_755 = arith.addi %mul3A_20, %add3A_754 : i32
        %dma_start3A_756 = arith.constant 0 : i32
        %dma_start3A_757 = tpu.memref_slice %arg11[%add3A_755, %dma_start3A_756] : memref<128x60xf32, #tpu.memory_space<vmem>> -> memref<1x60xf32, #tpu.memory_space<vmem>>
        %dma_start3A_758 = arith.constant 0 : i32
        %dma_start3A_759 = tpu.memref_slice %arg3[%squeeze3A_753, %dma_start3A_758] : memref<1000000x60xf32, #tpu.memory_space<hbm>> -> memref<1x60xf32, #tpu.memory_space<hbm>>
        %dma_start3A_760 = arith.constant 0 : i32
        %dma_start3A_761 = tpu.memref_slice %arg11[%add3A_755, %dma_start3A_760] : memref<128x60xf32, #tpu.memory_space<vmem>> -> memref<1x60xf32, #tpu.memory_space<vmem>>
        %dma_start3A_762 = arith.constant 0 : i32
        %dma_start3A_763 = tpu.memref_slice %arg3[%squeeze3A_753, %dma_start3A_762] : memref<1000000x60xf32, #tpu.memory_space<hbm>> -> memref<1x60xf32, #tpu.memory_space<hbm>>
        tpu.enqueue_dma source(%dma_start3A_763 : memref<1x60xf32, #tpu.memory_space<hbm>>) target(%dma_start3A_761 : memref<1x60xf32, #tpu.memory_space<vmem>>) target_semaphore(%arg15 : memref<!tpu.dma_semaphore, #tpu.memory_space<semaphore_mem>>)
        %slice3A_764 = vector.extract_strided_slice %get3A_29 {offsets = [15], sizes = [1], strides = [1]} : vector<16xi32> to vector<1xi32>
        %squeeze3A_765 = vector.extract %slice3A_764[0] : i32 from vector<1xi32>
        %add3A_766 = arith.constant 15 : i32
        %add3A_767 = arith.addi %mul3A_20, %add3A_766 : i32
        %dma_start3A_768 = arith.constant 0 : i32
        %dma_start3A_769 = tpu.memref_slice %arg12[%add3A_767, %dma_start3A_768] : memref<128x60xf32, #tpu.memory_space<vmem>> -> memref<1x60xf32, #tpu.memory_space<vmem>>
        %dma_start3A_770 = arith.constant 0 : i32
        %dma_start3A_771 = tpu.memref_slice %arg3[%squeeze3A_765, %dma_start3A_770] : memref<1000000x60xf32, #tpu.memory_space<hbm>> -> memref<1x60xf32, #tpu.memory_space<hbm>>
        %dma_start3A_772 = arith.constant 0 : i32
        %dma_start3A_773 = tpu.memref_slice %arg12[%add3A_767, %dma_start3A_772] : memref<128x60xf32, #tpu.memory_space<vmem>> -> memref<1x60xf32, #tpu.memory_space<vmem>>
        %dma_start3A_774 = arith.constant 0 : i32
        %dma_start3A_775 = tpu.memref_slice %arg3[%squeeze3A_765, %dma_start3A_774] : memref<1000000x60xf32, #tpu.memory_space<hbm>> -> memref<1x60xf32, #tpu.memory_space<hbm>>
        tpu.enqueue_dma source(%dma_start3A_775 : memref<1x60xf32, #tpu.memory_space<hbm>>) target(%dma_start3A_773 : memref<1x60xf32, #tpu.memory_space<vmem>>) target_semaphore(%arg15 : memref<!tpu.dma_semaphore, #tpu.memory_space<semaphore_mem>>)
        %slice3A_776 = vector.extract_strided_slice %get3A_34 {offsets = [15], sizes = [1], strides = [1]} : vector<16xi32> to vector<1xi32>
        %squeeze3A_777 = vector.extract %slice3A_776[0] : i32 from vector<1xi32>
        %add3A_778 = arith.constant 15 : i32
        %add3A_779 = arith.addi %mul3A_20, %add3A_778 : i32
        %dma_start3A_780 = arith.constant 0 : i32
        %dma_start3A_781 = tpu.memref_slice %arg13[%add3A_779, %dma_start3A_780] : memref<128x60xf32, #tpu.memory_space<vmem>> -> memref<1x60xf32, #tpu.memory_space<vmem>>
        %dma_start3A_782 = arith.constant 0 : i32
        %dma_start3A_783 = tpu.memref_slice %arg4[%squeeze3A_777, %dma_start3A_782] : memref<1000x60xf32, #tpu.memory_space<hbm>> -> memref<1x60xf32, #tpu.memory_space<hbm>>
        %dma_start3A_784 = arith.constant 0 : i32
        %dma_start3A_785 = tpu.memref_slice %arg13[%add3A_779, %dma_start3A_784] : memref<128x60xf32, #tpu.memory_space<vmem>> -> memref<1x60xf32, #tpu.memory_space<vmem>>
        %dma_start3A_786 = arith.constant 0 : i32
        %dma_start3A_787 = tpu.memref_slice %arg4[%squeeze3A_777, %dma_start3A_786] : memref<1000x60xf32, #tpu.memory_space<hbm>> -> memref<1x60xf32, #tpu.memory_space<hbm>>
        tpu.enqueue_dma source(%dma_start3A_787 : memref<1x60xf32, #tpu.memory_space<hbm>>) target(%dma_start3A_785 : memref<1x60xf32, #tpu.memory_space<vmem>>) target_semaphore(%arg15 : memref<!tpu.dma_semaphore, #tpu.memory_space<semaphore_mem>>)
        %slice3A_788 = vector.extract_strided_slice %get3A_34 {offsets = [15], sizes = [1], strides = [1]} : vector<16xi32> to vector<1xi32>
        %squeeze3A_789 = vector.extract %slice3A_788[0] : i32 from vector<1xi32>
        %add3A_790 = arith.constant 15 : i32
        %add3A_791 = arith.addi %mul3A_20, %add3A_790 : i32
        %dma_start3A_792 = arith.constant 0 : i32
        %dma_start3A_793 = tpu.memref_slice %arg14[%add3A_791, %dma_start3A_792] : memref<128x60xf32, #tpu.memory_space<vmem>> -> memref<1x60xf32, #tpu.memory_space<vmem>>
        %dma_start3A_794 = arith.constant 0 : i32
        %dma_start3A_795 = tpu.memref_slice %arg5[%squeeze3A_789, %dma_start3A_794] : memref<1000x60xf32, #tpu.memory_space<hbm>> -> memref<1x60xf32, #tpu.memory_space<hbm>>
        %dma_start3A_796 = arith.constant 0 : i32
        %dma_start3A_797 = tpu.memref_slice %arg14[%add3A_791, %dma_start3A_796] : memref<128x60xf32, #tpu.memory_space<vmem>> -> memref<1x60xf32, #tpu.memory_space<vmem>>
        %dma_start3A_798 = arith.constant 0 : i32
        %dma_start3A_799 = tpu.memref_slice %arg5[%squeeze3A_789, %dma_start3A_798] : memref<1000x60xf32, #tpu.memory_space<hbm>> -> memref<1x60xf32, #tpu.memory_space<hbm>>
        tpu.enqueue_dma source(%dma_start3A_799 : memref<1x60xf32, #tpu.memory_space<hbm>>) target(%dma_start3A_797 : memref<1x60xf32, #tpu.memory_space<vmem>>) target_semaphore(%arg15 : memref<!tpu.dma_semaphore, #tpu.memory_space<semaphore_mem>>)
        %dma_wait3A = arith.constant 0 : i32
        %dma_wait3A_800 = tpu.memref_slice %arg11[%mul3A_20, %dma_wait3A] : memref<128x60xf32, #tpu.memory_space<vmem>> -> memref<16x60xf32, #tpu.memory_space<vmem>>
        %dma_wait3A_801 = arith.constant 0 : i32
        %dma_wait3A_802 = arith.constant 0 : i32
        %dma_wait3A_803 = tpu.memref_slice %arg3[%dma_wait3A_801, %dma_wait3A_802] : memref<1000000x60xf32, #tpu.memory_space<hbm>> -> memref<16x60xf32, #tpu.memory_space<hbm>>
        %dma_wait3A_804 = arith.constant 0 : i32
        %dma_wait3A_805 = tpu.memref_slice %arg11[%mul3A_20, %dma_wait3A_804] : memref<128x60xf32, #tpu.memory_space<vmem>> -> memref<16x60xf32, #tpu.memory_space<vmem>>
        %dma_wait3A_806 = arith.constant 0 : i32
        %dma_wait3A_807 = arith.constant 0 : i32
        %dma_wait3A_808 = tpu.memref_slice %arg3[%dma_wait3A_806, %dma_wait3A_807] : memref<1000000x60xf32, #tpu.memory_space<hbm>> -> memref<16x60xf32, #tpu.memory_space<hbm>>
        tpu.wait_dma2 semaphore(%arg15 : memref<!tpu.dma_semaphore, #tpu.memory_space<semaphore_mem>>) src(%dma_wait3A_808 : memref<16x60xf32, #tpu.memory_space<hbm>>) dst(%dma_wait3A_805 : memref<16x60xf32, #tpu.memory_space<vmem>>)
        %dma_wait3A_809 = arith.constant 0 : i32
        %dma_wait3A_810 = tpu.memref_slice %arg12[%mul3A_20, %dma_wait3A_809] : memref<128x60xf32, #tpu.memory_space<vmem>> -> memref<16x60xf32, #tpu.memory_space<vmem>>
        %dma_wait3A_811 = arith.constant 0 : i32
        %dma_wait3A_812 = arith.constant 0 : i32
        %dma_wait3A_813 = tpu.memref_slice %arg3[%dma_wait3A_811, %dma_wait3A_812] : memref<1000000x60xf32, #tpu.memory_space<hbm>> -> memref<16x60xf32, #tpu.memory_space<hbm>>
        %dma_wait3A_814 = arith.constant 0 : i32
        %dma_wait3A_815 = tpu.memref_slice %arg12[%mul3A_20, %dma_wait3A_814] : memref<128x60xf32, #tpu.memory_space<vmem>> -> memref<16x60xf32, #tpu.memory_space<vmem>>
        %dma_wait3A_816 = arith.constant 0 : i32
        %dma_wait3A_817 = arith.constant 0 : i32
        %dma_wait3A_818 = tpu.memref_slice %arg3[%dma_wait3A_816, %dma_wait3A_817] : memref<1000000x60xf32, #tpu.memory_space<hbm>> -> memref<16x60xf32, #tpu.memory_space<hbm>>
        tpu.wait_dma2 semaphore(%arg15 : memref<!tpu.dma_semaphore, #tpu.memory_space<semaphore_mem>>) src(%dma_wait3A_818 : memref<16x60xf32, #tpu.memory_space<hbm>>) dst(%dma_wait3A_815 : memref<16x60xf32, #tpu.memory_space<vmem>>)
        %dma_wait3A_819 = arith.constant 0 : i32
        %dma_wait3A_820 = tpu.memref_slice %arg13[%mul3A_20, %dma_wait3A_819] : memref<128x60xf32, #tpu.memory_space<vmem>> -> memref<16x60xf32, #tpu.memory_space<vmem>>
        %dma_wait3A_821 = arith.constant 0 : i32
        %dma_wait3A_822 = arith.constant 0 : i32
        %dma_wait3A_823 = tpu.memref_slice %arg3[%dma_wait3A_821, %dma_wait3A_822] : memref<1000000x60xf32, #tpu.memory_space<hbm>> -> memref<16x60xf32, #tpu.memory_space<hbm>>
        %dma_wait3A_824 = arith.constant 0 : i32
        %dma_wait3A_825 = tpu.memref_slice %arg13[%mul3A_20, %dma_wait3A_824] : memref<128x60xf32, #tpu.memory_space<vmem>> -> memref<16x60xf32, #tpu.memory_space<vmem>>
        %dma_wait3A_826 = arith.constant 0 : i32
        %dma_wait3A_827 = arith.constant 0 : i32
        %dma_wait3A_828 = tpu.memref_slice %arg3[%dma_wait3A_826, %dma_wait3A_827] : memref<1000000x60xf32, #tpu.memory_space<hbm>> -> memref<16x60xf32, #tpu.memory_space<hbm>>
        tpu.wait_dma2 semaphore(%arg15 : memref<!tpu.dma_semaphore, #tpu.memory_space<semaphore_mem>>) src(%dma_wait3A_828 : memref<16x60xf32, #tpu.memory_space<hbm>>) dst(%dma_wait3A_825 : memref<16x60xf32, #tpu.memory_space<vmem>>)
        %dma_wait3A_829 = arith.constant 0 : i32
        %dma_wait3A_830 = tpu.memref_slice %arg14[%mul3A_20, %dma_wait3A_829] : memref<128x60xf32, #tpu.memory_space<vmem>> -> memref<16x60xf32, #tpu.memory_space<vmem>>
        %dma_wait3A_831 = arith.constant 0 : i32
        %dma_wait3A_832 = arith.constant 0 : i32
        %dma_wait3A_833 = tpu.memref_slice %arg3[%dma_wait3A_831, %dma_wait3A_832] : memref<1000000x60xf32, #tpu.memory_space<hbm>> -> memref<16x60xf32, #tpu.memory_space<hbm>>
        %dma_wait3A_834 = arith.constant 0 : i32
        %dma_wait3A_835 = tpu.memref_slice %arg14[%mul3A_20, %dma_wait3A_834] : memref<128x60xf32, #tpu.memory_space<vmem>> -> memref<16x60xf32, #tpu.memory_space<vmem>>
        %dma_wait3A_836 = arith.constant 0 : i32
        %dma_wait3A_837 = arith.constant 0 : i32
        %dma_wait3A_838 = tpu.memref_slice %arg3[%dma_wait3A_836, %dma_wait3A_837] : memref<1000000x60xf32, #tpu.memory_space<hbm>> -> memref<16x60xf32, #tpu.memory_space<hbm>>
        tpu.wait_dma2 semaphore(%arg15 : memref<!tpu.dma_semaphore, #tpu.memory_space<semaphore_mem>>) src(%dma_wait3A_838 : memref<16x60xf32, #tpu.memory_space<hbm>>) dst(%dma_wait3A_835 : memref<16x60xf32, #tpu.memory_space<vmem>>)
      }
      %scan3A_17 = arith.constant 8 : i32
      "tpu.region"() ({
        %run_scoped3A = tpu.sem_alloc : memref<!tpu.dma_semaphore, #tpu.memory_space<semaphore_mem>>
        %dma_start3A = arith.constant 0 : i32
        %dma_start3A_18 = tpu.memref_slice %arg6[%add3A_11, %dma_start3A] : memref<16384x60xf32, #tpu.memory_space<hbm>> -> memref<128x60xf32, #tpu.memory_space<hbm>>
        %dma_start3A_19 = arith.constant 0 : i32
        %dma_start3A_20 = tpu.memref_slice %arg6[%add3A_11, %dma_start3A_19] : memref<16384x60xf32, #tpu.memory_space<hbm>> -> memref<128x60xf32, #tpu.memory_space<hbm>>
        tpu.enqueue_dma source(%arg11 : memref<128x60xf32, #tpu.memory_space<vmem>>) target(%dma_start3A_20 : memref<128x60xf32, #tpu.memory_space<hbm>>) target_semaphore(%run_scoped3A : memref<!tpu.dma_semaphore, #tpu.memory_space<semaphore_mem>>)
        %dma_wait3A = arith.constant 0 : i32
        %dma_wait3A_21 = tpu.memref_slice %arg6[%add3A_11, %dma_wait3A] : memref<16384x60xf32, #tpu.memory_space<hbm>> -> memref<128x60xf32, #tpu.memory_space<hbm>>
        %dma_wait3A_22 = arith.constant 0 : i32
        %dma_wait3A_23 = tpu.memref_slice %arg6[%add3A_11, %dma_wait3A_22] : memref<16384x60xf32, #tpu.memory_space<hbm>> -> memref<128x60xf32, #tpu.memory_space<hbm>>
        tpu.wait_dma2 semaphore(%run_scoped3A : memref<!tpu.dma_semaphore, #tpu.memory_space<semaphore_mem>>) src(%arg11 : memref<128x60xf32, #tpu.memory_space<vmem>>) dst(%dma_wait3A_23 : memref<128x60xf32, #tpu.memory_space<hbm>>)
        tpu.yield
      }) : () -> ()
      "tpu.region"() ({
        %run_scoped3A = tpu.sem_alloc : memref<!tpu.dma_semaphore, #tpu.memory_space<semaphore_mem>>
        %dma_start3A = arith.constant 0 : i32
        %dma_start3A_18 = tpu.memref_slice %arg7[%add3A_11, %dma_start3A] : memref<16384x60xf32, #tpu.memory_space<hbm>> -> memref<128x60xf32, #tpu.memory_space<hbm>>
        %dma_start3A_19 = arith.constant 0 : i32
        %dma_start3A_20 = tpu.memref_slice %arg7[%add3A_11, %dma_start3A_19] : memref<16384x60xf32, #tpu.memory_space<hbm>> -> memref<128x60xf32, #tpu.memory_space<hbm>>
        tpu.enqueue_dma source(%arg12 : memref<128x60xf32, #tpu.memory_space<vmem>>) target(%dma_start3A_20 : memref<128x60xf32, #tpu.memory_space<hbm>>) target_semaphore(%run_scoped3A : memref<!tpu.dma_semaphore, #tpu.memory_space<semaphore_mem>>)
        %dma_wait3A = arith.constant 0 : i32
        %dma_wait3A_21 = tpu.memref_slice %arg7[%add3A_11, %dma_wait3A] : memref<16384x60xf32, #tpu.memory_space<hbm>> -> memref<128x60xf32, #tpu.memory_space<hbm>>
        %dma_wait3A_22 = arith.constant 0 : i32
        %dma_wait3A_23 = tpu.memref_slice %arg7[%add3A_11, %dma_wait3A_22] : memref<16384x60xf32, #tpu.memory_space<hbm>> -> memref<128x60xf32, #tpu.memory_space<hbm>>
        tpu.wait_dma2 semaphore(%run_scoped3A : memref<!tpu.dma_semaphore, #tpu.memory_space<semaphore_mem>>) src(%arg12 : memref<128x60xf32, #tpu.memory_space<vmem>>) dst(%dma_wait3A_23 : memref<128x60xf32, #tpu.memory_space<hbm>>)
        tpu.yield
      }) : () -> ()
      "tpu.region"() ({
        %run_scoped3A = tpu.sem_alloc : memref<!tpu.dma_semaphore, #tpu.memory_space<semaphore_mem>>
        %dma_start3A = arith.constant 0 : i32
        %dma_start3A_18 = tpu.memref_slice %arg8[%add3A_11, %dma_start3A] : memref<16384x60xf32, #tpu.memory_space<hbm>> -> memref<128x60xf32, #tpu.memory_space<hbm>>
        %dma_start3A_19 = arith.constant 0 : i32
        %dma_start3A_20 = tpu.memref_slice %arg8[%add3A_11, %dma_start3A_19] : memref<16384x60xf32, #tpu.memory_space<hbm>> -> memref<128x60xf32, #tpu.memory_space<hbm>>
        tpu.enqueue_dma source(%arg13 : memref<128x60xf32, #tpu.memory_space<vmem>>) target(%dma_start3A_20 : memref<128x60xf32, #tpu.memory_space<hbm>>) target_semaphore(%run_scoped3A : memref<!tpu.dma_semaphore, #tpu.memory_space<semaphore_mem>>)
        %dma_wait3A = arith.constant 0 : i32
        %dma_wait3A_21 = tpu.memref_slice %arg8[%add3A_11, %dma_wait3A] : memref<16384x60xf32, #tpu.memory_space<hbm>> -> memref<128x60xf32, #tpu.memory_space<hbm>>
        %dma_wait3A_22 = arith.constant 0 : i32
        %dma_wait3A_23 = tpu.memref_slice %arg8[%add3A_11, %dma_wait3A_22] : memref<16384x60xf32, #tpu.memory_space<hbm>> -> memref<128x60xf32, #tpu.memory_space<hbm>>
        tpu.wait_dma2 semaphore(%run_scoped3A : memref<!tpu.dma_semaphore, #tpu.memory_space<semaphore_mem>>) src(%arg13 : memref<128x60xf32, #tpu.memory_space<vmem>>) dst(%dma_wait3A_23 : memref<128x60xf32, #tpu.memory_space<hbm>>)
        tpu.yield
      }) : () -> ()
      "tpu.region"() ({
        %run_scoped3A = tpu.sem_alloc : memref<!tpu.dma_semaphore, #tpu.memory_space<semaphore_mem>>
        %dma_start3A = arith.constant 0 : i32
        %dma_start3A_18 = tpu.memref_slice %arg9[%add3A_11, %dma_start3A] : memref<16384x60xf32, #tpu.memory_space<hbm>> -> memref<128x60xf32, #tpu.memory_space<hbm>>
        %dma_start3A_19 = arith.constant 0 : i32
        %dma_start3A_20 = tpu.memref_slice %arg9[%add3A_11, %dma_start3A_19] : memref<16384x60xf32, #tpu.memory_space<hbm>> -> memref<128x60xf32, #tpu.memory_space<hbm>>
        tpu.enqueue_dma source(%arg14 : memref<128x60xf32, #tpu.memory_space<vmem>>) target(%dma_start3A_20 : memref<128x60xf32, #tpu.memory_space<hbm>>) target_semaphore(%run_scoped3A : memref<!tpu.dma_semaphore, #tpu.memory_space<semaphore_mem>>)
        %dma_wait3A = arith.constant 0 : i32
        %dma_wait3A_21 = tpu.memref_slice %arg9[%add3A_11, %dma_wait3A] : memref<16384x60xf32, #tpu.memory_space<hbm>> -> memref<128x60xf32, #tpu.memory_space<hbm>>
        %dma_wait3A_22 = arith.constant 0 : i32
        %dma_wait3A_23 = tpu.memref_slice %arg9[%add3A_11, %dma_wait3A_22] : memref<16384x60xf32, #tpu.memory_space<hbm>> -> memref<128x60xf32, #tpu.memory_space<hbm>>
        tpu.wait_dma2 semaphore(%run_scoped3A : memref<!tpu.dma_semaphore, #tpu.memory_space<semaphore_mem>>) src(%arg14 : memref<128x60xf32, #tpu.memory_space<vmem>>) dst(%dma_wait3A_23 : memref<128x60xf32, #tpu.memory_space<hbm>>)
        tpu.yield
      }) : () -> ()
    }
    %scan3A_7 = arith.constant 4 : i32
    return
  }
}

module attributes {stable_mosaic.version = 14 : i64} {
  func.func @_prescale_body(%arg0: i32, %arg1: memref<2000x60xf32, #tpu.memory_space<vmem>>, %arg2: memref<2000x64xbf16, #tpu.memory_space<vmem>>) attributes {dimension_semantics = [#tpu.dimension_semantics<arbitrary>], iteration_bounds = array<i64: 50>, scalar_prefetch = 0 : i64, scratch_operands = 0 : i64, tpu.core_type = #tpu.core_type<tc>, window_params = [{transform_indices = @transform_0, window_bounds = array<i64: 2000, 60>}, {transform_indices = @transform_1, window_bounds = array<i64: 2000, 64>}]} {
    %get3A = arith.constant 0 : index
    %get3A_0 = arith.constant 0 : index
    %get3A_1 = vector.load %arg1[%get3A, %get3A_0] : memref<2000x60xf32, #tpu.memory_space<vmem>>, vector<2000x60xf32>
    %mul3A = arith.mulf %get3A_1, %get3A_1 : vector<2000x60xf32>
    %reduce_sum3A = arith.constant dense<0.000000e+00> : vector<2000xf32>
    %reduce_sum3A_2 = vector.multi_reduction <add>, %mul3A, %reduce_sum3A [1] : vector<2000x60xf32> to vector<2000xf32>
    %broadcast_in_dim3A = vector.shape_cast %reduce_sum3A_2 : vector<2000xf32> to vector<2000x1xf32>
    %sqrt3A = math.sqrt %broadcast_in_dim3A : vector<2000x1xf32>
    %max3A = arith.constant 9.99999996E-13 : f32
    %max3A_3 = vector.broadcast %max3A : f32 to vector<2000x1xf32>
    %max3A_4 = arith.maximumf %sqrt3A, %max3A_3 : vector<2000x1xf32>
    %div3A = arith.constant 5.000000e-02 : f32
    %div3A_5 = vector.broadcast %div3A : f32 to vector<2000x1xf32>
    %div3A_6 = arith.divf %div3A_5, %max3A_4 : vector<2000x1xf32>
    %mul3A_7 = vector.broadcast %div3A_6 : vector<2000x1xf32> to vector<2000x60xf32>
    %mul3A_8 = arith.mulf %get3A_1, %mul3A_7 : vector<2000x60xf32>
    %convert_element_type3A = arith.truncf %mul3A_8 : vector<2000x60xf32> to vector<2000x60xbf16>
    %broadcast_in_dim3A_9 = arith.constant 0.000000e+00 : bf16
    %broadcast_in_dim3A_10 = vector.broadcast %broadcast_in_dim3A_9 : bf16 to vector<2000x4xbf16>
    %concatenate3A = tpu.concatenate %convert_element_type3A, %broadcast_in_dim3A_10 in 1 : vector<2000x60xbf16>, vector<2000x4xbf16> -> vector<2000x64xbf16>
    %swap3A = arith.constant 0 : index
    %swap3A_11 = arith.constant 0 : index
    %swap3A_12 = vector.load %arg2[%swap3A, %swap3A_11] : memref<2000x64xbf16, #tpu.memory_space<vmem>>, vector<2000x64xbf16>
    tpu.vector_store %arg2[%swap3A, %swap3A_11], %concatenate3A {strides = array<i32>} : memref<2000x64xbf16, #tpu.memory_space<vmem>>, vector<2000x64xbf16>,
    return
  }
  func.func @transform_0(%arg0: i32) -> (i32, i32) {
    %c0_i32 = arith.constant 0 : i32
    %c0_i32_0 = arith.constant 0 : i32
    return %arg0, %c0_i32 : i32, i32
  }
  func.func @transform_1(%arg0: i32) -> (i32, i32) {
    %c0_i32 = arith.constant 0 : i32
    %c0_i32_0 = arith.constant 0 : i32
    return %arg0, %c0_i32 : i32, i32
  }
}

module attributes {stable_mosaic.version = 14 : i64} {
  func.func @_score_body(%arg0: i32, %arg1: memref<2048x60xf32, #tpu.memory_space<vmem>>, %arg2: memref<2048x60xf32, #tpu.memory_space<vmem>>, %arg3: memref<2048x60xf32, #tpu.memory_space<vmem>>, %arg4: memref<2048x60xf32, #tpu.memory_space<vmem>>, %arg5: memref<2048x64xbf16, #tpu.memory_space<vmem>>, %arg6: memref<2048x64xbf16, #tpu.memory_space<vmem>>, %arg7: memref<2048x64xbf16, #tpu.memory_space<vmem>>, %arg8: memref<2048x16xf32, #tpu.memory_space<vmem>>, %arg9: memref<2048x16xf32, #tpu.memory_space<vmem>>, %arg10: memref<2048x16xf32, #tpu.memory_space<vmem>>, %arg11: memref<2048x8xi32, #tpu.memory_space<vmem>>, %arg12: memref<2048xf32, #tpu.memory_space<vmem>>) attributes {dimension_semantics = [#tpu.dimension_semantics<arbitrary>], iteration_bounds = array<i64: 8>, scalar_prefetch = 0 : i64, scratch_operands = 0 : i64, tpu.core_type = #tpu.core_type<tc>, window_params = [{transform_indices = @transform_0, window_bounds = array<i64: 2048, 60>}, {transform_indices = @transform_1, window_bounds = array<i64: 2048, 60>}, {transform_indices = @transform_2, window_bounds = array<i64: 2048, 60>}, {transform_indices = @transform_3, window_bounds = array<i64: 2048, 60>}, {transform_indices = @transform_4, window_bounds = array<i64: 2048, 64>}, {transform_indices = @transform_5, window_bounds = array<i64: 2048, 64>}, {transform_indices = @transform_6, window_bounds = array<i64: 2048, 64>}, {transform_indices = @transform_7, window_bounds = array<i64: 2048, 16>}, {transform_indices = @transform_8, window_bounds = array<i64: 2048, 16>}, {transform_indices = @transform_9, window_bounds = array<i64: 2048, 16>}, {transform_indices = @transform_10, window_bounds = array<i64: 2048, 8>}, {transform_indices = @transform_11, window_bounds = array<i64: 2048>}]} {
    %get3A = arith.constant 0 : index
    %get3A_0 = arith.constant 0 : index
    %get3A_1 = vector.load %arg11[%get3A, %get3A_0] : memref<2048x8xi32, #tpu.memory_space<vmem>>, vector<2048x8xi32>
    %iota3A = tpu.iota {dimensions = array<i32: 1>} : vector<2048x16xi32>
    %get3A_2 = arith.constant 0 : index
    %get3A_3 = arith.constant 0 : index
    %get3A_4 = vector.load %arg1[%get3A_2, %get3A_3] : memref<2048x60xf32, #tpu.memory_space<vmem>>, vector<2048x60xf32>
    %mul3A = arith.mulf %get3A_4, %get3A_4 : vector<2048x60xf32>
    %reduce_sum3A = arith.constant dense<0.000000e+00> : vector<2048xf32>
    %reduce_sum3A_5 = vector.multi_reduction <add>, %mul3A, %reduce_sum3A [1] : vector<2048x60xf32> to vector<2048xf32>
    %broadcast_in_dim3A = vector.shape_cast %reduce_sum3A_5 : vector<2048xf32> to vector<2048x1xf32>
    %sqrt3A = math.sqrt %broadcast_in_dim3A : vector<2048x1xf32>
    %max3A = arith.constant 9.99999996E-13 : f32
    %max3A_6 = vector.broadcast %max3A : f32 to vector<2048x1xf32>
    %max3A_7 = arith.maximumf %sqrt3A, %max3A_6 : vector<2048x1xf32>
    %div3A = vector.broadcast %max3A_7 : vector<2048x1xf32> to vector<2048x60xf32>
    %div3A_8 = arith.divf %get3A_4, %div3A : vector<2048x60xf32>
    %get3A_9 = arith.constant 0 : index
    %get3A_10 = arith.constant 0 : index
    %get3A_11 = vector.load %arg5[%get3A_9, %get3A_10] : memref<2048x64xbf16, #tpu.memory_space<vmem>>, vector<2048x64xbf16>
    %slice3A = vector.extract_strided_slice %get3A_11 {offsets = [0, 0], sizes = [2048, 60], strides = [1, 1]} : vector<2048x64xbf16> to vector<2048x60xbf16>
    %convert_element_type3A = arith.extf %slice3A : vector<2048x60xbf16> to vector<2048x60xf32>
    %add3A = arith.addf %div3A_8, %convert_element_type3A : vector<2048x60xf32>
    %get3A_12 = arith.constant 0 : index
    %get3A_13 = arith.constant 0 : index
    %get3A_14 = vector.load %arg2[%get3A_12, %get3A_13] : memref<2048x60xf32, #tpu.memory_space<vmem>>, vector<2048x60xf32>
    %mul3A_15 = arith.mulf %get3A_14, %get3A_14 : vector<2048x60xf32>
    %reduce_sum3A_16 = arith.constant dense<0.000000e+00> : vector<2048xf32>
    %reduce_sum3A_17 = vector.multi_reduction <add>, %mul3A_15, %reduce_sum3A_16 [1] : vector<2048x60xf32> to vector<2048xf32>
    %broadcast_in_dim3A_18 = vector.shape_cast %reduce_sum3A_17 : vector<2048xf32> to vector<2048x1xf32>
    %sqrt3A_19 = math.sqrt %broadcast_in_dim3A_18 : vector<2048x1xf32>
    %max3A_20 = arith.constant 9.99999996E-13 : f32
    %max3A_21 = vector.broadcast %max3A_20 : f32 to vector<2048x1xf32>
    %max3A_22 = arith.maximumf %sqrt3A_19, %max3A_21 : vector<2048x1xf32>
    %div3A_23 = vector.broadcast %max3A_22 : vector<2048x1xf32> to vector<2048x60xf32>
    %div3A_24 = arith.divf %get3A_14, %div3A_23 : vector<2048x60xf32>
    %get3A_25 = arith.constant 0 : index
    %get3A_26 = arith.constant 0 : index
    %get3A_27 = vector.load %arg7[%get3A_25, %get3A_26] : memref<2048x64xbf16, #tpu.memory_space<vmem>>, vector<2048x64xbf16>
    %slice3A_28 = vector.extract_strided_slice %get3A_27 {offsets = [0, 0], sizes = [2048, 60], strides = [1, 1]} : vector<2048x64xbf16> to vector<2048x60xbf16>
    %convert_element_type3A_29 = arith.extf %slice3A_28 : vector<2048x60xbf16> to vector<2048x60xf32>
    %add3A_30 = arith.addf %div3A_24, %convert_element_type3A_29 : vector<2048x60xf32>
    %get3A_31 = arith.constant 0 : index
    %get3A_32 = arith.constant 0 : index
    %get3A_33 = vector.load %arg3[%get3A_31, %get3A_32] : memref<2048x60xf32, #tpu.memory_space<vmem>>, vector<2048x60xf32>
    %mul3A_34 = arith.mulf %get3A_33, %get3A_33 : vector<2048x60xf32>
    %reduce_sum3A_35 = arith.constant dense<0.000000e+00> : vector<2048xf32>
    %reduce_sum3A_36 = vector.multi_reduction <add>, %mul3A_34, %reduce_sum3A_35 [1] : vector<2048x60xf32> to vector<2048xf32>
    %broadcast_in_dim3A_37 = vector.shape_cast %reduce_sum3A_36 : vector<2048xf32> to vector<2048x1xf32>
    %sqrt3A_38 = math.sqrt %broadcast_in_dim3A_37 : vector<2048x1xf32>
    %max3A_39 = arith.constant 9.99999996E-13 : f32
    %max3A_40 = vector.broadcast %max3A_39 : f32 to vector<2048x1xf32>
    %max3A_41 = arith.maximumf %sqrt3A_38, %max3A_40 : vector<2048x1xf32>
    %div3A_42 = vector.broadcast %max3A_41 : vector<2048x1xf32> to vector<2048x60xf32>
    %div3A_43 = arith.divf %get3A_33, %div3A_42 : vector<2048x60xf32>
    %get3A_44 = arith.constant 0 : index
    %get3A_45 = arith.constant 0 : index
    %get3A_46 = vector.load %arg6[%get3A_44, %get3A_45] : memref<2048x64xbf16, #tpu.memory_space<vmem>>, vector<2048x64xbf16>
    %slice3A_47 = vector.extract_strided_slice %get3A_46 {offsets = [0, 0], sizes = [2048, 60], strides = [1, 1]} : vector<2048x64xbf16> to vector<2048x60xbf16>
    %convert_element_type3A_48 = arith.extf %slice3A_47 : vector<2048x60xbf16> to vector<2048x60xf32>
    %add3A_49 = arith.addf %div3A_43, %convert_element_type3A_48 : vector<2048x60xf32>
    %get3A_50 = arith.constant 0 : index
    %get3A_51 = arith.constant 0 : index
    %get3A_52 = vector.load %arg4[%get3A_50, %get3A_51] : memref<2048x60xf32, #tpu.memory_space<vmem>>, vector<2048x60xf32>
    %mul3A_53 = arith.mulf %get3A_52, %get3A_52 : vector<2048x60xf32>
    %reduce_sum3A_54 = arith.constant dense<0.000000e+00> : vector<2048xf32>
    %reduce_sum3A_55 = vector.multi_reduction <add>, %mul3A_53, %reduce_sum3A_54 [1] : vector<2048x60xf32> to vector<2048xf32>
    %broadcast_in_dim3A_56 = vector.shape_cast %reduce_sum3A_55 : vector<2048xf32> to vector<2048x1xf32>
    %sqrt3A_57 = math.sqrt %broadcast_in_dim3A_56 : vector<2048x1xf32>
    %max3A_58 = arith.constant 9.99999996E-13 : f32
    %max3A_59 = vector.broadcast %max3A_58 : f32 to vector<2048x1xf32>
    %max3A_60 = arith.maximumf %sqrt3A_57, %max3A_59 : vector<2048x1xf32>
    %div3A_61 = vector.broadcast %max3A_60 : vector<2048x1xf32> to vector<2048x60xf32>
    %div3A_62 = arith.divf %get3A_52, %div3A_61 : vector<2048x60xf32>
    %mul3A_63 = arith.mulf %div3A_62, %add3A : vector<2048x60xf32>
    %reduce_sum3A_64 = arith.constant dense<0.000000e+00> : vector<2048xf32>
    %reduce_sum3A_65 = vector.multi_reduction <add>, %mul3A_63, %reduce_sum3A_64 [1] : vector<2048x60xf32> to vector<2048xf32>
    %broadcast_in_dim3A_66 = vector.shape_cast %reduce_sum3A_65 : vector<2048xf32> to vector<2048x1xf32>
    %mul3A_67 = vector.broadcast %broadcast_in_dim3A_66 : vector<2048x1xf32> to vector<2048x60xf32>
    %mul3A_68 = arith.mulf %mul3A_67, %div3A_62 : vector<2048x60xf32>
    %sub3A = arith.subf %add3A, %mul3A_68 : vector<2048x60xf32>
    %mul3A_69 = arith.mulf %div3A_62, %add3A_30 : vector<2048x60xf32>
    %reduce_sum3A_70 = arith.constant dense<0.000000e+00> : vector<2048xf32>
    %reduce_sum3A_71 = vector.multi_reduction <add>, %mul3A_69, %reduce_sum3A_70 [1] : vector<2048x60xf32> to vector<2048xf32>
    %broadcast_in_dim3A_72 = vector.shape_cast %reduce_sum3A_71 : vector<2048xf32> to vector<2048x1xf32>
    %mul3A_73 = vector.broadcast %broadcast_in_dim3A_72 : vector<2048x1xf32> to vector<2048x60xf32>
    %mul3A_74 = arith.mulf %mul3A_73, %div3A_62 : vector<2048x60xf32>
    %sub3A_75 = arith.subf %add3A_30, %mul3A_74 : vector<2048x60xf32>
    %add3A_76 = arith.addf %sub3A, %add3A_49 : vector<2048x60xf32>
    %sub3A_77 = arith.subf %add3A_76, %sub3A_75 : vector<2048x60xf32>
    %mul3A_78 = arith.mulf %sub3A_77, %sub3A_77 : vector<2048x60xf32>
    %reduce_sum3A_79 = arith.constant dense<0.000000e+00> : vector<2048xf32>
    %reduce_sum3A_80 = vector.multi_reduction <add>, %mul3A_78, %reduce_sum3A_79 [1] : vector<2048x60xf32> to vector<2048xf32>
    %sqrt3A_81 = math.sqrt %reduce_sum3A_80 : vector<2048xf32>
    %neg3A = arith.constant 0.000000e+00 : f32
    %neg3A_82 = vector.broadcast %neg3A : f32 to vector<2048xf32>
    %neg3A_83 = arith.subf %neg3A_82, %sqrt3A_81 : vector<2048xf32>
    %get3A_84 = arith.constant 0 : index
    %get3A_85 = arith.constant 0 : index
    %get3A_86 = vector.load %arg8[%get3A_84, %get3A_85] : memref<2048x16xf32, #tpu.memory_space<vmem>>, vector<2048x16xf32>
    %slice3A_87 = vector.extract_strided_slice %get3A_1 {offsets = [0, 0], sizes = [2048, 1], strides = [1, 1]} : vector<2048x8xi32> to vector<2048x1xi32>
    %eq3A = vector.broadcast %slice3A_87 : vector<2048x1xi32> to vector<2048x16xi32>
    %eq3A_88 = arith.cmpi eq, %iota3A, %eq3A : vector<2048x16xi32>
    %jit3A = arith.constant 0.000000e+00 : f32
    %broadcast_in_dim3A_89 = vector.broadcast %jit3A : f32 to vector<2048x16xf32>
    %select_n3A = arith.select %eq3A_88, %get3A_86, %broadcast_in_dim3A_89 : vector<2048x16xi1>, vector<2048x16xf32>
    %reduce_sum3A_90 = arith.constant dense<0.000000e+00> : vector<2048xf32>
    %reduce_sum3A_91 = vector.multi_reduction <add>, %select_n3A, %reduce_sum3A_90 [1] : vector<2048x16xf32> to vector<2048xf32>
    %add3A_92 = arith.addf %neg3A_83, %reduce_sum3A_91 : vector<2048xf32>
    %get3A_93 = arith.constant 0 : index
    %get3A_94 = arith.constant 0 : index
    %get3A_95 = vector.load %arg9[%get3A_93, %get3A_94] : memref<2048x16xf32, #tpu.memory_space<vmem>>, vector<2048x16xf32>
    %slice3A_96 = vector.extract_strided_slice %get3A_1 {offsets = [0, 1], sizes = [2048, 1], strides = [1, 1]} : vector<2048x8xi32> to vector<2048x1xi32>
    %eq3A_97 = vector.broadcast %slice3A_96 : vector<2048x1xi32> to vector<2048x16xi32>
    %eq3A_98 = arith.cmpi eq, %iota3A, %eq3A_97 : vector<2048x16xi32>
    %jit3A_99 = arith.constant 0.000000e+00 : f32
    %broadcast_in_dim3A_100 = vector.broadcast %jit3A_99 : f32 to vector<2048x16xf32>
    %select_n3A_101 = arith.select %eq3A_98, %get3A_95, %broadcast_in_dim3A_100 : vector<2048x16xi1>, vector<2048x16xf32>
    %reduce_sum3A_102 = arith.constant dense<0.000000e+00> : vector<2048xf32>
    %reduce_sum3A_103 = vector.multi_reduction <add>, %select_n3A_101, %reduce_sum3A_102 [1] : vector<2048x16xf32> to vector<2048xf32>
    %add3A_104 = arith.addf %add3A_92, %reduce_sum3A_103 : vector<2048xf32>
    %get3A_105 = arith.constant 0 : index
    %get3A_106 = arith.constant 0 : index
    %get3A_107 = vector.load %arg10[%get3A_105, %get3A_106] : memref<2048x16xf32, #tpu.memory_space<vmem>>, vector<2048x16xf32>
    %slice3A_108 = vector.extract_strided_slice %get3A_1 {offsets = [0, 2], sizes = [2048, 1], strides = [1, 1]} : vector<2048x8xi32> to vector<2048x1xi32>
    %eq3A_109 = vector.broadcast %slice3A_108 : vector<2048x1xi32> to vector<2048x16xi32>
    %eq3A_110 = arith.cmpi eq, %iota3A, %eq3A_109 : vector<2048x16xi32>
    %jit3A_111 = arith.constant 0.000000e+00 : f32
    %broadcast_in_dim3A_112 = vector.broadcast %jit3A_111 : f32 to vector<2048x16xf32>
    %select_n3A_113 = arith.select %eq3A_110, %get3A_107, %broadcast_in_dim3A_112 : vector<2048x16xi1>, vector<2048x16xf32>
    %reduce_sum3A_114 = arith.constant dense<0.000000e+00> : vector<2048xf32>
    %reduce_sum3A_115 = vector.multi_reduction <add>, %select_n3A_113, %reduce_sum3A_114 [1] : vector<2048x16xf32> to vector<2048xf32>
    %add3A_116 = arith.addf %add3A_104, %reduce_sum3A_115 : vector<2048xf32>
    %swap3A = arith.constant 0 : index
    %swap3A_117 = vector.load %arg12[%swap3A] : memref<2048xf32, #tpu.memory_space<vmem>>, vector<2048xf32>
    tpu.vector_store %arg12[%swap3A], %add3A_116 {strides = array<i32>} : memref<2048xf32, #tpu.memory_space<vmem>>, vector<2048xf32>,
    return
  }
  func.func @transform_0(%arg0: i32) -> (i32, i32) {
    %c0_i32 = arith.constant 0 : i32
    %c0_i32_0 = arith.constant 0 : i32
    return %arg0, %c0_i32 : i32, i32
  }
  func.func @transform_1(%arg0: i32) -> (i32, i32) {
    %c0_i32 = arith.constant 0 : i32
    %c0_i32_0 = arith.constant 0 : i32
    return %arg0, %c0_i32 : i32, i32
  }
  func.func @transform_2(%arg0: i32) -> (i32, i32) {
    %c0_i32 = arith.constant 0 : i32
    %c0_i32_0 = arith.constant 0 : i32
    return %arg0, %c0_i32 : i32, i32
  }
  func.func @transform_3(%arg0: i32) -> (i32, i32) {
    %c0_i32 = arith.constant 0 : i32
    %c0_i32_0 = arith.constant 0 : i32
    return %arg0, %c0_i32 : i32, i32
  }
  func.func @transform_4(%arg0: i32) -> (i32, i32) {
    %c0_i32 = arith.constant 0 : i32
    %c0_i32_0 = arith.constant 0 : i32
    return %arg0, %c0_i32 : i32, i32
  }
  func.func @transform_5(%arg0: i32) -> (i32, i32) {
    %c0_i32 = arith.constant 0 : i32
    %c0_i32_0 = arith.constant 0 : i32
    return %arg0, %c0_i32 : i32, i32
  }
  func.func @transform_6(%arg0: i32) -> (i32, i32) {
    %c0_i32 = arith.constant 0 : i32
    %c0_i32_0 = arith.constant 0 : i32
    return %arg0, %c0_i32 : i32, i32
  }
  func.func @transform_7(%arg0: i32) -> (i32, i32) {
    %c0_i32 = arith.constant 0 : i32
    %c0_i32_0 = arith.constant 0 : i32
    return %arg0, %c0_i32 : i32, i32
  }
  func.func @transform_8(%arg0: i32) -> (i32, i32) {
    %c0_i32 = arith.constant 0 : i32
    %c0_i32_0 = arith.constant 0 : i32
    return %arg0, %c0_i32 : i32, i32
  }
  func.func @transform_9(%arg0: i32) -> (i32, i32) {
    %c0_i32 = arith.constant 0 : i32
    %c0_i32_0 = arith.constant 0 : i32
    return %arg0, %c0_i32 : i32, i32
  }
  func.func @transform_10(%arg0: i32) -> (i32, i32) {
    %c0_i32 = arith.constant 0 : i32
    %c0_i32_0 = arith.constant 0 : i32
    return %arg0, %c0_i32 : i32, i32
  }
  func.func @transform_11(%arg0: i32) -> i32 {
    %c0_i32 = arith.constant 0 : i32
    return %arg0 : i32
  }
}

</mosaic_0001>

<sc_bundles>
// kernel: kernel.6.cloned.1.call-start
scs
__scs_entry_jumppad:
0x0: {  	(pc) =	sbr.rel $0x88, $3  }
0x1: {  	(tag) =	ssettag $0x0;
	lr =	simm.s32 $0x1  }
0x2: {  	[smem:$0x3F95] =	sst lr;
	_ =	strace $0xD0000000  }
0x3: {  	_ = 	snop  }
0x4: {  	_ = 	snop  }
0x5: {  	_ = 	snop  }
0x6: {  	_ = 	snop  }
0x7: {  	_ = 	snop  }
__scs_overlays_trampoline_lowered:
0x8: {  	[smem:$0x3FA4] =	sst s0  }
0x9: {  	[smem:$0x3FA5] =	sst s1  }
0xa: {  	[smem:$0x3FA6] =	sst s2  }
0xb: {  	[smem:$0x3FA7] =	sst s3  }
0xc: {  	[smem:$0x3FA8] =	sst s4  }
0xd: {  	[smem:$0x3FA9] =	sst s5  }
0xe: {  	[smem:$0x3FAA] =	sst s6  }
0xf: {  	[smem:$0x3FAB] =	sst s7  }
0x10: {  	[smem:$0x3FAC] =	sst s8  }
0x11: {  	[smem:$0x3FAD] =	sst s9;
	s0 =	simm.s32 @!p0 $0x0  }
0x12: {  	s1 =	sld [smem:$0x3F93];
	s0 =	simm.s32 @p0 $0x1  }
0x13: {  	[smem:$0x3FAE] =	sst s0;
	s0 =	simm.s32 @!p1 $0x0  }
0x14: {  	s2 =	sld [smem:$0x3F92];
	s0 =	simm.s32 @p1 $0x1  }
0x15: {  	[smem:$0x3FAF] =	sst s0;
	s0 =	simm.s32 @!p2 $0x0  }
0x16: {  	s3 =	sld [smem:$0x3FDB];
	s0 =	simm.s32 @p2 $0x1  }
0x17: {  	s4 =	simm.s32 $0x1BF5;
	[smem:$0x3FB1] =	sst s0  }
0x18: {  	s0 =	sld [smem:$0x3F94];
	_ =	swait.ge [sflag:s4], $0x0  }
0x19: {  	s7 =	sld [smem:$0x3F95]  }
0x1a: {  	s8 =	sadd.s32 $0xFFFFE003, lr  }
0x1b: {  	s9 =	sadd.s32 $0xFFFFFEF7, lr;
	s5 =	simm.s32 $0xFFFFFFFF;
	p2 =	slt.u32 s8, $0xFFFFF086  }
0x1c: {  	p1 =	slt.u32 s9, $0xF7A;
	s5 =	simm.s32 @!p2 $0x0  }
0x1d: {  	s5 =	simm.s32 @p1 $0x1;
	p0 =	seq.s32 s7, s2  }
0x1e: {  	s7 =	smul.u32 @!p0 $0xF7A, s2;
	p2 =	seq.s32 @!p0 s5, $0x0  }
0x1f: {  	s9 =	smul.u32 $0xF7A, s1;
	s8 =	simm.s32 @!p0 $0x1BF5;
	p2 =	por !p2, p0  }
0x20: {  	[sflag:s8] =	ssyncset.s32 @!p0 $0xFFFFF086;
	s6 =	sadd.s32 @!p0 s3, s7;
	s7 =	simm.s32 @!p0 $0x108  }
0x21: {  	s3 =	sadd.s32 s3, s9;
	s6 =	sadd.s32 @!p0 $0x88, s6;
	s7 =	simm.s32 @p2 $0x1082  }
0x22: {  	[simem:s7], [sflag:s8] =	dma.local @!p0 [hbm:s6], $0xF7A  }
0x23: {  	s9 =	sor.u32 $0xD0000000, s2;
	s6 =	simm.s32 $0x108;
	_ =	swait.ge @!p0 [sflag:s8], $0x0  }
0x24: {  	s3 =	sadd.s32 $0x88, s3;
	s6 =	simm.s32 @!p1 $0x1082;
	[sflag:s4] =	ssyncset.s32 $0xFFFFF086  }
0x25: {  	[simem:s6], [sflag:s4] =	dma.local [hbm:s3], $0xF7A  }
0x26: {  	[smem:$0x3F95] =	sst s1;
	(tag) =	ssettag s2;
	_ =	strace s9  }
0x27: {  	s1 =	sld [smem:$0x3FA5]  }
0x28: {  	s2 =	sld [smem:$0x3FA6]  }
0x29: {  	s4 =	sld [smem:$0x3FA8]  }
0x2a: {  	p0 =	seq.s32 s5, $0x0;
	s5 =	sld [smem:$0x3FA9]  }
0x2b: {  	s6 =	sld [smem:$0x3FAA]  }
0x2c: {  	s7 =	sld [smem:$0x3FAB]  }
0x2d: {  	s3 =	simm.s32 $0x108;
	s8 =	sld [smem:$0x3FAC]  }
0x2e: {  	s3 =	simm.s32 @!p0 $0x1082;
	s9 =	sld [smem:$0x3FAD]  }
0x2f: {  	lr =	sadd.s32 s0, s3;
	s0 =	sld [smem:$0x3FA4]  }
0x30: {  	s3 =	sld [smem:$0x3FA7]  }
0x31: {  	[smem:$0x3FB0] =	sst s10  }
0x32: {  	s10 =	sld [smem:$0x3FAE];
	_ =	sdelay $0x3  }
0x33: {  	p0 =	seq.s32 s10, $0x1;
	s10 =	sld [smem:$0x3FB0];
	_ =	sdelay $0x3  }
0x34: {  	[smem:$0x3FB0] =	sst s10  }
0x35: {  	s10 =	sld [smem:$0x3FAF];
	_ =	sdelay $0x3  }
0x36: {  	p1 =	seq.s32 s10, $0x1;
	s10 =	sld [smem:$0x3FB0];
	_ =	sdelay $0x3  }
0x37: {  	[smem:$0x3FB0] =	sst s10  }
0x38: {  	s10 =	sld [smem:$0x3FB1]  }
0x39: {  	_ = 	snop;
	(pc) =	sbr.ind lr, $3  }
0x3a: {  	_ = 	snop  }
0x3b: {  	_ = 	snop  }
0x3c: {  	p2 =	seq.s32 s10, $0x1;
	s10 =	sld [smem:$0x3FB0]  }
0x3d: {  	_ =	shalt  }
0x3e: {  	_ =	shalt  }
0x3f: {  	_ =	shalt  }
0x40: {  	_ =	shalt  }
0x41: {  	_ =	shalt  }
0x42: {  	_ =	shalt  }
0x43: {  	_ =	shalt  }
0x44: {  	_ =	shalt  }
0x45: {  	_ =	shalt  }
0x46: {  	_ =	shalt  }
0x47: {  	_ =	shalt  }
0x48: {  	_ =	shalt  }
0x49: {  	_ =	shalt  }
0x4a: {  	_ =	shalt  }
0x4b: {  	_ =	shalt  }
0x4c: {  	_ =	shalt  }
0x4d: {  	_ =	shalt  }
0x4e: {  	_ =	shalt  }
0x4f: {  	_ =	shalt  }
0x50: {  	_ =	shalt  }
0x51: {  	_ =	shalt  }
0x52: {  	_ =	shalt  }
0x53: {  	_ =	shalt  }
0x54: {  	_ =	shalt  }
0x55: {  	_ =	shalt  }
0x56: {  	_ =	shalt  }
0x57: {  	_ =	shalt  }
0x58: {  	_ =	shalt  }
0x59: {  	_ =	shalt  }
0x5a: {  	_ =	shalt  }
0x5b: {  	_ =	shalt  }
0x5c: {  	_ =	shalt  }
0x5d: {  	_ =	shalt  }
0x5e: {  	_ =	shalt  }
0x5f: {  	_ =	shalt  }
0x60: {  	_ =	shalt  }
0x61: {  	_ =	shalt  }
0x62: {  	_ =	shalt  }
0x63: {  	_ =	shalt  }
0x64: {  	_ =	shalt  }
0x65: {  	_ =	shalt  }
0x66: {  	_ =	shalt  }
0x67: {  	_ =	shalt  }
0x68: {  	_ =	shalt  }
0x69: {  	_ =	shalt  }
0x6a: {  	_ =	shalt  }
0x6b: {  	_ =	shalt  }
0x6c: {  	_ =	shalt  }
0x6d: {  	_ =	shalt  }
0x6e: {  	_ =	shalt  }
0x6f: {  	_ =	shalt  }
0x70: {  	_ =	shalt  }
0x71: {  	_ =	shalt  }
0x72: {  	_ =	shalt  }
0x73: {  	_ =	shalt  }
0x74: {  	_ =	shalt  }
0x75: {  	_ =	shalt  }
0x76: {  	_ =	shalt  }
0x77: {  	_ =	shalt  }
0x78: {  	_ =	shalt  }
0x79: {  	_ =	shalt  }
0x7a: {  	_ =	shalt  }
0x7b: {  	_ =	shalt  }
0x7c: {  	_ =	shalt  }
0x7d: {  	_ =	shalt  }
0x7e: {  	_ =	shalt  }
0x7f: {  	_ =	shalt  }
0x80: {  	_ =	shalt  }
0x81: {  	_ =	shalt  }
0x82: {  	_ =	shalt  }
0x83: {  	_ =	shalt  }
0x84: {  	_ =	shalt  }
0x85: {  	_ =	shalt  }
0x86: {  	_ =	shalt  }
0x87: {  	_ =	shalt  }
.Lfunc_end0:
.L_simem_size_0:
called_computation_lowered:
.L_overlay_start_0:
0x88: {  	s2 =	sld [smem:$0x3FD9]  }
0x89: {  	s3 =	sld [smem:$0x3FFE];
	_ =	sdelay $0x1  }
0x8a: {  	s1 =	srdreg.scid  }
0x8b: {  	s0 =	sand.u32 $0x1, s1  }
0x8c: {  	s16 =	sshll.u32 s0, $0xA;
	s2 =	sadd.s32 s3, s2  }
0x8d: {  	s2 =	sadd.s32 s2, s16  }
0x8e: {  	[smem:$0x3FBC] =	sst s2  }
0x8f: {  	_ = 	snop  }
0x90: {  	(tm) =	ssettm $0x1  }
0x91: {  	s17 =	sld [smem:$0x3FFB];
	_ =	sdelay $0x3  }
0x92: {  	_ =	strace s17  }
0x93: {  	s2 =	sld [smem:$0x3FFC];
	_ =	sdelay $0x3  }
0x94: {  	_ =	strace s2  }
0x95: {  	s2 =	sld [smem:$0x3FFD];
	_ =	sdelay $0x3  }
0x96: {  	_ =	strace s2  }
0x97: {  	_ =	strace $0x8FFFFFFF  }
0x98: {  	s18 =	sld [smem:$0x3FDB];
	_ =	sdelay $0x1  }
0x99: {  	s19 =	simm.s32 $_scs_section_size  }
0x9a: {  	s4 =	simm.s32 $_size__tile_overlayer_lowered;
	s5 =	simm.s32 $_tile_overlayer_lowered  }
0x9b: {  	s22 =	simm.s32 $0x1BFF;
	s21 =	sshll.u32 s5, $0x1;
	s2 =	sadd.s32 s19, s18  }
0x9c: {  	s6 =	simm.s32 $0x0;
	s20 =	sshll.u32 s4, $0x1;
	s4 =	sadd.s32 s21, s2  }
0x9d: {  	[timem:s6], [sflag:s22] =	dma.local [hbm:s4], s20  }
0x9e: {  	_ =	swait.ge [sflag:s22], s20  }
0x9f: {  	s3 =	ssub.s32 $0x0, s20;
	[sflag:s22] =	ssyncset.done $0x0  }
0xa0: {  	[sflag:s22] =	ssyncadd.s32 s3;
	_ =	sdelay $0x1  }
0xa1: {  	s23 =	simm.s32 $0x1B8B  }
0xa2: {  	_ =	swait.ge [sflag:s23], $0x1  }
0xa3: {  	[sflag:s23] =	ssyncset.done $0x0  }
0xa4: {  	s25 =	simm.s32 $0x1B8E;
	s24 =	sld [smem:$0x3FFE];
	[sflag:s23] =	ssyncadd.s32 $0xFFFFFFFF  }
0xa5: {  	s26 =	simm.s32 $execute0_lowered;
	[smem:$0x3FD2] =	sst s25  }
0xa6: {  	s4 =	sshll.u32 s26, $0x1;
	_ =	strace $0x80000046;
	[dreg:$0x1] =	wrdreg $0xFFFFFFFF  }
0xa7: {  	s28 =	simm.s32 $_size_execute0_lowered;
	s2 =	sadd.s32 s2, s4;
	[dreg:$0x0] =	wrdreg $0x0  }
0xa8: {  	s4 =	sshll.u32 s28, $0x1;
	[dreg:$0x2] =	wrdreg s2  }
0xa9: {  	[dreg:$0x3] =	wrdreg s4  }
0xaa: {  	[dreg:$0x4] =	wrdreg $0xC0  }
0xab: {  	_ =	task [dreg:s6], $0x5FFFF  }
0xac: {  	[dreg:$0x1] =	wrdreg $0xFFFFFFFF  }
0xad: {  	[dreg:$0x0] =	wrdreg $0x60  }
0xae: {  	[dreg:$0x2] =	wrdreg s24  }
0xaf: {  	[dreg:$0x3] =	wrdreg $0x9  }
0xb0: {  	_ =	task.clear_ibuf [dreg:s6], $0x4FFFF;
	_ =	strace $0x90000046  }
0xb1: {  	s29 =	simm.s32 $0x9;
	_ =	strace $0x80000048  }
0xb2: {  	_ =	swait.ge [sflag:s29], $0x1  }
0xb3: {  	[sflag:s29] =	ssyncadd.s32 $0xFFFFFFFF  }
0xb4: {  	_ =	strace $0x90000048  }
0xb5: {  	_ =	sfence  }
0xb6: {  	s30 =	sld [smem:$0x0];
	_ =	sdelay $0x2  }
0xb7: {  	s31 =	sshll.u32 s1, $0xD;
	s1 =	sshrl.u32 s1, $0x2  }
0xb8: {  	s3 =	sand.u32 $0x4000, s31;
	s1 =	sadd.s32 s1, s30  }
0xb9: {  	s0 =	sor.u32 s3, s0;
	s1 =	sshll.u32 s1, $0x11  }
0xba: {  	s0 =	sor.u32 s1, s0  }
0xbb: {  	s0 =	sadd.s32 $0x8F2B, s0  }
0xbc: {  	[sflag:s0] =	ssyncadd.remote.s32 $0x1  }
0xbd: {  	_ =	sfence.sel $0xFFFF  }
0xbe: {  	[dreg:$0x0] =	wrdreg $0xFFFFFFFF;
	(pc) =	sbr.abs _section_cstart, $3  }
0xbf: {  	[dreg:$0x1] =	wrdreg $0xFFFFFFFF  }
0xc0: {  	_ =	task.clear_ibuf [dreg:s6], $0x2FFFF;
	_ =	strace $0x9FFFFFFF  }
0xc1: {  	(tm) =	ssettm $0x7FFFFFFF  }
tec
execute0_lowered:
.L_overlay_start_1:
0x0: {  	(tag) =	ssettag $0x1  }
0x1: {  	s1 =	rddreg [dreg:$0x0];
	s2 =	simm.s32 $0x0  }
0x2: {  	[smem:$0x7FF] =	sst s2;
	s5 =	sadd.s32 $0xA4200, s1  }
0x3: {  	s21 =	simm.s32 $0x200;
	_ =	strace $0x80000047;
	[dreg:$0x2] =	wrdreg s5  }
0x4: {  	s22 =	simm.s32 $0x280;
	[dreg:$0x6] =	wrdreg s21  }
0x5: {  	s23 =	simm.s32 $0x300;
	[dreg:$0x7] =	wrdreg s22  }
0x6: {  	s24 =	simm.s32 $0x380;
	[dreg:$0x8] =	wrdreg s23  }
0x7: {  	s25 =	simm.s32 $0x400;
	[dreg:$0x9] =	wrdreg s24  }
0x8: {  	s26 =	simm.s32 $0x480;
	[dreg:$0xa] =	wrdreg s25  }
0x9: {  	s28 =	simm.s32 $0x500;
	[dreg:$0xb] =	wrdreg s26  }
0xa: {  	s29 =	simm.s32 $0x580;
	[dreg:$0xc] =	wrdreg s28  }
0xb: {  	s30 =	simm.s32 $0x600;
	[dreg:$0xd] =	wrdreg s29  }
0xc: {  	s31 =	simm.s32 $0x680;
	[dreg:$0xe] =	wrdreg s30  }
0xd: {  	s6 =	simm.s32 $0x800;
	[dreg:$0xf] =	wrdreg s31  }
0xe: {  	s8 =	simm.s32 $0x880;
	[dreg:$0x12] =	wrdreg s6  }
0xf: {  	s9 =	simm.s32 $0x900;
	[dreg:$0x13] =	wrdreg s8  }
0x10: {  	s10 =	simm.s32 $0x980;
	[dreg:$0x14] =	wrdreg s9  }
0x11: {  	s11 =	simm.s32 $0xA00;
	[dreg:$0x15] =	wrdreg s10  }
0x12: {  	s12 =	simm.s32 $0xA80;
	[dreg:$0x16] =	wrdreg s11  }
0x13: {  	s13 =	simm.s32 $0xB00;
	[dreg:$0x17] =	wrdreg s12  }
0x14: {  	s14 =	simm.s32 $0xB80;
	[dreg:$0x18] =	wrdreg s13  }
0x15: {  	s15 =	simm.s32 $0xC00;
	[dreg:$0x19] =	wrdreg s14  }
0x16: {  	s16 =	simm.s32 $0xC80;
	[dreg:$0x1a] =	wrdreg s15  }
0x17: {  	s17 =	simm.s32 $0xD00;
	[dreg:$0x1b] =	wrdreg s16  }
0x18: {  	s18 =	simm.s32 $0xD80;
	[dreg:$0x1c] =	wrdreg s17  }
0x19: {  	s19 =	simm.s32 $0xE00;
	[dreg:$0x1d] =	wrdreg s18  }
0x1a: {  	s5 =	simm.s32 $0x780;
	[dreg:$0x1e] =	wrdreg s19  }
0x1b: {  	s21 =	simm.s32 $0xF00;
	[dreg:$0x11] =	wrdreg s5  }
0x1c: {  	s22 =	simm.s32 $0xF80;
	[smem:$0x7DC] =	sst s21  }
0x1d: {  	s23 =	simm.s32 $0x1000;
	[smem:$0x7DD] =	sst s22  }
0x1e: {  	s24 =	simm.s32 $0x1080;
	[smem:$0x7DE] =	sst s23  }
0x1f: {  	s25 =	simm.s32 $0x1100;
	[smem:$0x7DF] =	sst s24  }
0x20: {  	s28 =	simm.s32 $0x1180;
	[smem:$0x7E0] =	sst s25  }
0x21: {  	s30 =	simm.s32 $0x1200;
	[smem:$0x7E1] =	sst s28  }
0x22: {  	s31 =	simm.s32 $0x1280;
	[smem:$0x7E2] =	sst s30  }
0x23: {  	s6 =	simm.s32 $0x1380;
	[smem:$0x7E3] =	sst s31  }
0x24: {  	s9 =	simm.s32 $0x1400;
	[smem:$0x7E5] =	sst s6  }
0x25: {  	s0 =	srdreg.scid;
	s10 =	simm.s32 $0x1500;
	[smem:$0x7E6] =	sst s9  }
0x26: {  	s7 =	stileid.u32;
	s11 =	simm.s32 $0x1580;
	[smem:$0x7E8] =	sst s10  }
0x27: {  	s0 =	sand.u32 $0x1, s0;
	s12 =	simm.s32 $0x1600;
	[smem:$0x7E9] =	sst s11  }
0x28: {  	s3 =	sshll.u32 s7, $0xB;
	s14 =	simm.s32 $0x1680;
	[smem:$0x7EA] =	sst s12  }
0x29: {  	s3 =	sadd.s32 s3, s1;
	s15 =	simm.s32 $0x1700;
	[smem:$0x7EB] =	sst s14  }
0x2a: {  	s4 =	sshll.u32 s0, $0xA;
	s16 =	simm.s32 $0x1780;
	[smem:$0x7EC] =	sst s15  }
0x2b: {  	s26 =	sshll.u32 s7, $0xA;
	s18 =	simm.s32 $0x1800;
	[smem:$0x7EE] =	sst s16  }
0x2c: {  	s29 =	sshll.u32 s0, $0x9;
	s19 =	simm.s32 $0x1880;
	[smem:$0x7EF] =	sst s18  }
0x2d: {  	s7 =	sshll.u32 s7, $0xC;
	s5 =	simm.s32 $0x1300;
	[smem:$0x7F0] =	sst s19  }
0x2e: {  	s13 =	ssub.s32 $0x2, s0;
	s6 =	simm.s32 $0x1480;
	[smem:$0x7E4] =	sst s5  }
0x2f: {  	s0 =	sshll.u32 s0, $0xB;
	s21 =	simm.s32 $0x1980;
	[smem:$0x7E7] =	sst s6  }
0x30: {  	s3 =	sadd.s32 s4, s3;
	s10 =	simm.s32 $0x1A00;
	[smem:$0x7F2] =	sst s21  }
0x31: {  	s9 =	sshrl.u32 s13, $0x1;
	s22 =	simm.s32 $0x1A80;
	[smem:$0x7F4] =	sst s10  }
0x32: {  	s23 =	simm.s32 $0x1B00;
	s24 =	simm.s32 $0x1B80;
	[smem:$0x7F5] =	sst s22  }
0x33: {  	s12 =	simm.s32 $0x80;
	s25 =	simm.s32 $0x1C00;
	[smem:$0x7F6] =	sst s23  }
0x34: {  	s14 =	simm.s32 $0x2;
	s28 =	simm.s32 $0x1D00;
	[smem:$0x7F7] =	sst s24  }
0x35: {  	s15 =	simm.s32 $0x180;
	s16 =	simm.s32 $0x1F80;
	[smem:$0x7F8] =	sst s25  }
0x36: {  	s30 =	simm.s32 $0x1E00;
	s31 =	simm.s32 $0x1E80;
	[smem:$0x7FA] =	sst s28  }
0x37: {  	s18 =	simm.s32 $0x3F80;
	s19 =	simm.s32 $0x1F00;
	[smem:$0x7FC] =	sst s30  }
0x38: {  	s4 =	sadd.s32 $0xE4400, s3;
	s20 =	sadd.s32 $0xDC400, s3;
	[smem:$0x7FD] =	sst s31  }
0x39: {  	s3 =	sadd.s32 $0xD4400, s3;
	s5 =	sadd.s32 $0x85800, s1;
	[dreg:$0x3] =	wrdreg s4  }
0x3a: {  	s21 =	simm.s32 $0x5780;
	s22 =	simm.s32 $0x100;
	[dreg:$0x4] =	wrdreg s20  }
0x3b: {  	s23 =	simm.s32 $0x5F80;
	[dreg:$0x5] =	wrdreg s3;
	s4 =	simm.s32 $0x700  }
0x3c: {  	s24 =	simm.s32 $0x1;
	s20 =	simm.s32 $0xE80;
	[dreg:$0x10] =	wrdreg s4  }
0x3d: {  	s25 =	simm.s32 $0x0;
	[dreg:$0x1f] =	wrdreg s20;
	s20 =	simm.s32 $0x1900  }
0x3e: {  	s4 =	sor.u32 s29, s26;
	s26 =	simm.s32 $0x1C80;
	[smem:$0x7F1] =	sst s20  }
0x3f: {  	s29 =	simm.s32 $0x1D80;
	s4 =	sshrl.u32 s4, $0x3;
	[smem:$0x7F9] =	sst s26  }
0x40: {  	s3 =	sadd.s32 $0x23A00, s1;
	[smem:$0x7FB] =	sst s29;
	s8 =	sadd.s32 s4, s1  }
0x41: {  	s4 =	sadd.s32 $0x23C00, s1;
	s1 =	sadd.s32 s7, s1;
	s7 =	ssub.s32 s13, s9  }
0x42: {  	s20 =	simm.s32 $0x4F80;
	s13 =	simm.s32 $0x4000;
	s17 =	smax.u32 s7, $0x1  }
0x43: {  	s1 =	sadd.s32 s0, s1;
	s10 =	sadd.s32 $0x5A00, s8;
	[smem:$0x7ED] =	sst s17  }
0x44: {  	s7 =	sadd.s32 $0xC4400, s1;
	s0 =	sadd.s32 $0xB4400, s1;
	s1 =	sadd.s32 $0xA4400, s1  }
0x45: {  	s11 =	sadd.s32 $0x4200, s8;
	s17 =	simm.s32 $0x2F80;
	[smem:$0x7F3] =	sst s1  }
.LBB2_1:
0x46: {  	[tilespmem:s2], [sflag:$0x2] =	stream.strided.gather [hbm4b:s11+s12], $0x180, s13, s12, $0x38;
	[tilespmem:$0x6780] =	vst v63  }
0x47: {  	_ =	swait.ge [sflag:s14], $0x180  }
0x48: {  	[sflag:s14] =	ssyncset.done $0x0  }
0x49: {  	[sflag:s14] =	ssyncadd.s32 $0xFFFFFE80  }
0x4a: {  	[tilespmem:s15], [sflag:$0x2] =	stream.strided.gather [hbm4b:s10+s12], $0x1E00, s13, s12, $0x38;
	[tilespmem:$0x6780] =	vst v63  }
0x4b: {  	_ =	swait.ge [sflag:s14], $0x1E00  }
0x4c: {  	[sflag:s14] =	ssyncset.done $0x0  }
0x4d: {  	[sflag:s14] =	ssyncadd.s32 $0xFFFFE200  }
0x4e: {  	[tilespmem:s16], [sflag:$0x2] =	stream.linear.gather [hbm4b:s3+s2], $0x1000, $0x38;
	[tilespmem:$0x6780] =	vst v63  }
0x4f: {  	_ =	swait.ge [sflag:s14], $0x1000  }
0x50: {  	[sflag:s14] =	ssyncset.done $0x0  }
0x51: {  	[sflag:s14] =	ssyncadd.s32 $0xFFFFF000  }
0x52: {  	[tilespmem:s17], [sflag:$0x2] =	stream.linear.gather [hbm4b:s3+s2], $0x1000, $0x38;
	[tilespmem:$0x6780] =	vst v63  }
0x53: {  	_ =	swait.ge [sflag:s14], $0x1000  }
0x54: {  	[sflag:s14] =	ssyncset.done $0x0  }
0x55: {  	[sflag:s14] =	ssyncadd.s32 $0xFFFFF000  }
0x56: {  	[tilespmem:s18], [sflag:$0x2] =	stream.linear.gather [hbm4b:s3+s2], $0x1000, $0x38;
	[tilespmem:$0x6780] =	vst v63  }
0x57: {  	_ =	swait.ge [sflag:s14], $0x1000  }
0x58: {  	[sflag:s14] =	ssyncset.done $0x0  }
0x59: {  	s1 =	rddreg [dreg:$0x6];
	[sflag:s14] =	ssyncadd.s32 $0xFFFFF000  }
0x5a: {  	[tilespmem:s16], [sflag:$0x1] =	stream.indirect.gather.add.bf16 [hbm:s4], $0x20, s15, s12, $0xb8;
	[tilespmem:$0x6780] =	vst v63  }
0x5b: {  	s8 =	rddreg [dreg:$0x7]  }
0x5c: {  	[tilespmem:s16], [sflag:$0x1] =	stream.indirect.gather.add.bf16 [hbm:s4], $0x20, s1, s12, $0xb8;
	[tilespmem:$0x6780] =	vst v63  }
0x5d: {  	s9 =	rddreg [dreg:$0x8]  }
0x5e: {  	[tilespmem:s16], [sflag:$0x1] =	stream.indirect.gather.add.bf16 [hbm:s4], $0x20, s8, s12, $0xb8;
	[tilespmem:$0x6780] =	vst v63  }
0x5f: {  	s26 =	rddreg [dreg:$0x9]  }
0x60: {  	[tilespmem:s16], [sflag:$0x1] =	stream.indirect.gather.add.bf16 [hbm:s4], $0x20, s9, s12, $0xb8;
	[tilespmem:$0x6780] =	vst v63  }
0x61: {  	s6 =	rddreg [dreg:$0xa]  }
0x62: {  	[tilespmem:s16], [sflag:$0x1] =	stream.indirect.gather.add.bf16 [hbm:s4], $0x20, s26, s12, $0xb8;
	[tilespmem:$0x6780] =	vst v63  }
0x63: {  	s9 =	rddreg [dreg:$0xb]  }
0x64: {  	[tilespmem:s16], [sflag:$0x1] =	stream.indirect.gather.add.bf16 [hbm:s4], $0x20, s6, s12, $0xb8;
	[tilespmem:$0x6780] =	vst v63  }
0x65: {  	s26 =	rddreg [dreg:$0xc]  }
0x66: {  	[tilespmem:s16], [sflag:$0x1] =	stream.indirect.gather.add.bf16 [hbm:s4], $0x20, s9, s12, $0xb8;
	[tilespmem:$0x6780] =	vst v63  }
0x67: {  	s6 =	rddreg [dreg:$0xd]  }
0x68: {  	[tilespmem:s16], [sflag:$0x1] =	stream.indirect.gather.add.bf16 [hbm:s4], $0x20, s26, s12, $0xb8;
	[tilespmem:$0x6780] =	vst v63  }
0x69: {  	s9 =	rddreg [dreg:$0xe]  }
0x6a: {  	[tilespmem:s16], [sflag:$0x1] =	stream.indirect.gather.add.bf16 [hbm:s4], $0x20, s6, s12, $0xb8;
	[tilespmem:$0x6780] =	vst v63  }
0x6b: {  	s26 =	rddreg [dreg:$0xf]  }
0x6c: {  	[tilespmem:s16], [sflag:$0x1] =	stream.indirect.gather.add.bf16 [hbm:s4], $0x20, s9, s12, $0xb8;
	[tilespmem:$0x6780] =	vst v63  }
0x6d: {  	s6 =	rddreg [dreg:$0x10]  }
0x6e: {  	[tilespmem:s16], [sflag:$0x1] =	stream.indirect.gather.add.bf16 [hbm:s4], $0x20, s26, s12, $0xb8;
	[tilespmem:$0x6780] =	vst v63  }
0x6f: {  	s9 =	rddreg [dreg:$0x11]  }
0x70: {  	[tilespmem:s16], [sflag:$0x1] =	stream.indirect.gather.add.bf16 [hbm:s4], $0x20, s6, s12, $0xb8;
	[tilespmem:$0x6780] =	vst v63  }
0x71: {  	s26 =	rddreg [dreg:$0x12]  }
0x72: {  	[tilespmem:s16], [sflag:$0x1] =	stream.indirect.gather.add.bf16 [hbm:s4], $0x20, s9, s12, $0xb8;
	[tilespmem:$0x6780] =	vst v63  }
0x73: {  	s6 =	rddreg [dreg:$0x13]  }
0x74: {  	[tilespmem:s16], [sflag:$0x1] =	stream.indirect.gather.add.bf16 [hbm:s4], $0x20, s26, s12, $0xb8;
	[tilespmem:$0x6780] =	vst v63  }
0x75: {  	s9 =	rddreg [dreg:$0x14]  }
0x76: {  	[tilespmem:s16], [sflag:$0x1] =	stream.indirect.gather.add.bf16 [hbm:s4], $0x20, s6, s12, $0xb8;
	[tilespmem:$0x6780] =	vst v63  }
0x77: {  	s26 =	rddreg [dreg:$0x15]  }
0x78: {  	[tilespmem:s16], [sflag:$0x1] =	stream.indirect.gather.add.bf16 [hbm:s4], $0x20, s9, s12, $0xb8;
	[tilespmem:$0x6780] =	vst v63  }
0x79: {  	s6 =	rddreg [dreg:$0x16]  }
0x7a: {  	[tilespmem:s16], [sflag:$0x1] =	stream.indirect.gather.add.bf16 [hbm:s4], $0x20, s26, s12, $0xb8;
	[tilespmem:$0x6780] =	vst v63  }
0x7b: {  	s9 =	rddreg [dreg:$0x17]  }
0x7c: {  	[tilespmem:s16], [sflag:$0x1] =	stream.indirect.gather.add.bf16 [hbm:s4], $0x20, s6, s12, $0xb8;
	[tilespmem:$0x6780] =	vst v63  }
0x7d: {  	s26 =	rddreg [dreg:$0x18]  }
0x7e: {  	[tilespmem:s16], [sflag:$0x1] =	stream.indirect.gather.add.bf16 [hbm:s4], $0x20, s9, s12, $0xb8;
	[tilespmem:$0x6780] =	vst v63  }
0x7f: {  	s6 =	rddreg [dreg:$0x19]  }
0x80: {  	[tilespmem:s16], [sflag:$0x1] =	stream.indirect.gather.add.bf16 [hbm:s4], $0x20, s26, s12, $0xb8;
	[tilespmem:$0x6780] =	vst v63  }
0x81: {  	s9 =	rddreg [dreg:$0x1a]  }
0x82: {  	[tilespmem:s17], [sflag:$0x1] =	stream.indirect.gather.add.bf16 [hbm:s4], $0x20, s6, s12, $0xb8;
	[tilespmem:$0x6780] =	vst v63  }
0x83: {  	s26 =	rddreg [dreg:$0x1b]  }
0x84: {  	[tilespmem:s17], [sflag:$0x1] =	stream.indirect.gather.add.bf16 [hbm:s4], $0x20, s9, s12, $0xb8;
	[tilespmem:$0x6780] =	vst v63  }
0x85: {  	s6 =	rddreg [dreg:$0x1c]  }
0x86: {  	[tilespmem:s17], [sflag:$0x1] =	stream.indirect.gather.add.bf16 [hbm:s4], $0x20, s26, s12, $0xb8;
	[tilespmem:$0x6780] =	vst v63  }
0x87: {  	s9 =	rddreg [dreg:$0x1d]  }
0x88: {  	[tilespmem:s17], [sflag:$0x1] =	stream.indirect.gather.add.bf16 [hbm:s4], $0x20, s6, s12, $0xb8;
	[tilespmem:$0x6780] =	vst v63  }
0x89: {  	s26 =	rddreg [dreg:$0x1e]  }
0x8a: {  	[tilespmem:s17], [sflag:$0x1] =	stream.indirect.gather.add.bf16 [hbm:s4], $0x20, s9, s12, $0xb8;
	[tilespmem:$0x6780] =	vst v63  }
0x8b: {  	s6 =	rddreg [dreg:$0x1f]  }
0x8c: {  	[tilespmem:s17], [sflag:$0x1] =	stream.indirect.gather.add.bf16 [hbm:s4], $0x20, s26, s12, $0xb8;
	[tilespmem:$0x6780] =	vst v63  }
0x8d: {  	s9 =	sld [smem:$0x7DC]  }
0x8e: {  	[tilespmem:s17], [sflag:$0x1] =	stream.indirect.gather.add.bf16 [hbm:s4], $0x20, s6, s12, $0xb8;
	[tilespmem:$0x6780] =	vst v63  }
0x8f: {  	s26 =	sld [smem:$0x7DD]  }
0x90: {  	[tilespmem:s17], [sflag:$0x1] =	stream.indirect.gather.add.bf16 [hbm:s4], $0x20, s9, s12, $0xb8;
	[tilespmem:$0x6780] =	vst v63  }
0x91: {  	s6 =	sld [smem:$0x7DE]  }
0x92: {  	[tilespmem:s17], [sflag:$0x1] =	stream.indirect.gather.add.bf16 [hbm:s4], $0x20, s26, s12, $0xb8;
	[tilespmem:$0x6780] =	vst v63  }
0x93: {  	s9 =	sld [smem:$0x7DF]  }
0x94: {  	[tilespmem:s17], [sflag:$0x1] =	stream.indirect.gather.add.bf16 [hbm:s4], $0x20, s6, s12, $0xb8;
	[tilespmem:$0x6780] =	vst v63  }
0x95: {  	s26 =	sld [smem:$0x7E0]  }
0x96: {  	[tilespmem:s17], [sflag:$0x1] =	stream.indirect.gather.add.bf16 [hbm:s4], $0x20, s9, s12, $0xb8;
	[tilespmem:$0x6780] =	vst v63  }
0x97: {  	s6 =	sld [smem:$0x7E1]  }
0x98: {  	[tilespmem:s17], [sflag:$0x1] =	stream.indirect.gather.add.bf16 [hbm:s4], $0x20, s26, s12, $0xb8;
	[tilespmem:$0x6780] =	vst v63  }
0x99: {  	s9 =	sld [smem:$0x7E2]  }
0x9a: {  	[tilespmem:s17], [sflag:$0x1] =	stream.indirect.gather.add.bf16 [hbm:s4], $0x20, s6, s12, $0xb8;
	[tilespmem:$0x6780] =	vst v63  }
0x9b: {  	s26 =	sld [smem:$0x7E3]  }
0x9c: {  	[tilespmem:s17], [sflag:$0x1] =	stream.indirect.gather.add.bf16 [hbm:s4], $0x20, s9, s12, $0xb8;
	[tilespmem:$0x6780] =	vst v63  }
0x9d: {  	s6 =	sld [smem:$0x7E4]  }
0x9e: {  	[tilespmem:s17], [sflag:$0x1] =	stream.indirect.gather.add.bf16 [hbm:s4], $0x20, s26, s12, $0xb8;
	[tilespmem:$0x6780] =	vst v63  }
0x9f: {  	s9 =	sld [smem:$0x7E5]  }
0xa0: {  	[tilespmem:s17], [sflag:$0x1] =	stream.indirect.gather.add.bf16 [hbm:s4], $0x20, s6, s12, $0xb8;
	[tilespmem:$0x6780] =	vst v63  }
0xa1: {  	s26 =	sld [smem:$0x7E6]  }
0xa2: {  	[tilespmem:s17], [sflag:$0x1] =	stream.indirect.gather.add.bf16 [hbm:s4], $0x20, s9, s12, $0xb8;
	[tilespmem:$0x6780] =	vst v63  }
0xa3: {  	s6 =	sld [smem:$0x7E7]  }
0xa4: {  	[tilespmem:s17], [sflag:$0x1] =	stream.indirect.gather.add.bf16 [hbm:s4], $0x20, s26, s12, $0xb8;
	[tilespmem:$0x6780] =	vst v63  }
0xa5: {  	s9 =	sld [smem:$0x7E8]  }
0xa6: {  	[tilespmem:s17], [sflag:$0x1] =	stream.indirect.gather.add.bf16 [hbm:s4], $0x20, s6, s12, $0xb8;
	[tilespmem:$0x6780] =	vst v63  }
0xa7: {  	s26 =	sld [smem:$0x7E9]  }
0xa8: {  	[tilespmem:s17], [sflag:$0x1] =	stream.indirect.gather.add.bf16 [hbm:s4], $0x20, s9, s12, $0xb8;
	[tilespmem:$0x6780] =	vst v63  }
0xa9: {  	s6 =	sld [smem:$0x7EA]  }
0xaa: {  	[tilespmem:s18], [sflag:$0x1] =	stream.indirect.gather.add.bf16 [hbm:s4], $0x20, s26, s12, $0xb8;
	[tilespmem:$0x6780] =	vst v63  }
0xab: {  	s9 =	sld [smem:$0x7EB]  }
0xac: {  	[tilespmem:s18], [sflag:$0x1] =	stream.indirect.gather.add.bf16 [hbm:s4], $0x20, s6, s12, $0xb8;
	[tilespmem:$0x6780] =	vst v63  }
0xad: {  	s26 =	sld [smem:$0x7EC]  }
0xae: {  	[tilespmem:s18], [sflag:$0x1] =	stream.indirect.gather.add.bf16 [hbm:s4], $0x20, s9, s12, $0xb8;
	[tilespmem:$0x6780] =	vst v63  }
0xaf: {  	s6 =	sld [smem:$0x7EE]  }
0xb0: {  	[tilespmem:s18], [sflag:$0x1] =	stream.indirect.gather.add.bf16 [hbm:s4], $0x20, s26, s12, $0xb8;
	[tilespmem:$0x6780] =	vst v63  }
0xb1: {  	s9 =	sld [smem:$0x7EF]  }
0xb2: {  	[tilespmem:s18], [sflag:$0x1] =	stream.indirect.gather.add.bf16 [hbm:s4], $0x20, s6, s12, $0xb8;
	[tilespmem:$0x6780] =	vst v63  }
0xb3: {  	s26 =	sld [smem:$0x7F0]  }
0xb4: {  	[tilespmem:s18], [sflag:$0x1] =	stream.indirect.gather.add.bf16 [hbm:s4], $0x20, s9, s12, $0xb8;
	[tilespmem:$0x6780] =	vst v63  }
0xb5: {  	s6 =	sld [smem:$0x7F1]  }
0xb6: {  	[tilespmem:s18], [sflag:$0x1] =	stream.indirect.gather.add.bf16 [hbm:s4], $0x20, s26, s12, $0xb8;
	[tilespmem:$0x6780] =	vst v63  }
0xb7: {  	s9 =	sld [smem:$0x7F2]  }
0xb8: {  	[tilespmem:s18], [sflag:$0x1] =	stream.indirect.gather.add.bf16 [hbm:s4], $0x20, s6, s12, $0xb8;
	[tilespmem:$0x6780] =	vst v63  }
0xb9: {  	s26 =	sld [smem:$0x7F4]  }
0xba: {  	[tilespmem:s18], [sflag:$0x1] =	stream.indirect.gather.add.bf16 [hbm:s4], $0x20, s9, s12, $0xb8;
	[tilespmem:$0x6780] =	vst v63  }
0xbb: {  	s6 =	sld [smem:$0x7F5]  }
0xbc: {  	[tilespmem:s18], [sflag:$0x1] =	stream.indirect.gather.add.bf16 [hbm:s4], $0x20, s26, s12, $0xb8;
	[tilespmem:$0x6780] =	vst v63  }
0xbd: {  	s9 =	sld [smem:$0x7F6]  }
0xbe: {  	[tilespmem:s18], [sflag:$0x1] =	stream.indirect.gather.add.bf16 [hbm:s4], $0x20, s6, s12, $0xb8;
	[tilespmem:$0x6780] =	vst v63  }
0xbf: {  	s26 =	sld [smem:$0x7F7]  }
0xc0: {  	[tilespmem:s18], [sflag:$0x1] =	stream.indirect.gather.add.bf16 [hbm:s4], $0x20, s9, s12, $0xb8;
	[tilespmem:$0x6780] =	vst v63  }
0xc1: {  	s6 =	sld [smem:$0x7F8]  }
0xc2: {  	[tilespmem:s18], [sflag:$0x1] =	stream.indirect.gather.add.bf16 [hbm:s4], $0x20, s26, s12, $0xb8;
	[tilespmem:$0x6780] =	vst v63  }
0xc3: {  	s9 =	sld [smem:$0x7F9]  }
0xc4: {  	[tilespmem:s18], [sflag:$0x1] =	stream.indirect.gather.add.bf16 [hbm:s4], $0x20, s6, s12, $0xb8;
	[tilespmem:$0x6780] =	vst v63  }
0xc5: {  	s26 =	sld [smem:$0x7FA]  }
0xc6: {  	[tilespmem:s18], [sflag:$0x1] =	stream.indirect.gather.add.bf16 [hbm:s4], $0x20, s9, s12, $0xb8;
	[tilespmem:$0x6780] =	vst v63  }
0xc7: {  	s6 =	sld [smem:$0x7FB]  }
0xc8: {  	[tilespmem:s18], [sflag:$0x1] =	stream.indirect.gather.add.bf16 [hbm:s4], $0x20, s26, s12, $0xb8;
	[tilespmem:$0x6780] =	vst v63  }
0xc9: {  	s9 =	sld [smem:$0x7FC]  }
0xca: {  	[tilespmem:s18], [sflag:$0x1] =	stream.indirect.gather.add.bf16 [hbm:s4], $0x20, s6, s12, $0xb8;
	[tilespmem:$0x6780] =	vst v63  }
0xcb: {  	s26 =	sld [smem:$0x7FD]  }
0xcc: {  	[tilespmem:s18], [sflag:$0x1] =	stream.indirect.gather.add.bf16 [hbm:s4], $0x20, s9, s12, $0xb8;
	[tilespmem:$0x6780] =	vst v63  }
0xcd: {  	_ = 	snop  }
0xce: {  	[tilespmem:s18], [sflag:$0x1] =	stream.indirect.gather.add.bf16 [hbm:s4], $0x20, s26, s12, $0xb8;
	[tilespmem:$0x6780] =	vst v63  }
0xcf: {  	_ = 	snop  }
0xd0: {  	[tilespmem:s18], [sflag:$0x1] =	stream.indirect.gather.add.bf16 [hbm:s4], $0x20, s19, s12, $0xb8;
	[tilespmem:$0x6780] =	vst v63  }
0xd1: {  	_ = 	snop  }
0xd2: {  	[tilespmem:s20], [sflag:$0x1] =	stream.indirect.gather [hbm4b:s5+s12], $0x10, s2, s12, $0xb8;
	[tilespmem:$0x6780] =	vst v63  }
0xd3: {  	_ = 	snop  }
0xd4: {  	[tilespmem:s21], [sflag:$0x1] =	stream.indirect.gather [hbm4b:s5+s12], $0x10, s12, s12, $0xb8;
	[tilespmem:$0x6780] =	vst v63  }
0xd5: {  	s6 =	rddreg [dreg:$0x2]  }
0xd6: {  	[tilespmem:s23], [sflag:$0x1] =	stream.indirect.gather [hbm4b:s6+s12], $0x10, s22, s12, $0xb8;
	[tilespmem:$0x6780] =	vst v63  }
0xd7: {  	_ =	swait.ge [sflag:s24], $0x1000  }
0xd8: {  	[sflag:s24] =	ssyncset.done $0x0  }
0xd9: {  	[sflag:s24] =	ssyncadd.s32 $0xFFFFF000  }
0xda: {  	_ =	swait.ge [sflag:s24], $0x1000  }
0xdb: {  	[sflag:s24] =	ssyncset.done $0x0  }
0xdc: {  	[sflag:s24] =	ssyncadd.s32 $0xFFFFF000  }
0xdd: {  	_ =	swait.ge [sflag:s24], $0x1000  }
0xde: {  	[sflag:s24] =	ssyncset.done $0x0  }
0xdf: {  	[sflag:s24] =	ssyncadd.s32 $0xFFFFF000  }
0xe0: {  	_ =	swait.ge [sflag:s24], $0x1000  }
0xe1: {  	[sflag:s24] =	ssyncset.done $0x0  }
0xe2: {  	[sflag:s24] =	ssyncadd.s32 $0xFFFFF000  }
0xe3: {  	_ =	swait.ge [sflag:s24], $0x1000  }
0xe4: {  	[sflag:s24] =	ssyncset.done $0x0  }
0xe5: {  	[sflag:s24] =	ssyncadd.s32 $0xFFFFF000  }
0xe6: {  	_ =	swait.ge [sflag:s24], $0x1000  }
0xe7: {  	[sflag:s24] =	ssyncset.done $0x0  }
0xe8: {  	[sflag:s24] =	ssyncadd.s32 $0xFFFFF000  }
0xe9: {  	_ =	swait.ge [sflag:s24], $0x1000  }
0xea: {  	[sflag:s24] =	ssyncset.done $0x0  }
0xeb: {  	[sflag:s24] =	ssyncadd.s32 $0xFFFFF000  }
0xec: {  	_ =	swait.ge [sflag:s24], $0x1000  }
0xed: {  	[sflag:s24] =	ssyncset.done $0x0  }
0xee: {  	[sflag:s24] =	ssyncadd.s32 $0xFFFFF000  }
0xef: {  	_ =	swait.ge [sflag:s24], $0x1000  }
0xf0: {  	[sflag:s24] =	ssyncset.done $0x0  }
0xf1: {  	[sflag:s24] =	ssyncadd.s32 $0xFFFFF000  }
0xf2: {  	_ =	swait.ge [sflag:s24], $0x1000  }
0xf3: {  	[sflag:s24] =	ssyncset.done $0x0  }
0xf4: {  	[sflag:s24] =	ssyncadd.s32 $0xFFFFF000  }
0xf5: {  	_ =	swait.ge [sflag:s24], $0x1000  }
0xf6: {  	[sflag:s24] =	ssyncset.done $0x0  }
0xf7: {  	[sflag:s24] =	ssyncadd.s32 $0xFFFFF000  }
0xf8: {  	_ =	swait.ge [sflag:s24], $0x1000  }
0xf9: {  	[sflag:s24] =	ssyncset.done $0x0  }
0xfa: {  	[sflag:s24] =	ssyncadd.s32 $0xFFFFF000  }
0xfb: {  	_ =	swait.ge [sflag:s24], $0x1000  }
0xfc: {  	[sflag:s24] =	ssyncset.done $0x0  }
0xfd: {  	[sflag:s24] =	ssyncadd.s32 $0xFFFFF000  }
0xfe: {  	_ =	swait.ge [sflag:s24], $0x1000  }
0xff: {  	[sflag:s24] =	ssyncset.done $0x0  }
0x100: {  	[sflag:s24] =	ssyncadd.s32 $0xFFFFF000  }
0x101: {  	_ =	swait.ge [sflag:s24], $0x1000  }
0x102: {  	[sflag:s24] =	ssyncset.done $0x0  }
0x103: {  	[sflag:s24] =	ssyncadd.s32 $0xFFFFF000  }
0x104: {  	_ =	swait.ge [sflag:s24], $0x1000  }
0x105: {  	[sflag:s24] =	ssyncset.done $0x0  }
0x106: {  	[sflag:s24] =	ssyncadd.s32 $0xFFFFF000  }
0x107: {  	_ =	swait.ge [sflag:s24], $0x1000  }
0x108: {  	[sflag:s24] =	ssyncset.done $0x0  }
0x109: {  	[sflag:s24] =	ssyncadd.s32 $0xFFFFF000  }
0x10a: {  	_ =	swait.ge [sflag:s24], $0x1000  }
0x10b: {  	[sflag:s24] =	ssyncset.done $0x0  }
0x10c: {  	[sflag:s24] =	ssyncadd.s32 $0xFFFFF000  }
0x10d: {  	_ =	swait.ge [sflag:s24], $0x1000  }
0x10e: {  	[sflag:s24] =	ssyncset.done $0x0  }
0x10f: {  	[sflag:s24] =	ssyncadd.s32 $0xFFFFF000  }
0x110: {  	_ =	swait.ge [sflag:s24], $0x1000  }
0x111: {  	[sflag:s24] =	ssyncset.done $0x0  }
0x112: {  	[sflag:s24] =	ssyncadd.s32 $0xFFFFF000  }
0x113: {  	_ =	swait.ge [sflag:s24], $0x1000  }
0x114: {  	[sflag:s24] =	ssyncset.done $0x0  }
0x115: {  	[sflag:s24] =	ssyncadd.s32 $0xFFFFF000  }
0x116: {  	_ =	swait.ge [sflag:s24], $0x1000  }
0x117: {  	[sflag:s24] =	ssyncset.done $0x0  }
0x118: {  	[sflag:s24] =	ssyncadd.s32 $0xFFFFF000  }
0x119: {  	_ =	swait.ge [sflag:s24], $0x1000  }
0x11a: {  	[sflag:s24] =	ssyncset.done $0x0  }
0x11b: {  	[sflag:s24] =	ssyncadd.s32 $0xFFFFF000  }
0x11c: {  	_ =	swait.ge [sflag:s24], $0x1000  }
0x11d: {  	[sflag:s24] =	ssyncset.done $0x0  }
0x11e: {  	[sflag:s24] =	ssyncadd.s32 $0xFFFFF000  }
0x11f: {  	_ =	swait.ge [sflag:s24], $0x1000  }
0x120: {  	[sflag:s24] =	ssyncset.done $0x0  }
0x121: {  	[sflag:s24] =	ssyncadd.s32 $0xFFFFF000  }
0x122: {  	_ =	swait.ge [sflag:s24], $0x1000  }
0x123: {  	[sflag:s24] =	ssyncset.done $0x0  }
0x124: {  	[sflag:s24] =	ssyncadd.s32 $0xFFFFF000  }
0x125: {  	_ =	swait.ge [sflag:s24], $0x1000  }
0x126: {  	[sflag:s24] =	ssyncset.done $0x0  }
0x127: {  	[sflag:s24] =	ssyncadd.s32 $0xFFFFF000  }
0x128: {  	_ =	swait.ge [sflag:s24], $0x1000  }
0x129: {  	[sflag:s24] =	ssyncset.done $0x0  }
0x12a: {  	[sflag:s24] =	ssyncadd.s32 $0xFFFFF000  }
0x12b: {  	_ =	swait.ge [sflag:s24], $0x1000  }
0x12c: {  	[sflag:s24] =	ssyncset.done $0x0  }
0x12d: {  	[sflag:s24] =	ssyncadd.s32 $0xFFFFF000  }
0x12e: {  	_ =	swait.ge [sflag:s24], $0x1000  }
0x12f: {  	[sflag:s24] =	ssyncset.done $0x0  }
0x130: {  	[sflag:s24] =	ssyncadd.s32 $0xFFFFF000  }
0x131: {  	_ =	swait.ge [sflag:s24], $0x1000  }
0x132: {  	[sflag:s24] =	ssyncset.done $0x0  }
0x133: {  	[sflag:s24] =	ssyncadd.s32 $0xFFFFF000  }
0x134: {  	_ =	swait.ge [sflag:s24], $0x1000  }
0x135: {  	[sflag:s24] =	ssyncset.done $0x0  }
0x136: {  	[sflag:s24] =	ssyncadd.s32 $0xFFFFF000  }
0x137: {  	_ =	swait.ge [sflag:s24], $0x1000  }
0x138: {  	[sflag:s24] =	ssyncset.done $0x0  }
0x139: {  	[sflag:s24] =	ssyncadd.s32 $0xFFFFF000  }
0x13a: {  	_ =	swait.ge [sflag:s24], $0x1000  }
0x13b: {  	[sflag:s24] =	ssyncset.done $0x0  }
0x13c: {  	[sflag:s24] =	ssyncadd.s32 $0xFFFFF000  }
0x13d: {  	_ =	swait.ge [sflag:s24], $0x1000  }
0x13e: {  	[sflag:s24] =	ssyncset.done $0x0  }
0x13f: {  	[sflag:s24] =	ssyncadd.s32 $0xFFFFF000  }
0x140: {  	_ =	swait.ge [sflag:s24], $0x1000  }
0x141: {  	[sflag:s24] =	ssyncset.done $0x0  }
0x142: {  	[sflag:s24] =	ssyncadd.s32 $0xFFFFF000  }
0x143: {  	_ =	swait.ge [sflag:s24], $0x1000  }
0x144: {  	[sflag:s24] =	ssyncset.done $0x0  }
0x145: {  	[sflag:s24] =	ssyncadd.s32 $0xFFFFF000  }
0x146: {  	_ =	swait.ge [sflag:s24], $0x1000  }
0x147: {  	[sflag:s24] =	ssyncset.done $0x0  }
0x148: {  	[sflag:s24] =	ssyncadd.s32 $0xFFFFF000  }
0x149: {  	_ =	swait.ge [sflag:s24], $0x1000  }
0x14a: {  	[sflag:s24] =	ssyncset.done $0x0  }
0x14b: {  	[sflag:s24] =	ssyncadd.s32 $0xFFFFF000  }
0x14c: {  	_ =	swait.ge [sflag:s24], $0x1000  }
0x14d: {  	[sflag:s24] =	ssyncset.done $0x0  }
0x14e: {  	[sflag:s24] =	ssyncadd.s32 $0xFFFFF000  }
0x14f: {  	_ =	swait.ge [sflag:s24], $0x1000  }
0x150: {  	[sflag:s24] =	ssyncset.done $0x0  }
0x151: {  	[sflag:s24] =	ssyncadd.s32 $0xFFFFF000  }
0x152: {  	_ =	swait.ge [sflag:s24], $0x1000  }
0x153: {  	[sflag:s24] =	ssyncset.done $0x0  }
0x154: {  	[sflag:s24] =	ssyncadd.s32 $0xFFFFF000  }
0x155: {  	_ =	swait.ge [sflag:s24], $0x1000  }
0x156: {  	[sflag:s24] =	ssyncset.done $0x0  }
0x157: {  	[sflag:s24] =	ssyncadd.s32 $0xFFFFF000  }
0x158: {  	_ =	swait.ge [sflag:s24], $0x1000  }
0x159: {  	[sflag:s24] =	ssyncset.done $0x0  }
0x15a: {  	[sflag:s24] =	ssyncadd.s32 $0xFFFFF000  }
0x15b: {  	_ =	swait.ge [sflag:s24], $0x1000  }
0x15c: {  	[sflag:s24] =	ssyncset.done $0x0  }
0x15d: {  	[sflag:s24] =	ssyncadd.s32 $0xFFFFF000  }
0x15e: {  	_ =	swait.ge [sflag:s24], $0x1000  }
0x15f: {  	[sflag:s24] =	ssyncset.done $0x0  }
0x160: {  	[sflag:s24] =	ssyncadd.s32 $0xFFFFF000  }
0x161: {  	_ =	swait.ge [sflag:s24], $0x1000  }
0x162: {  	[sflag:s24] =	ssyncset.done $0x0  }
0x163: {  	[sflag:s24] =	ssyncadd.s32 $0xFFFFF000  }
0x164: {  	_ =	swait.ge [sflag:s24], $0x1000  }
0x165: {  	[sflag:s24] =	ssyncset.done $0x0  }
0x166: {  	[sflag:s24] =	ssyncadd.s32 $0xFFFFF000  }
0x167: {  	_ =	swait.ge [sflag:s24], $0x1000  }
0x168: {  	[sflag:s24] =	ssyncset.done $0x0  }
0x169: {  	[sflag:s24] =	ssyncadd.s32 $0xFFFFF000  }
0x16a: {  	_ =	swait.ge [sflag:s24], $0x1000  }
0x16b: {  	[sflag:s24] =	ssyncset.done $0x0  }
0x16c: {  	[sflag:s24] =	ssyncadd.s32 $0xFFFFF000  }
0x16d: {  	_ =	swait.ge [sflag:s24], $0x1000  }
0x16e: {  	[sflag:s24] =	ssyncset.done $0x0  }
0x16f: {  	[sflag:s24] =	ssyncadd.s32 $0xFFFFF000  }
0x170: {  	_ =	swait.ge [sflag:s24], $0x1000  }
0x171: {  	[sflag:s24] =	ssyncset.done $0x0  }
0x172: {  	[sflag:s24] =	ssyncadd.s32 $0xFFFFF000  }
0x173: {  	_ =	swait.ge [sflag:s24], $0x1000  }
0x174: {  	[sflag:s24] =	ssyncset.done $0x0  }
0x175: {  	[sflag:s24] =	ssyncadd.s32 $0xFFFFF000  }
0x176: {  	_ =	swait.ge [sflag:s24], $0x1000  }
0x177: {  	[sflag:s24] =	ssyncset.done $0x0  }
0x178: {  	[sflag:s24] =	ssyncadd.s32 $0xFFFFF000  }
0x179: {  	_ =	swait.ge [sflag:s24], $0x1000  }
0x17a: {  	[sflag:s24] =	ssyncset.done $0x0  }
0x17b: {  	[sflag:s24] =	ssyncadd.s32 $0xFFFFF000  }
0x17c: {  	_ =	swait.ge [sflag:s24], $0x1000  }
0x17d: {  	[sflag:s24] =	ssyncset.done $0x0  }
0x17e: {  	[sflag:s24] =	ssyncadd.s32 $0xFFFFF000  }
0x17f: {  	_ =	swait.ge [sflag:s24], $0x1000  }
0x180: {  	[sflag:s24] =	ssyncset.done $0x0  }
0x181: {  	[sflag:s24] =	ssyncadd.s32 $0xFFFFF000  }
0x182: {  	_ =	swait.ge [sflag:s24], $0x1000  }
0x183: {  	[sflag:s24] =	ssyncset.done $0x0  }
0x184: {  	[sflag:s24] =	ssyncadd.s32 $0xFFFFF000  }
0x185: {  	_ =	swait.ge [sflag:s24], $0x1000  }
0x186: {  	[sflag:s24] =	ssyncset.done $0x0  }
0x187: {  	[sflag:s24] =	ssyncadd.s32 $0xFFFFF000  }
0x188: {  	_ =	swait.ge [sflag:s24], $0x1000  }
0x189: {  	[sflag:s24] =	ssyncset.done $0x0  }
0x18a: {  	[sflag:s24] =	ssyncadd.s32 $0xFFFFF000  }
0x18b: {  	_ =	swait.ge [sflag:s24], $0x800  }
0x18c: {  	[sflag:s24] =	ssyncset.done $0x0  }
0x18d: {  	[sflag:s24] =	ssyncadd.s32 $0xFFFFF800  }
0x18e: {  	_ =	swait.ge [sflag:s24], $0x800  }
0x18f: {  	[sflag:s24] =	ssyncset.done $0x0  }
0x190: {  	[sflag:s24] =	ssyncadd.s32 $0xFFFFF800  }
0x191: {  	_ =	swait.ge [sflag:s24], $0x800  }
0x192: {  	s6 =	sld [smem:$0x7F3]  }
0x193: {  	[sflag:s24] =	ssyncset.done $0x0  }
0x194: {  	[sflag:s24] =	ssyncadd.s32 $0xFFFFF800  }
0x195: {  	[hbm4b:s6+s2] =	stream.linear.scatter [tilespmem:s16], [sflag:$0x2], $0x1000, $0x38;
	[tilespmem:$0x6780] =	vst v63  }
0x196: {  	_ =	swait.ge [sflag:s14], $0x1000  }
0x197: {  	[sflag:s14] =	ssyncset.done $0x0  }
0x198: {  	[sflag:s14] =	ssyncadd.s32 $0xFFFFF000  }
0x199: {  	[hbm4b:s0+s2] =	stream.linear.scatter [tilespmem:s17], [sflag:$0x2], $0x1000, $0x38;
	[tilespmem:$0x6780] =	vst v63  }
0x19a: {  	_ =	swait.ge [sflag:s14], $0x1000  }
0x19b: {  	[sflag:s14] =	ssyncset.done $0x0  }
0x19c: {  	[sflag:s14] =	ssyncadd.s32 $0xFFFFF000  }
0x19d: {  	[hbm4b:s7+s2] =	stream.linear.scatter [tilespmem:s18], [sflag:$0x2], $0x1000, $0x38;
	[tilespmem:$0x6780] =	vst v63  }
0x19e: {  	_ =	swait.ge [sflag:s14], $0x1000  }
0x19f: {  	s8 =	rddreg [dreg:$0x5];
	[sflag:s14] =	ssyncset.done $0x0  }
0x1a0: {  	[sflag:s14] =	ssyncadd.s32 $0xFFFFF000;
	s1 =	sadd.s32 $0x0, s8  }
0x1a1: {  	[hbm4b:s1+s2] =	stream.linear.scatter [tilespmem:s20], [sflag:$0x2], $0x800, $0x38;
	[tilespmem:$0x6780] =	vst v63  }
0x1a2: {  	_ =	swait.ge [sflag:s14], $0x800  }
0x1a3: {  	s9 =	rddreg [dreg:$0x4];
	[sflag:s14] =	ssyncset.done $0x0  }
0x1a4: {  	[sflag:s14] =	ssyncadd.s32 $0xFFFFF800;
	s1 =	sadd.s32 $0x0, s9  }
0x1a5: {  	[hbm4b:s1+s2] =	stream.linear.scatter [tilespmem:s21], [sflag:$0x2], $0x800, $0x38;
	[tilespmem:$0x6780] =	vst v63  }
0x1a6: {  	_ =	swait.ge [sflag:s14], $0x800  }
0x1a7: {  	s28 =	sadd.s32 $0x10, s11;
	s26 =	rddreg [dreg:$0x3];
	[sflag:s14] =	ssyncset.done $0x0  }
0x1a8: {  	s30 =	sadd.s32 $0x10, s10;
	[sflag:s14] =	ssyncadd.s32 $0xFFFFF800;
	s1 =	sadd.s32 $0x0, s26  }
0x1a9: {  	[hbm4b:s1+s2] =	stream.linear.scatter [tilespmem:s23], [sflag:$0x2], $0x800, $0x38;
	[tilespmem:$0x6780] =	vst v63  }
0x1aa: {  	s31 =	smov.u32 s7;
	s29 =	sadd.s32 $0x200, s6;
	_ =	swait.ge [sflag:s14], $0x800  }
0x1ab: {  	s8 =	smov.u32 s0;
	s26 =	simm.s32 $0x100;
	[sflag:s14] =	ssyncset.done $0x0  }
.LBB2_2:
0x1ac: {  	[sflag:s14] =	ssyncadd.s32 $0xFFFFF800  }
0x1ad: {  	[tilespmem:s2], [sflag:$0x2] =	stream.strided.gather [hbm4b:s28+s12], $0x180, s13, s12, $0x38;
	[tilespmem:$0x6780] =	vst v63  }
0x1ae: {  	_ =	swait.ge [sflag:s14], $0x180  }
0x1af: {  	[sflag:s14] =	ssyncset.done $0x0  }
0x1b0: {  	[sflag:s14] =	ssyncadd.s32 $0xFFFFFE80  }
0x1b1: {  	[tilespmem:s15], [sflag:$0x2] =	stream.strided.gather [hbm4b:s30+s12], $0x1E00, s13, s12, $0x38;
	[tilespmem:$0x6780] =	vst v63  }
0x1b2: {  	_ =	swait.ge [sflag:s14], $0x1E00  }
0x1b3: {  	[sflag:s14] =	ssyncset.done $0x0  }
0x1b4: {  	[sflag:s14] =	ssyncadd.s32 $0xFFFFE200  }
0x1b5: {  	[tilespmem:s16], [sflag:$0x2] =	stream.linear.gather [hbm4b:s3+s2], $0x1000, $0x38;
	[tilespmem:$0x6780] =	vst v63  }
0x1b6: {  	_ =	swait.ge [sflag:s14], $0x1000  }
0x1b7: {  	[sflag:s14] =	ssyncset.done $0x0  }
0x1b8: {  	[sflag:s14] =	ssyncadd.s32 $0xFFFFF000  }
0x1b9: {  	[tilespmem:s17], [sflag:$0x2] =	stream.linear.gather [hbm4b:s3+s2], $0x1000, $0x38;
	[tilespmem:$0x6780] =	vst v63  }
0x1ba: {  	_ =	swait.ge [sflag:s14], $0x1000  }
0x1bb: {  	[sflag:s14] =	ssyncset.done $0x0  }
0x1bc: {  	[sflag:s14] =	ssyncadd.s32 $0xFFFFF000  }
0x1bd: {  	[tilespmem:s18], [sflag:$0x2] =	stream.linear.gather [hbm4b:s3+s2], $0x1000, $0x38;
	[tilespmem:$0x6780] =	vst v63  }
0x1be: {  	_ =	swait.ge [sflag:s14], $0x1000  }
0x1bf: {  	[sflag:s14] =	ssyncset.done $0x0  }
0x1c0: {  	s6 =	rddreg [dreg:$0x6];
	[sflag:s14] =	ssyncadd.s32 $0xFFFFF000  }
0x1c1: {  	[tilespmem:s16], [sflag:$0x1] =	stream.indirect.gather.add.bf16 [hbm:s4], $0x20, s15, s12, $0xb8;
	[tilespmem:$0x6780] =	vst v63  }
0x1c2: {  	s9 =	rddreg [dreg:$0x7]  }
0x1c3: {  	[tilespmem:s16], [sflag:$0x1] =	stream.indirect.gather.add.bf16 [hbm:s4], $0x20, s6, s12, $0xb8;
	[tilespmem:$0x6780] =	vst v63  }
0x1c4: {  	s6 =	rddreg [dreg:$0x8]  }
0x1c5: {  	[tilespmem:s16], [sflag:$0x1] =	stream.indirect.gather.add.bf16 [hbm:s4], $0x20, s9, s12, $0xb8;
	[tilespmem:$0x6780] =	vst v63  }
0x1c6: {  	s9 =	rddreg [dreg:$0x9]  }
0x1c7: {  	[tilespmem:s16], [sflag:$0x1] =	stream.indirect.gather.add.bf16 [hbm:s4], $0x20, s6, s12, $0xb8;
	[tilespmem:$0x6780] =	vst v63  }
0x1c8: {  	s6 =	rddreg [dreg:$0xa]  }
0x1c9: {  	[tilespmem:s16], [sflag:$0x1] =	stream.indirect.gather.add.bf16 [hbm:s4], $0x20, s9, s12, $0xb8;
	[tilespmem:$0x6780] =	vst v63  }
0x1ca: {  	s9 =	rddreg [dreg:$0xb]  }
0x1cb: {  	[tilespmem:s16], [sflag:$0x1] =	stream.indirect.gather.add.bf16 [hbm:s4], $0x20, s6, s12, $0xb8;
	[tilespmem:$0x6780] =	vst v63  }
0x1cc: {  	s6 =	rddreg [dreg:$0xc]  }
0x1cd: {  	[tilespmem:s16], [sflag:$0x1] =	stream.indirect.gather.add.bf16 [hbm:s4], $0x20, s9, s12, $0xb8;
	[tilespmem:$0x6780] =	vst v63  }
0x1ce: {  	s9 =	rddreg [dreg:$0xd]  }
0x1cf: {  	[tilespmem:s16], [sflag:$0x1] =	stream.indirect.gather.add.bf16 [hbm:s4], $0x20, s6, s12, $0xb8;
	[tilespmem:$0x6780] =	vst v63  }
0x1d0: {  	s6 =	rddreg [dreg:$0xe]  }
0x1d1: {  	[tilespmem:s16], [sflag:$0x1] =	stream.indirect.gather.add.bf16 [hbm:s4], $0x20, s9, s12, $0xb8;
	[tilespmem:$0x6780] =	vst v63  }
0x1d2: {  	s9 =	rddreg [dreg:$0xf]  }
0x1d3: {  	[tilespmem:s16], [sflag:$0x1] =	stream.indirect.gather.add.bf16 [hbm:s4], $0x20, s6, s12, $0xb8;
	[tilespmem:$0x6780] =	vst v63  }
0x1d4: {  	s6 =	rddreg [dreg:$0x10]  }
0x1d5: {  	[tilespmem:s16], [sflag:$0x1] =	stream.indirect.gather.add.bf16 [hbm:s4], $0x20, s9, s12, $0xb8;
	[tilespmem:$0x6780] =	vst v63  }
0x1d6: {  	s9 =	rddreg [dreg:$0x11]  }
0x1d7: {  	[tilespmem:s16], [sflag:$0x1] =	stream.indirect.gather.add.bf16 [hbm:s4], $0x20, s6, s12, $0xb8;
	[tilespmem:$0x6780] =	vst v63  }
0x1d8: {  	s6 =	rddreg [dreg:$0x12]  }
0x1d9: {  	[tilespmem:s16], [sflag:$0x1] =	stream.indirect.gather.add.bf16 [hbm:s4], $0x20, s9, s12, $0xb8;
	[tilespmem:$0x6780] =	vst v63  }
0x1da: {  	s9 =	rddreg [dreg:$0x13]  }
0x1db: {  	[tilespmem:s16], [sflag:$0x1] =	stream.indirect.gather.add.bf16 [hbm:s4], $0x20, s6, s12, $0xb8;
	[tilespmem:$0x6780] =	vst v63  }
0x1dc: {  	s6 =	rddreg [dreg:$0x14]  }
0x1dd: {  	[tilespmem:s16], [sflag:$0x1] =	stream.indirect.gather.add.bf16 [hbm:s4], $0x20, s9, s12, $0xb8;
	[tilespmem:$0x6780] =	vst v63  }
0x1de: {  	s9 =	rddreg [dreg:$0x15]  }
0x1df: {  	[tilespmem:s16], [sflag:$0x1] =	stream.indirect.gather.add.bf16 [hbm:s4], $0x20, s6, s12, $0xb8;
	[tilespmem:$0x6780] =	vst v63  }
0x1e0: {  	s6 =	rddreg [dreg:$0x16]  }
0x1e1: {  	[tilespmem:s16], [sflag:$0x1] =	stream.indirect.gather.add.bf16 [hbm:s4], $0x20, s9, s12, $0xb8;
	[tilespmem:$0x6780] =	vst v63  }
0x1e2: {  	s9 =	rddreg [dreg:$0x17]  }
0x1e3: {  	[tilespmem:s16], [sflag:$0x1] =	stream.indirect.gather.add.bf16 [hbm:s4], $0x20, s6, s12, $0xb8;
	[tilespmem:$0x6780] =	vst v63  }
0x1e4: {  	s6 =	rddreg [dreg:$0x18]  }
0x1e5: {  	[tilespmem:s16], [sflag:$0x1] =	stream.indirect.gather.add.bf16 [hbm:s4], $0x20, s9, s12, $0xb8;
	[tilespmem:$0x6780] =	vst v63  }
0x1e6: {  	s9 =	rddreg [dreg:$0x19]  }
0x1e7: {  	[tilespmem:s16], [sflag:$0x1] =	stream.indirect.gather.add.bf16 [hbm:s4], $0x20, s6, s12, $0xb8;
	[tilespmem:$0x6780] =	vst v63  }
0x1e8: {  	s6 =	rddreg [dreg:$0x1a]  }
0x1e9: {  	[tilespmem:s17], [sflag:$0x1] =	stream.indirect.gather.add.bf16 [hbm:s4], $0x20, s9, s12, $0xb8;
	[tilespmem:$0x6780] =	vst v63  }
0x1ea: {  	s9 =	rddreg [dreg:$0x1b]  }
0x1eb: {  	[tilespmem:s17], [sflag:$0x1] =	stream.indirect.gather.add.bf16 [hbm:s4], $0x20, s6, s12, $0xb8;
	[tilespmem:$0x6780] =	vst v63  }
0x1ec: {  	s6 =	rddreg [dreg:$0x1c]  }
0x1ed: {  	[tilespmem:s17], [sflag:$0x1] =	stream.indirect.gather.add.bf16 [hbm:s4], $0x20, s9, s12, $0xb8;
	[tilespmem:$0x6780] =	vst v63  }
0x1ee: {  	s9 =	rddreg [dreg:$0x1d]  }
0x1ef: {  	[tilespmem:s17], [sflag:$0x1] =	stream.indirect.gather.add.bf16 [hbm:s4], $0x20, s6, s12, $0xb8;
	[tilespmem:$0x6780] =	vst v63  }
0x1f0: {  	s6 =	rddreg [dreg:$0x1e]  }
0x1f1: {  	[tilespmem:s17], [sflag:$0x1] =	stream.indirect.gather.add.bf16 [hbm:s4], $0x20, s9, s12, $0xb8;
	[tilespmem:$0x6780] =	vst v63  }
0x1f2: {  	s9 =	rddreg [dreg:$0x1f]  }
0x1f3: {  	[tilespmem:s17], [sflag:$0x1] =	stream.indirect.gather.add.bf16 [hbm:s4], $0x20, s6, s12, $0xb8;
	[tilespmem:$0x6780] =	vst v63  }
0x1f4: {  	s6 =	sld [smem:$0x7DC]  }
0x1f5: {  	[tilespmem:s17], [sflag:$0x1] =	stream.indirect.gather.add.bf16 [hbm:s4], $0x20, s9, s12, $0xb8;
	[tilespmem:$0x6780] =	vst v63  }
0x1f6: {  	s9 =	sld [smem:$0x7DD]  }
0x1f7: {  	[tilespmem:s17], [sflag:$0x1] =	stream.indirect.gather.add.bf16 [hbm:s4], $0x20, s6, s12, $0xb8;
	[tilespmem:$0x6780] =	vst v63  }
0x1f8: {  	s6 =	sld [smem:$0x7DE]  }
0x1f9: {  	[tilespmem:s17], [sflag:$0x1] =	stream.indirect.gather.add.bf16 [hbm:s4], $0x20, s9, s12, $0xb8;
	[tilespmem:$0x6780] =	vst v63  }
0x1fa: {  	s9 =	sld [smem:$0x7DF]  }
0x1fb: {  	[tilespmem:s17], [sflag:$0x1] =	stream.indirect.gather.add.bf16 [hbm:s4], $0x20, s6, s12, $0xb8;
	[tilespmem:$0x6780] =	vst v63  }
0x1fc: {  	s6 =	sld [smem:$0x7E0]  }
0x1fd: {  	[tilespmem:s17], [sflag:$0x1] =	stream.indirect.gather.add.bf16 [hbm:s4], $0x20, s9, s12, $0xb8;
	[tilespmem:$0x6780] =	vst v63  }
0x1fe: {  	s9 =	sld [smem:$0x7E1]  }
0x1ff: {  	[tilespmem:s17], [sflag:$0x1] =	stream.indirect.gather.add.bf16 [hbm:s4], $0x20, s6, s12, $0xb8;
	[tilespmem:$0x6780] =	vst v63  }
0x200: {  	s6 =	sld [smem:$0x7E2]  }
0x201: {  	[tilespmem:s17], [sflag:$0x1] =	stream.indirect.gather.add.bf16 [hbm:s4], $0x20, s9, s12, $0xb8;
	[tilespmem:$0x6780] =	vst v63  }
0x202: {  	s9 =	sld [smem:$0x7E3]  }
0x203: {  	[tilespmem:s17], [sflag:$0x1] =	stream.indirect.gather.add.bf16 [hbm:s4], $0x20, s6, s12, $0xb8;
	[tilespmem:$0x6780] =	vst v63  }
0x204: {  	s6 =	sld [smem:$0x7E4]  }
0x205: {  	[tilespmem:s17], [sflag:$0x1] =	stream.indirect.gather.add.bf16 [hbm:s4], $0x20, s9, s12, $0xb8;
	[tilespmem:$0x6780] =	vst v63  }
0x206: {  	s9 =	sld [smem:$0x7E5]  }
0x207: {  	[tilespmem:s17], [sflag:$0x1] =	stream.indirect.gather.add.bf16 [hbm:s4], $0x20, s6, s12, $0xb8;
	[tilespmem:$0x6780] =	vst v63  }
0x208: {  	s6 =	sld [smem:$0x7E6]  }
0x209: {  	[tilespmem:s17], [sflag:$0x1] =	stream.indirect.gather.add.bf16 [hbm:s4], $0x20, s9, s12, $0xb8;
	[tilespmem:$0x6780] =	vst v63  }
0x20a: {  	s9 =	sld [smem:$0x7E7]  }
0x20b: {  	[tilespmem:s17], [sflag:$0x1] =	stream.indirect.gather.add.bf16 [hbm:s4], $0x20, s6, s12, $0xb8;
	[tilespmem:$0x6780] =	vst v63  }
0x20c: {  	s6 =	sld [smem:$0x7E8]  }
0x20d: {  	[tilespmem:s17], [sflag:$0x1] =	stream.indirect.gather.add.bf16 [hbm:s4], $0x20, s9, s12, $0xb8;
	[tilespmem:$0x6780] =	vst v63  }
0x20e: {  	s9 =	sld [smem:$0x7E9]  }
0x20f: {  	[tilespmem:s17], [sflag:$0x1] =	stream.indirect.gather.add.bf16 [hbm:s4], $0x20, s6, s12, $0xb8;
	[tilespmem:$0x6780] =	vst v63  }
0x210: {  	s6 =	sld [smem:$0x7EA]  }
0x211: {  	[tilespmem:s18], [sflag:$0x1] =	stream.indirect.gather.add.bf16 [hbm:s4], $0x20, s9, s12, $0xb8;
	[tilespmem:$0x6780] =	vst v63  }
0x212: {  	s9 =	sld [smem:$0x7EB]  }
0x213: {  	[tilespmem:s18], [sflag:$0x1] =	stream.indirect.gather.add.bf16 [hbm:s4], $0x20, s6, s12, $0xb8;
	[tilespmem:$0x6780] =	vst v63  }
0x214: {  	s6 =	sld [smem:$0x7EC]  }
0x215: {  	[tilespmem:s18], [sflag:$0x1] =	stream.indirect.gather.add.bf16 [hbm:s4], $0x20, s9, s12, $0xb8;
	[tilespmem:$0x6780] =	vst v63  }
0x216: {  	s9 =	sld [smem:$0x7EE]  }
0x217: {  	[tilespmem:s18], [sflag:$0x1] =	stream.indirect.gather.add.bf16 [hbm:s4], $0x20, s6, s12, $0xb8;
	[tilespmem:$0x6780] =	vst v63  }
0x218: {  	s6 =	sld [smem:$0x7EF]  }
0x219: {  	[tilespmem:s18], [sflag:$0x1] =	stream.indirect.gather.add.bf16 [hbm:s4], $0x20, s9, s12, $0xb8;
	[tilespmem:$0x6780] =	vst v63  }
0x21a: {  	s9 =	sld [smem:$0x7F0]  }
0x21b: {  	[tilespmem:s18], [sflag:$0x1] =	stream.indirect.gather.add.bf16 [hbm:s4], $0x20, s6, s12, $0xb8;
	[tilespmem:$0x6780] =	vst v63  }
0x21c: {  	s6 =	sld [smem:$0x7F1]  }
0x21d: {  	[tilespmem:s18], [sflag:$0x1] =	stream.indirect.gather.add.bf16 [hbm:s4], $0x20, s9, s12, $0xb8;
	[tilespmem:$0x6780] =	vst v63  }
0x21e: {  	s9 =	sld [smem:$0x7F2]  }
0x21f: {  	[tilespmem:s18], [sflag:$0x1] =	stream.indirect.gather.add.bf16 [hbm:s4], $0x20, s6, s12, $0xb8;
	[tilespmem:$0x6780] =	vst v63  }
0x220: {  	s6 =	sld [smem:$0x7F4]  }
0x221: {  	[tilespmem:s18], [sflag:$0x1] =	stream.indirect.gather.add.bf16 [hbm:s4], $0x20, s9, s12, $0xb8;
	[tilespmem:$0x6780] =	vst v63  }
0x222: {  	s9 =	sld [smem:$0x7F5]  }
0x223: {  	[tilespmem:s18], [sflag:$0x1] =	stream.indirect.gather.add.bf16 [hbm:s4], $0x20, s6, s12, $0xb8;
	[tilespmem:$0x6780] =	vst v63  }
0x224: {  	s6 =	sld [smem:$0x7F6]  }
0x225: {  	[tilespmem:s18], [sflag:$0x1] =	stream.indirect.gather.add.bf16 [hbm:s4], $0x20, s9, s12, $0xb8;
	[tilespmem:$0x6780] =	vst v63  }
0x226: {  	s9 =	sld [smem:$0x7F7]  }
0x227: {  	[tilespmem:s18], [sflag:$0x1] =	stream.indirect.gather.add.bf16 [hbm:s4], $0x20, s6, s12, $0xb8;
	[tilespmem:$0x6780] =	vst v63  }
0x228: {  	s6 =	sld [smem:$0x7F8]  }
0x229: {  	[tilespmem:s18], [sflag:$0x1] =	stream.indirect.gather.add.bf16 [hbm:s4], $0x20, s9, s12, $0xb8;
	[tilespmem:$0x6780] =	vst v63  }
0x22a: {  	s9 =	sld [smem:$0x7F9]  }
0x22b: {  	[tilespmem:s18], [sflag:$0x1] =	stream.indirect.gather.add.bf16 [hbm:s4], $0x20, s6, s12, $0xb8;
	[tilespmem:$0x6780] =	vst v63  }
0x22c: {  	s6 =	sld [smem:$0x7FA]  }
0x22d: {  	[tilespmem:s18], [sflag:$0x1] =	stream.indirect.gather.add.bf16 [hbm:s4], $0x20, s9, s12, $0xb8;
	[tilespmem:$0x6780] =	vst v63  }
0x22e: {  	s9 =	sld [smem:$0x7FB]  }
0x22f: {  	[tilespmem:s18], [sflag:$0x1] =	stream.indirect.gather.add.bf16 [hbm:s4], $0x20, s6, s12, $0xb8;
	[tilespmem:$0x6780] =	vst v63  }
0x230: {  	s6 =	sld [smem:$0x7FC]  }
0x231: {  	[tilespmem:s18], [sflag:$0x1] =	stream.indirect.gather.add.bf16 [hbm:s4], $0x20, s9, s12, $0xb8;
	[tilespmem:$0x6780] =	vst v63  }
0x232: {  	s9 =	sld [smem:$0x7FD]  }
0x233: {  	[tilespmem:s18], [sflag:$0x1] =	stream.indirect.gather.add.bf16 [hbm:s4], $0x20, s6, s12, $0xb8;
	[tilespmem:$0x6780] =	vst v63  }
0x234: {  	_ = 	snop  }
0x235: {  	[tilespmem:s18], [sflag:$0x1] =	stream.indirect.gather.add.bf16 [hbm:s4], $0x20, s9, s12, $0xb8;
	[tilespmem:$0x6780] =	vst v63  }
0x236: {  	_ = 	snop  }
0x237: {  	[tilespmem:s18], [sflag:$0x1] =	stream.indirect.gather.add.bf16 [hbm:s4], $0x20, s19, s12, $0xb8;
	[tilespmem:$0x6780] =	vst v63  }
0x238: {  	_ = 	snop  }
0x239: {  	[tilespmem:s20], [sflag:$0x1] =	stream.indirect.gather [hbm4b:s5+s12], $0x10, s2, s12, $0xb8;
	[tilespmem:$0x6780] =	vst v63  }
0x23a: {  	_ = 	snop  }
0x23b: {  	[tilespmem:s21], [sflag:$0x1] =	stream.indirect.gather [hbm4b:s5+s12], $0x10, s12, s12, $0xb8;
	[tilespmem:$0x6780] =	vst v63  }
0x23c: {  	s9 =	rddreg [dreg:$0x2]  }
0x23d: {  	[tilespmem:s23], [sflag:$0x1] =	stream.indirect.gather [hbm4b:s9+s12], $0x10, s22, s12, $0xb8;
	[tilespmem:$0x6780] =	vst v63  }
0x23e: {  	_ =	swait.ge [sflag:s24], $0x1000  }
0x23f: {  	[sflag:s24] =	ssyncset.done $0x0  }
0x240: {  	[sflag:s24] =	ssyncadd.s32 $0xFFFFF000  }
0x241: {  	_ =	swait.ge [sflag:s24], $0x1000  }
0x242: {  	[sflag:s24] =	ssyncset.done $0x0  }
0x243: {  	[sflag:s24] =	ssyncadd.s32 $0xFFFFF000  }
0x244: {  	_ =	swait.ge [sflag:s24], $0x1000  }
0x245: {  	[sflag:s24] =	ssyncset.done $0x0  }
0x246: {  	[sflag:s24] =	ssyncadd.s32 $0xFFFFF000  }
0x247: {  	_ =	swait.ge [sflag:s24], $0x1000  }
0x248: {  	[sflag:s24] =	ssyncset.done $0x0  }
0x249: {  	[sflag:s24] =	ssyncadd.s32 $0xFFFFF000  }
0x24a: {  	_ =	swait.ge [sflag:s24], $0x1000  }
0x24b: {  	[sflag:s24] =	ssyncset.done $0x0  }
0x24c: {  	[sflag:s24] =	ssyncadd.s32 $0xFFFFF000  }
0x24d: {  	_ =	swait.ge [sflag:s24], $0x1000  }
0x24e: {  	[sflag:s24] =	ssyncset.done $0x0  }
0x24f: {  	[sflag:s24] =	ssyncadd.s32 $0xFFFFF000  }
0x250: {  	_ =	swait.ge [sflag:s24], $0x1000  }
0x251: {  	[sflag:s24] =	ssyncset.done $0x0  }
0x252: {  	[sflag:s24] =	ssyncadd.s32 $0xFFFFF000  }
0x253: {  	_ =	swait.ge [sflag:s24], $0x1000  }
0x254: {  	[sflag:s24] =	ssyncset.done $0x0  }
0x255: {  	[sflag:s24] =	ssyncadd.s32 $0xFFFFF000  }
0x256: {  	_ =	swait.ge [sflag:s24], $0x1000  }
0x257: {  	[sflag:s24] =	ssyncset.done $0x0  }
0x258: {  	[sflag:s24] =	ssyncadd.s32 $0xFFFFF000  }
0x259: {  	_ =	swait.ge [sflag:s24], $0x1000  }
0x25a: {  	[sflag:s24] =	ssyncset.done $0x0  }
0x25b: {  	[sflag:s24] =	ssyncadd.s32 $0xFFFFF000  }
0x25c: {  	_ =	swait.ge [sflag:s24], $0x1000  }
0x25d: {  	[sflag:s24] =	ssyncset.done $0x0  }
0x25e: {  	[sflag:s24] =	ssyncadd.s32 $0xFFFFF000  }
0x25f: {  	_ =	swait.ge [sflag:s24], $0x1000  }
0x260: {  	[sflag:s24] =	ssyncset.done $0x0  }
0x261: {  	[sflag:s24] =	ssyncadd.s32 $0xFFFFF000  }
0x262: {  	_ =	swait.ge [sflag:s24], $0x1000  }
0x263: {  	[sflag:s24] =	ssyncset.done $0x0  }
0x264: {  	[sflag:s24] =	ssyncadd.s32 $0xFFFFF000  }
0x265: {  	_ =	swait.ge [sflag:s24], $0x1000  }
0x266: {  	[sflag:s24] =	ssyncset.done $0x0  }
0x267: {  	[sflag:s24] =	ssyncadd.s32 $0xFFFFF000  }
0x268: {  	_ =	swait.ge [sflag:s24], $0x1000  }
0x269: {  	[sflag:s24] =	ssyncset.done $0x0  }
0x26a: {  	[sflag:s24] =	ssyncadd.s32 $0xFFFFF000  }
0x26b: {  	_ =	swait.ge [sflag:s24], $0x1000  }
0x26c: {  	[sflag:s24] =	ssyncset.done $0x0  }
0x26d: {  	[sflag:s24] =	ssyncadd.s32 $0xFFFFF000  }
0x26e: {  	_ =	swait.ge [sflag:s24], $0x1000  }
0x26f: {  	[sflag:s24] =	ssyncset.done $0x0  }
0x270: {  	[sflag:s24] =	ssyncadd.s32 $0xFFFFF000  }
0x271: {  	_ =	swait.ge [sflag:s24], $0x1000  }
0x272: {  	[sflag:s24] =	ssyncset.done $0x0  }
0x273: {  	[sflag:s24] =	ssyncadd.s32 $0xFFFFF000  }
0x274: {  	_ =	swait.ge [sflag:s24], $0x1000  }
0x275: {  	[sflag:s24] =	ssyncset.done $0x0  }
0x276: {  	[sflag:s24] =	ssyncadd.s32 $0xFFFFF000  }
0x277: {  	_ =	swait.ge [sflag:s24], $0x1000  }
0x278: {  	[sflag:s24] =	ssyncset.done $0x0  }
0x279: {  	[sflag:s24] =	ssyncadd.s32 $0xFFFFF000  }
0x27a: {  	_ =	swait.ge [sflag:s24], $0x1000  }
0x27b: {  	[sflag:s24] =	ssyncset.done $0x0  }
0x27c: {  	[sflag:s24] =	ssyncadd.s32 $0xFFFFF000  }
0x27d: {  	_ =	swait.ge [sflag:s24], $0x1000  }
0x27e: {  	[sflag:s24] =	ssyncset.done $0x0  }
0x27f: {  	[sflag:s24] =	ssyncadd.s32 $0xFFFFF000  }
0x280: {  	_ =	swait.ge [sflag:s24], $0x1000  }
0x281: {  	[sflag:s24] =	ssyncset.done $0x0  }
0x282: {  	[sflag:s24] =	ssyncadd.s32 $0xFFFFF000  }
0x283: {  	_ =	swait.ge [sflag:s24], $0x1000  }
0x284: {  	[sflag:s24] =	ssyncset.done $0x0  }
0x285: {  	[sflag:s24] =	ssyncadd.s32 $0xFFFFF000  }
0x286: {  	_ =	swait.ge [sflag:s24], $0x1000  }
0x287: {  	[sflag:s24] =	ssyncset.done $0x0  }
0x288: {  	[sflag:s24] =	ssyncadd.s32 $0xFFFFF000  }
0x289: {  	_ =	swait.ge [sflag:s24], $0x1000  }
0x28a: {  	[sflag:s24] =	ssyncset.done $0x0  }
0x28b: {  	[sflag:s24] =	ssyncadd.s32 $0xFFFFF000  }
0x28c: {  	_ =	swait.ge [sflag:s24], $0x1000  }
0x28d: {  	[sflag:s24] =	ssyncset.done $0x0  }
0x28e: {  	[sflag:s24] =	ssyncadd.s32 $0xFFFFF000  }
0x28f: {  	_ =	swait.ge [sflag:s24], $0x1000  }
0x290: {  	[sflag:s24] =	ssyncset.done $0x0  }
0x291: {  	[sflag:s24] =	ssyncadd.s32 $0xFFFFF000  }
0x292: {  	_ =	swait.ge [sflag:s24], $0x1000  }
0x293: {  	[sflag:s24] =	ssyncset.done $0x0  }
0x294: {  	[sflag:s24] =	ssyncadd.s32 $0xFFFFF000  }
0x295: {  	_ =	swait.ge [sflag:s24], $0x1000  }
0x296: {  	[sflag:s24] =	ssyncset.done $0x0  }
0x297: {  	[sflag:s24] =	ssyncadd.s32 $0xFFFFF000  }
0x298: {  	_ =	swait.ge [sflag:s24], $0x1000  }
0x299: {  	[sflag:s24] =	ssyncset.done $0x0  }
0x29a: {  	[sflag:s24] =	ssyncadd.s32 $0xFFFFF000  }
0x29b: {  	_ =	swait.ge [sflag:s24], $0x1000  }
0x29c: {  	[sflag:s24] =	ssyncset.done $0x0  }
0x29d: {  	[sflag:s24] =	ssyncadd.s32 $0xFFFFF000  }
0x29e: {  	_ =	swait.ge [sflag:s24], $0x1000  }
0x29f: {  	[sflag:s24] =	ssyncset.done $0x0  }
0x2a0: {  	[sflag:s24] =	ssyncadd.s32 $0xFFFFF000  }
0x2a1: {  	_ =	swait.ge [sflag:s24], $0x1000  }
0x2a2: {  	[sflag:s24] =	ssyncset.done $0x0  }
0x2a3: {  	[sflag:s24] =	ssyncadd.s32 $0xFFFFF000  }
0x2a4: {  	_ =	swait.ge [sflag:s24], $0x1000  }
0x2a5: {  	[sflag:s24] =	ssyncset.done $0x0  }
0x2a6: {  	[sflag:s24] =	ssyncadd.s32 $0xFFFFF000  }
0x2a7: {  	_ =	swait.ge [sflag:s24], $0x1000  }
0x2a8: {  	[sflag:s24] =	ssyncset.done $0x0  }
0x2a9: {  	[sflag:s24] =	ssyncadd.s32 $0xFFFFF000  }
0x2aa: {  	_ =	swait.ge [sflag:s24], $0x1000  }
0x2ab: {  	[sflag:s24] =	ssyncset.done $0x0  }
0x2ac: {  	[sflag:s24] =	ssyncadd.s32 $0xFFFFF000  }
0x2ad: {  	_ =	swait.ge [sflag:s24], $0x1000  }
0x2ae: {  	[sflag:s24] =	ssyncset.done $0x0  }
0x2af: {  	[sflag:s24] =	ssyncadd.s32 $0xFFFFF000  }
0x2b0: {  	_ =	swait.ge [sflag:s24], $0x1000  }
0x2b1: {  	[sflag:s24] =	ssyncset.done $0x0  }
0x2b2: {  	[sflag:s24] =	ssyncadd.s32 $0xFFFFF000  }
0x2b3: {  	_ =	swait.ge [sflag:s24], $0x1000  }
0x2b4: {  	[sflag:s24] =	ssyncset.done $0x0  }
0x2b5: {  	[sflag:s24] =	ssyncadd.s32 $0xFFFFF000  }
0x2b6: {  	_ =	swait.ge [sflag:s24], $0x1000  }
0x2b7: {  	[sflag:s24] =	ssyncset.done $0x0  }
0x2b8: {  	[sflag:s24] =	ssyncadd.s32 $0xFFFFF000  }
0x2b9: {  	_ =	swait.ge [sflag:s24], $0x1000  }
0x2ba: {  	[sflag:s24] =	ssyncset.done $0x0  }
0x2bb: {  	[sflag:s24] =	ssyncadd.s32 $0xFFFFF000  }
0x2bc: {  	_ =	swait.ge [sflag:s24], $0x1000  }
0x2bd: {  	[sflag:s24] =	ssyncset.done $0x0  }
0x2be: {  	[sflag:s24] =	ssyncadd.s32 $0xFFFFF000  }
0x2bf: {  	_ =	swait.ge [sflag:s24], $0x1000  }
0x2c0: {  	[sflag:s24] =	ssyncset.done $0x0  }
0x2c1: {  	[sflag:s24] =	ssyncadd.s32 $0xFFFFF000  }
0x2c2: {  	_ =	swait.ge [sflag:s24], $0x1000  }
0x2c3: {  	[sflag:s24] =	ssyncset.done $0x0  }
0x2c4: {  	[sflag:s24] =	ssyncadd.s32 $0xFFFFF000  }
0x2c5: {  	_ =	swait.ge [sflag:s24], $0x1000  }
0x2c6: {  	[sflag:s24] =	ssyncset.done $0x0  }
0x2c7: {  	[sflag:s24] =	ssyncadd.s32 $0xFFFFF000  }
0x2c8: {  	_ =	swait.ge [sflag:s24], $0x1000  }
0x2c9: {  	[sflag:s24] =	ssyncset.done $0x0  }
0x2ca: {  	[sflag:s24] =	ssyncadd.s32 $0xFFFFF000  }
0x2cb: {  	_ =	swait.ge [sflag:s24], $0x1000  }
0x2cc: {  	[sflag:s24] =	ssyncset.done $0x0  }
0x2cd: {  	[sflag:s24] =	ssyncadd.s32 $0xFFFFF000  }
0x2ce: {  	_ =	swait.ge [sflag:s24], $0x1000  }
0x2cf: {  	[sflag:s24] =	ssyncset.done $0x0  }
0x2d0: {  	[sflag:s24] =	ssyncadd.s32 $0xFFFFF000  }
0x2d1: {  	_ =	swait.ge [sflag:s24], $0x1000  }
0x2d2: {  	[sflag:s24] =	ssyncset.done $0x0  }
0x2d3: {  	[sflag:s24] =	ssyncadd.s32 $0xFFFFF000  }
0x2d4: {  	_ =	swait.ge [sflag:s24], $0x1000  }
0x2d5: {  	[sflag:s24] =	ssyncset.done $0x0  }
0x2d6: {  	[sflag:s24] =	ssyncadd.s32 $0xFFFFF000  }
0x2d7: {  	_ =	swait.ge [sflag:s24], $0x1000  }
0x2d8: {  	[sflag:s24] =	ssyncset.done $0x0  }
0x2d9: {  	[sflag:s24] =	ssyncadd.s32 $0xFFFFF000  }
0x2da: {  	_ =	swait.ge [sflag:s24], $0x1000  }
0x2db: {  	[sflag:s24] =	ssyncset.done $0x0  }
0x2dc: {  	[sflag:s24] =	ssyncadd.s32 $0xFFFFF000  }
0x2dd: {  	_ =	swait.ge [sflag:s24], $0x1000  }
0x2de: {  	[sflag:s24] =	ssyncset.done $0x0  }
0x2df: {  	[sflag:s24] =	ssyncadd.s32 $0xFFFFF000  }
0x2e0: {  	_ =	swait.ge [sflag:s24], $0x1000  }
0x2e1: {  	[sflag:s24] =	ssyncset.done $0x0  }
0x2e2: {  	[sflag:s24] =	ssyncadd.s32 $0xFFFFF000  }
0x2e3: {  	_ =	swait.ge [sflag:s24], $0x1000  }
0x2e4: {  	[sflag:s24] =	ssyncset.done $0x0  }
0x2e5: {  	[sflag:s24] =	ssyncadd.s32 $0xFFFFF000  }
0x2e6: {  	_ =	swait.ge [sflag:s24], $0x1000  }
0x2e7: {  	[sflag:s24] =	ssyncset.done $0x0  }
0x2e8: {  	[sflag:s24] =	ssyncadd.s32 $0xFFFFF000  }
0x2e9: {  	_ =	swait.ge [sflag:s24], $0x1000  }
0x2ea: {  	[sflag:s24] =	ssyncset.done $0x0  }
0x2eb: {  	[sflag:s24] =	ssyncadd.s32 $0xFFFFF000  }
0x2ec: {  	_ =	swait.ge [sflag:s24], $0x1000  }
0x2ed: {  	[sflag:s24] =	ssyncset.done $0x0  }
0x2ee: {  	[sflag:s24] =	ssyncadd.s32 $0xFFFFF000  }
0x2ef: {  	_ =	swait.ge [sflag:s24], $0x1000  }
0x2f0: {  	[sflag:s24] =	ssyncset.done $0x0  }
0x2f1: {  	[sflag:s24] =	ssyncadd.s32 $0xFFFFF000  }
0x2f2: {  	_ =	swait.ge [sflag:s24], $0x800  }
0x2f3: {  	[sflag:s24] =	ssyncset.done $0x0  }
0x2f4: {  	[sflag:s24] =	ssyncadd.s32 $0xFFFFF800  }
0x2f5: {  	_ =	swait.ge [sflag:s24], $0x800  }
0x2f6: {  	[sflag:s24] =	ssyncset.done $0x0  }
0x2f7: {  	[sflag:s24] =	ssyncadd.s32 $0xFFFFF800  }
0x2f8: {  	_ =	swait.ge [sflag:s24], $0x800  }
0x2f9: {  	[sflag:s24] =	ssyncset.done $0x0  }
0x2fa: {  	[sflag:s24] =	ssyncadd.s32 $0xFFFFF800  }
0x2fb: {  	[hbm4b:s29+s2] =	stream.linear.scatter [tilespmem:s16], [sflag:$0x2], $0x1000, $0x38;
	[tilespmem:$0x6780] =	vst v63  }
0x2fc: {  	_ =	swait.ge [sflag:s14], $0x1000  }
0x2fd: {  	[sflag:s14] =	ssyncset.done $0x0  }
0x2fe: {  	s8 =	sadd.s32 $0x200, s8;
	[sflag:s14] =	ssyncadd.s32 $0xFFFFF000  }
0x2ff: {  	[hbm4b:s8+s2] =	stream.linear.scatter [tilespmem:s17], [sflag:$0x2], $0x1000, $0x38;
	[tilespmem:$0x6780] =	vst v63  }
0x300: {  	_ =	swait.ge [sflag:s14], $0x1000  }
0x301: {  	[sflag:s14] =	ssyncset.done $0x0  }
0x302: {  	s31 =	sadd.s32 $0x200, s31;
	[sflag:s14] =	ssyncadd.s32 $0xFFFFF000  }
0x303: {  	[hbm4b:s31+s2] =	stream.linear.scatter [tilespmem:s18], [sflag:$0x2], $0x1000, $0x38;
	[tilespmem:$0x6780] =	vst v63  }
0x304: {  	_ =	swait.ge [sflag:s14], $0x1000  }
0x305: {  	s1 =	smov.u32 s26;
	s9 =	rddreg [dreg:$0x5];
	[sflag:s14] =	ssyncset.done $0x0  }
0x306: {  	[sflag:s14] =	ssyncadd.s32 $0xFFFFF000;
	s6 =	sadd.s32 s1, s9  }
0x307: {  	[hbm4b:s6+s2] =	stream.linear.scatter [tilespmem:s20], [sflag:$0x2], $0x800, $0x38;
	[tilespmem:$0x6780] =	vst v63  }
0x308: {  	_ =	swait.ge [sflag:s14], $0x800  }
0x309: {  	s9 =	rddreg [dreg:$0x4];
	[sflag:s14] =	ssyncset.done $0x0  }
0x30a: {  	[sflag:s14] =	ssyncadd.s32 $0xFFFFF800;
	s6 =	sadd.s32 s1, s9  }
0x30b: {  	[hbm4b:s6+s2] =	stream.linear.scatter [tilespmem:s21], [sflag:$0x2], $0x800, $0x38;
	[tilespmem:$0x6780] =	vst v63  }
0x30c: {  	p0 =	sne.s32 s26, $0x300;
	_ =	swait.ge [sflag:s14], $0x800  }
.Ltmp0:
0x30d: {  	s9 =	rddreg [dreg:$0x3];
	[sflag:s14] =	ssyncset.done $0x0;
	(pc) =	sbr.rel @p0 .LBB2_2-.Ltmp0, $4  }
0x30e: {  	[sflag:s14] =	ssyncadd.s32 $0xFFFFF800;
	s1 =	sadd.s32 s1, s9  }
0x30f: {  	[hbm4b:s1+s2] =	stream.linear.scatter [tilespmem:s23], [sflag:$0x2], $0x800, $0x38;
	[tilespmem:$0x6780] =	vst v63  }
0x310: {  	s26 =	sadd.s32 $0x100, s26;
	s28 =	sadd.s32 $0x10, s28;
	_ =	swait.ge [sflag:s14], $0x800  }
0x311: {  	s30 =	sadd.s32 $0x10, s30;
	s29 =	sadd.s32 $0x200, s29;
	[sflag:s14] =	ssyncset.done $0x0  }
0x312: {  	s1 =	sld [smem:$0x7ED];
	_ =	sdelay $0x1  }
0x313: {  	s25 =	sadd.s32 $0x1, s25  }
0x314: {  	p0 =	sne.s32 s25, s1  }
.Ltmp1:
0x315: {  	_ = 	snop;
	(pc) =	sbr.rel @p0 .LBB2_1-.Ltmp1, $2  }
0x316: {  	_ =	sdelay $0x2  }
0x317: {  	[sflag:s14] =	ssyncadd.s32 $0xFFFFF800  }
0x318: {  	_ =	sfence.sel $0x180000  }
0x319: {  	[bflag:$0x0] =	sbarrier.arrive $0xFFFF  }
0x31a: {  	_ =	strace $0x90000047  }
0x31b: {  	s0 =	stileid.u32;
	[bflag:$0x2] =	sbarrier.arrive $0xFFFF  }
0x31c: {  	p0 =	sne.s32 s0, $0x0;
	s0 =	rddreg [dreg:$0x1]  }
0x31d: {  	s0 =	sadd.s32 @!p0 $0x100000, s0  }
0x31e: {  	[sflag:s0] =	ssyncadd.tile.s32 @!p0 $0x1;
	_ =	shalt  }
.Lfunc_end2:
_tile_overlayer_lowered:
.L_overlay_start_2:
0x31f: {  	(tag) =	ssettag $0x2  }
0x320: {  	s0 =	rddreg [dreg:$0x0];
	s2 =	stileid.u32  }
0x321: {  	s1 =	rddreg [dreg:$0x1];
	p0 =	sne.s32 s2, $0x0  }
0x322: {  	s3 =	rddreg [dreg:$0x2];
	[bflag:$0x3] =	sbarrier.arrive $0xFFFF;
	s2 =	simm.s32 @!p0 $0x1C02  }
0x323: {  	[timem:s3], [sflag:s2] =	dma.local @!p0 [hbm:s0], s1  }
0x324: {  	s0 =	simm.s32 @!p0 $0x2  }
0x325: {  	_ =	swait.ge @!p0 [sflag:s0], s1  }
0x326: {  	s1 =	ssub.s32 @!p0 $0x0, s1;
	[sflag:s0] =	ssyncset.done @!p0 $0x0  }
0x327: {  	[sflag:s0] =	ssyncadd.s32 @!p0 s1  }
0x328: {  	[bflag:$0x3] =	sbarrier.arrive $0xFFFF  }
0x329: {  	_ =	shalt  }

// kernel: kernel.9.cloned.1.call-start
scs
__scs_entry_jumppad:
0x0: {  	(pc) =	sbr.rel $0x88, $3  }
0x1: {  	(tag) =	ssettag $0x0;
	lr =	simm.s32 $0x1  }
0x2: {  	[smem:$0x3F95] =	sst lr;
	_ =	strace $0xD0000000  }
0x3: {  	_ = 	snop  }
0x4: {  	_ = 	snop  }
0x5: {  	_ = 	snop  }
0x6: {  	_ = 	snop  }
0x7: {  	_ = 	snop  }
__scs_overlays_trampoline_lowered:
0x8: {  	[smem:$0x3FA4] =	sst s0  }
0x9: {  	[smem:$0x3FA5] =	sst s1  }
0xa: {  	[smem:$0x3FA6] =	sst s2  }
0xb: {  	[smem:$0x3FA7] =	sst s3  }
0xc: {  	[smem:$0x3FA8] =	sst s4  }
0xd: {  	[smem:$0x3FA9] =	sst s5  }
0xe: {  	[smem:$0x3FAA] =	sst s6  }
0xf: {  	[smem:$0x3FAB] =	sst s7  }
0x10: {  	[smem:$0x3FAC] =	sst s8  }
0x11: {  	[smem:$0x3FAD] =	sst s9;
	s0 =	simm.s32 @!p0 $0x0  }
0x12: {  	s1 =	sld [smem:$0x3F93];
	s0 =	simm.s32 @p0 $0x1  }
0x13: {  	[smem:$0x3FAE] =	sst s0;
	s0 =	simm.s32 @!p1 $0x0  }
0x14: {  	s2 =	sld [smem:$0x3F92];
	s0 =	simm.s32 @p1 $0x1  }
0x15: {  	[smem:$0x3FAF] =	sst s0;
	s0 =	simm.s32 @!p2 $0x0  }
0x16: {  	s3 =	sld [smem:$0x3FDB];
	s0 =	simm.s32 @p2 $0x1  }
0x17: {  	s4 =	simm.s32 $0x1BF5;
	[smem:$0x3FB1] =	sst s0  }
0x18: {  	s0 =	sld [smem:$0x3F94];
	_ =	swait.ge [sflag:s4], $0x0  }
0x19: {  	s7 =	sld [smem:$0x3F95]  }
0x1a: {  	s8 =	sadd.s32 $0xFFFFE003, lr  }
0x1b: {  	s9 =	sadd.s32 $0xFFFFFEF7, lr;
	s5 =	simm.s32 $0xFFFFFFFF;
	p2 =	slt.u32 s8, $0xFFFFF086  }
0x1c: {  	p1 =	slt.u32 s9, $0xF7A;
	s5 =	simm.s32 @!p2 $0x0  }
0x1d: {  	s5 =	simm.s32 @p1 $0x1;
	p0 =	seq.s32 s7, s2  }
0x1e: {  	s7 =	smul.u32 @!p0 $0xF7A, s2;
	p2 =	seq.s32 @!p0 s5, $0x0  }
0x1f: {  	s9 =	smul.u32 $0xF7A, s1;
	s8 =	simm.s32 @!p0 $0x1BF5;
	p2 =	por !p2, p0  }
0x20: {  	[sflag:s8] =	ssyncset.s32 @!p0 $0xFFFFF086;
	s6 =	sadd.s32 @!p0 s3, s7;
	s7 =	simm.s32 @!p0 $0x108  }
0x21: {  	s3 =	sadd.s32 s3, s9;
	s6 =	sadd.s32 @!p0 $0x88, s6;
	s7 =	simm.s32 @p2 $0x1082  }
0x22: {  	[simem:s7], [sflag:s8] =	dma.local @!p0 [hbm:s6], $0xF7A  }
0x23: {  	s9 =	sor.u32 $0xD0000000, s2;
	s6 =	simm.s32 $0x108;
	_ =	swait.ge @!p0 [sflag:s8], $0x0  }
0x24: {  	s3 =	sadd.s32 $0x88, s3;
	s6 =	simm.s32 @!p1 $0x1082;
	[sflag:s4] =	ssyncset.s32 $0xFFFFF086  }
0x25: {  	[simem:s6], [sflag:s4] =	dma.local [hbm:s3], $0xF7A  }
0x26: {  	[smem:$0x3F95] =	sst s1;
	(tag) =	ssettag s2;
	_ =	strace s9  }
0x27: {  	s1 =	sld [smem:$0x3FA5]  }
0x28: {  	s2 =	sld [smem:$0x3FA6]  }
0x29: {  	s4 =	sld [smem:$0x3FA8]  }
0x2a: {  	p0 =	seq.s32 s5, $0x0;
	s5 =	sld [smem:$0x3FA9]  }
0x2b: {  	s6 =	sld [smem:$0x3FAA]  }
0x2c: {  	s7 =	sld [smem:$0x3FAB]  }
0x2d: {  	s3 =	simm.s32 $0x108;
	s8 =	sld [smem:$0x3FAC]  }
0x2e: {  	s3 =	simm.s32 @!p0 $0x1082;
	s9 =	sld [smem:$0x3FAD]  }
0x2f: {  	lr =	sadd.s32 s0, s3;
	s0 =	sld [smem:$0x3FA4]  }
0x30: {  	s3 =	sld [smem:$0x3FA7]  }
0x31: {  	[smem:$0x3FB0] =	sst s10  }
0x32: {  	s10 =	sld [smem:$0x3FAE];
	_ =	sdelay $0x3  }
0x33: {  	p0 =	seq.s32 s10, $0x1;
	s10 =	sld [smem:$0x3FB0];
	_ =	sdelay $0x3  }
0x34: {  	[smem:$0x3FB0] =	sst s10  }
0x35: {  	s10 =	sld [smem:$0x3FAF];
	_ =	sdelay $0x3  }
0x36: {  	p1 =	seq.s32 s10, $0x1;
	s10 =	sld [smem:$0x3FB0];
	_ =	sdelay $0x3  }
0x37: {  	[smem:$0x3FB0] =	sst s10  }
0x38: {  	s10 =	sld [smem:$0x3FB1]  }
0x39: {  	_ = 	snop;
	(pc) =	sbr.ind lr, $3  }
0x3a: {  	_ = 	snop  }
0x3b: {  	_ = 	snop  }
0x3c: {  	p2 =	seq.s32 s10, $0x1;
	s10 =	sld [smem:$0x3FB0]  }
0x3d: {  	_ =	shalt  }
0x3e: {  	_ =	shalt  }
0x3f: {  	_ =	shalt  }
0x40: {  	_ =	shalt  }
0x41: {  	_ =	shalt  }
0x42: {  	_ =	shalt  }
0x43: {  	_ =	shalt  }
0x44: {  	_ =	shalt  }
0x45: {  	_ =	shalt  }
0x46: {  	_ =	shalt  }
0x47: {  	_ =	shalt  }
0x48: {  	_ =	shalt  }
0x49: {  	_ =	shalt  }
0x4a: {  	_ =	shalt  }
0x4b: {  	_ =	shalt  }
0x4c: {  	_ =	shalt  }
0x4d: {  	_ =	shalt  }
0x4e: {  	_ =	shalt  }
0x4f: {  	_ =	shalt  }
0x50: {  	_ =	shalt  }
0x51: {  	_ =	shalt  }
0x52: {  	_ =	shalt  }
0x53: {  	_ =	shalt  }
0x54: {  	_ =	shalt  }
0x55: {  	_ =	shalt  }
0x56: {  	_ =	shalt  }
0x57: {  	_ =	shalt  }
0x58: {  	_ =	shalt  }
0x59: {  	_ =	shalt  }
0x5a: {  	_ =	shalt  }
0x5b: {  	_ =	shalt  }
0x5c: {  	_ =	shalt  }
0x5d: {  	_ =	shalt  }
0x5e: {  	_ =	shalt  }
0x5f: {  	_ =	shalt  }
0x60: {  	_ =	shalt  }
0x61: {  	_ =	shalt  }
0x62: {  	_ =	shalt  }
0x63: {  	_ =	shalt  }
0x64: {  	_ =	shalt  }
0x65: {  	_ =	shalt  }
0x66: {  	_ =	shalt  }
0x67: {  	_ =	shalt  }
0x68: {  	_ =	shalt  }
0x69: {  	_ =	shalt  }
0x6a: {  	_ =	shalt  }
0x6b: {  	_ =	shalt  }
0x6c: {  	_ =	shalt  }
0x6d: {  	_ =	shalt  }
0x6e: {  	_ =	shalt  }
0x6f: {  	_ =	shalt  }
0x70: {  	_ =	shalt  }
0x71: {  	_ =	shalt  }
0x72: {  	_ =	shalt  }
0x73: {  	_ =	shalt  }
0x74: {  	_ =	shalt  }
0x75: {  	_ =	shalt  }
0x76: {  	_ =	shalt  }
0x77: {  	_ =	shalt  }
0x78: {  	_ =	shalt  }
0x79: {  	_ =	shalt  }
0x7a: {  	_ =	shalt  }
0x7b: {  	_ =	shalt  }
0x7c: {  	_ =	shalt  }
0x7d: {  	_ =	shalt  }
0x7e: {  	_ =	shalt  }
0x7f: {  	_ =	shalt  }
0x80: {  	_ =	shalt  }
0x81: {  	_ =	shalt  }
0x82: {  	_ =	shalt  }
0x83: {  	_ =	shalt  }
0x84: {  	_ =	shalt  }
0x85: {  	_ =	shalt  }
0x86: {  	_ =	shalt  }
0x87: {  	_ =	shalt  }
.Lfunc_end0:
.L_simem_size_0:
called_computation.1_lowered:
.L_overlay_start_0:
0x88: {  	s2 =	sld [smem:$0x3FD9]  }
0x89: {  	s3 =	sld [smem:$0x3FFE];
	_ =	sdelay $0x1  }
0x8a: {  	s1 =	srdreg.scid  }
0x8b: {  	s0 =	sand.u32 $0x1, s1  }
0x8c: {  	s17 =	sshll.u32 s0, $0xA;
	s2 =	sadd.s32 s3, s2  }
0x8d: {  	s2 =	sadd.s32 s2, s17  }
0x8e: {  	[smem:$0x3FBC] =	sst s2  }
0x8f: {  	_ = 	snop  }
0x90: {  	(tm) =	ssettm $0x1  }
0x91: {  	s18 =	sld [smem:$0x3FFB];
	_ =	sdelay $0x3  }
0x92: {  	_ =	strace s18  }
0x93: {  	s2 =	sld [smem:$0x3FFC];
	_ =	sdelay $0x3  }
0x94: {  	_ =	strace s2  }
0x95: {  	s2 =	sld [smem:$0x3FFD];
	_ =	sdelay $0x3  }
0x96: {  	_ =	strace s2  }
0x97: {  	_ =	strace $0x8FFFFFFF  }
0x98: {  	s19 =	sld [smem:$0x3FDB];
	_ =	sdelay $0x1  }
0x99: {  	s20 =	simm.s32 $_scs_section_size  }
0x9a: {  	s4 =	simm.s32 $_size__tile_overlayer_lowered;
	s5 =	simm.s32 $_tile_overlayer_lowered  }
0x9b: {  	s6 =	simm.s32 $0x1BFF;
	s21 =	sshll.u32 s5, $0x1;
	s3 =	sadd.s32 s20, s19  }
0x9c: {  	s22 =	simm.s32 $0x0;
	s4 =	sshll.u32 s4, $0x1;
	s5 =	sadd.s32 s21, s3  }
0x9d: {  	[timem:s22], [sflag:s6] =	dma.local [hbm:s5], s4  }
0x9e: {  	_ =	swait.ge [sflag:s6], s4  }
0x9f: {  	s4 =	ssub.s32 $0x0, s4;
	[sflag:s6] =	ssyncset.done $0x0  }
0xa0: {  	[sflag:s6] =	ssyncadd.s32 s4;
	_ =	sdelay $0x1  }
0xa1: {  	s23 =	simm.s32 $0x1B8B  }
0xa2: {  	_ =	swait.ge [sflag:s23], $0x1  }
0xa3: {  	[sflag:s23] =	ssyncset.done $0x0  }
0xa4: {  	[sflag:s23] =	ssyncadd.s32 $0xFFFFFFFF  }
0xa5: {  	s4 =	sld [smem:$0x0]  }
0xa6: {  	s5 =	sand.u32 $0xFFFFFFFE, s1  }
0xa7: {  	p0 =	sne.s32 s1, s5  }
0xa8: {  	s5 =	sshll.u32 @p0 s5, $0xE  }
0xa9: {  	s5 =	sadd.s32 @p0 $0x11B8D, s5;
	s6 =	sshll.u32 @p0 s4, $0x11  }
0xaa: {  	s5 =	sor.u32 @p0 s6, s5  }
0xab: {  	[sflag:s5] =	ssyncadd.remote.s32 @p0 $0x1;
	_ =	sdelay $0x1  }
0xac: {  	s5 =	simm.s32 @p0 $0x1B8D  }
0xad: {  	_ =	swait.eq @p0 [sflag:s5], $0x1  }
0xae: {  	[sflag:s5] =	ssyncadd.s32 @p0 $0xFFFFFFFF  }
0xaf: {  	s6 =	sshll.u32 @!p0 s1, $0xE  }
0xb0: {  	s6 =	sor.u32 @!p0 $0x4000, s6;
	s5 =	simm.s32 @!p0 $0x1B8D  }
0xb1: {  	s4 =	sshll.u32 @!p0 s4, $0x11;
	s6 =	sadd.s32 @!p0 $0x11B8D, s6;
	_ =	swait.eq @!p0 [sflag:s5], $0x1  }
0xb2: {  	s4 =	sor.u32 @!p0 s4, s6;
	[sflag:s5] =	ssyncadd.s32 @!p0 $0xFFFFFFFF  }
0xb3: {  	s25 =	simm.s32 $0x1B8E;
	s24 =	sld [smem:$0x3FFE];
	[sflag:s4] =	ssyncadd.remote.s32 @!p0 $0x1  }
0xb4: {  	s26 =	simm.s32 $execute0_lowered;
	[smem:$0x3FD2] =	sst s25  }
0xb5: {  	s5 =	sshll.u32 s26, $0x1;
	_ =	strace $0x80000049;
	[dreg:$0x1] =	wrdreg $0xFFFFFFFF  }
0xb6: {  	s28 =	simm.s32 $_size_execute0_lowered;
	s3 =	sadd.s32 s3, s5;
	[dreg:$0x0] =	wrdreg $0x0  }
0xb7: {  	s5 =	sshll.u32 s28, $0x1;
	[dreg:$0x2] =	wrdreg s3  }
0xb8: {  	[dreg:$0x3] =	wrdreg s5  }
0xb9: {  	[dreg:$0x4] =	wrdreg $0xC0  }
0xba: {  	_ =	task [dreg:s22], $0x5FFFF  }
0xbb: {  	[dreg:$0x1] =	wrdreg $0xFFFFFFFF  }
0xbc: {  	[dreg:$0x0] =	wrdreg $0x60  }
0xbd: {  	[dreg:$0x2] =	wrdreg s24  }
0xbe: {  	[dreg:$0x3] =	wrdreg $0xA  }
0xbf: {  	_ =	task.clear_ibuf [dreg:s22], $0x4FFFF;
	_ =	strace $0x90000049  }
0xc0: {  	s29 =	simm.s32 $0xA;
	_ =	strace $0x8000004B  }
0xc1: {  	_ =	swait.ge [sflag:s29], $0x1  }
0xc2: {  	[sflag:s29] =	ssyncadd.s32 $0xFFFFFFFF  }
0xc3: {  	_ =	strace $0x9000004B  }
0xc4: {  	_ =	sfence  }
0xc5: {  	s30 =	sld [smem:$0x0];
	_ =	sdelay $0x2  }
0xc6: {  	s31 =	sshll.u32 s1, $0xD;
	s1 =	sshrl.u32 s1, $0x2  }
0xc7: {  	s4 =	sand.u32 $0x4000, s31;
	s1 =	sadd.s32 s1, s30  }
0xc8: {  	s0 =	sor.u32 s4, s0;
	s1 =	sshll.u32 s1, $0x11  }
0xc9: {  	s0 =	sor.u32 s1, s0  }
0xca: {  	s0 =	sadd.s32 $0x8F2B, s0  }
0xcb: {  	[sflag:s0] =	ssyncadd.remote.s32 $0x1  }
0xcc: {  	_ =	sfence.sel $0xFFFF  }
0xcd: {  	[dreg:$0x0] =	wrdreg $0xFFFFFFFF;
	(pc) =	sbr.abs _section_cstart, $3  }
0xce: {  	[dreg:$0x1] =	wrdreg $0xFFFFFFFF  }
0xcf: {  	_ =	task.clear_ibuf [dreg:s22], $0x2FFFF;
	_ =	strace $0x9FFFFFFF  }
0xd0: {  	(tm) =	ssettm $0x7FFFFFFF  }
0xd1: {  	_ =	shalt  }
tec
execute0_lowered:
.L_overlay_start_1:
0x0: {  	(tag) =	ssettag $0x1  }
0x1: {  	s0 =	rddreg [dreg:$0x0];
	s1 =	simm.s32 $0x0;
	s26 =	srdreg.scid  }
0x2: {  	[smem:$0x7FF] =	sst s1;
	s2 =	sadd.s32 $0x1036800, s0;
	s3 =	sadd.s32 $0xEC400, s0  }
0x3: {  	s8 =	stileid.u32;
	s4 =	sadd.s32 $0x102E800, s0;
	s5 =	sadd.s32 $0x1032800, s0  }
0x4: {  	s10 =	simm.s32 $0x1;
	s6 =	sadd.s32 $0x1038800, s0;
	s28 =	sadd.s32 $0x1078800, s0  }
0x5: {  	s29 =	sadd.s32 $0x10B8800, s0;
	_ =	strace $0x8000004A;
	[dreg:$0xe] =	wrdreg s2  }
0x6: {  	s8 =	sshll.u32 s8, $0xA;
	[dreg:$0xf] =	wrdreg s6;
	s2 =	sand.u32 $0x1, s26  }
0x7: {  	s0 =	sadd.s32 $0x10F8800, s0;
	[dreg:$0x10] =	wrdreg s28;
	s30 =	ssub.s32 $0x2, s2  }
0x8: {  	[dreg:$0x11] =	wrdreg s29;
	s2 =	sshll.u32 s2, $0x9;
	s7 =	sshrl.u32 s30, $0x1  }
0x9: {  	[dreg:$0x12] =	wrdreg s0;
	s2 =	sor.u32 s2, s8;
	s31 =	ssub.s32 s30, s7  }
0xa: {  	s6 =	simm.s32 $0x200;
	[dreg:$0x13] =	wrdreg s2;
	s0 =	smax.u32 s31, $0x1  }
0xb: {  	s8 =	simm.s32 $0x2;
	s2 =	simm.s32 $0x0;
	[dreg:$0x14] =	wrdreg s0  }
.LBB2_1:
0xc: {  	[dreg:$0x15] =	wrdreg s2;
	s0 =	simm.s32 $0x0  }
.LBB2_2:
0xd: {  	[dreg:$0x16] =	wrdreg s0  }
0xe: {  	s19 =	sshll.u32 s0, $0x7;
	s2 =	rddreg [dreg:$0x13]  }
0xf: {  	s20 =	rddreg [dreg:$0xe];
	s0 =	sadd.s32 s2, s19  }
0x10: {  	[dreg:$0x17] =	wrdreg s0;
	s0 =	sshrl.u32 s0, $0x1  }
0x11: {  	s21 =	simm.s32 $0x0;
	s7 =	simm.s32 $0x10000;
	s0 =	sadd.s32 s20, s0  }
0x12: {  	[tilespmem:s21], [sflag:$0x2] =	stream.strided.gather [hbm4b:s0+s6], $0x0, s7, s6, $0x38;
	[tilespmem:$0x10200] =	vst v63  }
0x13: {  	_ = 	snop  }
0x14: {  	[tilespmem:s21], [sflag:$0x2] =	stream.linear.gather [hbm4b:s0+s21], $0x180, $0x38;
	[tilespmem:$0x10200] =	vst v63  }
0x15: {  	_ =	swait.ge [sflag:s8], $0x180  }
0x16: {  	[sflag:s8] =	ssyncset.done $0x0  }
0x17: {  	s22 =	simm.s32 $0x100;
	[sflag:s8] =	ssyncadd.s32 $0xFFFFFE80  }
0x18: {  	v0 =	vld [tilespmem:s22+$0xFFFFFF80]  }
0x19: {  	v1 =	vld [tilespmem:s22+$0xFFFFFF00];
	_ =	sdelay $0x3  }
0x1a: {  	v2 =	vld [tilespmem:s22+$0x0];
	v0 =	vshll.u32 v0, $0x4  }
0x1b: {  	v1 =	vshll.u32 v1, $0x4;
	(v2sf) =	vpush v0, $0x0  }
0x1c: {  	(v2sf) =	vpush v1, $0x0  }
0x1d: {  	(v2sf) =	vpush v1, $0x1  }
0x1e: {  	(v2sf) =	vpush v0, $0x1  }
0x1f: {  	v2 =	vshll.u32 v2, $0x4  }
0x20: {  	(v2sf) =	vpush v2, $0x0;
	_ =	sdelay $0x4  }
0x21: {  	(v2sf) =	vpush v2, $0x1;
	_ =	sdelay $0x3  }
0x22: {  	s25 =	simm.s32 $0x200  }
0x23: {  	s29 =	simm.s32 $0x4200;
	s9 =	simm.s32 $0x8200;
	s23 =	spop (v2sf)  }
0x24: {  	s11 =	simm.s32 $0x4280;
	s12 =	simm.s32 $0x280;
	(v2sf) =	vpush v1, $0x2;
	s24 =	spop (v2sf)  }
0x25: {  	s15 =	simm.s32 $0x4300;
	s2 =	sand.u32 $0x1FFFFFF0, s24;
	s26 =	spop (v2sf)  }
0x26: {  	s17 =	simm.s32 $0x8280;
	(v2sf) =	vpush v2, $0x2;
	s2 =	sadd.s32 s3, s2;
	s28 =	spop (v2sf)  }
0x27: {  	[tilespmem:s25], [sflag:$0x1] =	stream.linear.gather [hbm4b:s2+s1], $0x80, $0x38;
	[tilespmem:$0x10200] =	vst v63  }
0x28: {  	s19 =	simm.s32 $0xC280;
	s0 =	sand.u32 $0x1FFFFFF0, s23;
	(v2sf) =	vpush v0, $0x2;
	s30 =	spop (v2sf)  }
0x29: {  	s21 =	simm.s32 $0x8300;
	s0 =	sadd.s32 s3, s0;
	s31 =	sand.u32 $0x1FFFFFF0, s30  }
0x2a: {  	(v2sf) =	vpush v1, $0x3;
	[tilespmem:s29], [sflag:$0x1] =	stream.linear.gather [hbm4b:s0+s1], $0x80, $0x38;
	[tilespmem:$0x10200] =	vst v63  }
0x2b: {  	s23 =	simm.s32 $0x300;
	s7 =	sand.u32 $0x1FFFFFF0, s26;
	s6 =	sadd.s32 s4, s31  }
0x2c: {  	(v2sf) =	vpush v2, $0x3;
	[tilespmem:s9], [sflag:$0x1] =	stream.linear.gather [hbm4b:s6+s1], $0x80, $0x38;
	[tilespmem:$0x10200] =	vst v63  }
0x2d: {  	s14 =	spop (v2sf);
	s0 =	sadd.s32 s5, s31;
	s9 =	simm.s32 $0xC200  }
0x2e: {  	(v2sf) =	vpush v0, $0x3;
	[tilespmem:s9], [sflag:$0x1] =	stream.linear.gather [hbm4b:s0+s1], $0x80, $0x38;
	[tilespmem:$0x10200] =	vst v63  }
0x2f: {  	s13 =	sand.u32 $0x1FFFFFF0, s28;
	s7 =	sadd.s32 s3, s7;
	s16 =	sand.u32 $0x1FFFFFF0, s14  }
0x30: {  	[tilespmem:s12], [sflag:$0x1] =	stream.linear.gather [hbm4b:s7+s1], $0x80, $0x38;
	[tilespmem:$0x10200] =	vst v63  }
0x31: {  	s31 =	simm.s32 $0xC300;
	s14 =	simm.s32 $0xC380;
	s0 =	sadd.s32 s3, s13  }
0x32: {  	[tilespmem:s11], [sflag:$0x1] =	stream.linear.gather [hbm4b:s0+s1], $0x80, $0x38;
	[tilespmem:$0x10200] =	vst v63  }
0x33: {  	s8 =	sadd.s32 s4, s16;
	s7 =	sadd.s32 s5, s16;
	s18 =	spop (v2sf)  }
0x34: {  	[tilespmem:s17], [sflag:$0x1] =	stream.linear.gather [hbm4b:s8+s1], $0x80, $0x38;
	[tilespmem:$0x10200] =	vst v63  }
0x35: {  	s12 =	simm.s32 $0x8380;
	s11 =	simm.s32 $0x4380;
	s20 =	spop (v2sf)  }
0x36: {  	(v2sf) =	vpush v1, $0x4;
	s2 =	sand.u32 $0x1FFFFFF0, s18;
	s8 =	simm.s32 $0x380;
	s17 =	simm.s32 $0x400  }
0x37: {  	(v2sf) =	vpush v2, $0x4;
	s22 =	spop (v2sf);
	s2 =	sadd.s32 s3, s2;
	s24 =	sand.u32 $0x1FFFFFF0, s20  }
0x38: {  	[tilespmem:s19], [sflag:$0x1] =	stream.linear.gather [hbm4b:s7+s1], $0x80, $0x38;
	[tilespmem:$0x10200] =	vst v63  }
0x39: {  	(v2sf) =	vpush v0, $0x4;
	s20 =	simm.s32 $0x4400;
	s7 =	sand.u32 $0x1FFFFFF0, s22;
	s25 =	spop (v2sf)  }
0x3a: {  	[tilespmem:s23], [sflag:$0x1] =	stream.linear.gather [hbm4b:s2+s1], $0x80, $0x38;
	[tilespmem:$0x10200] =	vst v63  }
0x3b: {  	s29 =	sadd.s32 s4, s24;
	s7 =	sadd.s32 s3, s7;
	s28 =	spop (v2sf);
	(v2sf) =	vpush v1, $0x5  }
0x3c: {  	(v2sf) =	vpush v2, $0x5;
	[tilespmem:s15], [sflag:$0x1] =	stream.linear.gather [hbm4b:s7+s1], $0x80, $0x38;
	[tilespmem:$0x10200] =	vst v63  }
0x3d: {  	s22 =	simm.s32 $0x8400;
	s26 =	sand.u32 $0x1FFFFFF0, s25;
	s30 =	spop (v2sf)  }
0x3e: {  	(v2sf) =	vpush v0, $0x5;
	[tilespmem:s21], [sflag:$0x1] =	stream.linear.gather [hbm4b:s29+s1], $0x80, $0x38;
	[tilespmem:$0x10200] =	vst v63  }
0x3f: {  	s25 =	simm.s32 $0x480;
	s2 =	sadd.s32 s5, s24;
	s6 =	sadd.s32 s3, s26  }
0x40: {  	[tilespmem:s31], [sflag:$0x1] =	stream.linear.gather [hbm4b:s2+s1], $0x80, $0x38;
	[tilespmem:$0x10200] =	vst v63  }
0x41: {  	s9 =	sand.u32 $0x1FFFFFF0, s28;
	s23 =	simm.s32 $0xC400;
	s0 =	sand.u32 $0x1FFFFFF0, s30  }
0x42: {  	[tilespmem:s8], [sflag:$0x1] =	stream.linear.gather [hbm4b:s6+s1], $0x80, $0x38;
	[tilespmem:$0x10200] =	vst v63  }
0x43: {  	s28 =	simm.s32 $0x4480;
	s0 =	sadd.s32 s3, s0;
	s7 =	sadd.s32 s4, s9  }
0x44: {  	[tilespmem:s11], [sflag:$0x1] =	stream.linear.gather [hbm4b:s0+s1], $0x80, $0x38;
	[tilespmem:$0x10200] =	vst v63  }
0x45: {  	s2 =	sadd.s32 s5, s9;
	s31 =	simm.s32 $0x8480;
	s13 =	spop (v2sf)  }
0x46: {  	(v2sf) =	vpush v1, $0x6;
	s11 =	simm.s32 $0xC480;
	s15 =	spop (v2sf);
	s6 =	sand.u32 $0x1FFFFFF0, s13  }
0x47: {  	[tilespmem:s12], [sflag:$0x1] =	stream.linear.gather [hbm4b:s7+s1], $0x80, $0x38;
	[tilespmem:$0x10200] =	vst v63  }
0x48: {  	(v2sf) =	vpush v2, $0x6;
	s7 =	simm.s32 $0x4500;
	s16 =	spop (v2sf);
	s6 =	sadd.s32 s3, s6  }
0x49: {  	(v2sf) =	vpush v0, $0x6;
	[tilespmem:s14], [sflag:$0x1] =	stream.linear.gather [hbm4b:s2+s1], $0x80, $0x38;
	[tilespmem:$0x10200] =	vst v63  }
0x4a: {  	s19 =	sand.u32 $0x1FFFFFF0, s15;
	s12 =	simm.s32 $0x500;
	s21 =	spop (v2sf)  }
0x4b: {  	s18 =	sand.u32 $0x1FFFFFF0, s16;
	s8 =	sadd.s32 s4, s19;
	s24 =	spop (v2sf)  }
0x4c: {  	[tilespmem:s17], [sflag:$0x1] =	stream.linear.gather [hbm4b:s6+s1], $0x80, $0x38;
	[tilespmem:$0x10200] =	vst v63  }
0x4d: {  	(v2sf) =	vpush v1, $0x7;
	s0 =	sadd.s32 s5, s19;
	s2 =	sadd.s32 s3, s18;
	s26 =	spop (v2sf)  }
0x4e: {  	[tilespmem:s20], [sflag:$0x1] =	stream.linear.gather [hbm4b:s2+s1], $0x80, $0x38;
	[tilespmem:$0x10200] =	vst v63  }
0x4f: {  	(v2sf) =	vpush v2, $0x7;
	s29 =	sand.u32 $0x1FFFFFF0, s24;
	s17 =	simm.s32 $0x8500;
	s6 =	sand.u32 $0x1FFFFFF0, s26  }
0x50: {  	[tilespmem:s22], [sflag:$0x1] =	stream.linear.gather [hbm4b:s8+s1], $0x80, $0x38;
	[tilespmem:$0x10200] =	vst v63  }
0x51: {  	(v2sf) =	vpush v0, $0x7;
	s24 =	simm.s32 $0x8580;
	s2 =	sand.u32 $0x1FFFFFF0, s21;
	s6 =	sadd.s32 s3, s6  }
0x52: {  	[tilespmem:s23], [sflag:$0x1] =	stream.linear.gather [hbm4b:s0+s1], $0x80, $0x38;
	[tilespmem:$0x10200] =	vst v63  }
0x53: {  	s20 =	simm.s32 $0xC500;
	s21 =	simm.s32 $0x580;
	s2 =	sadd.s32 s3, s2  }
0x54: {  	[tilespmem:s25], [sflag:$0x1] =	stream.linear.gather [hbm4b:s2+s1], $0x80, $0x38;
	[tilespmem:$0x10200] =	vst v63  }
0x55: {  	s8 =	sadd.s32 s4, s29;
	s22 =	simm.s32 $0x4580;
	s30 =	spop (v2sf)  }
0x56: {  	[tilespmem:s28], [sflag:$0x1] =	stream.linear.gather [hbm4b:s6+s1], $0x80, $0x38;
	[tilespmem:$0x10200] =	vst v63  }
0x57: {  	s0 =	sadd.s32 s5, s29;
	s29 =	simm.s32 $0x4600;
	(v2sf) =	vpush v1, $0x8;
	s9 =	spop (v2sf)  }
0x58: {  	s2 =	sand.u32 $0x1FFFFFF0, s30;
	(v2sf) =	vpush v2, $0x8;
	s28 =	simm.s32 $0xC580;
	s13 =	spop (v2sf)  }
0x59: {  	[tilespmem:s31], [sflag:$0x1] =	stream.linear.gather [hbm4b:s8+s1], $0x80, $0x38;
	[tilespmem:$0x10200] =	vst v63  }
0x5a: {  	s2 =	sadd.s32 s3, s2;
	(v2sf) =	vpush v0, $0x8;
	s6 =	sand.u32 $0x1FFFFFF0, s9;
	s14 =	sand.u32 $0x1FFFFFF0, s13  }
0x5b: {  	[tilespmem:s11], [sflag:$0x1] =	stream.linear.gather [hbm4b:s0+s1], $0x80, $0x38;
	[tilespmem:$0x10200] =	vst v63  }
0x5c: {  	s15 =	spop (v2sf);
	s18 =	sadd.s32 s4, s6;
	s6 =	sadd.s32 s5, s6  }
0x5d: {  	(v2sf) =	vpush v1, $0x9;
	[tilespmem:s12], [sflag:$0x1] =	stream.linear.gather [hbm4b:s2+s1], $0x80, $0x38;
	[tilespmem:$0x10200] =	vst v63  }
0x5e: {  	s31 =	simm.s32 $0x600;
	s16 =	spop (v2sf);
	s2 =	sadd.s32 s3, s14  }
0x5f: {  	(v2sf) =	vpush v2, $0x9;
	[tilespmem:s7], [sflag:$0x1] =	stream.linear.gather [hbm4b:s2+s1], $0x80, $0x38;
	[tilespmem:$0x10200] =	vst v63  }
0x60: {  	s13 =	simm.s32 $0x8600;
	s8 =	sand.u32 $0x1FFFFFF0, s15;
	s19 =	spop (v2sf)  }
0x61: {  	(v2sf) =	vpush v0, $0x9;
	[tilespmem:s17], [sflag:$0x1] =	stream.linear.gather [hbm4b:s18+s1], $0x80, $0x38;
	[tilespmem:$0x10200] =	vst v63  }
0x62: {  	s0 =	simm.s32 $0xC780;
	s8 =	sadd.s32 s3, s8;
	s7 =	sand.u32 $0x1FFFFFF0, s19  }
0x63: {  	[tilespmem:s20], [sflag:$0x1] =	stream.linear.gather [hbm4b:s6+s1], $0x80, $0x38;
	[tilespmem:$0x10200] =	vst v63  }
0x64: {  	s2 =	sand.u32 $0x1FFFFFF0, s16;
	s16 =	simm.s32 $0xC600;
	s19 =	simm.s32 $0x4680  }
0x65: {  	[tilespmem:s21], [sflag:$0x1] =	stream.linear.gather [hbm4b:s8+s1], $0x80, $0x38;
	[tilespmem:$0x10200] =	vst v63  }
0x66: {  	s7 =	sadd.s32 s3, s7;
	s25 =	sadd.s32 s4, s2;
	s23 =	spop (v2sf)  }
0x67: {  	s2 =	sadd.s32 s5, s2;
	s18 =	simm.s32 $0x680;
	s26 =	spop (v2sf)  }
0x68: {  	[tilespmem:s22], [sflag:$0x1] =	stream.linear.gather [hbm4b:s7+s1], $0x80, $0x38;
	[tilespmem:$0x10200] =	vst v63  }
0x69: {  	s20 =	simm.s32 $0x8680;
	(v2sf) =	vpush v1, $0xA;
	s6 =	sand.u32 $0x1FFFFFF0, s23;
	s30 =	spop (v2sf)  }
0x6a: {  	s6 =	sadd.s32 s3, s6;
	s11 =	sand.u32 $0x1FFFFFF0, s26;
	s26 =	simm.s32 $0xC680  }
0x6b: {  	(v2sf) =	vpush v2, $0xA;
	[tilespmem:s24], [sflag:$0x1] =	stream.linear.gather [hbm4b:s25+s1], $0x80, $0x38;
	[tilespmem:$0x10200] =	vst v63  }
0x6c: {  	s8 =	sand.u32 $0x1FFFFFF0, s30;
	s12 =	spop (v2sf);
	s14 =	sadd.s32 s4, s11  }
0x6d: {  	(v2sf) =	vpush v0, $0xA;
	[tilespmem:s28], [sflag:$0x1] =	stream.linear.gather [hbm4b:s2+s1], $0x80, $0x38;
	[tilespmem:$0x10200] =	vst v63  }
0x6e: {  	s8 =	sadd.s32 s3, s8;
	s7 =	sand.u32 $0x1FFFFFF0, s12;
	s15 =	spop (v2sf)  }
0x6f: {  	[tilespmem:s31], [sflag:$0x1] =	stream.linear.gather [hbm4b:s6+s1], $0x80, $0x38;
	[tilespmem:$0x10200] =	vst v63  }
0x70: {  	s7 =	sadd.s32 s3, s7;
	s17 =	spop (v2sf);
	s2 =	sand.u32 $0x1FFFFFF0, s15  }
0x71: {  	(v2sf) =	vpush v1, $0xB;
	[tilespmem:s29], [sflag:$0x1] =	stream.linear.gather [hbm4b:s8+s1], $0x80, $0x38;
	[tilespmem:$0x10200] =	vst v63  }
0x72: {  	s28 =	simm.s32 $0x700;
	s24 =	sadd.s32 s4, s2;
	s2 =	sadd.s32 s5, s2  }
0x73: {  	(v2sf) =	vpush v2, $0xB;
	[tilespmem:s13], [sflag:$0x1] =	stream.linear.gather [hbm4b:s14+s1], $0x80, $0x38;
	[tilespmem:$0x10200] =	vst v63  }
0x74: {  	s6 =	sadd.s32 s5, s11;
	s29 =	simm.s32 $0x4700;
	s13 =	simm.s32 $0xC700  }
0x75: {  	(v2sf) =	vpush v0, $0xB;
	[tilespmem:s16], [sflag:$0x1] =	stream.linear.gather [hbm4b:s6+s1], $0x80, $0x38;
	[tilespmem:$0x10200] =	vst v63  }
0x76: {  	s14 =	simm.s32 $0x800;
	s6 =	sand.u32 $0x1FFFFFF0, s17;
	s16 =	simm.s32 $0x780  }
0x77: {  	[tilespmem:s18], [sflag:$0x1] =	stream.linear.gather [hbm4b:s7+s1], $0x80, $0x38;
	[tilespmem:$0x10200] =	vst v63  }
0x78: {  	s17 =	simm.s32 $0x4780;
	s21 =	spop (v2sf);
	s6 =	sadd.s32 s3, s6  }
0x79: {  	(v2sf) =	vpush v1, $0xC;
	[tilespmem:s19], [sflag:$0x1] =	stream.linear.gather [hbm4b:s6+s1], $0x80, $0x38;
	[tilespmem:$0x10200] =	vst v63  }
0x7a: {  	s22 =	sand.u32 $0x1FFFFFF0, s21;
	s23 =	spop (v2sf);
	s18 =	simm.s32 $0x8780  }
0x7b: {  	(v2sf) =	vpush v2, $0xC;
	[tilespmem:s20], [sflag:$0x1] =	stream.linear.gather [hbm4b:s24+s1], $0x80, $0x38;
	[tilespmem:$0x10200] =	vst v63  }
0x7c: {  	s21 =	simm.s32 $0x8800;
	s25 =	spop (v2sf);
	s30 =	sand.u32 $0x1FFFFFF0, s23  }
0x7d: {  	(v2sf) =	vpush v0, $0xC;
	[tilespmem:s26], [sflag:$0x1] =	stream.linear.gather [hbm4b:s2+s1], $0x80, $0x38;
	[tilespmem:$0x10200] =	vst v63  }
0x7e: {  	s23 =	simm.s32 $0xC800;
	s6 =	sadd.s32 s3, s22;
	s8 =	sand.u32 $0x1FFFFFF0, s25  }
0x7f: {  	[tilespmem:s28], [sflag:$0x1] =	stream.linear.gather [hbm4b:s6+s1], $0x80, $0x38;
	[tilespmem:$0x10200] =	vst v63  }
0x80: {  	s9 =	spop (v2sf);
	s11 =	sadd.s32 s4, s30;
	s31 =	sadd.s32 s3, s8  }
0x81: {  	(v2sf) =	vpush v1, $0xD;
	[tilespmem:s29], [sflag:$0x1] =	stream.linear.gather [hbm4b:s31+s1], $0x80, $0x38;
	[tilespmem:$0x10200] =	vst v63  }
0x82: {  	s8 =	simm.s32 $0x8700;
	s12 =	spop (v2sf);
	s7 =	sand.u32 $0x1FFFFFF0, s9  }
0x83: {  	(v2sf) =	vpush v2, $0xD;
	[tilespmem:s8], [sflag:$0x1] =	stream.linear.gather [hbm4b:s11+s1], $0x80, $0x38;
	[tilespmem:$0x10200] =	vst v63  }
0x84: {  	s7 =	sadd.s32 s3, s7;
	s15 =	spop (v2sf);
	s6 =	sadd.s32 s5, s30  }
0x85: {  	(v2sf) =	vpush v0, $0xD;
	[tilespmem:s13], [sflag:$0x1] =	stream.linear.gather [hbm4b:s6+s1], $0x80, $0x38;
	[tilespmem:$0x10200] =	vst v63  }
0x86: {  	s2 =	sand.u32 $0x1FFFFFF0, s12;
	s12 =	simm.s32 $0x880;
	s8 =	sand.u32 $0x1FFFFFF0, s15  }
0x87: {  	(v2sf) =	vpush v1, $0xE;
	[tilespmem:s16], [sflag:$0x1] =	stream.linear.gather [hbm4b:s7+s1], $0x80, $0x38;
	[tilespmem:$0x10200] =	vst v63  }
0x88: {  	s20 =	sadd.s32 s4, s2;
	s8 =	sadd.s32 s3, s8;
	s19 =	spop (v2sf)  }
0x89: {  	[tilespmem:s17], [sflag:$0x1] =	stream.linear.gather [hbm4b:s8+s1], $0x80, $0x38;
	[tilespmem:$0x10200] =	vst v63  }
0x8a: {  	s2 =	sadd.s32 s5, s2;
	s28 =	simm.s32 $0x4800;
	s22 =	spop (v2sf)  }
0x8b: {  	(v2sf) =	vpush v2, $0xE;
	[tilespmem:s18], [sflag:$0x1] =	stream.linear.gather [hbm4b:s20+s1], $0x80, $0x38;
	[tilespmem:$0x10200] =	vst v63  }
0x8c: {  	s24 =	sand.u32 $0x1FFFFFF0, s19;
	s25 =	spop (v2sf);
	s9 =	sand.u32 $0x1FFFFFF0, s22  }
0x8d: {  	(v2sf) =	vpush v0, $0xE;
	[tilespmem:s0], [sflag:$0x1] =	stream.linear.gather [hbm4b:s2+s1], $0x80, $0x38;
	[tilespmem:$0x10200] =	vst v63  }
0x8e: {  	s16 =	simm.s32 $0x8880;
	s8 =	sand.u32 $0x1FFFFFF0, s25;
	s2 =	sadd.s32 s3, s24  }
0x8f: {  	[tilespmem:s14], [sflag:$0x1] =	stream.linear.gather [hbm4b:s2+s1], $0x80, $0x38;
	[tilespmem:$0x10200] =	vst v63  }
0x90: {  	s26 =	spop (v2sf);
	s30 =	sadd.s32 s4, s9;
	s8 =	sadd.s32 s3, s8  }
0x91: {  	(v2sf) =	vpush v1, $0xF;
	[tilespmem:s28], [sflag:$0x1] =	stream.linear.gather [hbm4b:s8+s1], $0x80, $0x38;
	[tilespmem:$0x10200] =	vst v63  }
0x92: {  	s9 =	sadd.s32 s5, s9;
	s29 =	spop (v2sf);
	s25 =	simm.s32 $0x8900  }
0x93: {  	(v2sf) =	vpush v2, $0xF;
	[tilespmem:s21], [sflag:$0x1] =	stream.linear.gather [hbm4b:s30+s1], $0x80, $0x38;
	[tilespmem:$0x10200] =	vst v63  }
0x94: {  	s6 =	sand.u32 $0x1FFFFFF0, s29;
	s31 =	spop (v2sf);
	s2 =	sand.u32 $0x1FFFFFF0, s26  }
0x95: {  	(v2sf) =	vpush v0, $0xF;
	[tilespmem:s23], [sflag:$0x1] =	stream.linear.gather [hbm4b:s9+s1], $0x80, $0x38;
	[tilespmem:$0x10200] =	vst v63  }
0x96: {  	s11 =	sand.u32 $0x1FFFFFF0, s31;
	s13 =	spop (v2sf);
	s2 =	sadd.s32 s3, s2  }
0x97: {  	[tilespmem:s12], [sflag:$0x1] =	stream.linear.gather [hbm4b:s2+s1], $0x80, $0x38;
	[tilespmem:$0x10200] =	vst v63  }
0x98: {  	s17 =	sadd.s32 s4, s6;
	s0 =	sadd.s32 s3, s11;
	s14 =	simm.s32 $0x4880  }
0x99: {  	[tilespmem:s14], [sflag:$0x1] =	stream.linear.gather [hbm4b:s0+s1], $0x80, $0x38;
	[tilespmem:$0x10200] =	vst v63  }
0x9a: {  	s18 =	simm.s32 $0xC880;
	s6 =	sadd.s32 s5, s6;
	s15 =	spop (v2sf)  }
0x9b: {  	[tilespmem:s16], [sflag:$0x1] =	stream.linear.gather [hbm4b:s17+s1], $0x80, $0x38;
	[tilespmem:$0x10200] =	vst v63  }
0x9c: {  	s21 =	simm.s32 $0x900;
	s19 =	spop (v2sf);
	s2 =	sand.u32 $0x1FFFFFF0, s13  }
0x9d: {  	[tilespmem:s18], [sflag:$0x1] =	stream.linear.gather [hbm4b:s6+s1], $0x80, $0x38;
	[tilespmem:$0x10200] =	vst v63  }
0x9e: {  	s23 =	simm.s32 $0x4900;
	s8 =	sand.u32 $0x1FFFFFF0, s19;
	s2 =	sadd.s32 s3, s2  }
0x9f: {  	[tilespmem:s21], [sflag:$0x1] =	stream.linear.gather [hbm4b:s2+s1], $0x80, $0x38;
	[tilespmem:$0x10200] =	vst v63  }
0xa0: {  	s20 =	spop (v2sf);
	s8 =	sadd.s32 s3, s8;
	s0 =	sand.u32 $0x1FFFFFF0, s15  }
0xa1: {  	[tilespmem:s23], [sflag:$0x1] =	stream.linear.gather [hbm4b:s8+s1], $0x80, $0x38;
	[tilespmem:$0x10200] =	vst v63  }
0xa2: {  	s28 =	simm.s32 $0xC900;
	s22 =	spop (v2sf);
	s26 =	sadd.s32 s4, s0  }
0xa3: {  	[tilespmem:s25], [sflag:$0x1] =	stream.linear.gather [hbm4b:s26+s1], $0x80, $0x38;
	[tilespmem:$0x10200] =	vst v63  }
0xa4: {  	s24 =	spop (v2sf);
	s0 =	sadd.s32 s5, s0;
	s6 =	sand.u32 $0x1FFFFFF0, s20  }
0xa5: {  	[tilespmem:s28], [sflag:$0x1] =	stream.linear.gather [hbm4b:s0+s1], $0x80, $0x38;
	[tilespmem:$0x10200] =	vst v63  }
0xa6: {  	s30 =	simm.s32 $0x980;
	s29 =	sand.u32 $0x1FFFFFF0, s24;
	s6 =	sadd.s32 s3, s6  }
0xa7: {  	[tilespmem:s30], [sflag:$0x1] =	stream.linear.gather [hbm4b:s6+s1], $0x80, $0x38;
	[tilespmem:$0x10200] =	vst v63  }
0xa8: {  	s31 =	simm.s32 $0x4980;
	s0 =	sadd.s32 s3, s29  }
0xa9: {  	[tilespmem:s31], [sflag:$0x1] =	stream.linear.gather [hbm4b:s0+s1], $0x80, $0x38;
	[tilespmem:$0x10200] =	vst v63  }
0xaa: {  	s19 =	simm.s32 $0x2000;
	s24 =	simm.s32 $0x110;
	s0 =	sand.u32 $0x1FFFFFF0, s22  }
0xab: {  	s2 =	simm.s32 $0x8980;
	s25 =	simm.s32 $0x0;
	s6 =	sadd.s32 s4, s0  }
.LBB2_3:
0xac: {  	[tilespmem:s2], [sflag:$0x1] =	stream.linear.gather [hbm4b:s6+s1], $0x80, $0x38;
	[tilespmem:$0x10200] =	vst v63  }
0xad: {  	s9 =	sadd.s32 $0xC980, s25;
	s0 =	sadd.s32 s5, s0  }
0xae: {  	[tilespmem:s9], [sflag:$0x1] =	stream.linear.gather [hbm4b:s0+s1], $0x80, $0x38;
	[tilespmem:$0x10200] =	vst v63  }
0xaf: {  	_ =	swait.ge [sflag:s10], $0x800  }
0xb0: {  	[sflag:s10] =	ssyncset.done $0x0  }
0xb1: {  	[sflag:s10] =	ssyncadd.s32 $0xFFFFF800  }
0xb2: {  	_ =	swait.ge [sflag:s10], $0x800  }
0xb3: {  	[sflag:s10] =	ssyncset.done $0x0  }
0xb4: {  	[sflag:s10] =	ssyncadd.s32 $0xFFFFF800  }
0xb5: {  	_ =	swait.ge [sflag:s10], $0x800  }
0xb6: {  	[sflag:s10] =	ssyncset.done $0x0  }
0xb7: {  	[sflag:s10] =	ssyncadd.s32 $0xFFFFF800  }
0xb8: {  	_ =	swait.ge [sflag:s10], $0x800  }
0xb9: {  	[sflag:s10] =	ssyncset.done $0x0  }
0xba: {  	[sflag:s10] =	ssyncadd.s32 $0xFFFFF800  }
0xbb: {  	v0 =	vld [tilespmem:s24+$0xFFFFFF80]  }
0xbc: {  	v1 =	vld [tilespmem:s24+$0xFFFFFF00];
	_ =	sdelay $0x3  }
0xbd: {  	v2 =	vld [tilespmem:s24+$0x0];
	v0 =	vshll.u32 v0, $0x4  }
0xbe: {  	s11 =	smov.u32 s19;
	v1 =	vshll.u32 v1, $0x4;
	(v2sf) =	vpush v0, $0x0  }
0xbf: {  	p0 =	sne.s32 s19, $0xE000;
	s19 =	sadd.s32 $0x2000, s19;
	s25 =	sshra.s32 s11, $0x2;
	(v2sf) =	vpush v1, $0x0  }
0xc0: {  	s28 =	sadd.s32 $0x8200, s25;
	s6 =	sadd.s32 $0x4500, s25;
	s0 =	sadd.s32 $0xC780, s25;
	(v2sf) =	vpush v1, $0x1  }
0xc1: {  	s31 =	sadd.s32 $0x200, s25;
	s12 =	sadd.s32 $0x800, s25;
	[dreg:$0x6] =	wrdreg s0;
	(v2sf) =	vpush v0, $0x1  }
0xc2: {  	s13 =	sadd.s32 $0x380, s25;
	s14 =	sadd.s32 $0x8800, s25;
	[dreg:$0x5] =	wrdreg s12;
	v2 =	vshll.u32 v2, $0x4  }
0xc3: {  	s26 =	sadd.s32 $0x4200, s25;
	s15 =	sadd.s32 $0x4680, s25;
	[dreg:$0x4] =	wrdreg s14;
	(v2sf) =	vpush v2, $0x0  }
0xc4: {  	s9 =	sadd.s32 $0x4480, s25;
	s16 =	sadd.s32 $0xC800, s25;
	[dreg:$0xa] =	wrdreg s15  }
0xc5: {  	s8 =	sadd.s32 $0x500, s25;
	s17 =	sadd.s32 $0x4600, s25;
	[dreg:$0x2] =	wrdreg s16;
	(v2sf) =	vpush v2, $0x1  }
0xc6: {  	s21 =	sadd.s32 $0x8300, s25;
	s7 =	sadd.s32 $0x8700, s25;
	[dreg:$0xc] =	wrdreg s17;
	(v2sf) =	vpush v1, $0x2  }
0xc7: {  	s2 =	sadd.s32 $0x580, s25;
	s11 =	sadd.s32 $0x8600, s25;
	[dreg:$0x8] =	wrdreg s7  }
0xc8: {  	s29 =	sadd.s32 $0x8280, s25;
	s18 =	sadd.s32 $0x8680, s25;
	[dreg:$0xd] =	wrdreg s11;
	(v2sf) =	vpush v2, $0x2  }
0xc9: {  	s22 =	sadd.s32 $0x8380, s25;
	s20 =	sadd.s32 $0x4700, s25;
	[dreg:$0xb] =	wrdreg s18  }
0xca: {  	s23 =	sadd.s32 $0x8780, s25;
	s30 =	sadd.s32 $0xC880, s25;
	[dreg:$0x9] =	wrdreg s20;
	(v2sf) =	vpush v0, $0x2  }
0xcb: {  	s16 =	sadd.s32 $0x4280, s25;
	s0 =	sadd.s32 $0x4300, s25;
	[dreg:$0x7] =	wrdreg s23  }
0xcc: {  	s7 =	sadd.s32 $0x4580, s25;
	[dreg:$0x3] =	wrdreg s30;
	s15 =	sadd.s32 $0x400, s25  }
0xcd: {  	s11 =	sadd.s32 $0xC400, s25;
	s23 =	sadd.s32 $0x280, s25;
	s30 =	spop (v2sf)  }
0xce: {  	s10 =	sadd.s32 $0x480, s25;
	s24 =	sadd.s32 $0x10, s24;
	(v2sf) =	vpush v1, $0x3;
	s20 =	spop (v2sf)  }
0xcf: {  	s12 =	sand.u32 $0x1FFFFFF0, s30;
	s20 =	sand.u32 $0x1FFFFFF0, s20;
	s14 =	spop (v2sf)  }
0xd0: {  	(v2sf) =	vpush v2, $0x3;
	s12 =	sadd.s32 s3, s12;
	s20 =	sadd.s32 s3, s20;
	s17 =	spop (v2sf)  }
0xd1: {  	[tilespmem:s31], [sflag:$0x1] =	stream.linear.gather [hbm4b:s20+s1], $0x80, $0x38;
	[tilespmem:$0x10200] =	vst v63  }
0xd2: {  	s14 =	sand.u32 $0x1FFFFFF0, s14;
	s17 =	sand.u32 $0x1FFFFFF0, s17;
	s31 =	spop (v2sf)  }
0xd3: {  	(v2sf) =	vpush v0, $0x3;
	[tilespmem:s26], [sflag:$0x1] =	stream.linear.gather [hbm4b:s12+s1], $0x80, $0x38;
	[tilespmem:$0x10200] =	vst v63  }
0xd4: {  	s20 =	sadd.s32 $0xC200, s25;
	s18 =	spop (v2sf);
	s12 =	sand.u32 $0x1FFFFFF0, s31  }
0xd5: {  	(v2sf) =	vpush v1, $0x4;
	s26 =	sand.u32 $0x1FFFFFF0, s18;
	s18 =	spop (v2sf);
	s31 =	sadd.s32 s4, s12  }
0xd6: {  	[tilespmem:s28], [sflag:$0x1] =	stream.linear.gather [hbm4b:s31+s1], $0x80, $0x38;
	[tilespmem:$0x10200] =	vst v63  }
0xd7: {  	(v2sf) =	vpush v2, $0x4;
	s12 =	sadd.s32 s5, s12;
	s18 =	sand.u32 $0x1FFFFFF0, s18;
	s31 =	spop (v2sf)  }
0xd8: {  	[tilespmem:s20], [sflag:$0x1] =	stream.linear.gather [hbm4b:s12+s1], $0x80, $0x38;
	[tilespmem:$0x10200] =	vst v63  }
0xd9: {  	(v2sf) =	vpush v0, $0x4;
	s20 =	sadd.s32 s3, s14;
	s14 =	sand.u32 $0x1FFFFFF0, s31;
	s31 =	spop (v2sf)  }
0xda: {  	(v2sf) =	vpush v1, $0x5;
	[tilespmem:s23], [sflag:$0x1] =	stream.linear.gather [hbm4b:s20+s1], $0x80, $0x38;
	[tilespmem:$0x10200] =	vst v63  }
0xdb: {  	s30 =	sadd.s32 $0xC280, s25;
	s28 =	sadd.s32 s3, s17;
	s18 =	sadd.s32 s3, s18  }
0xdc: {  	[tilespmem:s16], [sflag:$0x1] =	stream.linear.gather [hbm4b:s28+s1], $0x80, $0x38;
	[tilespmem:$0x10200] =	vst v63  }
0xdd: {  	s17 =	sand.u32 $0x1FFFFFF0, s31;
	s31 =	spop (v2sf);
	s23 =	sadd.s32 s4, s26  }
0xde: {  	(v2sf) =	vpush v2, $0x5;
	[tilespmem:s29], [sflag:$0x1] =	stream.linear.gather [hbm4b:s23+s1], $0x80, $0x38;
	[tilespmem:$0x10200] =	vst v63  }
0xdf: {  	s16 =	sand.u32 $0x1FFFFFF0, s31;
	s28 =	spop (v2sf);
	s29 =	sadd.s32 s5, s26  }
0xe0: {  	s26 =	sadd.s32 $0x300, s25;
	s20 =	sand.u32 $0x1FFFFFF0, s28;
	s28 =	sadd.s32 s3, s17  }
0xe1: {  	[tilespmem:s30], [sflag:$0x1] =	stream.linear.gather [hbm4b:s29+s1], $0x80, $0x38;
	[tilespmem:$0x10200] =	vst v63  }
0xe2: {  	s17 =	sadd.s32 $0xC380, s25;
	s31 =	spop (v2sf);
	(v2sf) =	vpush v0, $0x5;
	s29 =	sadd.s32 s4, s14  }
0xe3: {  	[tilespmem:s26], [sflag:$0x1] =	stream.linear.gather [hbm4b:s18+s1], $0x80, $0x38;
	[tilespmem:$0x10200] =	vst v63  }
0xe4: {  	s30 =	sadd.s32 $0xC300, s25;
	s23 =	sand.u32 $0x1FFFFFF0, s31;
	(v2sf) =	vpush v1, $0x6;
	s18 =	spop (v2sf)  }
0xe5: {  	[tilespmem:s0], [sflag:$0x1] =	stream.linear.gather [hbm4b:s28+s1], $0x80, $0x38;
	[tilespmem:$0x10200] =	vst v63  }
0xe6: {  	s26 =	sadd.s32 s3, s23;
	s23 =	sadd.s32 $0x4400, s25;
	s31 =	spop (v2sf);
	(v2sf) =	vpush v2, $0x6  }
0xe7: {  	[tilespmem:s21], [sflag:$0x1] =	stream.linear.gather [hbm4b:s29+s1], $0x80, $0x38;
	[tilespmem:$0x10200] =	vst v63  }
0xe8: {  	s18 =	sand.u32 $0x1FFFFFF0, s18;
	s28 =	sadd.s32 s5, s14;
	s29 =	spop (v2sf);
	(v2sf) =	vpush v0, $0x6  }
0xe9: {  	s14 =	sand.u32 $0x1FFFFFF0, s31;
	s18 =	sadd.s32 s3, s18;
	s31 =	spop (v2sf)  }
0xea: {  	(v2sf) =	vpush v1, $0x7;
	[tilespmem:s30], [sflag:$0x1] =	stream.linear.gather [hbm4b:s28+s1], $0x80, $0x38;
	[tilespmem:$0x10200] =	vst v63  }
0xeb: {  	s21 =	sadd.s32 $0x4380, s25;
	s12 =	sand.u32 $0x1FFFFFF0, s29;
	s30 =	sadd.s32 s3, s16  }
0xec: {  	[tilespmem:s13], [sflag:$0x1] =	stream.linear.gather [hbm4b:s30+s1], $0x80, $0x38;
	[tilespmem:$0x10200] =	vst v63  }
0xed: {  	s29 =	sadd.s32 s4, s20;
	s28 =	spop (v2sf);
	s12 =	sadd.s32 s3, s12  }
0xee: {  	(v2sf) =	vpush v2, $0x7;
	[tilespmem:s21], [sflag:$0x1] =	stream.linear.gather [hbm4b:s26+s1], $0x80, $0x38;
	[tilespmem:$0x10200] =	vst v63  }
0xef: {  	s16 =	sand.u32 $0x1FFFFFF0, s28;
	s28 =	sadd.s32 s4, s14;
	s13 =	sand.u32 $0x1FFFFFF0, s31  }
0xf0: {  	[tilespmem:s22], [sflag:$0x1] =	stream.linear.gather [hbm4b:s29+s1], $0x80, $0x38;
	[tilespmem:$0x10200] =	vst v63  }
0xf1: {  	s30 =	sadd.s32 s5, s20;
	s13 =	sadd.s32 s3, s13;
	s31 =	spop (v2sf)  }
0xf2: {  	(v2sf) =	vpush v0, $0x7;
	[tilespmem:s17], [sflag:$0x1] =	stream.linear.gather [hbm4b:s30+s1], $0x80, $0x38;
	[tilespmem:$0x10200] =	vst v63  }
0xf3: {  	s26 =	sadd.s32 $0x8400, s25;
	s21 =	sand.u32 $0x1FFFFFF0, s31;
	s22 =	spop (v2sf);
	(v2sf) =	vpush v1, $0x8  }
0xf4: {  	[tilespmem:s15], [sflag:$0x1] =	stream.linear.gather [hbm4b:s18+s1], $0x80, $0x38;
	[tilespmem:$0x10200] =	vst v63  }
0xf5: {  	s30 =	sadd.s32 s5, s14;
	(v2sf) =	vpush v2, $0x8;
	s20 =	sadd.s32 s3, s21;
	s29 =	spop (v2sf)  }
0xf6: {  	[tilespmem:s23], [sflag:$0x1] =	stream.linear.gather [hbm4b:s12+s1], $0x80, $0x38;
	[tilespmem:$0x10200] =	vst v63  }
0xf7: {  	s15 =	sand.u32 $0x1FFFFFF0, s22;
	s22 =	sadd.s32 $0x8480, s25;
	s31 =	spop (v2sf)  }
0xf8: {  	[tilespmem:s26], [sflag:$0x1] =	stream.linear.gather [hbm4b:s28+s1], $0x80, $0x38;
	[tilespmem:$0x10200] =	vst v63  }
0xf9: {  	s12 =	sand.u32 $0x1FFFFFF0, s29;
	s23 =	sadd.s32 s4, s16;
	(v2sf) =	vpush v0, $0x8;
	s18 =	spop (v2sf)  }
0xfa: {  	[tilespmem:s11], [sflag:$0x1] =	stream.linear.gather [hbm4b:s30+s1], $0x80, $0x38;
	[tilespmem:$0x10200] =	vst v63  }
0xfb: {  	(v2sf) =	vpush v1, $0x9;
	s26 =	sadd.s32 $0xC480, s25;
	s28 =	sadd.s32 s5, s16;
	s11 =	sand.u32 $0x1FFFFFF0, s31  }
0xfc: {  	[tilespmem:s10], [sflag:$0x1] =	stream.linear.gather [hbm4b:s13+s1], $0x80, $0x38;
	[tilespmem:$0x10200] =	vst v63  }
0xfd: {  	s21 =	spop (v2sf);
	(v2sf) =	vpush v2, $0x9;
	s30 =	sadd.s32 s3, s15;
	s16 =	sadd.s32 s3, s11  }
0xfe: {  	[tilespmem:s9], [sflag:$0x1] =	stream.linear.gather [hbm4b:s20+s1], $0x80, $0x38;
	[tilespmem:$0x10200] =	vst v63  }
0xff: {  	s10 =	sand.u32 $0x1FFFFFF0, s18;
	s13 =	sand.u32 $0x1FFFFFF0, s21;
	s18 =	sadd.s32 $0x8500, s25  }
0x100: {  	[tilespmem:s22], [sflag:$0x1] =	stream.linear.gather [hbm4b:s23+s1], $0x80, $0x38;
	[tilespmem:$0x10200] =	vst v63  }
0x101: {  	s21 =	sadd.s32 $0xC500, s25;
	s14 =	sadd.s32 s5, s13;
	s29 =	spop (v2sf)  }
0x102: {  	s20 =	sadd.s32 s4, s12;
	s22 =	sadd.s32 s5, s12;
	s15 =	spop (v2sf)  }
0x103: {  	(v2sf) =	vpush v0, $0x9;
	[tilespmem:s26], [sflag:$0x1] =	stream.linear.gather [hbm4b:s28+s1], $0x80, $0x38;
	[tilespmem:$0x10200] =	vst v63  }
0x104: {  	s12 =	sadd.s32 $0xC580, s25;
	s31 =	sand.u32 $0x1FFFFFF0, s29;
	s17 =	spop (v2sf)  }
0x105: {  	[tilespmem:s8], [sflag:$0x1] =	stream.linear.gather [hbm4b:s30+s1], $0x80, $0x38;
	[tilespmem:$0x10200] =	vst v63  }
0x106: {  	s26 =	sadd.s32 s3, s10;
	s10 =	sadd.s32 s4, s13;
	s13 =	sadd.s32 $0x680, s25  }
0x107: {  	(v2sf) =	vpush v1, $0xA;
	[tilespmem:s6], [sflag:$0x1] =	stream.linear.gather [hbm4b:s16+s1], $0x80, $0x38;
	[tilespmem:$0x10200] =	vst v63  }
0x108: {  	s11 =	sand.u32 $0x1FFFFFF0, s17;
	s8 =	sand.u32 $0x1FFFFFF0, s15;
	s23 =	spop (v2sf)  }
0x109: {  	(v2sf) =	vpush v2, $0xA;
	[tilespmem:s18], [sflag:$0x1] =	stream.linear.gather [hbm4b:s20+s1], $0x80, $0x38;
	[tilespmem:$0x10200] =	vst v63  }
0x10a: {  	s30 =	sadd.s32 s3, s31;
	s17 =	sadd.s32 s3, s8;
	s29 =	spop (v2sf)  }
0x10b: {  	(v2sf) =	vpush v0, $0xA;
	[tilespmem:s21], [sflag:$0x1] =	stream.linear.gather [hbm4b:s22+s1], $0x80, $0x38;
	[tilespmem:$0x10200] =	vst v63  }
0x10c: {  	s16 =	sadd.s32 $0x600, s25;
	s28 =	sand.u32 $0x1FFFFFF0, s23;
	s31 =	spop (v2sf)  }
0x10d: {  	(v2sf) =	vpush v1, $0xB;
	[tilespmem:s2], [sflag:$0x1] =	stream.linear.gather [hbm4b:s26+s1], $0x80, $0x38;
	[tilespmem:$0x10200] =	vst v63  }
0x10e: {  	s23 =	rddreg [dreg:$0xc];
	s20 =	sadd.s32 s3, s28;
	s9 =	sand.u32 $0x1FFFFFF0, s31  }
0x10f: {  	(v2sf) =	vpush v2, $0xB;
	[tilespmem:s7], [sflag:$0x1] =	stream.linear.gather [hbm4b:s30+s1], $0x80, $0x38;
	[tilespmem:$0x10200] =	vst v63  }
0x110: {  	s21 =	sadd.s32 $0xC600, s25;
	s2 =	sand.u32 $0x1FFFFFF0, s29;
	s7 =	sadd.s32 $0x8580, s25  }
0x111: {  	(v2sf) =	vpush v0, $0xB;
	[tilespmem:s7], [sflag:$0x1] =	stream.linear.gather [hbm4b:s10+s1], $0x80, $0x38;
	[tilespmem:$0x10200] =	vst v63  }
0x112: {  	s26 =	sadd.s32 s4, s11;
	s29 =	rddreg [dreg:$0xd];
	s15 =	spop (v2sf)  }
0x113: {  	[tilespmem:s12], [sflag:$0x1] =	stream.linear.gather [hbm4b:s14+s1], $0x80, $0x38;
	[tilespmem:$0x10200] =	vst v63  }
0x114: {  	s2 =	sadd.s32 s3, s2;
	s30 =	sadd.s32 s5, s11;
	s18 =	sand.u32 $0x1FFFFFF0, s15  }
0x115: {  	[tilespmem:s16], [sflag:$0x1] =	stream.linear.gather [hbm4b:s17+s1], $0x80, $0x38;
	[tilespmem:$0x10200] =	vst v63  }
0x116: {  	s22 =	spop (v2sf);
	s15 =	sadd.s32 s3, s18;
	s18 =	sadd.s32 s4, s9  }
0x117: {  	[tilespmem:s23], [sflag:$0x1] =	stream.linear.gather [hbm4b:s20+s1], $0x80, $0x38;
	[tilespmem:$0x10200] =	vst v63  }
0x118: {  	s9 =	sadd.s32 s5, s9;
	s7 =	sand.u32 $0x1FFFFFF0, s22;
	s28 =	spop (v2sf)  }
0x119: {  	(v2sf) =	vpush v1, $0xC;
	[tilespmem:s29], [sflag:$0x1] =	stream.linear.gather [hbm4b:s26+s1], $0x80, $0x38;
	[tilespmem:$0x10200] =	vst v63  }
0x11a: {  	s22 =	sadd.s32 $0xC680, s25;
	s10 =	sand.u32 $0x1FFFFFF0, s28;
	s31 =	spop (v2sf)  }
0x11b: {  	(v2sf) =	vpush v2, $0xC;
	[tilespmem:s21], [sflag:$0x1] =	stream.linear.gather [hbm4b:s30+s1], $0x80, $0x38;
	[tilespmem:$0x10200] =	vst v63  }
0x11c: {  	s7 =	sadd.s32 s3, s7;
	s17 =	rddreg [dreg:$0xa];
	s14 =	spop (v2sf)  }
0x11d: {  	(v2sf) =	vpush v0, $0xC;
	[tilespmem:s13], [sflag:$0x1] =	stream.linear.gather [hbm4b:s2+s1], $0x80, $0x38;
	[tilespmem:$0x10200] =	vst v63  }
0x11e: {  	s12 =	sadd.s32 s4, s10;
	s23 =	sadd.s32 $0x700, s25;
	s16 =	spop (v2sf)  }
0x11f: {  	[tilespmem:s17], [sflag:$0x1] =	stream.linear.gather [hbm4b:s15+s1], $0x80, $0x38;
	[tilespmem:$0x10200] =	vst v63  }
0x120: {  	s6 =	sand.u32 $0x1FFFFFF0, s16;
	s20 =	spop (v2sf);
	s21 =	rddreg [dreg:$0xb]  }
0x121: {  	(v2sf) =	vpush v1, $0xD;
	[tilespmem:s21], [sflag:$0x1] =	stream.linear.gather [hbm4b:s18+s1], $0x80, $0x38;
	[tilespmem:$0x10200] =	vst v63  }
0x122: {  	s26 =	sand.u32 $0x1FFFFFF0, s31;
	s29 =	sadd.s32 $0xC700, s25;
	s31 =	rddreg [dreg:$0x9]  }
0x123: {  	(v2sf) =	vpush v2, $0xD;
	[tilespmem:s22], [sflag:$0x1] =	stream.linear.gather [hbm4b:s9+s1], $0x80, $0x38;
	[tilespmem:$0x10200] =	vst v63  }
0x124: {  	s8 =	sand.u32 $0x1FFFFFF0, s20;
	s28 =	sadd.s32 s3, s26;
	s2 =	sand.u32 $0x1FFFFFF0, s14  }
0x125: {  	(v2sf) =	vpush v0, $0xD;
	[tilespmem:s23], [sflag:$0x1] =	stream.linear.gather [hbm4b:s7+s1], $0x80, $0x38;
	[tilespmem:$0x10200] =	vst v63  }
0x126: {  	s20 =	sadd.s32 $0x4780, s25;
	s14 =	rddreg [dreg:$0x8];
	s2 =	sadd.s32 s3, s2  }
0x127: {  	[tilespmem:s31], [sflag:$0x1] =	stream.linear.gather [hbm4b:s28+s1], $0x80, $0x38;
	[tilespmem:$0x10200] =	vst v63  }
0x128: {  	s15 =	sadd.s32 s5, s10;
	s17 =	sadd.s32 $0x780, s25;
	s30 =	spop (v2sf)  }
0x129: {  	(v2sf) =	vpush v1, $0xE;
	[tilespmem:s14], [sflag:$0x1] =	stream.linear.gather [hbm4b:s12+s1], $0x80, $0x38;
	[tilespmem:$0x10200] =	vst v63  }
0x12a: {  	s21 =	sadd.s32 s3, s8;
	s13 =	spop (v2sf);
	s9 =	sand.u32 $0x1FFFFFF0, s30  }
0x12b: {  	[tilespmem:s29], [sflag:$0x1] =	stream.linear.gather [hbm4b:s15+s1], $0x80, $0x38;
	[tilespmem:$0x10200] =	vst v63  }
0x12c: {  	s10 =	sand.u32 $0x1FFFFFF0, s13;
	s13 =	rddreg [dreg:$0x5];
	s16 =	spop (v2sf)  }
0x12d: {  	(v2sf) =	vpush v2, $0xE;
	[tilespmem:s17], [sflag:$0x1] =	stream.linear.gather [hbm4b:s2+s1], $0x80, $0x38;
	[tilespmem:$0x10200] =	vst v63  }
0x12e: {  	s23 =	sadd.s32 s4, s6;
	s18 =	sand.u32 $0x1FFFFFF0, s16;
	s28 =	rddreg [dreg:$0x7]  }
0x12f: {  	(v2sf) =	vpush v0, $0xE;
	[tilespmem:s20], [sflag:$0x1] =	stream.linear.gather [hbm4b:s21+s1], $0x80, $0x38;
	[tilespmem:$0x10200] =	vst v63  }
0x130: {  	s16 =	sadd.s32 s4, s10;
	s22 =	spop (v2sf);
	s31 =	rddreg [dreg:$0x6]  }
0x131: {  	[tilespmem:s28], [sflag:$0x1] =	stream.linear.gather [hbm4b:s23+s1], $0x80, $0x38;
	[tilespmem:$0x10200] =	vst v63  }
0x132: {  	s7 =	sadd.s32 s3, s18;
	s26 =	spop (v2sf);
	s29 =	sadd.s32 s5, s6  }
0x133: {  	[tilespmem:s31], [sflag:$0x1] =	stream.linear.gather [hbm4b:s29+s1], $0x80, $0x38;
	[tilespmem:$0x10200] =	vst v63  }
0x134: {  	s18 =	rddreg [dreg:$0x4];
	s30 =	spop (v2sf);
	s12 =	sadd.s32 s3, s9  }
0x135: {  	(v2sf) =	vpush v1, $0xF;
	[tilespmem:s13], [sflag:$0x1] =	stream.linear.gather [hbm4b:s12+s1], $0x80, $0x38;
	[tilespmem:$0x10200] =	vst v63  }
0x136: {  	s14 =	sadd.s32 $0x4800, s25;
	s8 =	sand.u32 $0x1FFFFFF0, s30;
	s6 =	sand.u32 $0x1FFFFFF0, s26  }
0x137: {  	(v2sf) =	vpush v2, $0xF;
	[tilespmem:s14], [sflag:$0x1] =	stream.linear.gather [hbm4b:s7+s1], $0x80, $0x38;
	[tilespmem:$0x10200] =	vst v63  }
0x138: {  	s9 =	spop (v2sf);
	s8 =	sadd.s32 s3, s8;
	s30 =	sadd.s32 s4, s6  }
0x139: {  	[tilespmem:s18], [sflag:$0x1] =	stream.linear.gather [hbm4b:s16+s1], $0x80, $0x38;
	[tilespmem:$0x10200] =	vst v63  }
0x13a: {  	s2 =	sand.u32 $0x1FFFFFF0, s22;
	s22 =	rddreg [dreg:$0x2];
	s20 =	sadd.s32 s5, s10  }
0x13b: {  	(v2sf) =	vpush v0, $0xF;
	[tilespmem:s22], [sflag:$0x1] =	stream.linear.gather [hbm4b:s20+s1], $0x80, $0x38;
	[tilespmem:$0x10200] =	vst v63  }
0x13c: {  	s2 =	sadd.s32 s3, s2;
	s15 =	spop (v2sf);
	s23 =	sadd.s32 $0x880, s25  }
0x13d: {  	[tilespmem:s23], [sflag:$0x1] =	stream.linear.gather [hbm4b:s2+s1], $0x80, $0x38;
	[tilespmem:$0x10200] =	vst v63  }
0x13e: {  	s10 =	simm.s32 $0x1;
	s17 =	spop (v2sf);
	s28 =	sadd.s32 $0x4880, s25  }
0x13f: {  	[tilespmem:s28], [sflag:$0x1] =	stream.linear.gather [hbm4b:s8+s1], $0x80, $0x38;
	[tilespmem:$0x10200] =	vst v63  }
0x140: {  	s21 =	sand.u32 $0x1FFFFFF0, s17;
	s29 =	sadd.s32 $0x8880, s25;
	s13 =	sand.u32 $0x1FFFFFF0, s9  }
0x141: {  	[tilespmem:s29], [sflag:$0x1] =	stream.linear.gather [hbm4b:s30+s1], $0x80, $0x38;
	[tilespmem:$0x10200] =	vst v63  }
0x142: {  	s7 =	sand.u32 $0x1FFFFFF0, s15;
	s15 =	rddreg [dreg:$0x3];
	s8 =	sadd.s32 s5, s6  }
0x143: {  	[tilespmem:s15], [sflag:$0x1] =	stream.linear.gather [hbm4b:s8+s1], $0x80, $0x38;
	[tilespmem:$0x10200] =	vst v63  }
0x144: {  	s11 =	spop (v2sf);
	s16 =	sadd.s32 $0x900, s25;
	s6 =	sadd.s32 s3, s13  }
0x145: {  	[tilespmem:s16], [sflag:$0x1] =	stream.linear.gather [hbm4b:s6+s1], $0x80, $0x38;
	[tilespmem:$0x10200] =	vst v63  }
0x146: {  	s17 =	sadd.s32 $0x4900, s25;
	s26 =	spop (v2sf);
	s18 =	sadd.s32 s3, s21  }
0x147: {  	[tilespmem:s17], [sflag:$0x1] =	stream.linear.gather [hbm4b:s18+s1], $0x80, $0x38;
	[tilespmem:$0x10200] =	vst v63  }
0x148: {  	s0 =	sand.u32 $0x1FFFFFF0, s26;
	s21 =	sadd.s32 s4, s7;
	s20 =	sadd.s32 $0x8900, s25  }
0x149: {  	[tilespmem:s20], [sflag:$0x1] =	stream.linear.gather [hbm4b:s21+s1], $0x80, $0x38;
	[tilespmem:$0x10200] =	vst v63  }
0x14a: {  	s31 =	spop (v2sf);
	s22 =	sadd.s32 $0xC900, s25;
	s23 =	sadd.s32 s5, s7  }
0x14b: {  	[tilespmem:s22], [sflag:$0x1] =	stream.linear.gather [hbm4b:s23+s1], $0x80, $0x38;
	[tilespmem:$0x10200] =	vst v63  }
.Ltmp0:
0x14c: {  	s26 =	sand.u32 $0x1FFFFFF0, s11;
	s14 =	sand.u32 $0x1FFFFFF0, s31;
	(pc) =	sbr.rel @p0 .LBB2_3-.Ltmp0, $4  }
0x14d: {  	s31 =	sadd.s32 s3, s14;
	s28 =	sadd.s32 $0x980, s25;
	s29 =	sadd.s32 s3, s26  }
0x14e: {  	[tilespmem:s28], [sflag:$0x1] =	stream.linear.gather [hbm4b:s29+s1], $0x80, $0x38;
	[tilespmem:$0x10200] =	vst v63  }
0x14f: {  	s2 =	sadd.s32 $0x8980, s25;
	s30 =	sadd.s32 $0x4980, s25;
	s6 =	sadd.s32 s4, s0  }
0x150: {  	[tilespmem:s30], [sflag:$0x1] =	stream.linear.gather [hbm4b:s31+s1], $0x80, $0x38;
	[tilespmem:$0x10200] =	vst v63  }
0x151: {  	[tilespmem:s2], [sflag:$0x1] =	stream.linear.gather [hbm4b:s6+s1], $0x80, $0x38;
	[tilespmem:$0x10200] =	vst v63  }
0x152: {  	s22 =	sadd.s32 $0xC980, s25;
	s0 =	sadd.s32 s5, s0  }
0x153: {  	[tilespmem:s22], [sflag:$0x1] =	stream.linear.gather [hbm4b:s0+s1], $0x80, $0x38;
	[tilespmem:$0x10200] =	vst v63  }
0x154: {  	_ =	swait.ge [sflag:s10], $0x800  }
0x155: {  	[sflag:s10] =	ssyncset.done $0x0  }
0x156: {  	[sflag:s10] =	ssyncadd.s32 $0xFFFFF800  }
0x157: {  	_ =	swait.ge [sflag:s10], $0x800  }
0x158: {  	[sflag:s10] =	ssyncset.done $0x0  }
0x159: {  	[sflag:s10] =	ssyncadd.s32 $0xFFFFF800  }
0x15a: {  	_ =	swait.ge [sflag:s10], $0x800  }
0x15b: {  	[sflag:s10] =	ssyncset.done $0x0  }
0x15c: {  	[sflag:s10] =	ssyncadd.s32 $0xFFFFF800  }
0x15d: {  	_ =	swait.ge [sflag:s10], $0x800  }
0x15e: {  	s6 =	simm.s32 $0x200;
	s23 =	rddreg [dreg:$0x17]  }
0x15f: {  	[sflag:s10] =	ssyncset.done $0x0;
	s24 =	rddreg [dreg:$0xf];
	s0 =	sshll.u32 s23, $0x4  }
0x160: {  	s8 =	simm.s32 $0x2;
	[sflag:s10] =	ssyncadd.s32 $0xFFFFF800;
	s2 =	sadd.s32 s24, s0  }
0x161: {  	[hbm4b:s2+s1] =	stream.linear.scatter [tilespmem:s6], [sflag:$0x2], $0x4000, $0x38;
	[tilespmem:$0x10200] =	vst v63  }
0x162: {  	_ =	swait.ge [sflag:s8], $0x4000  }
0x163: {  	[sflag:s8] =	ssyncset.done $0x0;
	s25 =	rddreg [dreg:$0x10]  }
0x164: {  	s7 =	simm.s32 $0x4200;
	[sflag:s8] =	ssyncadd.s32 $0xFFFFC000;
	s2 =	sadd.s32 s25, s0  }
0x165: {  	[hbm4b:s2+s1] =	stream.linear.scatter [tilespmem:s7], [sflag:$0x2], $0x4000, $0x38;
	[tilespmem:$0x10200] =	vst v63  }
0x166: {  	_ =	swait.ge [sflag:s8], $0x4000  }
0x167: {  	[sflag:s8] =	ssyncset.done $0x0;
	s26 =	rddreg [dreg:$0x11]  }
0x168: {  	s28 =	simm.s32 $0x8200;
	[sflag:s8] =	ssyncadd.s32 $0xFFFFC000;
	s2 =	sadd.s32 s26, s0  }
0x169: {  	[hbm4b:s2+s1] =	stream.linear.scatter [tilespmem:s28], [sflag:$0x2], $0x4000, $0x38;
	[tilespmem:$0x10200] =	vst v63  }
0x16a: {  	_ =	swait.ge [sflag:s8], $0x4000  }
0x16b: {  	[sflag:s8] =	ssyncset.done $0x0;
	s29 =	rddreg [dreg:$0x12]  }
0x16c: {  	s30 =	simm.s32 $0xC200;
	[sflag:s8] =	ssyncadd.s32 $0xFFFFC000;
	s0 =	sadd.s32 s29, s0  }
0x16d: {  	[hbm4b:s0+s1] =	stream.linear.scatter [tilespmem:s30], [sflag:$0x2], $0x4000, $0x38;
	[tilespmem:$0x10200] =	vst v63  }
0x16e: {  	_ =	swait.ge [sflag:s8], $0x4000  }
0x16f: {  	s31 =	rddreg [dreg:$0x16]  }
0x170: {  	s0 =	sadd.s32 $0x1, s31  }
0x171: {  	p0 =	sne.s32 s0, $0x4  }
.Ltmp1:
0x172: {  	_ = 	snop;
	(pc) =	sbr.rel @p0 .LBB2_2-.Ltmp1, $3  }
0x173: {  	_ =	sdelay $0x1  }
0x174: {  	[sflag:s8] =	ssyncset.done $0x0  }
0x175: {  	[sflag:s8] =	ssyncadd.s32 $0xFFFFC000  }
0x176: {  	s2 =	rddreg [dreg:$0x15]  }
0x177: {  	s0 =	rddreg [dreg:$0x14];
	s2 =	sadd.s32 $0x1, s2  }
0x178: {  	p0 =	sne.s32 s2, s0  }
.Ltmp2:
0x179: {  	_ = 	snop;
	(pc) =	sbr.rel @p0 .LBB2_1-.Ltmp2, $1  }
0x17a: {  	_ =	sdelay $0x3  }
0x17b: {  	_ =	sfence.sel $0x180000  }
0x17c: {  	[bflag:$0x0] =	sbarrier.arrive $0xFFFF  }
0x17d: {  	_ =	strace $0x9000004A  }
0x17e: {  	s0 =	stileid.u32;
	[bflag:$0x2] =	sbarrier.arrive $0xFFFF  }
0x17f: {  	p0 =	sne.s32 s0, $0x0;
	s0 =	rddreg [dreg:$0x1]  }
0x180: {  	s0 =	sadd.s32 @!p0 $0x100000, s0  }
0x181: {  	[sflag:s0] =	ssyncadd.tile.s32 @!p0 $0x1;
	_ =	shalt  }
.Lfunc_end2:
_tile_overlayer_lowered:
.L_overlay_start_2:
0x182: {  	(tag) =	ssettag $0x2  }
0x183: {  	s0 =	rddreg [dreg:$0x0];
	s2 =	stileid.u32  }
0x184: {  	s1 =	rddreg [dreg:$0x1];
	p0 =	sne.s32 s2, $0x0  }
0x185: {  	s3 =	rddreg [dreg:$0x2];
	[bflag:$0x3] =	sbarrier.arrive $0xFFFF;
	s2 =	simm.s32 @!p0 $0x1C02  }
0x186: {  	[timem:s3], [sflag:s2] =	dma.local @!p0 [hbm:s0], s1  }
0x187: {  	s0 =	simm.s32 @!p0 $0x2  }
0x188: {  	_ =	swait.ge @!p0 [sflag:s0], s1  }
0x189: {  	s1 =	ssub.s32 @!p0 $0x0, s1;
	[sflag:s0] =	ssyncset.done @!p0 $0x0  }
0x18a: {  	[sflag:s0] =	ssyncadd.s32 @!p0 s1  }
0x18b: {  	[bflag:$0x3] =	sbarrier.arrive $0xFFFF  }
0x18c: {  	_ =	shalt  }

</sc_bundles>
